<compile_context>
chip_gen: v7x
topology: tpu7x:2x2x1
jax: 0.10.2.dev20260603
libtpu: 0.0.44.dev20260713+nightly
codegen_flags: <defaults>
</compile_context>

<pallas_src>
import functools

import jax
import jax.numpy as jnp
from jax import lax
from jax.experimental import pallas as pl
from jax.experimental.pallas import tpu as pltpu
from jax.experimental.pallas import tpu_sc as plsc

H = 4
C = 32
HC = H * C
G = 16
OUT = 10
EPS_BN = 1e-5
BLK = 512
NCORES = 2
NSUB = 16
NW = NCORES * NSUB
K = 96


def _attn_tail(i, h, amat, as_ref, ad_ref, bm_ref):
  a8 = jnp.dot(h, amat, preferred_element_type=jnp.float32)
  rj = lax.broadcasted_iota(jnp.int32, (8, 16), 0)
  cl = lax.broadcasted_iota(jnp.int32, (8, 16), 1)
  ssrc = jnp.where((cl == rj) & (rj < H), 1.0, 0.0)
  sdst = jnp.where(cl == rj - H, 1.0, 0.0)
  as16 = jnp.dot(a8, ssrc, preferred_element_type=jnp.float32)
  ad16 = jnp.dot(a8, sdst, preferred_element_type=jnp.float32)
  as_ref[...] = as16
  ad_ref[...] = ad16
  bm = jnp.concatenate([jnp.max(as16, axis=0, keepdims=True),
                        jnp.max(ad16, axis=0, keepdims=True),
                        jnp.zeros((6, 16), jnp.float32)], axis=0)

  @pl.when(i == 0)
  def _():
    bm_ref[...] = bm

  @pl.when(i != 0)
  def _():
    bm_ref[...] = jnp.maximum(bm_ref[...], bm)


def _combine_norm(acc0, acc1, den0, den1, s, t):
  acc = acc0 + acc1
  den = den0 + den1
  rp = lax.broadcasted_iota(jnp.int32, (16, HC), 0)
  cp = lax.broadcasted_iota(jnp.int32, (16, HC), 1)
  p = jnp.where(cp // C == rp, 1.0, 0.0)
  den128 = jnp.dot(den, p, preferred_element_type=jnp.float32)
  return jnp.maximum((acc / (den128 + 1e-16)) * s + t, 0.0)


def _pre1_body(x_ref, w_ref, amat_ref, h_ref, as_ref, ad_ref, bm_ref):
  i = pl.program_id(0)
  h = jnp.dot(x_ref[...], w_ref[...], preferred_element_type=jnp.float32)
  h_ref[...] = h
  _attn_tail(i, h, amat_ref[...], as_ref, ad_ref, bm_ref)


def _pre2_body(acc0_ref, acc1_ref, den0_ref, den1_ref, g_ref, b_ref,
               bias_ref, w_ref, amat_ref, h_ref, as_ref, ad_ref, bm_ref, *,
               n_real):
  i = pl.program_id(0)
  s = g_ref[...] * jax.lax.rsqrt(1.0 + EPS_BN)
  t = bias_ref[...] * s + b_ref[...]
  out1 = _combine_norm(acc0_ref[...], acc1_ref[...], den0_ref[...],
                       den1_ref[...], s, t)
  rows = lax.broadcasted_iota(jnp.int32, (BLK, HC), 0) + i * BLK
  out1 = jnp.where(rows < n_real, out1, 0.0)
  h = jnp.dot(out1, w_ref[...], preferred_element_type=jnp.float32)
  h_ref[...] = h
  _attn_tail(i, h, amat_ref[...], as_ref, ad_ref, bm_ref)


def _post_body(acc0_ref, acc1_ref, den0_ref, den1_ref, g_ref, b_ref,
               bias_ref, batch_ref, wl_ref, bl_ref, out_ref,
               sums_ref, cnt_ref, *, nblocks):
  i = pl.program_id(0)
  s = g_ref[...] * jax.lax.rsqrt(1.0 + EPS_BN)
  t = bias_ref[...] * s + b_ref[...]
  out2 = _combine_norm(acc0_ref[...], acc1_ref[...], den0_ref[...],
                       den1_ref[...], s, t)
  b = batch_ref[...]
  giota = lax.broadcasted_iota(jnp.int32, (BLK, G), 1).astype(jnp.float32)
  onehot = jnp.where(b == giota, 1.0, 0.0)
  dn = (((0,), (0,)), ((), ()))
  sums = lax.dot_general(onehot, out2, dn,
                         preferred_element_type=jnp.float32)
  cnt = lax.dot_general(onehot, jnp.ones((BLK, HC), jnp.float32), dn,
                        preferred_element_type=jnp.float32)

  @pl.when(i == 0)
  def _():
    sums_ref[...] = sums
    cnt_ref[...] = cnt

  @pl.when(i != 0)
  def _():
    sums_ref[...] = sums_ref[...] + sums
    cnt_ref[...] = cnt_ref[...] + cnt

  @pl.when(i == nblocks - 1)
  def _():
    mean = sums_ref[...] / jnp.maximum(cnt_ref[...], 1.0)
    out_ref[...] = (jnp.dot(mean, wl_ref[...],
                            preferred_element_type=jnp.float32) + bl_ref[...])


def _row_spec(nb):
  return pl.BlockSpec((BLK, nb), lambda i: (i, 0))


def _const_spec(shape):
  return pl.BlockSpec(shape, lambda i: tuple(0 for _ in shape))


def _pre1(x_pad, w1, amat1):
  npad = x_pad.shape[0]
  nblocks = npad // BLK
  return pl.pallas_call(
      _pre1_body,
      grid=(nblocks,),
      in_specs=[_row_spec(HC), _const_spec((HC, HC)), _const_spec((HC, 8))],
      out_specs=[_row_spec(HC), _row_spec(16), _row_spec(16),
                 _const_spec((8, 16))],
      out_shape=[jax.ShapeDtypeStruct((npad, HC), jnp.float32),
                 jax.ShapeDtypeStruct((npad, 16), jnp.float32),
                 jax.ShapeDtypeStruct((npad, 16), jnp.float32),
                 jax.ShapeDtypeStruct((8, 16), jnp.float32)],
  )(x_pad, w1, amat1)


def _pre2(acc, den, g, b, bias, w2, amat2, n_real):
  npad = acc.shape[1]
  nblocks = npad // BLK
  return pl.pallas_call(
      functools.partial(_pre2_body, n_real=n_real),
      grid=(nblocks,),
      in_specs=[_row_spec(HC), _row_spec(HC), _row_spec(16), _row_spec(16),
                _const_spec((1, HC)), _const_spec((1, HC)),
                _const_spec((1, HC)), _const_spec((HC, HC)),
                _const_spec((HC, 8))],
      out_specs=[_row_spec(HC), _row_spec(16), _row_spec(16),
                 _const_spec((8, 16))],
      out_shape=[jax.ShapeDtypeStruct((npad, HC), jnp.float32),
                 jax.ShapeDtypeStruct((npad, 16), jnp.float32),
                 jax.ShapeDtypeStruct((npad, 16), jnp.float32),
                 jax.ShapeDtypeStruct((8, 16), jnp.float32)],
  )(acc[0], acc[1], den[0], den[1], g, b, bias, w2, amat2)


def _post(acc, den, g, b, bias, batchf, wl_pad, bl_pad):
  npad = acc.shape[1]
  nblocks = npad // BLK
  return pl.pallas_call(
      functools.partial(_post_body, nblocks=nblocks),
      grid=(nblocks,),
      in_specs=[_row_spec(HC), _row_spec(HC), _row_spec(16), _row_spec(16),
                _const_spec((1, HC)), _const_spec((1, HC)),
                _const_spec((1, HC)), _row_spec(16),
                _const_spec((HC, 16)), _const_spec((1, 16))],
      out_specs=[_const_spec((G, 16))],
      out_shape=[jax.ShapeDtypeStruct((G, 16), jnp.float32)],
      scratch_shapes=[pltpu.VMEM((G, HC), jnp.float32),
                      pltpu.VMEM((G, HC), jnp.float32)],
  )(acc[0], acc[1], den[0], den[1], g, b, bias, batchf, wl_pad, bl_pad)[0]


def _sc_edge_pass(h_tab, as_tab, ad_tab, bm, sdf):
  npad = h_tab.shape[0]
  tps = npad // NSUB
  nch = sdf.shape[0] // (2 * NW)
  mesh = plsc.VectorSubcoreMesh(core_axis_name="c", subcore_axis_name="s",
                                num_cores=NCORES, num_subcores=NSUB)

  @functools.partial(
      pl.kernel,
      out_type=[jax.ShapeDtypeStruct((NCORES * npad, HC), jnp.float32),
                jax.ShapeDtypeStruct((NCORES * npad, 16), jnp.float32)],
      mesh=mesh,
      compiler_params=pltpu.CompilerParams(use_tc_tiling_on_sc=False),
      scratch_types=[
          pltpu.VMEM_SHARED((npad, HC), jnp.float32),
          pltpu.VMEM_SHARED((npad, 16), jnp.float32),
          pltpu.VMEM((320, 16), jnp.float32),
          pltpu.VMEM((8, 16), jnp.float32),
          [pltpu.VMEM((2, K), jnp.int32)] * 4,
          [pltpu.VMEM((K, 16), jnp.float32)] * 2,
          [pltpu.VMEM((K, 16), jnp.float32)] * 2,
          [pltpu.VMEM((K, HC), jnp.float32)] * 2,
          pltpu.VMEM((K, 16), jnp.float32),
          [pltpu.SemaphoreType.DMA] * 2,
          [pltpu.SemaphoreType.DMA] * 4,
      ])
  def edge_kernel(h_hbm, as_hbm, ad_hbm, bm_hbm, sdf_hbm,
                  acc_out, den_out,
                  acc_sh, den_sh, zb2, bv, sd, asv, adv, hv, wv, sem, isem):
    cid = lax.axis_index("c")
    sid = lax.axis_index("s")
    wid = sid * NCORES + cid
    cbase = wid * nch
    zero16 = jnp.zeros((16,), jnp.float32)

    def zrow(r, carry):
      for j in range(HC // 16):
        hv[0][r, pl.ds(j * 16, 16)] = zero16
      return carry

    lax.fori_loop(0, K, zrow, 0)

    def zrow2(r, carry):
      zb2[r] = zero16
      return carry

    lax.fori_loop(0, 320, zrow2, 0)

    base = sid * tps
    for r in range(tps // K):
      pltpu.sync_copy(hv[0], acc_sh.at[pl.ds(base + r * K, K)])
    rem = tps % K
    if rem:
      pltpu.sync_copy(hv[0].at[pl.ds(0, rem)],
                      acc_sh.at[pl.ds(base + (tps // K) * K, rem)])
    pltpu.sync_copy(zb2, den_sh.at[pl.ds(base, 320)])
    pltpu.sync_copy(zb2, den_sh.at[pl.ds(base + 320, 320)])
    pltpu.sync_copy(bm_hbm, bv)
    plsc.subcore_barrier()

    b16 = bv[0] + bv[1]
    b16 = jnp.where(b16 > 0, b16, 0.2 * b16)

    def idx_start(ci, i):
      pltpu.async_copy(sdf_hbm.at[pl.ds(2 * (cbase + ci), 2)], sd[i], isem[i])

    def idx_wait(ci, i):
      pltpu.make_async_copy(sdf_hbm.at[pl.ds(2 * (cbase + ci), 2)], sd[i],
                            isem[i]).wait()

    def gather_start(i, p):
      pltpu.async_copy(as_hbm.at[sd[i].at[0]], asv[p], sem[p])
      pltpu.async_copy(ad_hbm.at[sd[i].at[1]], adv[p], sem[p])
      pltpu.async_copy(h_hbm.at[sd[i].at[0]], hv[p], sem[p])

    def gather_drain(i, p):
      pltpu.make_async_copy(as_hbm.at[sd[i].at[0]], asv[p], sem[p]).wait()
      pltpu.make_async_copy(ad_hbm.at[sd[i].at[1]], adv[p], sem[p]).wait()
      pltpu.make_async_copy(h_hbm.at[sd[i].at[0]], hv[p], sem[p]).wait()

    def work(i, p):
      def edge(k, ecarry):
        e = asv[p][k] + adv[p][k]
        e = jnp.where(e > 0, e, 0.2 * e) - b16
        w = jnp.exp(e)
        wv[k] = w
        for hh in range(H):
          ws = jnp.broadcast_to(w[hh], (16,))
          hv[p][k, pl.ds(hh * C, 16)] = hv[p][k, pl.ds(hh * C, 16)] * ws
          hv[p][k, pl.ds(hh * C + 16, 16)] = (
              hv[p][k, pl.ds(hh * C + 16, 16)] * ws)
        return ecarry

      lax.fori_loop(0, K, edge, 0)
      pltpu.sync_copy(hv[p], acc_sh.at[sd[i].at[1]], add=True)
      pltpu.sync_copy(wv, den_sh.at[sd[i].at[1]], add=True)

    idx_start(0, 0)
    idx_start(1, 1)
    idx_start(2, 2)
    idx_wait(0, 0)
    gather_start(0, 0)

    def quad(q, carry):
      for cc in range(4):
        c = 4 * q + cc
        i, p = cc, cc % 2
        i1, p1 = (cc + 1) % 4, (cc + 1) % 2
        i3 = (cc + 3) % 4

        @pl.when(c + 1 < nch)
        def _():
          idx_wait(c + 1, i1)
          gather_start(i1, p1)

        @pl.when(c + 3 < nch)
        def _():
          idx_start(c + 3, i3)

        gather_drain(i, p)
        work(i, p)
      return carry

    lax.fori_loop(0, nch // 4, quad, 0)
    plsc.subcore_barrier()
    obase = cid * npad + base
    pltpu.sync_copy(acc_sh.at[pl.ds(base, tps)], acc_out.at[pl.ds(obase, tps)])
    pltpu.sync_copy(den_sh.at[pl.ds(base, tps)], den_out.at[pl.ds(obase, tps)])

  acc, den = edge_kernel(h_tab, as_tab, ad_tab, bm, sdf)
  return (acc.reshape(NCORES, npad, HC), den.reshape(NCORES, npad, 16))


def _attn_matrix(att_src, att_dst):
  rows = jnp.arange(HC, dtype=jnp.int32)
  head = rows // C
  cols = jnp.arange(8, dtype=jnp.int32)
  sel_s = (cols[None, :] == head[:, None]).astype(jnp.float32)
  sel_d = (cols[None, :] == head[:, None] + H).astype(jnp.float32)
  flat_s = att_src.reshape(HC)
  flat_d = att_dst.reshape(HC)
  return sel_s * flat_s[:, None] + sel_d * flat_d[:, None]


def kernel(x, edge_index, batch,
           W1, att_src1, att_dst1, bias1, g1, b1,
           W2, att_src2, att_dst2, bias2, g2, b2,
           Wl, bl):
  n = x.shape[0]
  npad = ((n + BLK - 1) // BLK) * BLK

  x_pad = jnp.zeros((npad, HC), jnp.float32).at[:n].set(x)
  loop = jnp.arange(n, dtype=edge_index.dtype)
  src = jnp.concatenate([edge_index[0], loop])
  dst = jnp.concatenate([edge_index[1], loop])
  e_tot = src.shape[0]
  grain = 4 * NW * K
  epad = ((e_tot + grain - 1) // grain) * grain
  src = jnp.concatenate([src, jnp.full((epad - e_tot,), n, src.dtype)])
  dst = jnp.concatenate([dst, jnp.full((epad - e_tot,), n, dst.dtype)])
  sdf = jnp.stack([src.reshape(-1, K), dst.reshape(-1, K)],
                  axis=1).reshape(-1, K)
  amat1 = _attn_matrix(att_src1, att_dst1)
  amat2 = _attn_matrix(att_src2, att_dst2)
  batchf = jnp.full((npad,), G, jnp.float32).at[:n].set(batch.astype(jnp.float32))
  batchf = jnp.broadcast_to(batchf[:, None], (npad, 16))
  g1r, b1r, bias1r = g1[None, :], b1[None, :], bias1[None, :]
  g2r, b2r, bias2r = g2[None, :], b2[None, :], bias2[None, :]
  wl_pad = jnp.zeros((HC, 16), jnp.float32).at[:, :OUT].set(Wl)
  bl_pad = jnp.zeros((1, 16), jnp.float32).at[0, :OUT].set(bl)

  h1, as1, ad1, bm1 = _pre1(x_pad, W1, amat1)
  acc1, den1 = _sc_edge_pass(h1, as1, ad1, bm1, sdf)
  h2, as2, ad2, bm2 = _pre2(acc1, den1, g1r, b1r, bias1r, W2, amat2, n)
  acc2, den2 = _sc_edge_pass(h2, as2, ad2, bm2, sdf)
  out16 = _post(acc2, den2, g2r, b2r, bias2r, batchf, wl_pad, bl_pad)
  return out16[:, :OUT]

# --- scband reference (transcript-rebuilt; emitter-appended) ---
"""Pipeline reference for scband-gat-10170482556988 (READ-ONLY COPY).

The authoritative reference and input builder live on the scoring server;
editing this copy changes nothing except your own understanding.
"""

import jax, jax.numpy as jnp
import numpy as np

N = 10000
E = 320000
IN = 128
C = 32   # hidden_channels
H = 4    # heads
HC = C * H  # 128
OUT = 10
G = 16   # number of graphs in batch
EPS_BN = 1e-5


def setup_inputs(seed: int = 0) -> dict:
    key = jax.random.key(seed)
    ks = jax.random.split(key, 20)
    x = jax.random.normal(ks[0], (N, IN), dtype=jnp.float32)
    edge_index = jax.random.randint(ks[1], (2, E), 0, N, dtype=jnp.int32)
    batch = jnp.sort(jax.random.randint(ks[2], (N,), 0, G, dtype=jnp.int32))
    s = 0.1
    params = {
        'W1': jax.random.normal(ks[3], (IN, HC), jnp.float32) * s,
        'att_src1': jax.random.normal(ks[4], (H, C), jnp.float32) * s,
        'att_dst1': jax.random.normal(ks[5], (H, C), jnp.float32) * s,
        'bias1': jnp.zeros((HC,), jnp.float32),
        'g1': jnp.ones((HC,), jnp.float32),
        'b1': jnp.zeros((HC,), jnp.float32),
        'W2': jax.random.normal(ks[6], (HC, HC), jnp.float32) * s,
        'att_src2': jax.random.normal(ks[7], (H, C), jnp.float32) * s,
        'att_dst2': jax.random.normal(ks[8], (H, C), jnp.float32) * s,
        'bias2': jnp.zeros((HC,), jnp.float32),
        'g2': jnp.ones((HC,), jnp.float32),
        'b2': jnp.zeros((HC,), jnp.float32),
        'Wl': jax.random.normal(ks[9], (HC, OUT), jnp.float32) * s,
        'bl': jnp.zeros((OUT,), jnp.float32),
    }
    return {'x': x, 'edge_index': edge_index, 'batch': batch, **params}


def _gat_conv(x, edge_index, W, att_src, att_dst, bias):
    n = x.shape[0]
    # PyG GATConv default: add self-loops
    loop = jnp.arange(n, dtype=edge_index.dtype)
    src = jnp.concatenate([edge_index[0], loop])
    dst = jnp.concatenate([edge_index[1], loop])
    h = (x @ W).reshape(n, H, C)
    a_src = jnp.sum(h * att_src[None, :, :], axis=-1)  # [N, H]
    a_dst = jnp.sum(h * att_dst[None, :, :], axis=-1)  # [N, H]
    e = a_src[src] + a_dst[dst]                         # [E', H]
    e = jax.nn.leaky_relu(e, negative_slope=0.2)
    e_max = jax.ops.segment_max(e, dst, num_segments=n)
    e_max = jnp.where(jnp.isfinite(e_max), e_max, 0.0)
    alpha = jnp.exp(e - jax.lax.stop_gradient(e_max)[dst])
    denom = jax.ops.segment_sum(alpha, dst, num_segments=n)
    alpha = alpha / (denom[dst] + 1e-16)
    msgs = h[src] * alpha[:, :, None]                   # [E', H, C]
    out = jax.ops.segment_sum(msgs, dst, num_segments=n)
    return out.reshape(n, HC) + bias


def _bn_eval(x, g, b):
    # BatchNorm1d in eval mode with running_mean=0, running_var=1
    return (x - 0.0) / jnp.sqrt(1.0 + EPS_BN) * g + b


def _global_mean_pool(x, batch, num_graphs):
    sums = jax.ops.segment_sum(x, batch, num_segments=num_graphs)
    cnt = jax.ops.segment_sum(jnp.ones((x.shape[0],), x.dtype), batch, num_segments=num_graphs)
    return sums / jnp.maximum(cnt, 1.0)[:, None]


def reference(x, edge_index, batch,
              W1, att_src1, att_dst1, bias1, g1, b1,
              W2, att_src2, att_dst2, bias2, g2, b2,
              Wl, bl):
    h = _gat_conv(x, edge_index, W1, att_src1, att_dst1, bias1)
    h = _bn_eval(h, g1, b1)
    h = jax.nn.relu(h)
    # dropout: identity in eval mode
    h = _gat_conv(h, edge_index, W2, att_src2, att_dst2, bias2)
    h = _bn_eval(h, g2, b2)
    h = jax.nn.relu(h)
    h = _global_mean_pool(h, batch, G)
    out = h @ Wl + bl
    return out

if __name__ == "__main__":
    import jax
    _d = setup_inputs()
    print(jax.jit(kernel)(*tuple(_d.values())))

</pallas_src>

<mosaic_0001>
#map = affine_map<(d0, d1) -> (0, 0)>
module attributes {stable_mosaic.version = 14 : i64} {
  func.func @edge_kernel(%arg0: i32, %arg1: i32, %arg2: memref<10240x128xf32, #tpu.memory_space<hbm>>, %arg3: memref<10240x16xf32, #tpu.memory_space<hbm>>, %arg4: memref<10240x16xf32, #tpu.memory_space<hbm>>, %arg5: memref<8x16xf32, #tpu.memory_space<hbm>>, %arg6: memref<6912x96xi32, #tpu.memory_space<hbm>>, %arg7: memref<20480x128xf32, #tpu.memory_space<hbm>>, %arg8: memref<20480x16xf32, #tpu.memory_space<hbm>>, %arg9: memref<10240x128xf32, #tpu.memory_space<vmem_shared>>, %arg10: memref<10240x16xf32, #tpu.memory_space<vmem_shared>>, %arg11: memref<320x16xf32, #tpu.memory_space<vmem>>, %arg12: memref<8x16xf32, #tpu.memory_space<vmem>>, %arg13: memref<2x96xi32, #tpu.memory_space<vmem>>, %arg14: memref<2x96xi32, #tpu.memory_space<vmem>>, %arg15: memref<2x96xi32, #tpu.memory_space<vmem>>, %arg16: memref<2x96xi32, #tpu.memory_space<vmem>>, %arg17: memref<96x16xf32, #tpu.memory_space<vmem>>, %arg18: memref<96x16xf32, #tpu.memory_space<vmem>>, %arg19: memref<96x16xf32, #tpu.memory_space<vmem>>, %arg20: memref<96x16xf32, #tpu.memory_space<vmem>>, %arg21: memref<96x128xf32, #tpu.memory_space<vmem>>, %arg22: memref<96x128xf32, #tpu.memory_space<vmem>>, %arg23: memref<96x16xf32, #tpu.memory_space<vmem>>, %arg24: memref<!tpu.dma_semaphore, #tpu.memory_space<semaphore_mem>>, %arg25: memref<!tpu.dma_semaphore, #tpu.memory_space<semaphore_mem>>, %arg26: memref<!tpu.dma_semaphore, #tpu.memory_space<semaphore_mem>>, %arg27: memref<!tpu.dma_semaphore, #tpu.memory_space<semaphore_mem>>, %arg28: memref<!tpu.dma_semaphore, #tpu.memory_space<semaphore_mem>>, %arg29: memref<!tpu.dma_semaphore, #tpu.memory_space<semaphore_mem>>) attributes {dimension_semantics = [#tpu.dimension_semantics<core_parallel>, #tpu.dimension_semantics<subcore_parallel>], iteration_bounds = array<i64: 2, 16>, scalar_prefetch = 0 : i64, scratch_operands = 21 : i64, tpu.core_type = #tpu.core_type<sc_vector_subcore>, window_params = [{transform_indices = #map}, {transform_indices = #map}, {transform_indices = #map}, {transform_indices = #map}, {transform_indices = #map}, {transform_indices = #map}, {transform_indices = #map}]} {
    %mul3A = arith.constant 2 : i32
    %mul3A_0 = arith.muli %arg1, %mul3A : i32
    %add3A = arith.addi %mul3A_0, %arg0 : i32
    %mul3A_1 = arith.constant 108 : i32
    %mul3A_2 = arith.muli %add3A, %mul3A_1 : i32
    %broadcast_in_dim3A = arith.constant 0.000000e+00 : f32
    %broadcast_in_dim3A_3 = vector.broadcast %broadcast_in_dim3A : f32 to vector<16xf32>
    %scan3A = arith.constant 0 : i32
    %scan3A_4 = arith.constant 0 : i32
    %scan3A_5 = arith.constant 96 : i32
    %scan3A_6 = arith.addi %scan3A_4, %scan3A_5 : i32
    %scan3A_7 = arith.constant 1 : i32
    scf.for %scan3A_109 = %scan3A_4 to %scan3A_6 step %scan3A_7  : i32 {
      %swap3A = arith.index_cast %scan3A_109 : i32 to index
      %swap3A_110 = arith.constant 0 : index
      %swap3A_111 = tpu.vector_load %arg21[%swap3A, %swap3A_110] {strides = array<i32>} : memref<96x128xf32, #tpu.memory_space<vmem>>, vector<1x16xf32>,
      %swap3A_112 = vector.shape_cast %swap3A_111 : vector<1x16xf32> to vector<16xf32>
      %swap3A_113 = vector.shape_cast %broadcast_in_dim3A_3 : vector<16xf32> to vector<1x16xf32>
      tpu.vector_store %arg21[%swap3A, %swap3A_110], %swap3A_113 {strides = array<i32>} : memref<96x128xf32, #tpu.memory_space<vmem>>, vector<1x16xf32>,
      %swap3A_114 = arith.index_cast %scan3A_109 : i32 to index
      %swap3A_115 = arith.constant 16 : index
      %swap3A_116 = tpu.vector_load %arg21[%swap3A_114, %swap3A_115] {strides = array<i32>} : memref<96x128xf32, #tpu.memory_space<vmem>>, vector<1x16xf32>,
      %swap3A_117 = vector.shape_cast %swap3A_116 : vector<1x16xf32> to vector<16xf32>
      %swap3A_118 = vector.shape_cast %broadcast_in_dim3A_3 : vector<16xf32> to vector<1x16xf32>
      tpu.vector_store %arg21[%swap3A_114, %swap3A_115], %swap3A_118 {strides = array<i32>} : memref<96x128xf32, #tpu.memory_space<vmem>>, vector<1x16xf32>,
      %swap3A_119 = arith.index_cast %scan3A_109 : i32 to index
      %swap3A_120 = arith.constant 32 : index
      %swap3A_121 = tpu.vector_load %arg21[%swap3A_119, %swap3A_120] {strides = array<i32>} : memref<96x128xf32, #tpu.memory_space<vmem>>, vector<1x16xf32>,
      %swap3A_122 = vector.shape_cast %swap3A_121 : vector<1x16xf32> to vector<16xf32>
      %swap3A_123 = vector.shape_cast %broadcast_in_dim3A_3 : vector<16xf32> to vector<1x16xf32>
      tpu.vector_store %arg21[%swap3A_119, %swap3A_120], %swap3A_123 {strides = array<i32>} : memref<96x128xf32, #tpu.memory_space<vmem>>, vector<1x16xf32>,
      %swap3A_124 = arith.index_cast %scan3A_109 : i32 to index
      %swap3A_125 = arith.constant 48 : index
      %swap3A_126 = tpu.vector_load %arg21[%swap3A_124, %swap3A_125] {strides = array<i32>} : memref<96x128xf32, #tpu.memory_space<vmem>>, vector<1x16xf32>,
      %swap3A_127 = vector.shape_cast %swap3A_126 : vector<1x16xf32> to vector<16xf32>
      %swap3A_128 = vector.shape_cast %broadcast_in_dim3A_3 : vector<16xf32> to vector<1x16xf32>
      tpu.vector_store %arg21[%swap3A_124, %swap3A_125], %swap3A_128 {strides = array<i32>} : memref<96x128xf32, #tpu.memory_space<vmem>>, vector<1x16xf32>,
      %swap3A_129 = arith.index_cast %scan3A_109 : i32 to index
      %swap3A_130 = arith.constant 64 : index
      %swap3A_131 = tpu.vector_load %arg21[%swap3A_129, %swap3A_130] {strides = array<i32>} : memref<96x128xf32, #tpu.memory_space<vmem>>, vector<1x16xf32>,
      %swap3A_132 = vector.shape_cast %swap3A_131 : vector<1x16xf32> to vector<16xf32>
      %swap3A_133 = vector.shape_cast %broadcast_in_dim3A_3 : vector<16xf32> to vector<1x16xf32>
      tpu.vector_store %arg21[%swap3A_129, %swap3A_130], %swap3A_133 {strides = array<i32>} : memref<96x128xf32, #tpu.memory_space<vmem>>, vector<1x16xf32>,
      %swap3A_134 = arith.index_cast %scan3A_109 : i32 to index
      %swap3A_135 = arith.constant 80 : index
      %swap3A_136 = tpu.vector_load %arg21[%swap3A_134, %swap3A_135] {strides = array<i32>} : memref<96x128xf32, #tpu.memory_space<vmem>>, vector<1x16xf32>,
      %swap3A_137 = vector.shape_cast %swap3A_136 : vector<1x16xf32> to vector<16xf32>
      %swap3A_138 = vector.shape_cast %broadcast_in_dim3A_3 : vector<16xf32> to vector<1x16xf32>
      tpu.vector_store %arg21[%swap3A_134, %swap3A_135], %swap3A_138 {strides = array<i32>} : memref<96x128xf32, #tpu.memory_space<vmem>>, vector<1x16xf32>,
      %swap3A_139 = arith.index_cast %scan3A_109 : i32 to index
      %swap3A_140 = arith.constant 96 : index
      %swap3A_141 = tpu.vector_load %arg21[%swap3A_139, %swap3A_140] {strides = array<i32>} : memref<96x128xf32, #tpu.memory_space<vmem>>, vector<1x16xf32>,
      %swap3A_142 = vector.shape_cast %swap3A_141 : vector<1x16xf32> to vector<16xf32>
      %swap3A_143 = vector.shape_cast %broadcast_in_dim3A_3 : vector<16xf32> to vector<1x16xf32>
      tpu.vector_store %arg21[%swap3A_139, %swap3A_140], %swap3A_143 {strides = array<i32>} : memref<96x128xf32, #tpu.memory_space<vmem>>, vector<1x16xf32>,
      %swap3A_144 = arith.index_cast %scan3A_109 : i32 to index
      %swap3A_145 = arith.constant 112 : index
      %swap3A_146 = tpu.vector_load %arg21[%swap3A_144, %swap3A_145] {strides = array<i32>} : memref<96x128xf32, #tpu.memory_space<vmem>>, vector<1x16xf32>,
      %swap3A_147 = vector.shape_cast %swap3A_146 : vector<1x16xf32> to vector<16xf32>
      %swap3A_148 = vector.shape_cast %broadcast_in_dim3A_3 : vector<16xf32> to vector<1x16xf32>
      tpu.vector_store %arg21[%swap3A_144, %swap3A_145], %swap3A_148 {strides = array<i32>} : memref<96x128xf32, #tpu.memory_space<vmem>>, vector<1x16xf32>,
    }
    %scan3A_8 = arith.constant 96 : i32
    %scan3A_9 = arith.constant 0 : i32
    %scan3A_10 = arith.constant 0 : i32
    %scan3A_11 = arith.constant 320 : i32
    %scan3A_12 = arith.addi %scan3A_10, %scan3A_11 : i32
    %scan3A_13 = arith.constant 1 : i32
    scf.for %scan3A_109 = %scan3A_10 to %scan3A_12 step %scan3A_13  : i32 {
      %swap3A = arith.index_cast %scan3A_109 : i32 to index
      %swap3A_110 = arith.constant 0 : index
      %swap3A_111 = tpu.vector_load %arg11[%swap3A, %swap3A_110] {strides = array<i32>} : memref<320x16xf32, #tpu.memory_space<vmem>>, vector<1x16xf32>,
      %swap3A_112 = vector.shape_cast %swap3A_111 : vector<1x16xf32> to vector<16xf32>
      %swap3A_113 = vector.shape_cast %broadcast_in_dim3A_3 : vector<16xf32> to vector<1x16xf32>
      tpu.vector_store %arg11[%swap3A, %swap3A_110], %swap3A_113 {strides = array<i32>} : memref<320x16xf32, #tpu.memory_space<vmem>>, vector<1x16xf32>,
    }
    %scan3A_14 = arith.constant 320 : i32
    %mul3A_15 = arith.constant 640 : i32
    %mul3A_16 = arith.muli %arg1, %mul3A_15 : i32
    %add3A_17 = arith.constant 0 : i32
    %add3A_18 = arith.addi %mul3A_16, %add3A_17 : i32
    "tpu.region"() ({
      %run_scoped3A = tpu.sem_alloc : memref<!tpu.dma_semaphore, #tpu.memory_space<semaphore_mem>>
      %dma_start3A_109 = arith.constant 0 : i32
      %dma_start3A_110 = tpu.memref_slice %arg9[%add3A_18, %dma_start3A_109] : memref<10240x128xf32, #tpu.memory_space<vmem_shared>> -> memref<96x128xf32, #tpu.memory_space<vmem_shared>>
      %dma_start3A_111 = arith.constant 0 : i32
      %dma_start3A_112 = tpu.memref_slice %arg9[%add3A_18, %dma_start3A_111] : memref<10240x128xf32, #tpu.memory_space<vmem_shared>> -> memref<96x128xf32, #tpu.memory_space<vmem_shared>>
      tpu.enqueue_dma source(%arg21 : memref<96x128xf32, #tpu.memory_space<vmem>>) target(%dma_start3A_112 : memref<96x128xf32, #tpu.memory_space<vmem_shared>>) target_semaphore(%run_scoped3A : memref<!tpu.dma_semaphore, #tpu.memory_space<semaphore_mem>>)
      %dma_wait3A_113 = arith.constant 0 : i32
      %dma_wait3A_114 = tpu.memref_slice %arg9[%add3A_18, %dma_wait3A_113] : memref<10240x128xf32, #tpu.memory_space<vmem_shared>> -> memref<96x128xf32, #tpu.memory_space<vmem_shared>>
      %dma_wait3A_115 = arith.constant 0 : i32
      %dma_wait3A_116 = tpu.memref_slice %arg9[%add3A_18, %dma_wait3A_115] : memref<10240x128xf32, #tpu.memory_space<vmem_shared>> -> memref<96x128xf32, #tpu.memory_space<vmem_shared>>
      tpu.wait_dma2 semaphore(%run_scoped3A : memref<!tpu.dma_semaphore, #tpu.memory_space<semaphore_mem>>) src(%arg21 : memref<96x128xf32, #tpu.memory_space<vmem>>) dst(%dma_wait3A_116 : memref<96x128xf32, #tpu.memory_space<vmem_shared>>)
      tpu.yield
    }) : () -> ()
    %add3A_19 = arith.constant 96 : i32
    %add3A_20 = arith.addi %mul3A_16, %add3A_19 : i32
    "tpu.region"() ({
      %run_scoped3A = tpu.sem_alloc : memref<!tpu.dma_semaphore, #tpu.memory_space<semaphore_mem>>
      %dma_start3A_109 = arith.constant 0 : i32
      %dma_start3A_110 = tpu.memref_slice %arg9[%add3A_20, %dma_start3A_109] : memref<10240x128xf32, #tpu.memory_space<vmem_shared>> -> memref<96x128xf32, #tpu.memory_space<vmem_shared>>
      %dma_start3A_111 = arith.constant 0 : i32
      %dma_start3A_112 = tpu.memref_slice %arg9[%add3A_20, %dma_start3A_111] : memref<10240x128xf32, #tpu.memory_space<vmem_shared>> -> memref<96x128xf32, #tpu.memory_space<vmem_shared>>
      tpu.enqueue_dma source(%arg21 : memref<96x128xf32, #tpu.memory_space<vmem>>) target(%dma_start3A_112 : memref<96x128xf32, #tpu.memory_space<vmem_shared>>) target_semaphore(%run_scoped3A : memref<!tpu.dma_semaphore, #tpu.memory_space<semaphore_mem>>)
      %dma_wait3A_113 = arith.constant 0 : i32
      %dma_wait3A_114 = tpu.memref_slice %arg9[%add3A_20, %dma_wait3A_113] : memref<10240x128xf32, #tpu.memory_space<vmem_shared>> -> memref<96x128xf32, #tpu.memory_space<vmem_shared>>
      %dma_wait3A_115 = arith.constant 0 : i32
      %dma_wait3A_116 = tpu.memref_slice %arg9[%add3A_20, %dma_wait3A_115] : memref<10240x128xf32, #tpu.memory_space<vmem_shared>> -> memref<96x128xf32, #tpu.memory_space<vmem_shared>>
      tpu.wait_dma2 semaphore(%run_scoped3A : memref<!tpu.dma_semaphore, #tpu.memory_space<semaphore_mem>>) src(%arg21 : memref<96x128xf32, #tpu.memory_space<vmem>>) dst(%dma_wait3A_116 : memref<96x128xf32, #tpu.memory_space<vmem_shared>>)
      tpu.yield
    }) : () -> ()
    %add3A_21 = arith.constant 192 : i32
    %add3A_22 = arith.addi %mul3A_16, %add3A_21 : i32
    "tpu.region"() ({
      %run_scoped3A = tpu.sem_alloc : memref<!tpu.dma_semaphore, #tpu.memory_space<semaphore_mem>>
      %dma_start3A_109 = arith.constant 0 : i32
      %dma_start3A_110 = tpu.memref_slice %arg9[%add3A_22, %dma_start3A_109] : memref<10240x128xf32, #tpu.memory_space<vmem_shared>> -> memref<96x128xf32, #tpu.memory_space<vmem_shared>>
      %dma_start3A_111 = arith.constant 0 : i32
      %dma_start3A_112 = tpu.memref_slice %arg9[%add3A_22, %dma_start3A_111] : memref<10240x128xf32, #tpu.memory_space<vmem_shared>> -> memref<96x128xf32, #tpu.memory_space<vmem_shared>>
      tpu.enqueue_dma source(%arg21 : memref<96x128xf32, #tpu.memory_space<vmem>>) target(%dma_start3A_112 : memref<96x128xf32, #tpu.memory_space<vmem_shared>>) target_semaphore(%run_scoped3A : memref<!tpu.dma_semaphore, #tpu.memory_space<semaphore_mem>>)
      %dma_wait3A_113 = arith.constant 0 : i32
      %dma_wait3A_114 = tpu.memref_slice %arg9[%add3A_22, %dma_wait3A_113] : memref<10240x128xf32, #tpu.memory_space<vmem_shared>> -> memref<96x128xf32, #tpu.memory_space<vmem_shared>>
      %dma_wait3A_115 = arith.constant 0 : i32
      %dma_wait3A_116 = tpu.memref_slice %arg9[%add3A_22, %dma_wait3A_115] : memref<10240x128xf32, #tpu.memory_space<vmem_shared>> -> memref<96x128xf32, #tpu.memory_space<vmem_shared>>
      tpu.wait_dma2 semaphore(%run_scoped3A : memref<!tpu.dma_semaphore, #tpu.memory_space<semaphore_mem>>) src(%arg21 : memref<96x128xf32, #tpu.memory_space<vmem>>) dst(%dma_wait3A_116 : memref<96x128xf32, #tpu.memory_space<vmem_shared>>)
      tpu.yield
    }) : () -> ()
    %add3A_23 = arith.constant 288 : i32
    %add3A_24 = arith.addi %mul3A_16, %add3A_23 : i32
    "tpu.region"() ({
      %run_scoped3A = tpu.sem_alloc : memref<!tpu.dma_semaphore, #tpu.memory_space<semaphore_mem>>
      %dma_start3A_109 = arith.constant 0 : i32
      %dma_start3A_110 = tpu.memref_slice %arg9[%add3A_24, %dma_start3A_109] : memref<10240x128xf32, #tpu.memory_space<vmem_shared>> -> memref<96x128xf32, #tpu.memory_space<vmem_shared>>
      %dma_start3A_111 = arith.constant 0 : i32
      %dma_start3A_112 = tpu.memref_slice %arg9[%add3A_24, %dma_start3A_111] : memref<10240x128xf32, #tpu.memory_space<vmem_shared>> -> memref<96x128xf32, #tpu.memory_space<vmem_shared>>
      tpu.enqueue_dma source(%arg21 : memref<96x128xf32, #tpu.memory_space<vmem>>) target(%dma_start3A_112 : memref<96x128xf32, #tpu.memory_space<vmem_shared>>) target_semaphore(%run_scoped3A : memref<!tpu.dma_semaphore, #tpu.memory_space<semaphore_mem>>)
      %dma_wait3A_113 = arith.constant 0 : i32
      %dma_wait3A_114 = tpu.memref_slice %arg9[%add3A_24, %dma_wait3A_113] : memref<10240x128xf32, #tpu.memory_space<vmem_shared>> -> memref<96x128xf32, #tpu.memory_space<vmem_shared>>
      %dma_wait3A_115 = arith.constant 0 : i32
      %dma_wait3A_116 = tpu.memref_slice %arg9[%add3A_24, %dma_wait3A_115] : memref<10240x128xf32, #tpu.memory_space<vmem_shared>> -> memref<96x128xf32, #tpu.memory_space<vmem_shared>>
      tpu.wait_dma2 semaphore(%run_scoped3A : memref<!tpu.dma_semaphore, #tpu.memory_space<semaphore_mem>>) src(%arg21 : memref<96x128xf32, #tpu.memory_space<vmem>>) dst(%dma_wait3A_116 : memref<96x128xf32, #tpu.memory_space<vmem_shared>>)
      tpu.yield
    }) : () -> ()
    %add3A_25 = arith.constant 384 : i32
    %add3A_26 = arith.addi %mul3A_16, %add3A_25 : i32
    "tpu.region"() ({
      %run_scoped3A = tpu.sem_alloc : memref<!tpu.dma_semaphore, #tpu.memory_space<semaphore_mem>>
      %dma_start3A_109 = arith.constant 0 : i32
      %dma_start3A_110 = tpu.memref_slice %arg9[%add3A_26, %dma_start3A_109] : memref<10240x128xf32, #tpu.memory_space<vmem_shared>> -> memref<96x128xf32, #tpu.memory_space<vmem_shared>>
      %dma_start3A_111 = arith.constant 0 : i32
      %dma_start3A_112 = tpu.memref_slice %arg9[%add3A_26, %dma_start3A_111] : memref<10240x128xf32, #tpu.memory_space<vmem_shared>> -> memref<96x128xf32, #tpu.memory_space<vmem_shared>>
      tpu.enqueue_dma source(%arg21 : memref<96x128xf32, #tpu.memory_space<vmem>>) target(%dma_start3A_112 : memref<96x128xf32, #tpu.memory_space<vmem_shared>>) target_semaphore(%run_scoped3A : memref<!tpu.dma_semaphore, #tpu.memory_space<semaphore_mem>>)
      %dma_wait3A_113 = arith.constant 0 : i32
      %dma_wait3A_114 = tpu.memref_slice %arg9[%add3A_26, %dma_wait3A_113] : memref<10240x128xf32, #tpu.memory_space<vmem_shared>> -> memref<96x128xf32, #tpu.memory_space<vmem_shared>>
      %dma_wait3A_115 = arith.constant 0 : i32
      %dma_wait3A_116 = tpu.memref_slice %arg9[%add3A_26, %dma_wait3A_115] : memref<10240x128xf32, #tpu.memory_space<vmem_shared>> -> memref<96x128xf32, #tpu.memory_space<vmem_shared>>
      tpu.wait_dma2 semaphore(%run_scoped3A : memref<!tpu.dma_semaphore, #tpu.memory_space<semaphore_mem>>) src(%arg21 : memref<96x128xf32, #tpu.memory_space<vmem>>) dst(%dma_wait3A_116 : memref<96x128xf32, #tpu.memory_space<vmem_shared>>)
      tpu.yield
    }) : () -> ()
    %add3A_27 = arith.constant 480 : i32
    %add3A_28 = arith.addi %mul3A_16, %add3A_27 : i32
    "tpu.region"() ({
      %run_scoped3A = tpu.sem_alloc : memref<!tpu.dma_semaphore, #tpu.memory_space<semaphore_mem>>
      %dma_start3A_109 = arith.constant 0 : i32
      %dma_start3A_110 = tpu.memref_slice %arg9[%add3A_28, %dma_start3A_109] : memref<10240x128xf32, #tpu.memory_space<vmem_shared>> -> memref<96x128xf32, #tpu.memory_space<vmem_shared>>
      %dma_start3A_111 = arith.constant 0 : i32
      %dma_start3A_112 = tpu.memref_slice %arg9[%add3A_28, %dma_start3A_111] : memref<10240x128xf32, #tpu.memory_space<vmem_shared>> -> memref<96x128xf32, #tpu.memory_space<vmem_shared>>
      tpu.enqueue_dma source(%arg21 : memref<96x128xf32, #tpu.memory_space<vmem>>) target(%dma_start3A_112 : memref<96x128xf32, #tpu.memory_space<vmem_shared>>) target_semaphore(%run_scoped3A : memref<!tpu.dma_semaphore, #tpu.memory_space<semaphore_mem>>)
      %dma_wait3A_113 = arith.constant 0 : i32
      %dma_wait3A_114 = tpu.memref_slice %arg9[%add3A_28, %dma_wait3A_113] : memref<10240x128xf32, #tpu.memory_space<vmem_shared>> -> memref<96x128xf32, #tpu.memory_space<vmem_shared>>
      %dma_wait3A_115 = arith.constant 0 : i32
      %dma_wait3A_116 = tpu.memref_slice %arg9[%add3A_28, %dma_wait3A_115] : memref<10240x128xf32, #tpu.memory_space<vmem_shared>> -> memref<96x128xf32, #tpu.memory_space<vmem_shared>>
      tpu.wait_dma2 semaphore(%run_scoped3A : memref<!tpu.dma_semaphore, #tpu.memory_space<semaphore_mem>>) src(%arg21 : memref<96x128xf32, #tpu.memory_space<vmem>>) dst(%dma_wait3A_116 : memref<96x128xf32, #tpu.memory_space<vmem_shared>>)
      tpu.yield
    }) : () -> ()
    %add3A_29 = arith.constant 576 : i32
    %add3A_30 = arith.addi %mul3A_16, %add3A_29 : i32
    "tpu.region"() ({
      %run_scoped3A = tpu.sem_alloc : memref<!tpu.dma_semaphore, #tpu.memory_space<semaphore_mem>>
      %dma_start3A_109 = arith.constant 0 : i32
      %dma_start3A_110 = arith.constant 0 : i32
      %dma_start3A_111 = tpu.memref_slice %arg21[%dma_start3A_109, %dma_start3A_110] : memref<96x128xf32, #tpu.memory_space<vmem>> -> memref<64x128xf32, #tpu.memory_space<vmem>>
      %dma_start3A_112 = arith.constant 0 : i32
      %dma_start3A_113 = tpu.memref_slice %arg9[%add3A_30, %dma_start3A_112] : memref<10240x128xf32, #tpu.memory_space<vmem_shared>> -> memref<64x128xf32, #tpu.memory_space<vmem_shared>>
      %dma_start3A_114 = arith.constant 0 : i32
      %dma_start3A_115 = tpu.memref_slice %arg9[%add3A_30, %dma_start3A_114] : memref<10240x128xf32, #tpu.memory_space<vmem_shared>> -> memref<64x128xf32, #tpu.memory_space<vmem_shared>>
      %dma_start3A_116 = arith.constant 0 : i32
      %dma_start3A_117 = arith.constant 0 : i32
      %dma_start3A_118 = tpu.memref_slice %arg21[%dma_start3A_116, %dma_start3A_117] : memref<96x128xf32, #tpu.memory_space<vmem>> -> memref<64x128xf32, #tpu.memory_space<vmem>>
      tpu.enqueue_dma source(%dma_start3A_118 : memref<64x128xf32, #tpu.memory_space<vmem>>) target(%dma_start3A_115 : memref<64x128xf32, #tpu.memory_space<vmem_shared>>) target_semaphore(%run_scoped3A : memref<!tpu.dma_semaphore, #tpu.memory_space<semaphore_mem>>)
      %dma_wait3A_119 = arith.constant 0 : i32
      %dma_wait3A_120 = arith.constant 0 : i32
      %dma_wait3A_121 = tpu.memref_slice %arg21[%dma_wait3A_119, %dma_wait3A_120] : memref<96x128xf32, #tpu.memory_space<vmem>> -> memref<64x128xf32, #tpu.memory_space<vmem>>
      %dma_wait3A_122 = arith.constant 0 : i32
      %dma_wait3A_123 = tpu.memref_slice %arg9[%add3A_30, %dma_wait3A_122] : memref<10240x128xf32, #tpu.memory_space<vmem_shared>> -> memref<64x128xf32, #tpu.memory_space<vmem_shared>>
      %dma_wait3A_124 = arith.constant 0 : i32
      %dma_wait3A_125 = tpu.memref_slice %arg9[%add3A_30, %dma_wait3A_124] : memref<10240x128xf32, #tpu.memory_space<vmem_shared>> -> memref<64x128xf32, #tpu.memory_space<vmem_shared>>
      %dma_wait3A_126 = arith.constant 0 : i32
      %dma_wait3A_127 = arith.constant 0 : i32
      %dma_wait3A_128 = tpu.memref_slice %arg21[%dma_wait3A_126, %dma_wait3A_127] : memref<96x128xf32, #tpu.memory_space<vmem>> -> memref<64x128xf32, #tpu.memory_space<vmem>>
      tpu.wait_dma2 semaphore(%run_scoped3A : memref<!tpu.dma_semaphore, #tpu.memory_space<semaphore_mem>>) src(%dma_wait3A_128 : memref<64x128xf32, #tpu.memory_space<vmem>>) dst(%dma_wait3A_125 : memref<64x128xf32, #tpu.memory_space<vmem_shared>>)
      tpu.yield
    }) : () -> ()
    "tpu.region"() ({
      %run_scoped3A = tpu.sem_alloc : memref<!tpu.dma_semaphore, #tpu.memory_space<semaphore_mem>>
      %dma_start3A_109 = arith.constant 0 : i32
      %dma_start3A_110 = tpu.memref_slice %arg10[%mul3A_16, %dma_start3A_109] : memref<10240x16xf32, #tpu.memory_space<vmem_shared>> -> memref<320x16xf32, #tpu.memory_space<vmem_shared>>
      %dma_start3A_111 = arith.constant 0 : i32
      %dma_start3A_112 = tpu.memref_slice %arg10[%mul3A_16, %dma_start3A_111] : memref<10240x16xf32, #tpu.memory_space<vmem_shared>> -> memref<320x16xf32, #tpu.memory_space<vmem_shared>>
      tpu.enqueue_dma source(%arg11 : memref<320x16xf32, #tpu.memory_space<vmem>>) target(%dma_start3A_112 : memref<320x16xf32, #tpu.memory_space<vmem_shared>>) target_semaphore(%run_scoped3A : memref<!tpu.dma_semaphore, #tpu.memory_space<semaphore_mem>>)
      %dma_wait3A_113 = arith.constant 0 : i32
      %dma_wait3A_114 = tpu.memref_slice %arg10[%mul3A_16, %dma_wait3A_113] : memref<10240x16xf32, #tpu.memory_space<vmem_shared>> -> memref<320x16xf32, #tpu.memory_space<vmem_shared>>
      %dma_wait3A_115 = arith.constant 0 : i32
      %dma_wait3A_116 = tpu.memref_slice %arg10[%mul3A_16, %dma_wait3A_115] : memref<10240x16xf32, #tpu.memory_space<vmem_shared>> -> memref<320x16xf32, #tpu.memory_space<vmem_shared>>
      tpu.wait_dma2 semaphore(%run_scoped3A : memref<!tpu.dma_semaphore, #tpu.memory_space<semaphore_mem>>) src(%arg11 : memref<320x16xf32, #tpu.memory_space<vmem>>) dst(%dma_wait3A_116 : memref<320x16xf32, #tpu.memory_space<vmem_shared>>)
      tpu.yield
    }) : () -> ()
    %add3A_31 = arith.constant 320 : i32
    %add3A_32 = arith.addi %mul3A_16, %add3A_31 : i32
    "tpu.region"() ({
      %run_scoped3A = tpu.sem_alloc : memref<!tpu.dma_semaphore, #tpu.memory_space<semaphore_mem>>
      %dma_start3A_109 = arith.constant 0 : i32
      %dma_start3A_110 = tpu.memref_slice %arg10[%add3A_32, %dma_start3A_109] : memref<10240x16xf32, #tpu.memory_space<vmem_shared>> -> memref<320x16xf32, #tpu.memory_space<vmem_shared>>
      %dma_start3A_111 = arith.constant 0 : i32
      %dma_start3A_112 = tpu.memref_slice %arg10[%add3A_32, %dma_start3A_111] : memref<10240x16xf32, #tpu.memory_space<vmem_shared>> -> memref<320x16xf32, #tpu.memory_space<vmem_shared>>
      tpu.enqueue_dma source(%arg11 : memref<320x16xf32, #tpu.memory_space<vmem>>) target(%dma_start3A_112 : memref<320x16xf32, #tpu.memory_space<vmem_shared>>) target_semaphore(%run_scoped3A : memref<!tpu.dma_semaphore, #tpu.memory_space<semaphore_mem>>)
      %dma_wait3A_113 = arith.constant 0 : i32
      %dma_wait3A_114 = tpu.memref_slice %arg10[%add3A_32, %dma_wait3A_113] : memref<10240x16xf32, #tpu.memory_space<vmem_shared>> -> memref<320x16xf32, #tpu.memory_space<vmem_shared>>
      %dma_wait3A_115 = arith.constant 0 : i32
      %dma_wait3A_116 = tpu.memref_slice %arg10[%add3A_32, %dma_wait3A_115] : memref<10240x16xf32, #tpu.memory_space<vmem_shared>> -> memref<320x16xf32, #tpu.memory_space<vmem_shared>>
      tpu.wait_dma2 semaphore(%run_scoped3A : memref<!tpu.dma_semaphore, #tpu.memory_space<semaphore_mem>>) src(%arg11 : memref<320x16xf32, #tpu.memory_space<vmem>>) dst(%dma_wait3A_116 : memref<320x16xf32, #tpu.memory_space<vmem_shared>>)
      tpu.yield
    }) : () -> ()
    "tpu.region"() ({
      %run_scoped3A = tpu.sem_alloc : memref<!tpu.dma_semaphore, #tpu.memory_space<semaphore_mem>>
      tpu.enqueue_dma source(%arg5 : memref<8x16xf32, #tpu.memory_space<hbm>>) target(%arg12 : memref<8x16xf32, #tpu.memory_space<vmem>>) target_semaphore(%run_scoped3A : memref<!tpu.dma_semaphore, #tpu.memory_space<semaphore_mem>>)
      tpu.wait_dma2 semaphore(%run_scoped3A : memref<!tpu.dma_semaphore, #tpu.memory_space<semaphore_mem>>) src(%arg5 : memref<8x16xf32, #tpu.memory_space<hbm>>) dst(%arg12 : memref<8x16xf32, #tpu.memory_space<vmem>>)
      tpu.yield
    }) : () -> ()
    %barrier3A = arith.constant 0 : index
    tpu.barrier barrier_id(%barrier3A)
    %get3A = arith.constant 0 : i32
    %get3A_33 = arith.index_cast %get3A : i32 to index
    %get3A_34 = arith.constant 0 : index
    %get3A_35 = tpu.vector_load %arg12[%get3A_33, %get3A_34] {strides = array<i32>} : memref<8x16xf32, #tpu.memory_space<vmem>>, vector<1x16xf32>,
    %get3A_36 = vector.shape_cast %get3A_35 : vector<1x16xf32> to vector<16xf32>
    %get3A_37 = arith.constant 1 : i32
    %get3A_38 = arith.index_cast %get3A_37 : i32 to index
    %get3A_39 = arith.constant 0 : index
    %get3A_40 = tpu.vector_load %arg12[%get3A_38, %get3A_39] {strides = array<i32>} : memref<8x16xf32, #tpu.memory_space<vmem>>, vector<1x16xf32>,
    %get3A_41 = vector.shape_cast %get3A_40 : vector<1x16xf32> to vector<16xf32>
    %add3A_42 = arith.addf %get3A_36, %get3A_41 : vector<16xf32>
    %gt3A = arith.constant 0.000000e+00 : f32
    %gt3A_43 = vector.broadcast %gt3A : f32 to vector<16xf32>
    %gt3A_44 = arith.cmpf ogt, %add3A_42, %gt3A_43 : vector<16xf32>
    %mul3A_45 = arith.constant 2.000000e-01 : f32
    %mul3A_46 = vector.broadcast %mul3A_45 : f32 to vector<16xf32>
    %mul3A_47 = arith.mulf %mul3A_46, %add3A_42 : vector<16xf32>
    %select_n3A = arith.select %gt3A_44, %add3A_42, %mul3A_47 : vector<16xi1>, vector<16xf32>
    %add3A_48 = arith.constant 0 : i32
    %add3A_49 = arith.addi %mul3A_2, %add3A_48 : i32
    %mul3A_50 = arith.constant 2 : i32
    %mul3A_51 = arith.muli %mul3A_50, %add3A_49 : i32
    %dma_start3A = arith.constant 0 : i32
    %dma_start3A_52 = tpu.memref_slice %arg6[%mul3A_51, %dma_start3A] : memref<6912x96xi32, #tpu.memory_space<hbm>> -> memref<2x96xi32, #tpu.memory_space<hbm>>
    %dma_start3A_53 = arith.constant 0 : i32
    %dma_start3A_54 = tpu.memref_slice %arg6[%mul3A_51, %dma_start3A_53] : memref<6912x96xi32, #tpu.memory_space<hbm>> -> memref<2x96xi32, #tpu.memory_space<hbm>>
    tpu.enqueue_dma source(%dma_start3A_54 : memref<2x96xi32, #tpu.memory_space<hbm>>) target(%arg13 : memref<2x96xi32, #tpu.memory_space<vmem>>) target_semaphore(%arg26 : memref<!tpu.dma_semaphore, #tpu.memory_space<semaphore_mem>>)
    %add3A_55 = arith.constant 1 : i32
    %add3A_56 = arith.addi %mul3A_2, %add3A_55 : i32
    %mul3A_57 = arith.constant 2 : i32
    %mul3A_58 = arith.muli %mul3A_57, %add3A_56 : i32
    %dma_start3A_59 = arith.constant 0 : i32
    %dma_start3A_60 = tpu.memref_slice %arg6[%mul3A_58, %dma_start3A_59] : memref<6912x96xi32, #tpu.memory_space<hbm>> -> memref<2x96xi32, #tpu.memory_space<hbm>>
    %dma_start3A_61 = arith.constant 0 : i32
    %dma_start3A_62 = tpu.memref_slice %arg6[%mul3A_58, %dma_start3A_61] : memref<6912x96xi32, #tpu.memory_space<hbm>> -> memref<2x96xi32, #tpu.memory_space<hbm>>
    tpu.enqueue_dma source(%dma_start3A_62 : memref<2x96xi32, #tpu.memory_space<hbm>>) target(%arg14 : memref<2x96xi32, #tpu.memory_space<vmem>>) target_semaphore(%arg27 : memref<!tpu.dma_semaphore, #tpu.memory_space<semaphore_mem>>)
    %add3A_63 = arith.constant 2 : i32
    %add3A_64 = arith.addi %mul3A_2, %add3A_63 : i32
    %mul3A_65 = arith.constant 2 : i32
    %mul3A_66 = arith.muli %mul3A_65, %add3A_64 : i32
    %dma_start3A_67 = arith.constant 0 : i32
    %dma_start3A_68 = tpu.memref_slice %arg6[%mul3A_66, %dma_start3A_67] : memref<6912x96xi32, #tpu.memory_space<hbm>> -> memref<2x96xi32, #tpu.memory_space<hbm>>
    %dma_start3A_69 = arith.constant 0 : i32
    %dma_start3A_70 = tpu.memref_slice %arg6[%mul3A_66, %dma_start3A_69] : memref<6912x96xi32, #tpu.memory_space<hbm>> -> memref<2x96xi32, #tpu.memory_space<hbm>>
    tpu.enqueue_dma source(%dma_start3A_70 : memref<2x96xi32, #tpu.memory_space<hbm>>) target(%arg15 : memref<2x96xi32, #tpu.memory_space<vmem>>) target_semaphore(%arg28 : memref<!tpu.dma_semaphore, #tpu.memory_space<semaphore_mem>>)
    %add3A_71 = arith.constant 0 : i32
    %add3A_72 = arith.addi %mul3A_2, %add3A_71 : i32
    %mul3A_73 = arith.constant 2 : i32
    %mul3A_74 = arith.muli %mul3A_73, %add3A_72 : i32
    %dma_wait3A = arith.constant 0 : i32
    %dma_wait3A_75 = tpu.memref_slice %arg6[%mul3A_74, %dma_wait3A] : memref<6912x96xi32, #tpu.memory_space<hbm>> -> memref<2x96xi32, #tpu.memory_space<hbm>>
    %dma_wait3A_76 = arith.constant 0 : i32
    %dma_wait3A_77 = tpu.memref_slice %arg6[%mul3A_74, %dma_wait3A_76] : memref<6912x96xi32, #tpu.memory_space<hbm>> -> memref<2x96xi32, #tpu.memory_space<hbm>>
    tpu.wait_dma2 semaphore(%arg26 : memref<!tpu.dma_semaphore, #tpu.memory_space<semaphore_mem>>) src(%dma_wait3A_77 : memref<2x96xi32, #tpu.memory_space<hbm>>) dst(%arg13 : memref<2x96xi32, #tpu.memory_space<vmem>>)
    %dma_start3A_78 = arith.constant 0 : i32
    %dma_start3A_79 = arith.constant 0 : i32
    %dma_start3A_80 = tpu.memref_slice %arg13[%dma_start3A_78, %dma_start3A_79] : memref<2x96xi32, #tpu.memory_space<vmem>> -> memref<1x96xi32, #tpu.memory_space<vmem>>
    %dma_start3A_81 = tpu.memref_squeeze %dma_start3A_80 : memref<1x96xi32, #tpu.memory_space<vmem>> -> memref<96xi32, #tpu.memory_space<vmem>>
    %dma_start3A_82 = arith.constant 0 : i32
    %dma_start3A_83 = arith.constant 0 : i32
    %dma_start3A_84 = tpu.memref_slice %arg3[%dma_start3A_82, %dma_start3A_83] : memref<10240x16xf32, #tpu.memory_space<hbm>> -> memref<10240x16xf32, #tpu.memory_space<hbm>>
    tpu.enqueue_indirect_dma source(%dma_start3A_84 : memref<10240x16xf32, #tpu.memory_space<hbm>>) target(%arg17 : memref<96x16xf32, #tpu.memory_space<vmem>>) offsets(%dma_start3A_81 : memref<96xi32, #tpu.memory_space<vmem>>) semaphore(%arg24 : memref<!tpu.dma_semaphore, #tpu.memory_space<semaphore_mem>>)
    %dma_start3A_85 = arith.constant 1 : i32
    %dma_start3A_86 = arith.constant 0 : i32
    %dma_start3A_87 = tpu.memref_slice %arg13[%dma_start3A_85, %dma_start3A_86] : memref<2x96xi32, #tpu.memory_space<vmem>> -> memref<1x96xi32, #tpu.memory_space<vmem>>
    %dma_start3A_88 = tpu.memref_squeeze %dma_start3A_87 : memref<1x96xi32, #tpu.memory_space<vmem>> -> memref<96xi32, #tpu.memory_space<vmem>>
    %dma_start3A_89 = arith.constant 0 : i32
    %dma_start3A_90 = arith.constant 0 : i32
    %dma_start3A_91 = tpu.memref_slice %arg4[%dma_start3A_89, %dma_start3A_90] : memref<10240x16xf32, #tpu.memory_space<hbm>> -> memref<10240x16xf32, #tpu.memory_space<hbm>>
    tpu.enqueue_indirect_dma source(%dma_start3A_91 : memref<10240x16xf32, #tpu.memory_space<hbm>>) target(%arg19 : memref<96x16xf32, #tpu.memory_space<vmem>>) offsets(%dma_start3A_88 : memref<96xi32, #tpu.memory_space<vmem>>) semaphore(%arg24 : memref<!tpu.dma_semaphore, #tpu.memory_space<semaphore_mem>>)
    %dma_start3A_92 = arith.constant 0 : i32
    %dma_start3A_93 = arith.constant 0 : i32
    %dma_start3A_94 = tpu.memref_slice %arg13[%dma_start3A_92, %dma_start3A_93] : memref<2x96xi32, #tpu.memory_space<vmem>> -> memref<1x96xi32, #tpu.memory_space<vmem>>
    %dma_start3A_95 = tpu.memref_squeeze %dma_start3A_94 : memref<1x96xi32, #tpu.memory_space<vmem>> -> memref<96xi32, #tpu.memory_space<vmem>>
    %dma_start3A_96 = arith.constant 0 : i32
    %dma_start3A_97 = arith.constant 0 : i32
    %dma_start3A_98 = tpu.memref_slice %arg2[%dma_start3A_96, %dma_start3A_97] : memref<10240x128xf32, #tpu.memory_space<hbm>> -> memref<10240x128xf32, #tpu.memory_space<hbm>>
    tpu.enqueue_indirect_dma source(%dma_start3A_98 : memref<10240x128xf32, #tpu.memory_space<hbm>>) target(%arg21 : memref<96x128xf32, #tpu.memory_space<vmem>>) offsets(%dma_start3A_95 : memref<96xi32, #tpu.memory_space<vmem>>) semaphore(%arg24 : memref<!tpu.dma_semaphore, #tpu.memory_space<semaphore_mem>>)
    %scan3A_99 = arith.constant 0 : i32
    %scan3A_100 = arith.constant 0 : i32
    %scan3A_101 = arith.constant 27 : i32
    %scan3A_102 = arith.addi %scan3A_100, %scan3A_101 : i32
    %scan3A_103 = arith.constant 1 : i32
    scf.for %scan3A_109 = %scan3A_100 to %scan3A_102 step %scan3A_103  : i32 {
      %mul3A_110 = arith.constant 4 : i32
      %mul3A_111 = arith.muli %mul3A_110, %scan3A_109 : i32
      %add3A_112 = arith.constant 0 : i32
      %add3A_113 = arith.addi %mul3A_111, %add3A_112 : i32
      %add3A_114 = arith.constant 1 : i32
      %add3A_115 = arith.addi %add3A_113, %add3A_114 : i32
      %lt3A = arith.constant 108 : i32
      %lt3A_116 = arith.cmpi slt, %add3A_115, %lt3A : i32
      %convert_element_type3A = arith.extui %lt3A_116 : i1 to i32
      %cond3A = arith.constant 0 : i32
      %cond3A_117 = arith.cmpi ne, %convert_element_type3A, %cond3A : i32
      scf.if %cond3A_117 {
        %add3A_294 = arith.constant 1 : i32
        %add3A_295 = arith.addi %add3A_113, %add3A_294 : i32
        %add3A_296 = arith.addi %mul3A_2, %add3A_295 : i32
        %mul3A_297 = arith.constant 2 : i32
        %mul3A_298 = arith.muli %mul3A_297, %add3A_296 : i32
        %dma_wait3A_299 = arith.constant 0 : i32
        %dma_wait3A_300 = tpu.memref_slice %arg6[%mul3A_298, %dma_wait3A_299] : memref<6912x96xi32, #tpu.memory_space<hbm>> -> memref<2x96xi32, #tpu.memory_space<hbm>>
        %dma_wait3A_301 = arith.constant 0 : i32
        %dma_wait3A_302 = tpu.memref_slice %arg6[%mul3A_298, %dma_wait3A_301] : memref<6912x96xi32, #tpu.memory_space<hbm>> -> memref<2x96xi32, #tpu.memory_space<hbm>>
        tpu.wait_dma2 semaphore(%arg27 : memref<!tpu.dma_semaphore, #tpu.memory_space<semaphore_mem>>) src(%dma_wait3A_302 : memref<2x96xi32, #tpu.memory_space<hbm>>) dst(%arg14 : memref<2x96xi32, #tpu.memory_space<vmem>>)
        %dma_start3A_303 = arith.constant 0 : i32
        %dma_start3A_304 = arith.constant 0 : i32
        %dma_start3A_305 = tpu.memref_slice %arg14[%dma_start3A_303, %dma_start3A_304] : memref<2x96xi32, #tpu.memory_space<vmem>> -> memref<1x96xi32, #tpu.memory_space<vmem>>
        %dma_start3A_306 = tpu.memref_squeeze %dma_start3A_305 : memref<1x96xi32, #tpu.memory_space<vmem>> -> memref<96xi32, #tpu.memory_space<vmem>>
        %dma_start3A_307 = arith.constant 0 : i32
        %dma_start3A_308 = arith.constant 0 : i32
        %dma_start3A_309 = tpu.memref_slice %arg3[%dma_start3A_307, %dma_start3A_308] : memref<10240x16xf32, #tpu.memory_space<hbm>> -> memref<10240x16xf32, #tpu.memory_space<hbm>>
        tpu.enqueue_indirect_dma source(%dma_start3A_309 : memref<10240x16xf32, #tpu.memory_space<hbm>>) target(%arg18 : memref<96x16xf32, #tpu.memory_space<vmem>>) offsets(%dma_start3A_306 : memref<96xi32, #tpu.memory_space<vmem>>) semaphore(%arg25 : memref<!tpu.dma_semaphore, #tpu.memory_space<semaphore_mem>>)
        %dma_start3A_310 = arith.constant 1 : i32
        %dma_start3A_311 = arith.constant 0 : i32
        %dma_start3A_312 = tpu.memref_slice %arg14[%dma_start3A_310, %dma_start3A_311] : memref<2x96xi32, #tpu.memory_space<vmem>> -> memref<1x96xi32, #tpu.memory_space<vmem>>
        %dma_start3A_313 = tpu.memref_squeeze %dma_start3A_312 : memref<1x96xi32, #tpu.memory_space<vmem>> -> memref<96xi32, #tpu.memory_space<vmem>>
        %dma_start3A_314 = arith.constant 0 : i32
        %dma_start3A_315 = arith.constant 0 : i32
        %dma_start3A_316 = tpu.memref_slice %arg4[%dma_start3A_314, %dma_start3A_315] : memref<10240x16xf32, #tpu.memory_space<hbm>> -> memref<10240x16xf32, #tpu.memory_space<hbm>>
        tpu.enqueue_indirect_dma source(%dma_start3A_316 : memref<10240x16xf32, #tpu.memory_space<hbm>>) target(%arg20 : memref<96x16xf32, #tpu.memory_space<vmem>>) offsets(%dma_start3A_313 : memref<96xi32, #tpu.memory_space<vmem>>) semaphore(%arg25 : memref<!tpu.dma_semaphore, #tpu.memory_space<semaphore_mem>>)
        %dma_start3A_317 = arith.constant 0 : i32
        %dma_start3A_318 = arith.constant 0 : i32
        %dma_start3A_319 = tpu.memref_slice %arg14[%dma_start3A_317, %dma_start3A_318] : memref<2x96xi32, #tpu.memory_space<vmem>> -> memref<1x96xi32, #tpu.memory_space<vmem>>
        %dma_start3A_320 = tpu.memref_squeeze %dma_start3A_319 : memref<1x96xi32, #tpu.memory_space<vmem>> -> memref<96xi32, #tpu.memory_space<vmem>>
        %dma_start3A_321 = arith.constant 0 : i32
        %dma_start3A_322 = arith.constant 0 : i32
        %dma_start3A_323 = tpu.memref_slice %arg2[%dma_start3A_321, %dma_start3A_322] : memref<10240x128xf32, #tpu.memory_space<hbm>> -> memref<10240x128xf32, #tpu.memory_space<hbm>>
        tpu.enqueue_indirect_dma source(%dma_start3A_323 : memref<10240x128xf32, #tpu.memory_space<hbm>>) target(%arg22 : memref<96x128xf32, #tpu.memory_space<vmem>>) offsets(%dma_start3A_320 : memref<96xi32, #tpu.memory_space<vmem>>) semaphore(%arg25 : memref<!tpu.dma_semaphore, #tpu.memory_space<semaphore_mem>>)
      } else {
      }
      %add3A_118 = arith.constant 3 : i32
      %add3A_119 = arith.addi %add3A_113, %add3A_118 : i32
      %lt3A_120 = arith.constant 108 : i32
      %lt3A_121 = arith.cmpi slt, %add3A_119, %lt3A_120 : i32
      %convert_element_type3A_122 = arith.extui %lt3A_121 : i1 to i32
      %cond3A_123 = arith.constant 0 : i32
      %cond3A_124 = arith.cmpi ne, %convert_element_type3A_122, %cond3A_123 : i32
      scf.if %cond3A_124 {
        %add3A_294 = arith.constant 3 : i32
        %add3A_295 = arith.addi %add3A_113, %add3A_294 : i32
        %add3A_296 = arith.addi %mul3A_2, %add3A_295 : i32
        %mul3A_297 = arith.constant 2 : i32
        %mul3A_298 = arith.muli %mul3A_297, %add3A_296 : i32
        %dma_start3A_299 = arith.constant 0 : i32
        %dma_start3A_300 = tpu.memref_slice %arg6[%mul3A_298, %dma_start3A_299] : memref<6912x96xi32, #tpu.memory_space<hbm>> -> memref<2x96xi32, #tpu.memory_space<hbm>>
        %dma_start3A_301 = arith.constant 0 : i32
        %dma_start3A_302 = tpu.memref_slice %arg6[%mul3A_298, %dma_start3A_301] : memref<6912x96xi32, #tpu.memory_space<hbm>> -> memref<2x96xi32, #tpu.memory_space<hbm>>
        tpu.enqueue_dma source(%dma_start3A_302 : memref<2x96xi32, #tpu.memory_space<hbm>>) target(%arg16 : memref<2x96xi32, #tpu.memory_space<vmem>>) target_semaphore(%arg29 : memref<!tpu.dma_semaphore, #tpu.memory_space<semaphore_mem>>)
      } else {
      }
      %dma_wait3A_125 = arith.constant 0 : i32
      %dma_wait3A_126 = arith.constant 0 : i32
      %dma_wait3A_127 = tpu.memref_slice %arg13[%dma_wait3A_125, %dma_wait3A_126] : memref<2x96xi32, #tpu.memory_space<vmem>> -> memref<1x96xi32, #tpu.memory_space<vmem>>
      %dma_wait3A_128 = tpu.memref_squeeze %dma_wait3A_127 : memref<1x96xi32, #tpu.memory_space<vmem>> -> memref<96xi32, #tpu.memory_space<vmem>>
      %dma_wait3A_129 = arith.constant 0 : i32
      %dma_wait3A_130 = arith.constant 0 : i32
      %dma_wait3A_131 = tpu.memref_slice %arg3[%dma_wait3A_129, %dma_wait3A_130] : memref<10240x16xf32, #tpu.memory_space<hbm>> -> memref<10240x16xf32, #tpu.memory_space<hbm>>
      tpu.wait_indirect_dma semaphore(%arg24 : memref<!tpu.dma_semaphore, #tpu.memory_space<semaphore_mem>>) src(%dma_wait3A_131 : memref<10240x16xf32, #tpu.memory_space<hbm>>) dst(%arg17 : memref<96x16xf32, #tpu.memory_space<vmem>>)
      %dma_wait3A_132 = arith.constant 1 : i32
      %dma_wait3A_133 = arith.constant 0 : i32
      %dma_wait3A_134 = tpu.memref_slice %arg13[%dma_wait3A_132, %dma_wait3A_133] : memref<2x96xi32, #tpu.memory_space<vmem>> -> memref<1x96xi32, #tpu.memory_space<vmem>>
      %dma_wait3A_135 = tpu.memref_squeeze %dma_wait3A_134 : memref<1x96xi32, #tpu.memory_space<vmem>> -> memref<96xi32, #tpu.memory_space<vmem>>
      %dma_wait3A_136 = arith.constant 0 : i32
      %dma_wait3A_137 = arith.constant 0 : i32
      %dma_wait3A_138 = tpu.memref_slice %arg4[%dma_wait3A_136, %dma_wait3A_137] : memref<10240x16xf32, #tpu.memory_space<hbm>> -> memref<10240x16xf32, #tpu.memory_space<hbm>>
      tpu.wait_indirect_dma semaphore(%arg24 : memref<!tpu.dma_semaphore, #tpu.memory_space<semaphore_mem>>) src(%dma_wait3A_138 : memref<10240x16xf32, #tpu.memory_space<hbm>>) dst(%arg19 : memref<96x16xf32, #tpu.memory_space<vmem>>)
      %dma_wait3A_139 = arith.constant 0 : i32
      %dma_wait3A_140 = arith.constant 0 : i32
      %dma_wait3A_141 = tpu.memref_slice %arg13[%dma_wait3A_139, %dma_wait3A_140] : memref<2x96xi32, #tpu.memory_space<vmem>> -> memref<1x96xi32, #tpu.memory_space<vmem>>
      %dma_wait3A_142 = tpu.memref_squeeze %dma_wait3A_141 : memref<1x96xi32, #tpu.memory_space<vmem>> -> memref<96xi32, #tpu.memory_space<vmem>>
      %dma_wait3A_143 = arith.constant 0 : i32
      %dma_wait3A_144 = arith.constant 0 : i32
      %dma_wait3A_145 = tpu.memref_slice %arg2[%dma_wait3A_143, %dma_wait3A_144] : memref<10240x128xf32, #tpu.memory_space<hbm>> -> memref<10240x128xf32, #tpu.memory_space<hbm>>
      tpu.wait_indirect_dma semaphore(%arg24 : memref<!tpu.dma_semaphore, #tpu.memory_space<semaphore_mem>>) src(%dma_wait3A_145 : memref<10240x128xf32, #tpu.memory_space<hbm>>) dst(%arg21 : memref<96x128xf32, #tpu.memory_space<vmem>>)
      %scan3A_146 = arith.constant 0 : i32
      %scan3A_147 = arith.constant 0 : i32
      %scan3A_148 = arith.constant 96 : i32
      %scan3A_149 = arith.addi %scan3A_147, %scan3A_148 : i32
      %scan3A_150 = arith.constant 1 : i32
      scf.for %scan3A_294 = %scan3A_147 to %scan3A_149 step %scan3A_150  : i32 {
        %get3A_295 = arith.index_cast %scan3A_294 : i32 to index
        %get3A_296 = arith.constant 0 : index
        %get3A_297 = tpu.vector_load %arg17[%get3A_295, %get3A_296] {strides = array<i32>} : memref<96x16xf32, #tpu.memory_space<vmem>>, vector<1x16xf32>,
        %get3A_298 = vector.shape_cast %get3A_297 : vector<1x16xf32> to vector<16xf32>
        %get3A_299 = arith.index_cast %scan3A_294 : i32 to index
        %get3A_300 = arith.constant 0 : index
        %get3A_301 = tpu.vector_load %arg19[%get3A_299, %get3A_300] {strides = array<i32>} : memref<96x16xf32, #tpu.memory_space<vmem>>, vector<1x16xf32>,
        %get3A_302 = vector.shape_cast %get3A_301 : vector<1x16xf32> to vector<16xf32>
        %add3A_303 = arith.addf %get3A_298, %get3A_302 : vector<16xf32>
        %gt3A_304 = arith.constant 0.000000e+00 : f32
        %gt3A_305 = vector.broadcast %gt3A_304 : f32 to vector<16xf32>
        %gt3A_306 = arith.cmpf ogt, %add3A_303, %gt3A_305 : vector<16xf32>
        %mul3A_307 = arith.constant 2.000000e-01 : f32
        %mul3A_308 = vector.broadcast %mul3A_307 : f32 to vector<16xf32>
        %mul3A_309 = arith.mulf %mul3A_308, %add3A_303 : vector<16xf32>
        %select_n3A_310 = arith.select %gt3A_306, %add3A_303, %mul3A_309 : vector<16xi1>, vector<16xf32>
        %sub3A = arith.subf %select_n3A_310, %select_n3A : vector<16xf32>
        %exp3A = math.exp %sub3A : vector<16xf32>
        %swap3A = arith.index_cast %scan3A_294 : i32 to index
        %swap3A_311 = arith.constant 0 : index
        %swap3A_312 = tpu.vector_load %arg23[%swap3A, %swap3A_311] {strides = array<i32>} : memref<96x16xf32, #tpu.memory_space<vmem>>, vector<1x16xf32>,
        %swap3A_313 = vector.shape_cast %swap3A_312 : vector<1x16xf32> to vector<16xf32>
        %swap3A_314 = vector.shape_cast %exp3A : vector<16xf32> to vector<1x16xf32>
        tpu.vector_store %arg23[%swap3A, %swap3A_311], %swap3A_314 {strides = array<i32>} : memref<96x16xf32, #tpu.memory_space<vmem>>, vector<1x16xf32>,
        %slice3A = vector.extract_strided_slice %exp3A {offsets = [0], sizes = [1], strides = [1]} : vector<16xf32> to vector<1xf32>
        %squeeze3A = vector.extract %slice3A[0] : f32 from vector<1xf32>
        %broadcast_in_dim3A_315 = vector.broadcast %squeeze3A : f32 to vector<16xf32>
        %get3A_316 = arith.index_cast %scan3A_294 : i32 to index
        %get3A_317 = arith.constant 0 : index
        %get3A_318 = tpu.vector_load %arg21[%get3A_316, %get3A_317] {strides = array<i32>} : memref<96x128xf32, #tpu.memory_space<vmem>>, vector<1x16xf32>,
        %get3A_319 = vector.shape_cast %get3A_318 : vector<1x16xf32> to vector<16xf32>
        %mul3A_320 = arith.mulf %get3A_319, %broadcast_in_dim3A_315 : vector<16xf32>
        %swap3A_321 = arith.index_cast %scan3A_294 : i32 to index
        %swap3A_322 = arith.constant 0 : index
        %swap3A_323 = tpu.vector_load %arg21[%swap3A_321, %swap3A_322] {strides = array<i32>} : memref<96x128xf32, #tpu.memory_space<vmem>>, vector<1x16xf32>,
        %swap3A_324 = vector.shape_cast %swap3A_323 : vector<1x16xf32> to vector<16xf32>
        %swap3A_325 = vector.shape_cast %mul3A_320 : vector<16xf32> to vector<1x16xf32>
        tpu.vector_store %arg21[%swap3A_321, %swap3A_322], %swap3A_325 {strides = array<i32>} : memref<96x128xf32, #tpu.memory_space<vmem>>, vector<1x16xf32>,
        %get3A_326 = arith.index_cast %scan3A_294 : i32 to index
        %get3A_327 = arith.constant 16 : index
        %get3A_328 = tpu.vector_load %arg21[%get3A_326, %get3A_327] {strides = array<i32>} : memref<96x128xf32, #tpu.memory_space<vmem>>, vector<1x16xf32>,
        %get3A_329 = vector.shape_cast %get3A_328 : vector<1x16xf32> to vector<16xf32>
        %mul3A_330 = arith.mulf %get3A_329, %broadcast_in_dim3A_315 : vector<16xf32>
        %swap3A_331 = arith.index_cast %scan3A_294 : i32 to index
        %swap3A_332 = arith.constant 16 : index
        %swap3A_333 = tpu.vector_load %arg21[%swap3A_331, %swap3A_332] {strides = array<i32>} : memref<96x128xf32, #tpu.memory_space<vmem>>, vector<1x16xf32>,
        %swap3A_334 = vector.shape_cast %swap3A_333 : vector<1x16xf32> to vector<16xf32>
        %swap3A_335 = vector.shape_cast %mul3A_330 : vector<16xf32> to vector<1x16xf32>
        tpu.vector_store %arg21[%swap3A_331, %swap3A_332], %swap3A_335 {strides = array<i32>} : memref<96x128xf32, #tpu.memory_space<vmem>>, vector<1x16xf32>,
        %slice3A_336 = vector.extract_strided_slice %exp3A {offsets = [1], sizes = [1], strides = [1]} : vector<16xf32> to vector<1xf32>
        %squeeze3A_337 = vector.extract %slice3A_336[0] : f32 from vector<1xf32>
        %broadcast_in_dim3A_338 = vector.broadcast %squeeze3A_337 : f32 to vector<16xf32>
        %get3A_339 = arith.index_cast %scan3A_294 : i32 to index
        %get3A_340 = arith.constant 32 : index
        %get3A_341 = tpu.vector_load %arg21[%get3A_339, %get3A_340] {strides = array<i32>} : memref<96x128xf32, #tpu.memory_space<vmem>>, vector<1x16xf32>,
        %get3A_342 = vector.shape_cast %get3A_341 : vector<1x16xf32> to vector<16xf32>
        %mul3A_343 = arith.mulf %get3A_342, %broadcast_in_dim3A_338 : vector<16xf32>
        %swap3A_344 = arith.index_cast %scan3A_294 : i32 to index
        %swap3A_345 = arith.constant 32 : index
        %swap3A_346 = tpu.vector_load %arg21[%swap3A_344, %swap3A_345] {strides = array<i32>} : memref<96x128xf32, #tpu.memory_space<vmem>>, vector<1x16xf32>,
        %swap3A_347 = vector.shape_cast %swap3A_346 : vector<1x16xf32> to vector<16xf32>
        %swap3A_348 = vector.shape_cast %mul3A_343 : vector<16xf32> to vector<1x16xf32>
        tpu.vector_store %arg21[%swap3A_344, %swap3A_345], %swap3A_348 {strides = array<i32>} : memref<96x128xf32, #tpu.memory_space<vmem>>, vector<1x16xf32>,
        %get3A_349 = arith.index_cast %scan3A_294 : i32 to index
        %get3A_350 = arith.constant 48 : index
        %get3A_351 = tpu.vector_load %arg21[%get3A_349, %get3A_350] {strides = array<i32>} : memref<96x128xf32, #tpu.memory_space<vmem>>, vector<1x16xf32>,
        %get3A_352 = vector.shape_cast %get3A_351 : vector<1x16xf32> to vector<16xf32>
        %mul3A_353 = arith.mulf %get3A_352, %broadcast_in_dim3A_338 : vector<16xf32>
        %swap3A_354 = arith.index_cast %scan3A_294 : i32 to index
        %swap3A_355 = arith.constant 48 : index
        %swap3A_356 = tpu.vector_load %arg21[%swap3A_354, %swap3A_355] {strides = array<i32>} : memref<96x128xf32, #tpu.memory_space<vmem>>, vector<1x16xf32>,
        %swap3A_357 = vector.shape_cast %swap3A_356 : vector<1x16xf32> to vector<16xf32>
        %swap3A_358 = vector.shape_cast %mul3A_353 : vector<16xf32> to vector<1x16xf32>
        tpu.vector_store %arg21[%swap3A_354, %swap3A_355], %swap3A_358 {strides = array<i32>} : memref<96x128xf32, #tpu.memory_space<vmem>>, vector<1x16xf32>,
        %slice3A_359 = vector.extract_strided_slice %exp3A {offsets = [2], sizes = [1], strides = [1]} : vector<16xf32> to vector<1xf32>
        %squeeze3A_360 = vector.extract %slice3A_359[0] : f32 from vector<1xf32>
        %broadcast_in_dim3A_361 = vector.broadcast %squeeze3A_360 : f32 to vector<16xf32>
        %get3A_362 = arith.index_cast %scan3A_294 : i32 to index
        %get3A_363 = arith.constant 64 : index
        %get3A_364 = tpu.vector_load %arg21[%get3A_362, %get3A_363] {strides = array<i32>} : memref<96x128xf32, #tpu.memory_space<vmem>>, vector<1x16xf32>,
        %get3A_365 = vector.shape_cast %get3A_364 : vector<1x16xf32> to vector<16xf32>
        %mul3A_366 = arith.mulf %get3A_365, %broadcast_in_dim3A_361 : vector<16xf32>
        %swap3A_367 = arith.index_cast %scan3A_294 : i32 to index
        %swap3A_368 = arith.constant 64 : index
        %swap3A_369 = tpu.vector_load %arg21[%swap3A_367, %swap3A_368] {strides = array<i32>} : memref<96x128xf32, #tpu.memory_space<vmem>>, vector<1x16xf32>,
        %swap3A_370 = vector.shape_cast %swap3A_369 : vector<1x16xf32> to vector<16xf32>
        %swap3A_371 = vector.shape_cast %mul3A_366 : vector<16xf32> to vector<1x16xf32>
        tpu.vector_store %arg21[%swap3A_367, %swap3A_368], %swap3A_371 {strides = array<i32>} : memref<96x128xf32, #tpu.memory_space<vmem>>, vector<1x16xf32>,
        %get3A_372 = arith.index_cast %scan3A_294 : i32 to index
        %get3A_373 = arith.constant 80 : index
        %get3A_374 = tpu.vector_load %arg21[%get3A_372, %get3A_373] {strides = array<i32>} : memref<96x128xf32, #tpu.memory_space<vmem>>, vector<1x16xf32>,
        %get3A_375 = vector.shape_cast %get3A_374 : vector<1x16xf32> to vector<16xf32>
        %mul3A_376 = arith.mulf %get3A_375, %broadcast_in_dim3A_361 : vector<16xf32>
        %swap3A_377 = arith.index_cast %scan3A_294 : i32 to index
        %swap3A_378 = arith.constant 80 : index
        %swap3A_379 = tpu.vector_load %arg21[%swap3A_377, %swap3A_378] {strides = array<i32>} : memref<96x128xf32, #tpu.memory_space<vmem>>, vector<1x16xf32>,
        %swap3A_380 = vector.shape_cast %swap3A_379 : vector<1x16xf32> to vector<16xf32>
        %swap3A_381 = vector.shape_cast %mul3A_376 : vector<16xf32> to vector<1x16xf32>
        tpu.vector_store %arg21[%swap3A_377, %swap3A_378], %swap3A_381 {strides = array<i32>} : memref<96x128xf32, #tpu.memory_space<vmem>>, vector<1x16xf32>,
        %slice3A_382 = vector.extract_strided_slice %exp3A {offsets = [3], sizes = [1], strides = [1]} : vector<16xf32> to vector<1xf32>
        %squeeze3A_383 = vector.extract %slice3A_382[0] : f32 from vector<1xf32>
        %broadcast_in_dim3A_384 = vector.broadcast %squeeze3A_383 : f32 to vector<16xf32>
        %get3A_385 = arith.index_cast %scan3A_294 : i32 to index
        %get3A_386 = arith.constant 96 : index
        %get3A_387 = tpu.vector_load %arg21[%get3A_385, %get3A_386] {strides = array<i32>} : memref<96x128xf32, #tpu.memory_space<vmem>>, vector<1x16xf32>,
        %get3A_388 = vector.shape_cast %get3A_387 : vector<1x16xf32> to vector<16xf32>
        %mul3A_389 = arith.mulf %get3A_388, %broadcast_in_dim3A_384 : vector<16xf32>
        %swap3A_390 = arith.index_cast %scan3A_294 : i32 to index
        %swap3A_391 = arith.constant 96 : index
        %swap3A_392 = tpu.vector_load %arg21[%swap3A_390, %swap3A_391] {strides = array<i32>} : memref<96x128xf32, #tpu.memory_space<vmem>>, vector<1x16xf32>,
        %swap3A_393 = vector.shape_cast %swap3A_392 : vector<1x16xf32> to vector<16xf32>
        %swap3A_394 = vector.shape_cast %mul3A_389 : vector<16xf32> to vector<1x16xf32>
        tpu.vector_store %arg21[%swap3A_390, %swap3A_391], %swap3A_394 {strides = array<i32>} : memref<96x128xf32, #tpu.memory_space<vmem>>, vector<1x16xf32>,
        %get3A_395 = arith.index_cast %scan3A_294 : i32 to index
        %get3A_396 = arith.constant 112 : index
        %get3A_397 = tpu.vector_load %arg21[%get3A_395, %get3A_396] {strides = array<i32>} : memref<96x128xf32, #tpu.memory_space<vmem>>, vector<1x16xf32>,
        %get3A_398 = vector.shape_cast %get3A_397 : vector<1x16xf32> to vector<16xf32>
        %mul3A_399 = arith.mulf %get3A_398, %broadcast_in_dim3A_384 : vector<16xf32>
        %swap3A_400 = arith.index_cast %scan3A_294 : i32 to index
        %swap3A_401 = arith.constant 112 : index
        %swap3A_402 = tpu.vector_load %arg21[%swap3A_400, %swap3A_401] {strides = array<i32>} : memref<96x128xf32, #tpu.memory_space<vmem>>, vector<1x16xf32>,
        %swap3A_403 = vector.shape_cast %swap3A_402 : vector<1x16xf32> to vector<16xf32>
        %swap3A_404 = vector.shape_cast %mul3A_399 : vector<16xf32> to vector<1x16xf32>
        tpu.vector_store %arg21[%swap3A_400, %swap3A_401], %swap3A_404 {strides = array<i32>} : memref<96x128xf32, #tpu.memory_space<vmem>>, vector<1x16xf32>,
      }
      %scan3A_151 = arith.constant 96 : i32
      %run_scoped3A = arith.constant 1 : i32
      "tpu.region"() ({
        %run_scoped3A_294 = tpu.sem_alloc : memref<!tpu.dma_semaphore, #tpu.memory_space<semaphore_mem>>
        %dma_start3A_295 = arith.constant 0 : i32
        %dma_start3A_296 = tpu.memref_slice %arg13[%run_scoped3A, %dma_start3A_295] : memref<2x96xi32, #tpu.memory_space<vmem>> -> memref<1x96xi32, #tpu.memory_space<vmem>>
        %dma_start3A_297 = tpu.memref_squeeze %dma_start3A_296 : memref<1x96xi32, #tpu.memory_space<vmem>> -> memref<96xi32, #tpu.memory_space<vmem>>
        %dma_start3A_298 = arith.constant 0 : i32
        %dma_start3A_299 = arith.constant 0 : i32
        %dma_start3A_300 = tpu.memref_slice %arg9[%dma_start3A_298, %dma_start3A_299] : memref<10240x128xf32, #tpu.memory_space<vmem_shared>> -> memref<10240x128xf32, #tpu.memory_space<vmem_shared>>
        tpu.enqueue_indirect_dma source(%arg21 : memref<96x128xf32, #tpu.memory_space<vmem>>) target(%dma_start3A_300 : memref<10240x128xf32, #tpu.memory_space<vmem_shared>>) offsets(%dma_start3A_297 : memref<96xi32, #tpu.memory_space<vmem>>) semaphore(%run_scoped3A_294 : memref<!tpu.dma_semaphore, #tpu.memory_space<semaphore_mem>>) {add = true}
        %dma_wait3A_301 = arith.constant 0 : i32
        %dma_wait3A_302 = tpu.memref_slice %arg13[%run_scoped3A, %dma_wait3A_301] : memref<2x96xi32, #tpu.memory_space<vmem>> -> memref<1x96xi32, #tpu.memory_space<vmem>>
        %dma_wait3A_303 = tpu.memref_squeeze %dma_wait3A_302 : memref<1x96xi32, #tpu.memory_space<vmem>> -> memref<96xi32, #tpu.memory_space<vmem>>
        %dma_wait3A_304 = arith.constant 0 : i32
        %dma_wait3A_305 = arith.constant 0 : i32
        %dma_wait3A_306 = tpu.memref_slice %arg9[%dma_wait3A_304, %dma_wait3A_305] : memref<10240x128xf32, #tpu.memory_space<vmem_shared>> -> memref<10240x128xf32, #tpu.memory_space<vmem_shared>>
        tpu.wait_indirect_dma semaphore(%run_scoped3A_294 : memref<!tpu.dma_semaphore, #tpu.memory_space<semaphore_mem>>) src(%arg21 : memref<96x128xf32, #tpu.memory_space<vmem>>) dst(%dma_wait3A_306 : memref<10240x128xf32, #tpu.memory_space<vmem_shared>>)
        tpu.yield
      }) : () -> ()
      %run_scoped3A_152 = arith.constant 1 : i32
      "tpu.region"() ({
        %run_scoped3A_294 = tpu.sem_alloc : memref<!tpu.dma_semaphore, #tpu.memory_space<semaphore_mem>>
        %dma_start3A_295 = arith.constant 0 : i32
        %dma_start3A_296 = tpu.memref_slice %arg13[%run_scoped3A_152, %dma_start3A_295] : memref<2x96xi32, #tpu.memory_space<vmem>> -> memref<1x96xi32, #tpu.memory_space<vmem>>
        %dma_start3A_297 = tpu.memref_squeeze %dma_start3A_296 : memref<1x96xi32, #tpu.memory_space<vmem>> -> memref<96xi32, #tpu.memory_space<vmem>>
        %dma_start3A_298 = arith.constant 0 : i32
        %dma_start3A_299 = arith.constant 0 : i32
        %dma_start3A_300 = tpu.memref_slice %arg10[%dma_start3A_298, %dma_start3A_299] : memref<10240x16xf32, #tpu.memory_space<vmem_shared>> -> memref<10240x16xf32, #tpu.memory_space<vmem_shared>>
        tpu.enqueue_indirect_dma source(%arg23 : memref<96x16xf32, #tpu.memory_space<vmem>>) target(%dma_start3A_300 : memref<10240x16xf32, #tpu.memory_space<vmem_shared>>) offsets(%dma_start3A_297 : memref<96xi32, #tpu.memory_space<vmem>>) semaphore(%run_scoped3A_294 : memref<!tpu.dma_semaphore, #tpu.memory_space<semaphore_mem>>) {add = true}
        %dma_wait3A_301 = arith.constant 0 : i32
        %dma_wait3A_302 = tpu.memref_slice %arg13[%run_scoped3A_152, %dma_wait3A_301] : memref<2x96xi32, #tpu.memory_space<vmem>> -> memref<1x96xi32, #tpu.memory_space<vmem>>
        %dma_wait3A_303 = tpu.memref_squeeze %dma_wait3A_302 : memref<1x96xi32, #tpu.memory_space<vmem>> -> memref<96xi32, #tpu.memory_space<vmem>>
        %dma_wait3A_304 = arith.constant 0 : i32
        %dma_wait3A_305 = arith.constant 0 : i32
        %dma_wait3A_306 = tpu.memref_slice %arg10[%dma_wait3A_304, %dma_wait3A_305] : memref<10240x16xf32, #tpu.memory_space<vmem_shared>> -> memref<10240x16xf32, #tpu.memory_space<vmem_shared>>
        tpu.wait_indirect_dma semaphore(%run_scoped3A_294 : memref<!tpu.dma_semaphore, #tpu.memory_space<semaphore_mem>>) src(%arg23 : memref<96x16xf32, #tpu.memory_space<vmem>>) dst(%dma_wait3A_306 : memref<10240x16xf32, #tpu.memory_space<vmem_shared>>)
        tpu.yield
      }) : () -> ()
      %mul3A_153 = arith.constant 4 : i32
      %mul3A_154 = arith.muli %mul3A_153, %scan3A_109 : i32
      %add3A_155 = arith.constant 1 : i32
      %add3A_156 = arith.addi %mul3A_154, %add3A_155 : i32
      %add3A_157 = arith.constant 1 : i32
      %add3A_158 = arith.addi %add3A_156, %add3A_157 : i32
      %lt3A_159 = arith.constant 108 : i32
      %lt3A_160 = arith.cmpi slt, %add3A_158, %lt3A_159 : i32
      %convert_element_type3A_161 = arith.extui %lt3A_160 : i1 to i32
      %cond3A_162 = arith.constant 0 : i32
      %cond3A_163 = arith.cmpi ne, %convert_element_type3A_161, %cond3A_162 : i32
      scf.if %cond3A_163 {
        %add3A_294 = arith.constant 1 : i32
        %add3A_295 = arith.addi %add3A_156, %add3A_294 : i32
        %add3A_296 = arith.addi %mul3A_2, %add3A_295 : i32
        %mul3A_297 = arith.constant 2 : i32
        %mul3A_298 = arith.muli %mul3A_297, %add3A_296 : i32
        %dma_wait3A_299 = arith.constant 0 : i32
        %dma_wait3A_300 = tpu.memref_slice %arg6[%mul3A_298, %dma_wait3A_299] : memref<6912x96xi32, #tpu.memory_space<hbm>> -> memref<2x96xi32, #tpu.memory_space<hbm>>
        %dma_wait3A_301 = arith.constant 0 : i32
        %dma_wait3A_302 = tpu.memref_slice %arg6[%mul3A_298, %dma_wait3A_301] : memref<6912x96xi32, #tpu.memory_space<hbm>> -> memref<2x96xi32, #tpu.memory_space<hbm>>
        tpu.wait_dma2 semaphore(%arg28 : memref<!tpu.dma_semaphore, #tpu.memory_space<semaphore_mem>>) src(%dma_wait3A_302 : memref<2x96xi32, #tpu.memory_space<hbm>>) dst(%arg15 : memref<2x96xi32, #tpu.memory_space<vmem>>)
        %dma_start3A_303 = arith.constant 0 : i32
        %dma_start3A_304 = arith.constant 0 : i32
        %dma_start3A_305 = tpu.memref_slice %arg15[%dma_start3A_303, %dma_start3A_304] : memref<2x96xi32, #tpu.memory_space<vmem>> -> memref<1x96xi32, #tpu.memory_space<vmem>>
        %dma_start3A_306 = tpu.memref_squeeze %dma_start3A_305 : memref<1x96xi32, #tpu.memory_space<vmem>> -> memref<96xi32, #tpu.memory_space<vmem>>
        %dma_start3A_307 = arith.constant 0 : i32
        %dma_start3A_308 = arith.constant 0 : i32
        %dma_start3A_309 = tpu.memref_slice %arg3[%dma_start3A_307, %dma_start3A_308] : memref<10240x16xf32, #tpu.memory_space<hbm>> -> memref<10240x16xf32, #tpu.memory_space<hbm>>
        tpu.enqueue_indirect_dma source(%dma_start3A_309 : memref<10240x16xf32, #tpu.memory_space<hbm>>) target(%arg17 : memref<96x16xf32, #tpu.memory_space<vmem>>) offsets(%dma_start3A_306 : memref<96xi32, #tpu.memory_space<vmem>>) semaphore(%arg24 : memref<!tpu.dma_semaphore, #tpu.memory_space<semaphore_mem>>)
        %dma_start3A_310 = arith.constant 1 : i32
        %dma_start3A_311 = arith.constant 0 : i32
        %dma_start3A_312 = tpu.memref_slice %arg15[%dma_start3A_310, %dma_start3A_311] : memref<2x96xi32, #tpu.memory_space<vmem>> -> memref<1x96xi32, #tpu.memory_space<vmem>>
        %dma_start3A_313 = tpu.memref_squeeze %dma_start3A_312 : memref<1x96xi32, #tpu.memory_space<vmem>> -> memref<96xi32, #tpu.memory_space<vmem>>
        %dma_start3A_314 = arith.constant 0 : i32
        %dma_start3A_315 = arith.constant 0 : i32
        %dma_start3A_316 = tpu.memref_slice %arg4[%dma_start3A_314, %dma_start3A_315] : memref<10240x16xf32, #tpu.memory_space<hbm>> -> memref<10240x16xf32, #tpu.memory_space<hbm>>
        tpu.enqueue_indirect_dma source(%dma_start3A_316 : memref<10240x16xf32, #tpu.memory_space<hbm>>) target(%arg19 : memref<96x16xf32, #tpu.memory_space<vmem>>) offsets(%dma_start3A_313 : memref<96xi32, #tpu.memory_space<vmem>>) semaphore(%arg24 : memref<!tpu.dma_semaphore, #tpu.memory_space<semaphore_mem>>)
        %dma_start3A_317 = arith.constant 0 : i32
        %dma_start3A_318 = arith.constant 0 : i32
        %dma_start3A_319 = tpu.memref_slice %arg15[%dma_start3A_317, %dma_start3A_318] : memref<2x96xi32, #tpu.memory_space<vmem>> -> memref<1x96xi32, #tpu.memory_space<vmem>>
        %dma_start3A_320 = tpu.memref_squeeze %dma_start3A_319 : memref<1x96xi32, #tpu.memory_space<vmem>> -> memref<96xi32, #tpu.memory_space<vmem>>
        %dma_start3A_321 = arith.constant 0 : i32
        %dma_start3A_322 = arith.constant 0 : i32
        %dma_start3A_323 = tpu.memref_slice %arg2[%dma_start3A_321, %dma_start3A_322] : memref<10240x128xf32, #tpu.memory_space<hbm>> -> memref<10240x128xf32, #tpu.memory_space<hbm>>
        tpu.enqueue_indirect_dma source(%dma_start3A_323 : memref<10240x128xf32, #tpu.memory_space<hbm>>) target(%arg21 : memref<96x128xf32, #tpu.memory_space<vmem>>) offsets(%dma_start3A_320 : memref<96xi32, #tpu.memory_space<vmem>>) semaphore(%arg24 : memref<!tpu.dma_semaphore, #tpu.memory_space<semaphore_mem>>)
      } else {
      }
      %add3A_164 = arith.constant 3 : i32
      %add3A_165 = arith.addi %add3A_156, %add3A_164 : i32
      %lt3A_166 = arith.constant 108 : i32
      %lt3A_167 = arith.cmpi slt, %add3A_165, %lt3A_166 : i32
      %convert_element_type3A_168 = arith.extui %lt3A_167 : i1 to i32
      %cond3A_169 = arith.constant 0 : i32
      %cond3A_170 = arith.cmpi ne, %convert_element_type3A_168, %cond3A_169 : i32
      scf.if %cond3A_170 {
        %add3A_294 = arith.constant 3 : i32
        %add3A_295 = arith.addi %add3A_156, %add3A_294 : i32
        %add3A_296 = arith.addi %mul3A_2, %add3A_295 : i32
        %mul3A_297 = arith.constant 2 : i32
        %mul3A_298 = arith.muli %mul3A_297, %add3A_296 : i32
        %dma_start3A_299 = arith.constant 0 : i32
        %dma_start3A_300 = tpu.memref_slice %arg6[%mul3A_298, %dma_start3A_299] : memref<6912x96xi32, #tpu.memory_space<hbm>> -> memref<2x96xi32, #tpu.memory_space<hbm>>
        %dma_start3A_301 = arith.constant 0 : i32
        %dma_start3A_302 = tpu.memref_slice %arg6[%mul3A_298, %dma_start3A_301] : memref<6912x96xi32, #tpu.memory_space<hbm>> -> memref<2x96xi32, #tpu.memory_space<hbm>>
        tpu.enqueue_dma source(%dma_start3A_302 : memref<2x96xi32, #tpu.memory_space<hbm>>) target(%arg13 : memref<2x96xi32, #tpu.memory_space<vmem>>) target_semaphore(%arg26 : memref<!tpu.dma_semaphore, #tpu.memory_space<semaphore_mem>>)
      } else {
      }
      %dma_wait3A_171 = arith.constant 0 : i32
      %dma_wait3A_172 = arith.constant 0 : i32
      %dma_wait3A_173 = tpu.memref_slice %arg14[%dma_wait3A_171, %dma_wait3A_172] : memref<2x96xi32, #tpu.memory_space<vmem>> -> memref<1x96xi32, #tpu.memory_space<vmem>>
      %dma_wait3A_174 = tpu.memref_squeeze %dma_wait3A_173 : memref<1x96xi32, #tpu.memory_space<vmem>> -> memref<96xi32, #tpu.memory_space<vmem>>
      %dma_wait3A_175 = arith.constant 0 : i32
      %dma_wait3A_176 = arith.constant 0 : i32
      %dma_wait3A_177 = tpu.memref_slice %arg3[%dma_wait3A_175, %dma_wait3A_176] : memref<10240x16xf32, #tpu.memory_space<hbm>> -> memref<10240x16xf32, #tpu.memory_space<hbm>>
      tpu.wait_indirect_dma semaphore(%arg25 : memref<!tpu.dma_semaphore, #tpu.memory_space<semaphore_mem>>) src(%dma_wait3A_177 : memref<10240x16xf32, #tpu.memory_space<hbm>>) dst(%arg18 : memref<96x16xf32, #tpu.memory_space<vmem>>)
      %dma_wait3A_178 = arith.constant 1 : i32
      %dma_wait3A_179 = arith.constant 0 : i32
      %dma_wait3A_180 = tpu.memref_slice %arg14[%dma_wait3A_178, %dma_wait3A_179] : memref<2x96xi32, #tpu.memory_space<vmem>> -> memref<1x96xi32, #tpu.memory_space<vmem>>
      %dma_wait3A_181 = tpu.memref_squeeze %dma_wait3A_180 : memref<1x96xi32, #tpu.memory_space<vmem>> -> memref<96xi32, #tpu.memory_space<vmem>>
      %dma_wait3A_182 = arith.constant 0 : i32
      %dma_wait3A_183 = arith.constant 0 : i32
      %dma_wait3A_184 = tpu.memref_slice %arg4[%dma_wait3A_182, %dma_wait3A_183] : memref<10240x16xf32, #tpu.memory_space<hbm>> -> memref<10240x16xf32, #tpu.memory_space<hbm>>
      tpu.wait_indirect_dma semaphore(%arg25 : memref<!tpu.dma_semaphore, #tpu.memory_space<semaphore_mem>>) src(%dma_wait3A_184 : memref<10240x16xf32, #tpu.memory_space<hbm>>) dst(%arg20 : memref<96x16xf32, #tpu.memory_space<vmem>>)
      %dma_wait3A_185 = arith.constant 0 : i32
      %dma_wait3A_186 = arith.constant 0 : i32
      %dma_wait3A_187 = tpu.memref_slice %arg14[%dma_wait3A_185, %dma_wait3A_186] : memref<2x96xi32, #tpu.memory_space<vmem>> -> memref<1x96xi32, #tpu.memory_space<vmem>>
      %dma_wait3A_188 = tpu.memref_squeeze %dma_wait3A_187 : memref<1x96xi32, #tpu.memory_space<vmem>> -> memref<96xi32, #tpu.memory_space<vmem>>
      %dma_wait3A_189 = arith.constant 0 : i32
      %dma_wait3A_190 = arith.constant 0 : i32
      %dma_wait3A_191 = tpu.memref_slice %arg2[%dma_wait3A_189, %dma_wait3A_190] : memref<10240x128xf32, #tpu.memory_space<hbm>> -> memref<10240x128xf32, #tpu.memory_space<hbm>>
      tpu.wait_indirect_dma semaphore(%arg25 : memref<!tpu.dma_semaphore, #tpu.memory_space<semaphore_mem>>) src(%dma_wait3A_191 : memref<10240x128xf32, #tpu.memory_space<hbm>>) dst(%arg22 : memref<96x128xf32, #tpu.memory_space<vmem>>)
      %scan3A_192 = arith.constant 0 : i32
      %scan3A_193 = arith.constant 0 : i32
      %scan3A_194 = arith.constant 96 : i32
      %scan3A_195 = arith.addi %scan3A_193, %scan3A_194 : i32
      %scan3A_196 = arith.constant 1 : i32
      scf.for %scan3A_294 = %scan3A_193 to %scan3A_195 step %scan3A_196  : i32 {
        %get3A_295 = arith.index_cast %scan3A_294 : i32 to index
        %get3A_296 = arith.constant 0 : index
        %get3A_297 = tpu.vector_load %arg18[%get3A_295, %get3A_296] {strides = array<i32>} : memref<96x16xf32, #tpu.memory_space<vmem>>, vector<1x16xf32>,
        %get3A_298 = vector.shape_cast %get3A_297 : vector<1x16xf32> to vector<16xf32>
        %get3A_299 = arith.index_cast %scan3A_294 : i32 to index
        %get3A_300 = arith.constant 0 : index
        %get3A_301 = tpu.vector_load %arg20[%get3A_299, %get3A_300] {strides = array<i32>} : memref<96x16xf32, #tpu.memory_space<vmem>>, vector<1x16xf32>,
        %get3A_302 = vector.shape_cast %get3A_301 : vector<1x16xf32> to vector<16xf32>
        %add3A_303 = arith.addf %get3A_298, %get3A_302 : vector<16xf32>
        %gt3A_304 = arith.constant 0.000000e+00 : f32
        %gt3A_305 = vector.broadcast %gt3A_304 : f32 to vector<16xf32>
        %gt3A_306 = arith.cmpf ogt, %add3A_303, %gt3A_305 : vector<16xf32>
        %mul3A_307 = arith.constant 2.000000e-01 : f32
        %mul3A_308 = vector.broadcast %mul3A_307 : f32 to vector<16xf32>
        %mul3A_309 = arith.mulf %mul3A_308, %add3A_303 : vector<16xf32>
        %select_n3A_310 = arith.select %gt3A_306, %add3A_303, %mul3A_309 : vector<16xi1>, vector<16xf32>
        %sub3A = arith.subf %select_n3A_310, %select_n3A : vector<16xf32>
        %exp3A = math.exp %sub3A : vector<16xf32>
        %swap3A = arith.index_cast %scan3A_294 : i32 to index
        %swap3A_311 = arith.constant 0 : index
        %swap3A_312 = tpu.vector_load %arg23[%swap3A, %swap3A_311] {strides = array<i32>} : memref<96x16xf32, #tpu.memory_space<vmem>>, vector<1x16xf32>,
        %swap3A_313 = vector.shape_cast %swap3A_312 : vector<1x16xf32> to vector<16xf32>
        %swap3A_314 = vector.shape_cast %exp3A : vector<16xf32> to vector<1x16xf32>
        tpu.vector_store %arg23[%swap3A, %swap3A_311], %swap3A_314 {strides = array<i32>} : memref<96x16xf32, #tpu.memory_space<vmem>>, vector<1x16xf32>,
        %slice3A = vector.extract_strided_slice %exp3A {offsets = [0], sizes = [1], strides = [1]} : vector<16xf32> to vector<1xf32>
        %squeeze3A = vector.extract %slice3A[0] : f32 from vector<1xf32>
        %broadcast_in_dim3A_315 = vector.broadcast %squeeze3A : f32 to vector<16xf32>
        %get3A_316 = arith.index_cast %scan3A_294 : i32 to index
        %get3A_317 = arith.constant 0 : index
        %get3A_318 = tpu.vector_load %arg22[%get3A_316, %get3A_317] {strides = array<i32>} : memref<96x128xf32, #tpu.memory_space<vmem>>, vector<1x16xf32>,
        %get3A_319 = vector.shape_cast %get3A_318 : vector<1x16xf32> to vector<16xf32>
        %mul3A_320 = arith.mulf %get3A_319, %broadcast_in_dim3A_315 : vector<16xf32>
        %swap3A_321 = arith.index_cast %scan3A_294 : i32 to index
        %swap3A_322 = arith.constant 0 : index
        %swap3A_323 = tpu.vector_load %arg22[%swap3A_321, %swap3A_322] {strides = array<i32>} : memref<96x128xf32, #tpu.memory_space<vmem>>, vector<1x16xf32>,
        %swap3A_324 = vector.shape_cast %swap3A_323 : vector<1x16xf32> to vector<16xf32>
        %swap3A_325 = vector.shape_cast %mul3A_320 : vector<16xf32> to vector<1x16xf32>
        tpu.vector_store %arg22[%swap3A_321, %swap3A_322], %swap3A_325 {strides = array<i32>} : memref<96x128xf32, #tpu.memory_space<vmem>>, vector<1x16xf32>,
        %get3A_326 = arith.index_cast %scan3A_294 : i32 to index
        %get3A_327 = arith.constant 16 : index
        %get3A_328 = tpu.vector_load %arg22[%get3A_326, %get3A_327] {strides = array<i32>} : memref<96x128xf32, #tpu.memory_space<vmem>>, vector<1x16xf32>,
        %get3A_329 = vector.shape_cast %get3A_328 : vector<1x16xf32> to vector<16xf32>
        %mul3A_330 = arith.mulf %get3A_329, %broadcast_in_dim3A_315 : vector<16xf32>
        %swap3A_331 = arith.index_cast %scan3A_294 : i32 to index
        %swap3A_332 = arith.constant 16 : index
        %swap3A_333 = tpu.vector_load %arg22[%swap3A_331, %swap3A_332] {strides = array<i32>} : memref<96x128xf32, #tpu.memory_space<vmem>>, vector<1x16xf32>,
        %swap3A_334 = vector.shape_cast %swap3A_333 : vector<1x16xf32> to vector<16xf32>
        %swap3A_335 = vector.shape_cast %mul3A_330 : vector<16xf32> to vector<1x16xf32>
        tpu.vector_store %arg22[%swap3A_331, %swap3A_332], %swap3A_335 {strides = array<i32>} : memref<96x128xf32, #tpu.memory_space<vmem>>, vector<1x16xf32>,
        %slice3A_336 = vector.extract_strided_slice %exp3A {offsets = [1], sizes = [1], strides = [1]} : vector<16xf32> to vector<1xf32>
        %squeeze3A_337 = vector.extract %slice3A_336[0] : f32 from vector<1xf32>
        %broadcast_in_dim3A_338 = vector.broadcast %squeeze3A_337 : f32 to vector<16xf32>
        %get3A_339 = arith.index_cast %scan3A_294 : i32 to index
        %get3A_340 = arith.constant 32 : index
        %get3A_341 = tpu.vector_load %arg22[%get3A_339, %get3A_340] {strides = array<i32>} : memref<96x128xf32, #tpu.memory_space<vmem>>, vector<1x16xf32>,
        %get3A_342 = vector.shape_cast %get3A_341 : vector<1x16xf32> to vector<16xf32>
        %mul3A_343 = arith.mulf %get3A_342, %broadcast_in_dim3A_338 : vector<16xf32>
        %swap3A_344 = arith.index_cast %scan3A_294 : i32 to index
        %swap3A_345 = arith.constant 32 : index
        %swap3A_346 = tpu.vector_load %arg22[%swap3A_344, %swap3A_345] {strides = array<i32>} : memref<96x128xf32, #tpu.memory_space<vmem>>, vector<1x16xf32>,
        %swap3A_347 = vector.shape_cast %swap3A_346 : vector<1x16xf32> to vector<16xf32>
        %swap3A_348 = vector.shape_cast %mul3A_343 : vector<16xf32> to vector<1x16xf32>
        tpu.vector_store %arg22[%swap3A_344, %swap3A_345], %swap3A_348 {strides = array<i32>} : memref<96x128xf32, #tpu.memory_space<vmem>>, vector<1x16xf32>,
        %get3A_349 = arith.index_cast %scan3A_294 : i32 to index
        %get3A_350 = arith.constant 48 : index
        %get3A_351 = tpu.vector_load %arg22[%get3A_349, %get3A_350] {strides = array<i32>} : memref<96x128xf32, #tpu.memory_space<vmem>>, vector<1x16xf32>,
        %get3A_352 = vector.shape_cast %get3A_351 : vector<1x16xf32> to vector<16xf32>
        %mul3A_353 = arith.mulf %get3A_352, %broadcast_in_dim3A_338 : vector<16xf32>
        %swap3A_354 = arith.index_cast %scan3A_294 : i32 to index
        %swap3A_355 = arith.constant 48 : index
        %swap3A_356 = tpu.vector_load %arg22[%swap3A_354, %swap3A_355] {strides = array<i32>} : memref<96x128xf32, #tpu.memory_space<vmem>>, vector<1x16xf32>,
        %swap3A_357 = vector.shape_cast %swap3A_356 : vector<1x16xf32> to vector<16xf32>
        %swap3A_358 = vector.shape_cast %mul3A_353 : vector<16xf32> to vector<1x16xf32>
        tpu.vector_store %arg22[%swap3A_354, %swap3A_355], %swap3A_358 {strides = array<i32>} : memref<96x128xf32, #tpu.memory_space<vmem>>, vector<1x16xf32>,
        %slice3A_359 = vector.extract_strided_slice %exp3A {offsets = [2], sizes = [1], strides = [1]} : vector<16xf32> to vector<1xf32>
        %squeeze3A_360 = vector.extract %slice3A_359[0] : f32 from vector<1xf32>
        %broadcast_in_dim3A_361 = vector.broadcast %squeeze3A_360 : f32 to vector<16xf32>
        %get3A_362 = arith.index_cast %scan3A_294 : i32 to index
        %get3A_363 = arith.constant 64 : index
        %get3A_364 = tpu.vector_load %arg22[%get3A_362, %get3A_363] {strides = array<i32>} : memref<96x128xf32, #tpu.memory_space<vmem>>, vector<1x16xf32>,
        %get3A_365 = vector.shape_cast %get3A_364 : vector<1x16xf32> to vector<16xf32>
        %mul3A_366 = arith.mulf %get3A_365, %broadcast_in_dim3A_361 : vector<16xf32>
        %swap3A_367 = arith.index_cast %scan3A_294 : i32 to index
        %swap3A_368 = arith.constant 64 : index
        %swap3A_369 = tpu.vector_load %arg22[%swap3A_367, %swap3A_368] {strides = array<i32>} : memref<96x128xf32, #tpu.memory_space<vmem>>, vector<1x16xf32>,
        %swap3A_370 = vector.shape_cast %swap3A_369 : vector<1x16xf32> to vector<16xf32>
        %swap3A_371 = vector.shape_cast %mul3A_366 : vector<16xf32> to vector<1x16xf32>
        tpu.vector_store %arg22[%swap3A_367, %swap3A_368], %swap3A_371 {strides = array<i32>} : memref<96x128xf32, #tpu.memory_space<vmem>>, vector<1x16xf32>,
        %get3A_372 = arith.index_cast %scan3A_294 : i32 to index
        %get3A_373 = arith.constant 80 : index
        %get3A_374 = tpu.vector_load %arg22[%get3A_372, %get3A_373] {strides = array<i32>} : memref<96x128xf32, #tpu.memory_space<vmem>>, vector<1x16xf32>,
        %get3A_375 = vector.shape_cast %get3A_374 : vector<1x16xf32> to vector<16xf32>
        %mul3A_376 = arith.mulf %get3A_375, %broadcast_in_dim3A_361 : vector<16xf32>
        %swap3A_377 = arith.index_cast %scan3A_294 : i32 to index
        %swap3A_378 = arith.constant 80 : index
        %swap3A_379 = tpu.vector_load %arg22[%swap3A_377, %swap3A_378] {strides = array<i32>} : memref<96x128xf32, #tpu.memory_space<vmem>>, vector<1x16xf32>,
        %swap3A_380 = vector.shape_cast %swap3A_379 : vector<1x16xf32> to vector<16xf32>
        %swap3A_381 = vector.shape_cast %mul3A_376 : vector<16xf32> to vector<1x16xf32>
        tpu.vector_store %arg22[%swap3A_377, %swap3A_378], %swap3A_381 {strides = array<i32>} : memref<96x128xf32, #tpu.memory_space<vmem>>, vector<1x16xf32>,
        %slice3A_382 = vector.extract_strided_slice %exp3A {offsets = [3], sizes = [1], strides = [1]} : vector<16xf32> to vector<1xf32>
        %squeeze3A_383 = vector.extract %slice3A_382[0] : f32 from vector<1xf32>
        %broadcast_in_dim3A_384 = vector.broadcast %squeeze3A_383 : f32 to vector<16xf32>
        %get3A_385 = arith.index_cast %scan3A_294 : i32 to index
        %get3A_386 = arith.constant 96 : index
        %get3A_387 = tpu.vector_load %arg22[%get3A_385, %get3A_386] {strides = array<i32>} : memref<96x128xf32, #tpu.memory_space<vmem>>, vector<1x16xf32>,
        %get3A_388 = vector.shape_cast %get3A_387 : vector<1x16xf32> to vector<16xf32>
        %mul3A_389 = arith.mulf %get3A_388, %broadcast_in_dim3A_384 : vector<16xf32>
        %swap3A_390 = arith.index_cast %scan3A_294 : i32 to index
        %swap3A_391 = arith.constant 96 : index
        %swap3A_392 = tpu.vector_load %arg22[%swap3A_390, %swap3A_391] {strides = array<i32>} : memref<96x128xf32, #tpu.memory_space<vmem>>, vector<1x16xf32>,
        %swap3A_393 = vector.shape_cast %swap3A_392 : vector<1x16xf32> to vector<16xf32>
        %swap3A_394 = vector.shape_cast %mul3A_389 : vector<16xf32> to vector<1x16xf32>
        tpu.vector_store %arg22[%swap3A_390, %swap3A_391], %swap3A_394 {strides = array<i32>} : memref<96x128xf32, #tpu.memory_space<vmem>>, vector<1x16xf32>,
        %get3A_395 = arith.index_cast %scan3A_294 : i32 to index
        %get3A_396 = arith.constant 112 : index
        %get3A_397 = tpu.vector_load %arg22[%get3A_395, %get3A_396] {strides = array<i32>} : memref<96x128xf32, #tpu.memory_space<vmem>>, vector<1x16xf32>,
        %get3A_398 = vector.shape_cast %get3A_397 : vector<1x16xf32> to vector<16xf32>
        %mul3A_399 = arith.mulf %get3A_398, %broadcast_in_dim3A_384 : vector<16xf32>
        %swap3A_400 = arith.index_cast %scan3A_294 : i32 to index
        %swap3A_401 = arith.constant 112 : index
        %swap3A_402 = tpu.vector_load %arg22[%swap3A_400, %swap3A_401] {strides = array<i32>} : memref<96x128xf32, #tpu.memory_space<vmem>>, vector<1x16xf32>,
        %swap3A_403 = vector.shape_cast %swap3A_402 : vector<1x16xf32> to vector<16xf32>
        %swap3A_404 = vector.shape_cast %mul3A_399 : vector<16xf32> to vector<1x16xf32>
        tpu.vector_store %arg22[%swap3A_400, %swap3A_401], %swap3A_404 {strides = array<i32>} : memref<96x128xf32, #tpu.memory_space<vmem>>, vector<1x16xf32>,
      }
      %scan3A_197 = arith.constant 96 : i32
      %run_scoped3A_198 = arith.constant 1 : i32
      "tpu.region"() ({
        %run_scoped3A_294 = tpu.sem_alloc : memref<!tpu.dma_semaphore, #tpu.memory_space<semaphore_mem>>
        %dma_start3A_295 = arith.constant 0 : i32
        %dma_start3A_296 = tpu.memref_slice %arg14[%run_scoped3A_198, %dma_start3A_295] : memref<2x96xi32, #tpu.memory_space<vmem>> -> memref<1x96xi32, #tpu.memory_space<vmem>>
        %dma_start3A_297 = tpu.memref_squeeze %dma_start3A_296 : memref<1x96xi32, #tpu.memory_space<vmem>> -> memref<96xi32, #tpu.memory_space<vmem>>
        %dma_start3A_298 = arith.constant 0 : i32
        %dma_start3A_299 = arith.constant 0 : i32
        %dma_start3A_300 = tpu.memref_slice %arg9[%dma_start3A_298, %dma_start3A_299] : memref<10240x128xf32, #tpu.memory_space<vmem_shared>> -> memref<10240x128xf32, #tpu.memory_space<vmem_shared>>
        tpu.enqueue_indirect_dma source(%arg22 : memref<96x128xf32, #tpu.memory_space<vmem>>) target(%dma_start3A_300 : memref<10240x128xf32, #tpu.memory_space<vmem_shared>>) offsets(%dma_start3A_297 : memref<96xi32, #tpu.memory_space<vmem>>) semaphore(%run_scoped3A_294 : memref<!tpu.dma_semaphore, #tpu.memory_space<semaphore_mem>>) {add = true}
        %dma_wait3A_301 = arith.constant 0 : i32
        %dma_wait3A_302 = tpu.memref_slice %arg14[%run_scoped3A_198, %dma_wait3A_301] : memref<2x96xi32, #tpu.memory_space<vmem>> -> memref<1x96xi32, #tpu.memory_space<vmem>>
        %dma_wait3A_303 = tpu.memref_squeeze %dma_wait3A_302 : memref<1x96xi32, #tpu.memory_space<vmem>> -> memref<96xi32, #tpu.memory_space<vmem>>
        %dma_wait3A_304 = arith.constant 0 : i32
        %dma_wait3A_305 = arith.constant 0 : i32
        %dma_wait3A_306 = tpu.memref_slice %arg9[%dma_wait3A_304, %dma_wait3A_305] : memref<10240x128xf32, #tpu.memory_space<vmem_shared>> -> memref<10240x128xf32, #tpu.memory_space<vmem_shared>>
        tpu.wait_indirect_dma semaphore(%run_scoped3A_294 : memref<!tpu.dma_semaphore, #tpu.memory_space<semaphore_mem>>) src(%arg22 : memref<96x128xf32, #tpu.memory_space<vmem>>) dst(%dma_wait3A_306 : memref<10240x128xf32, #tpu.memory_space<vmem_shared>>)
        tpu.yield
      }) : () -> ()
      %run_scoped3A_199 = arith.constant 1 : i32
      "tpu.region"() ({
        %run_scoped3A_294 = tpu.sem_alloc : memref<!tpu.dma_semaphore, #tpu.memory_space<semaphore_mem>>
        %dma_start3A_295 = arith.constant 0 : i32
        %dma_start3A_296 = tpu.memref_slice %arg14[%run_scoped3A_199, %dma_start3A_295] : memref<2x96xi32, #tpu.memory_space<vmem>> -> memref<1x96xi32, #tpu.memory_space<vmem>>
        %dma_start3A_297 = tpu.memref_squeeze %dma_start3A_296 : memref<1x96xi32, #tpu.memory_space<vmem>> -> memref<96xi32, #tpu.memory_space<vmem>>
        %dma_start3A_298 = arith.constant 0 : i32
        %dma_start3A_299 = arith.constant 0 : i32
        %dma_start3A_300 = tpu.memref_slice %arg10[%dma_start3A_298, %dma_start3A_299] : memref<10240x16xf32, #tpu.memory_space<vmem_shared>> -> memref<10240x16xf32, #tpu.memory_space<vmem_shared>>
        tpu.enqueue_indirect_dma source(%arg23 : memref<96x16xf32, #tpu.memory_space<vmem>>) target(%dma_start3A_300 : memref<10240x16xf32, #tpu.memory_space<vmem_shared>>) offsets(%dma_start3A_297 : memref<96xi32, #tpu.memory_space<vmem>>) semaphore(%run_scoped3A_294 : memref<!tpu.dma_semaphore, #tpu.memory_space<semaphore_mem>>) {add = true}
        %dma_wait3A_301 = arith.constant 0 : i32
        %dma_wait3A_302 = tpu.memref_slice %arg14[%run_scoped3A_199, %dma_wait3A_301] : memref<2x96xi32, #tpu.memory_space<vmem>> -> memref<1x96xi32, #tpu.memory_space<vmem>>
        %dma_wait3A_303 = tpu.memref_squeeze %dma_wait3A_302 : memref<1x96xi32, #tpu.memory_space<vmem>> -> memref<96xi32, #tpu.memory_space<vmem>>
        %dma_wait3A_304 = arith.constant 0 : i32
        %dma_wait3A_305 = arith.constant 0 : i32
        %dma_wait3A_306 = tpu.memref_slice %arg10[%dma_wait3A_304, %dma_wait3A_305] : memref<10240x16xf32, #tpu.memory_space<vmem_shared>> -> memref<10240x16xf32, #tpu.memory_space<vmem_shared>>
        tpu.wait_indirect_dma semaphore(%run_scoped3A_294 : memref<!tpu.dma_semaphore, #tpu.memory_space<semaphore_mem>>) src(%arg23 : memref<96x16xf32, #tpu.memory_space<vmem>>) dst(%dma_wait3A_306 : memref<10240x16xf32, #tpu.memory_space<vmem_shared>>)
        tpu.yield
      }) : () -> ()
      %mul3A_200 = arith.constant 4 : i32
      %mul3A_201 = arith.muli %mul3A_200, %scan3A_109 : i32
      %add3A_202 = arith.constant 2 : i32
      %add3A_203 = arith.addi %mul3A_201, %add3A_202 : i32
      %add3A_204 = arith.constant 1 : i32
      %add3A_205 = arith.addi %add3A_203, %add3A_204 : i32
      %lt3A_206 = arith.constant 108 : i32
      %lt3A_207 = arith.cmpi slt, %add3A_205, %lt3A_206 : i32
      %convert_element_type3A_208 = arith.extui %lt3A_207 : i1 to i32
      %cond3A_209 = arith.constant 0 : i32
      %cond3A_210 = arith.cmpi ne, %convert_element_type3A_208, %cond3A_209 : i32
      scf.if %cond3A_210 {
        %add3A_294 = arith.constant 1 : i32
        %add3A_295 = arith.addi %add3A_203, %add3A_294 : i32
        %add3A_296 = arith.addi %mul3A_2, %add3A_295 : i32
        %mul3A_297 = arith.constant 2 : i32
        %mul3A_298 = arith.muli %mul3A_297, %add3A_296 : i32
        %dma_wait3A_299 = arith.constant 0 : i32
        %dma_wait3A_300 = tpu.memref_slice %arg6[%mul3A_298, %dma_wait3A_299] : memref<6912x96xi32, #tpu.memory_space<hbm>> -> memref<2x96xi32, #tpu.memory_space<hbm>>
        %dma_wait3A_301 = arith.constant 0 : i32
        %dma_wait3A_302 = tpu.memref_slice %arg6[%mul3A_298, %dma_wait3A_301] : memref<6912x96xi32, #tpu.memory_space<hbm>> -> memref<2x96xi32, #tpu.memory_space<hbm>>
        tpu.wait_dma2 semaphore(%arg29 : memref<!tpu.dma_semaphore, #tpu.memory_space<semaphore_mem>>) src(%dma_wait3A_302 : memref<2x96xi32, #tpu.memory_space<hbm>>) dst(%arg16 : memref<2x96xi32, #tpu.memory_space<vmem>>)
        %dma_start3A_303 = arith.constant 0 : i32
        %dma_start3A_304 = arith.constant 0 : i32
        %dma_start3A_305 = tpu.memref_slice %arg16[%dma_start3A_303, %dma_start3A_304] : memref<2x96xi32, #tpu.memory_space<vmem>> -> memref<1x96xi32, #tpu.memory_space<vmem>>
        %dma_start3A_306 = tpu.memref_squeeze %dma_start3A_305 : memref<1x96xi32, #tpu.memory_space<vmem>> -> memref<96xi32, #tpu.memory_space<vmem>>
        %dma_start3A_307 = arith.constant 0 : i32
        %dma_start3A_308 = arith.constant 0 : i32
        %dma_start3A_309 = tpu.memref_slice %arg3[%dma_start3A_307, %dma_start3A_308] : memref<10240x16xf32, #tpu.memory_space<hbm>> -> memref<10240x16xf32, #tpu.memory_space<hbm>>
        tpu.enqueue_indirect_dma source(%dma_start3A_309 : memref<10240x16xf32, #tpu.memory_space<hbm>>) target(%arg18 : memref<96x16xf32, #tpu.memory_space<vmem>>) offsets(%dma_start3A_306 : memref<96xi32, #tpu.memory_space<vmem>>) semaphore(%arg25 : memref<!tpu.dma_semaphore, #tpu.memory_space<semaphore_mem>>)
        %dma_start3A_310 = arith.constant 1 : i32
        %dma_start3A_311 = arith.constant 0 : i32
        %dma_start3A_312 = tpu.memref_slice %arg16[%dma_start3A_310, %dma_start3A_311] : memref<2x96xi32, #tpu.memory_space<vmem>> -> memref<1x96xi32, #tpu.memory_space<vmem>>
        %dma_start3A_313 = tpu.memref_squeeze %dma_start3A_312 : memref<1x96xi32, #tpu.memory_space<vmem>> -> memref<96xi32, #tpu.memory_space<vmem>>
        %dma_start3A_314 = arith.constant 0 : i32
        %dma_start3A_315 = arith.constant 0 : i32
        %dma_start3A_316 = tpu.memref_slice %arg4[%dma_start3A_314, %dma_start3A_315] : memref<10240x16xf32, #tpu.memory_space<hbm>> -> memref<10240x16xf32, #tpu.memory_space<hbm>>
        tpu.enqueue_indirect_dma source(%dma_start3A_316 : memref<10240x16xf32, #tpu.memory_space<hbm>>) target(%arg20 : memref<96x16xf32, #tpu.memory_space<vmem>>) offsets(%dma_start3A_313 : memref<96xi32, #tpu.memory_space<vmem>>) semaphore(%arg25 : memref<!tpu.dma_semaphore, #tpu.memory_space<semaphore_mem>>)
        %dma_start3A_317 = arith.constant 0 : i32
        %dma_start3A_318 = arith.constant 0 : i32
        %dma_start3A_319 = tpu.memref_slice %arg16[%dma_start3A_317, %dma_start3A_318] : memref<2x96xi32, #tpu.memory_space<vmem>> -> memref<1x96xi32, #tpu.memory_space<vmem>>
        %dma_start3A_320 = tpu.memref_squeeze %dma_start3A_319 : memref<1x96xi32, #tpu.memory_space<vmem>> -> memref<96xi32, #tpu.memory_space<vmem>>
        %dma_start3A_321 = arith.constant 0 : i32
        %dma_start3A_322 = arith.constant 0 : i32
        %dma_start3A_323 = tpu.memref_slice %arg2[%dma_start3A_321, %dma_start3A_322] : memref<10240x128xf32, #tpu.memory_space<hbm>> -> memref<10240x128xf32, #tpu.memory_space<hbm>>
        tpu.enqueue_indirect_dma source(%dma_start3A_323 : memref<10240x128xf32, #tpu.memory_space<hbm>>) target(%arg22 : memref<96x128xf32, #tpu.memory_space<vmem>>) offsets(%dma_start3A_320 : memref<96xi32, #tpu.memory_space<vmem>>) semaphore(%arg25 : memref<!tpu.dma_semaphore, #tpu.memory_space<semaphore_mem>>)
      } else {
      }
      %add3A_211 = arith.constant 3 : i32
      %add3A_212 = arith.addi %add3A_203, %add3A_211 : i32
      %lt3A_213 = arith.constant 108 : i32
      %lt3A_214 = arith.cmpi slt, %add3A_212, %lt3A_213 : i32
      %convert_element_type3A_215 = arith.extui %lt3A_214 : i1 to i32
      %cond3A_216 = arith.constant 0 : i32
      %cond3A_217 = arith.cmpi ne, %convert_element_type3A_215, %cond3A_216 : i32
      scf.if %cond3A_217 {
        %add3A_294 = arith.constant 3 : i32
        %add3A_295 = arith.addi %add3A_203, %add3A_294 : i32
        %add3A_296 = arith.addi %mul3A_2, %add3A_295 : i32
        %mul3A_297 = arith.constant 2 : i32
        %mul3A_298 = arith.muli %mul3A_297, %add3A_296 : i32
        %dma_start3A_299 = arith.constant 0 : i32
        %dma_start3A_300 = tpu.memref_slice %arg6[%mul3A_298, %dma_start3A_299] : memref<6912x96xi32, #tpu.memory_space<hbm>> -> memref<2x96xi32, #tpu.memory_space<hbm>>
        %dma_start3A_301 = arith.constant 0 : i32
        %dma_start3A_302 = tpu.memref_slice %arg6[%mul3A_298, %dma_start3A_301] : memref<6912x96xi32, #tpu.memory_space<hbm>> -> memref<2x96xi32, #tpu.memory_space<hbm>>
        tpu.enqueue_dma source(%dma_start3A_302 : memref<2x96xi32, #tpu.memory_space<hbm>>) target(%arg14 : memref<2x96xi32, #tpu.memory_space<vmem>>) target_semaphore(%arg27 : memref<!tpu.dma_semaphore, #tpu.memory_space<semaphore_mem>>)
      } else {
      }
      %dma_wait3A_218 = arith.constant 0 : i32
      %dma_wait3A_219 = arith.constant 0 : i32
      %dma_wait3A_220 = tpu.memref_slice %arg15[%dma_wait3A_218, %dma_wait3A_219] : memref<2x96xi32, #tpu.memory_space<vmem>> -> memref<1x96xi32, #tpu.memory_space<vmem>>
      %dma_wait3A_221 = tpu.memref_squeeze %dma_wait3A_220 : memref<1x96xi32, #tpu.memory_space<vmem>> -> memref<96xi32, #tpu.memory_space<vmem>>
      %dma_wait3A_222 = arith.constant 0 : i32
      %dma_wait3A_223 = arith.constant 0 : i32
      %dma_wait3A_224 = tpu.memref_slice %arg3[%dma_wait3A_222, %dma_wait3A_223] : memref<10240x16xf32, #tpu.memory_space<hbm>> -> memref<10240x16xf32, #tpu.memory_space<hbm>>
      tpu.wait_indirect_dma semaphore(%arg24 : memref<!tpu.dma_semaphore, #tpu.memory_space<semaphore_mem>>) src(%dma_wait3A_224 : memref<10240x16xf32, #tpu.memory_space<hbm>>) dst(%arg17 : memref<96x16xf32, #tpu.memory_space<vmem>>)
      %dma_wait3A_225 = arith.constant 1 : i32
      %dma_wait3A_226 = arith.constant 0 : i32
      %dma_wait3A_227 = tpu.memref_slice %arg15[%dma_wait3A_225, %dma_wait3A_226] : memref<2x96xi32, #tpu.memory_space<vmem>> -> memref<1x96xi32, #tpu.memory_space<vmem>>
      %dma_wait3A_228 = tpu.memref_squeeze %dma_wait3A_227 : memref<1x96xi32, #tpu.memory_space<vmem>> -> memref<96xi32, #tpu.memory_space<vmem>>
      %dma_wait3A_229 = arith.constant 0 : i32
      %dma_wait3A_230 = arith.constant 0 : i32
      %dma_wait3A_231 = tpu.memref_slice %arg4[%dma_wait3A_229, %dma_wait3A_230] : memref<10240x16xf32, #tpu.memory_space<hbm>> -> memref<10240x16xf32, #tpu.memory_space<hbm>>
      tpu.wait_indirect_dma semaphore(%arg24 : memref<!tpu.dma_semaphore, #tpu.memory_space<semaphore_mem>>) src(%dma_wait3A_231 : memref<10240x16xf32, #tpu.memory_space<hbm>>) dst(%arg19 : memref<96x16xf32, #tpu.memory_space<vmem>>)
      %dma_wait3A_232 = arith.constant 0 : i32
      %dma_wait3A_233 = arith.constant 0 : i32
      %dma_wait3A_234 = tpu.memref_slice %arg15[%dma_wait3A_232, %dma_wait3A_233] : memref<2x96xi32, #tpu.memory_space<vmem>> -> memref<1x96xi32, #tpu.memory_space<vmem>>
      %dma_wait3A_235 = tpu.memref_squeeze %dma_wait3A_234 : memref<1x96xi32, #tpu.memory_space<vmem>> -> memref<96xi32, #tpu.memory_space<vmem>>
      %dma_wait3A_236 = arith.constant 0 : i32
      %dma_wait3A_237 = arith.constant 0 : i32
      %dma_wait3A_238 = tpu.memref_slice %arg2[%dma_wait3A_236, %dma_wait3A_237] : memref<10240x128xf32, #tpu.memory_space<hbm>> -> memref<10240x128xf32, #tpu.memory_space<hbm>>
      tpu.wait_indirect_dma semaphore(%arg24 : memref<!tpu.dma_semaphore, #tpu.memory_space<semaphore_mem>>) src(%dma_wait3A_238 : memref<10240x128xf32, #tpu.memory_space<hbm>>) dst(%arg21 : memref<96x128xf32, #tpu.memory_space<vmem>>)
      %scan3A_239 = arith.constant 0 : i32
      %scan3A_240 = arith.constant 0 : i32
      %scan3A_241 = arith.constant 96 : i32
      %scan3A_242 = arith.addi %scan3A_240, %scan3A_241 : i32
      %scan3A_243 = arith.constant 1 : i32
      scf.for %scan3A_294 = %scan3A_240 to %scan3A_242 step %scan3A_243  : i32 {
        %get3A_295 = arith.index_cast %scan3A_294 : i32 to index
        %get3A_296 = arith.constant 0 : index
        %get3A_297 = tpu.vector_load %arg17[%get3A_295, %get3A_296] {strides = array<i32>} : memref<96x16xf32, #tpu.memory_space<vmem>>, vector<1x16xf32>,
        %get3A_298 = vector.shape_cast %get3A_297 : vector<1x16xf32> to vector<16xf32>
        %get3A_299 = arith.index_cast %scan3A_294 : i32 to index
        %get3A_300 = arith.constant 0 : index
        %get3A_301 = tpu.vector_load %arg19[%get3A_299, %get3A_300] {strides = array<i32>} : memref<96x16xf32, #tpu.memory_space<vmem>>, vector<1x16xf32>,
        %get3A_302 = vector.shape_cast %get3A_301 : vector<1x16xf32> to vector<16xf32>
        %add3A_303 = arith.addf %get3A_298, %get3A_302 : vector<16xf32>
        %gt3A_304 = arith.constant 0.000000e+00 : f32
        %gt3A_305 = vector.broadcast %gt3A_304 : f32 to vector<16xf32>
        %gt3A_306 = arith.cmpf ogt, %add3A_303, %gt3A_305 : vector<16xf32>
        %mul3A_307 = arith.constant 2.000000e-01 : f32
        %mul3A_308 = vector.broadcast %mul3A_307 : f32 to vector<16xf32>
        %mul3A_309 = arith.mulf %mul3A_308, %add3A_303 : vector<16xf32>
        %select_n3A_310 = arith.select %gt3A_306, %add3A_303, %mul3A_309 : vector<16xi1>, vector<16xf32>
        %sub3A = arith.subf %select_n3A_310, %select_n3A : vector<16xf32>
        %exp3A = math.exp %sub3A : vector<16xf32>
        %swap3A = arith.index_cast %scan3A_294 : i32 to index
        %swap3A_311 = arith.constant 0 : index
        %swap3A_312 = tpu.vector_load %arg23[%swap3A, %swap3A_311] {strides = array<i32>} : memref<96x16xf32, #tpu.memory_space<vmem>>, vector<1x16xf32>,
        %swap3A_313 = vector.shape_cast %swap3A_312 : vector<1x16xf32> to vector<16xf32>
        %swap3A_314 = vector.shape_cast %exp3A : vector<16xf32> to vector<1x16xf32>
        tpu.vector_store %arg23[%swap3A, %swap3A_311], %swap3A_314 {strides = array<i32>} : memref<96x16xf32, #tpu.memory_space<vmem>>, vector<1x16xf32>,
        %slice3A = vector.extract_strided_slice %exp3A {offsets = [0], sizes = [1], strides = [1]} : vector<16xf32> to vector<1xf32>
        %squeeze3A = vector.extract %slice3A[0] : f32 from vector<1xf32>
        %broadcast_in_dim3A_315 = vector.broadcast %squeeze3A : f32 to vector<16xf32>
        %get3A_316 = arith.index_cast %scan3A_294 : i32 to index
        %get3A_317 = arith.constant 0 : index
        %get3A_318 = tpu.vector_load %arg21[%get3A_316, %get3A_317] {strides = array<i32>} : memref<96x128xf32, #tpu.memory_space<vmem>>, vector<1x16xf32>,
        %get3A_319 = vector.shape_cast %get3A_318 : vector<1x16xf32> to vector<16xf32>
        %mul3A_320 = arith.mulf %get3A_319, %broadcast_in_dim3A_315 : vector<16xf32>
        %swap3A_321 = arith.index_cast %scan3A_294 : i32 to index
        %swap3A_322 = arith.constant 0 : index
        %swap3A_323 = tpu.vector_load %arg21[%swap3A_321, %swap3A_322] {strides = array<i32>} : memref<96x128xf32, #tpu.memory_space<vmem>>, vector<1x16xf32>,
        %swap3A_324 = vector.shape_cast %swap3A_323 : vector<1x16xf32> to vector<16xf32>
        %swap3A_325 = vector.shape_cast %mul3A_320 : vector<16xf32> to vector<1x16xf32>
        tpu.vector_store %arg21[%swap3A_321, %swap3A_322], %swap3A_325 {strides = array<i32>} : memref<96x128xf32, #tpu.memory_space<vmem>>, vector<1x16xf32>,
        %get3A_326 = arith.index_cast %scan3A_294 : i32 to index
        %get3A_327 = arith.constant 16 : index
        %get3A_328 = tpu.vector_load %arg21[%get3A_326, %get3A_327] {strides = array<i32>} : memref<96x128xf32, #tpu.memory_space<vmem>>, vector<1x16xf32>,
        %get3A_329 = vector.shape_cast %get3A_328 : vector<1x16xf32> to vector<16xf32>
        %mul3A_330 = arith.mulf %get3A_329, %broadcast_in_dim3A_315 : vector<16xf32>
        %swap3A_331 = arith.index_cast %scan3A_294 : i32 to index
        %swap3A_332 = arith.constant 16 : index
        %swap3A_333 = tpu.vector_load %arg21[%swap3A_331, %swap3A_332] {strides = array<i32>} : memref<96x128xf32, #tpu.memory_space<vmem>>, vector<1x16xf32>,
        %swap3A_334 = vector.shape_cast %swap3A_333 : vector<1x16xf32> to vector<16xf32>
        %swap3A_335 = vector.shape_cast %mul3A_330 : vector<16xf32> to vector<1x16xf32>
        tpu.vector_store %arg21[%swap3A_331, %swap3A_332], %swap3A_335 {strides = array<i32>} : memref<96x128xf32, #tpu.memory_space<vmem>>, vector<1x16xf32>,
        %slice3A_336 = vector.extract_strided_slice %exp3A {offsets = [1], sizes = [1], strides = [1]} : vector<16xf32> to vector<1xf32>
        %squeeze3A_337 = vector.extract %slice3A_336[0] : f32 from vector<1xf32>
        %broadcast_in_dim3A_338 = vector.broadcast %squeeze3A_337 : f32 to vector<16xf32>
        %get3A_339 = arith.index_cast %scan3A_294 : i32 to index
        %get3A_340 = arith.constant 32 : index
        %get3A_341 = tpu.vector_load %arg21[%get3A_339, %get3A_340] {strides = array<i32>} : memref<96x128xf32, #tpu.memory_space<vmem>>, vector<1x16xf32>,
        %get3A_342 = vector.shape_cast %get3A_341 : vector<1x16xf32> to vector<16xf32>
        %mul3A_343 = arith.mulf %get3A_342, %broadcast_in_dim3A_338 : vector<16xf32>
        %swap3A_344 = arith.index_cast %scan3A_294 : i32 to index
        %swap3A_345 = arith.constant 32 : index
        %swap3A_346 = tpu.vector_load %arg21[%swap3A_344, %swap3A_345] {strides = array<i32>} : memref<96x128xf32, #tpu.memory_space<vmem>>, vector<1x16xf32>,
        %swap3A_347 = vector.shape_cast %swap3A_346 : vector<1x16xf32> to vector<16xf32>
        %swap3A_348 = vector.shape_cast %mul3A_343 : vector<16xf32> to vector<1x16xf32>
        tpu.vector_store %arg21[%swap3A_344, %swap3A_345], %swap3A_348 {strides = array<i32>} : memref<96x128xf32, #tpu.memory_space<vmem>>, vector<1x16xf32>,
        %get3A_349 = arith.index_cast %scan3A_294 : i32 to index
        %get3A_350 = arith.constant 48 : index
        %get3A_351 = tpu.vector_load %arg21[%get3A_349, %get3A_350] {strides = array<i32>} : memref<96x128xf32, #tpu.memory_space<vmem>>, vector<1x16xf32>,
        %get3A_352 = vector.shape_cast %get3A_351 : vector<1x16xf32> to vector<16xf32>
        %mul3A_353 = arith.mulf %get3A_352, %broadcast_in_dim3A_338 : vector<16xf32>
        %swap3A_354 = arith.index_cast %scan3A_294 : i32 to index
        %swap3A_355 = arith.constant 48 : index
        %swap3A_356 = tpu.vector_load %arg21[%swap3A_354, %swap3A_355] {strides = array<i32>} : memref<96x128xf32, #tpu.memory_space<vmem>>, vector<1x16xf32>,
        %swap3A_357 = vector.shape_cast %swap3A_356 : vector<1x16xf32> to vector<16xf32>
        %swap3A_358 = vector.shape_cast %mul3A_353 : vector<16xf32> to vector<1x16xf32>
        tpu.vector_store %arg21[%swap3A_354, %swap3A_355], %swap3A_358 {strides = array<i32>} : memref<96x128xf32, #tpu.memory_space<vmem>>, vector<1x16xf32>,
        %slice3A_359 = vector.extract_strided_slice %exp3A {offsets = [2], sizes = [1], strides = [1]} : vector<16xf32> to vector<1xf32>
        %squeeze3A_360 = vector.extract %slice3A_359[0] : f32 from vector<1xf32>
        %broadcast_in_dim3A_361 = vector.broadcast %squeeze3A_360 : f32 to vector<16xf32>
        %get3A_362 = arith.index_cast %scan3A_294 : i32 to index
        %get3A_363 = arith.constant 64 : index
        %get3A_364 = tpu.vector_load %arg21[%get3A_362, %get3A_363] {strides = array<i32>} : memref<96x128xf32, #tpu.memory_space<vmem>>, vector<1x16xf32>,
        %get3A_365 = vector.shape_cast %get3A_364 : vector<1x16xf32> to vector<16xf32>
        %mul3A_366 = arith.mulf %get3A_365, %broadcast_in_dim3A_361 : vector<16xf32>
        %swap3A_367 = arith.index_cast %scan3A_294 : i32 to index
        %swap3A_368 = arith.constant 64 : index
        %swap3A_369 = tpu.vector_load %arg21[%swap3A_367, %swap3A_368] {strides = array<i32>} : memref<96x128xf32, #tpu.memory_space<vmem>>, vector<1x16xf32>,
        %swap3A_370 = vector.shape_cast %swap3A_369 : vector<1x16xf32> to vector<16xf32>
        %swap3A_371 = vector.shape_cast %mul3A_366 : vector<16xf32> to vector<1x16xf32>
        tpu.vector_store %arg21[%swap3A_367, %swap3A_368], %swap3A_371 {strides = array<i32>} : memref<96x128xf32, #tpu.memory_space<vmem>>, vector<1x16xf32>,
        %get3A_372 = arith.index_cast %scan3A_294 : i32 to index
        %get3A_373 = arith.constant 80 : index
        %get3A_374 = tpu.vector_load %arg21[%get3A_372, %get3A_373] {strides = array<i32>} : memref<96x128xf32, #tpu.memory_space<vmem>>, vector<1x16xf32>,
        %get3A_375 = vector.shape_cast %get3A_374 : vector<1x16xf32> to vector<16xf32>
        %mul3A_376 = arith.mulf %get3A_375, %broadcast_in_dim3A_361 : vector<16xf32>
        %swap3A_377 = arith.index_cast %scan3A_294 : i32 to index
        %swap3A_378 = arith.constant 80 : index
        %swap3A_379 = tpu.vector_load %arg21[%swap3A_377, %swap3A_378] {strides = array<i32>} : memref<96x128xf32, #tpu.memory_space<vmem>>, vector<1x16xf32>,
        %swap3A_380 = vector.shape_cast %swap3A_379 : vector<1x16xf32> to vector<16xf32>
        %swap3A_381 = vector.shape_cast %mul3A_376 : vector<16xf32> to vector<1x16xf32>
        tpu.vector_store %arg21[%swap3A_377, %swap3A_378], %swap3A_381 {strides = array<i32>} : memref<96x128xf32, #tpu.memory_space<vmem>>, vector<1x16xf32>,
        %slice3A_382 = vector.extract_strided_slice %exp3A {offsets = [3], sizes = [1], strides = [1]} : vector<16xf32> to vector<1xf32>
        %squeeze3A_383 = vector.extract %slice3A_382[0] : f32 from vector<1xf32>
        %broadcast_in_dim3A_384 = vector.broadcast %squeeze3A_383 : f32 to vector<16xf32>
        %get3A_385 = arith.index_cast %scan3A_294 : i32 to index
        %get3A_386 = arith.constant 96 : index
        %get3A_387 = tpu.vector_load %arg21[%get3A_385, %get3A_386] {strides = array<i32>} : memref<96x128xf32, #tpu.memory_space<vmem>>, vector<1x16xf32>,
        %get3A_388 = vector.shape_cast %get3A_387 : vector<1x16xf32> to vector<16xf32>
        %mul3A_389 = arith.mulf %get3A_388, %broadcast_in_dim3A_384 : vector<16xf32>
        %swap3A_390 = arith.index_cast %scan3A_294 : i32 to index
        %swap3A_391 = arith.constant 96 : index
        %swap3A_392 = tpu.vector_load %arg21[%swap3A_390, %swap3A_391] {strides = array<i32>} : memref<96x128xf32, #tpu.memory_space<vmem>>, vector<1x16xf32>,
        %swap3A_393 = vector.shape_cast %swap3A_392 : vector<1x16xf32> to vector<16xf32>
        %swap3A_394 = vector.shape_cast %mul3A_389 : vector<16xf32> to vector<1x16xf32>
        tpu.vector_store %arg21[%swap3A_390, %swap3A_391], %swap3A_394 {strides = array<i32>} : memref<96x128xf32, #tpu.memory_space<vmem>>, vector<1x16xf32>,
        %get3A_395 = arith.index_cast %scan3A_294 : i32 to index
        %get3A_396 = arith.constant 112 : index
        %get3A_397 = tpu.vector_load %arg21[%get3A_395, %get3A_396] {strides = array<i32>} : memref<96x128xf32, #tpu.memory_space<vmem>>, vector<1x16xf32>,
        %get3A_398 = vector.shape_cast %get3A_397 : vector<1x16xf32> to vector<16xf32>
        %mul3A_399 = arith.mulf %get3A_398, %broadcast_in_dim3A_384 : vector<16xf32>
        %swap3A_400 = arith.index_cast %scan3A_294 : i32 to index
        %swap3A_401 = arith.constant 112 : index
        %swap3A_402 = tpu.vector_load %arg21[%swap3A_400, %swap3A_401] {strides = array<i32>} : memref<96x128xf32, #tpu.memory_space<vmem>>, vector<1x16xf32>,
        %swap3A_403 = vector.shape_cast %swap3A_402 : vector<1x16xf32> to vector<16xf32>
        %swap3A_404 = vector.shape_cast %mul3A_399 : vector<16xf32> to vector<1x16xf32>
        tpu.vector_store %arg21[%swap3A_400, %swap3A_401], %swap3A_404 {strides = array<i32>} : memref<96x128xf32, #tpu.memory_space<vmem>>, vector<1x16xf32>,
      }
      %scan3A_244 = arith.constant 96 : i32
      %run_scoped3A_245 = arith.constant 1 : i32
      "tpu.region"() ({
        %run_scoped3A_294 = tpu.sem_alloc : memref<!tpu.dma_semaphore, #tpu.memory_space<semaphore_mem>>
        %dma_start3A_295 = arith.constant 0 : i32
        %dma_start3A_296 = tpu.memref_slice %arg15[%run_scoped3A_245, %dma_start3A_295] : memref<2x96xi32, #tpu.memory_space<vmem>> -> memref<1x96xi32, #tpu.memory_space<vmem>>
        %dma_start3A_297 = tpu.memref_squeeze %dma_start3A_296 : memref<1x96xi32, #tpu.memory_space<vmem>> -> memref<96xi32, #tpu.memory_space<vmem>>
        %dma_start3A_298 = arith.constant 0 : i32
        %dma_start3A_299 = arith.constant 0 : i32
        %dma_start3A_300 = tpu.memref_slice %arg9[%dma_start3A_298, %dma_start3A_299] : memref<10240x128xf32, #tpu.memory_space<vmem_shared>> -> memref<10240x128xf32, #tpu.memory_space<vmem_shared>>
        tpu.enqueue_indirect_dma source(%arg21 : memref<96x128xf32, #tpu.memory_space<vmem>>) target(%dma_start3A_300 : memref<10240x128xf32, #tpu.memory_space<vmem_shared>>) offsets(%dma_start3A_297 : memref<96xi32, #tpu.memory_space<vmem>>) semaphore(%run_scoped3A_294 : memref<!tpu.dma_semaphore, #tpu.memory_space<semaphore_mem>>) {add = true}
        %dma_wait3A_301 = arith.constant 0 : i32
        %dma_wait3A_302 = tpu.memref_slice %arg15[%run_scoped3A_245, %dma_wait3A_301] : memref<2x96xi32, #tpu.memory_space<vmem>> -> memref<1x96xi32, #tpu.memory_space<vmem>>
        %dma_wait3A_303 = tpu.memref_squeeze %dma_wait3A_302 : memref<1x96xi32, #tpu.memory_space<vmem>> -> memref<96xi32, #tpu.memory_space<vmem>>
        %dma_wait3A_304 = arith.constant 0 : i32
        %dma_wait3A_305 = arith.constant 0 : i32
        %dma_wait3A_306 = tpu.memref_slice %arg9[%dma_wait3A_304, %dma_wait3A_305] : memref<10240x128xf32, #tpu.memory_space<vmem_shared>> -> memref<10240x128xf32, #tpu.memory_space<vmem_shared>>
        tpu.wait_indirect_dma semaphore(%run_scoped3A_294 : memref<!tpu.dma_semaphore, #tpu.memory_space<semaphore_mem>>) src(%arg21 : memref<96x128xf32, #tpu.memory_space<vmem>>) dst(%dma_wait3A_306 : memref<10240x128xf32, #tpu.memory_space<vmem_shared>>)
        tpu.yield
      }) : () -> ()
      %run_scoped3A_246 = arith.constant 1 : i32
      "tpu.region"() ({
        %run_scoped3A_294 = tpu.sem_alloc : memref<!tpu.dma_semaphore, #tpu.memory_space<semaphore_mem>>
        %dma_start3A_295 = arith.constant 0 : i32
        %dma_start3A_296 = tpu.memref_slice %arg15[%run_scoped3A_246, %dma_start3A_295] : memref<2x96xi32, #tpu.memory_space<vmem>> -> memref<1x96xi32, #tpu.memory_space<vmem>>
        %dma_start3A_297 = tpu.memref_squeeze %dma_start3A_296 : memref<1x96xi32, #tpu.memory_space<vmem>> -> memref<96xi32, #tpu.memory_space<vmem>>
        %dma_start3A_298 = arith.constant 0 : i32
        %dma_start3A_299 = arith.constant 0 : i32
        %dma_start3A_300 = tpu.memref_slice %arg10[%dma_start3A_298, %dma_start3A_299] : memref<10240x16xf32, #tpu.memory_space<vmem_shared>> -> memref<10240x16xf32, #tpu.memory_space<vmem_shared>>
        tpu.enqueue_indirect_dma source(%arg23 : memref<96x16xf32, #tpu.memory_space<vmem>>) target(%dma_start3A_300 : memref<10240x16xf32, #tpu.memory_space<vmem_shared>>) offsets(%dma_start3A_297 : memref<96xi32, #tpu.memory_space<vmem>>) semaphore(%run_scoped3A_294 : memref<!tpu.dma_semaphore, #tpu.memory_space<semaphore_mem>>) {add = true}
        %dma_wait3A_301 = arith.constant 0 : i32
        %dma_wait3A_302 = tpu.memref_slice %arg15[%run_scoped3A_246, %dma_wait3A_301] : memref<2x96xi32, #tpu.memory_space<vmem>> -> memref<1x96xi32, #tpu.memory_space<vmem>>
        %dma_wait3A_303 = tpu.memref_squeeze %dma_wait3A_302 : memref<1x96xi32, #tpu.memory_space<vmem>> -> memref<96xi32, #tpu.memory_space<vmem>>
        %dma_wait3A_304 = arith.constant 0 : i32
        %dma_wait3A_305 = arith.constant 0 : i32
        %dma_wait3A_306 = tpu.memref_slice %arg10[%dma_wait3A_304, %dma_wait3A_305] : memref<10240x16xf32, #tpu.memory_space<vmem_shared>> -> memref<10240x16xf32, #tpu.memory_space<vmem_shared>>
        tpu.wait_indirect_dma semaphore(%run_scoped3A_294 : memref<!tpu.dma_semaphore, #tpu.memory_space<semaphore_mem>>) src(%arg23 : memref<96x16xf32, #tpu.memory_space<vmem>>) dst(%dma_wait3A_306 : memref<10240x16xf32, #tpu.memory_space<vmem_shared>>)
        tpu.yield
      }) : () -> ()
      %mul3A_247 = arith.constant 4 : i32
      %mul3A_248 = arith.muli %mul3A_247, %scan3A_109 : i32
      %add3A_249 = arith.constant 3 : i32
      %add3A_250 = arith.addi %mul3A_248, %add3A_249 : i32
      %add3A_251 = arith.constant 1 : i32
      %add3A_252 = arith.addi %add3A_250, %add3A_251 : i32
      %lt3A_253 = arith.constant 108 : i32
      %lt3A_254 = arith.cmpi slt, %add3A_252, %lt3A_253 : i32
      %convert_element_type3A_255 = arith.extui %lt3A_254 : i1 to i32
      %cond3A_256 = arith.constant 0 : i32
      %cond3A_257 = arith.cmpi ne, %convert_element_type3A_255, %cond3A_256 : i32
      scf.if %cond3A_257 {
        %add3A_294 = arith.constant 1 : i32
        %add3A_295 = arith.addi %add3A_250, %add3A_294 : i32
        %add3A_296 = arith.addi %mul3A_2, %add3A_295 : i32
        %mul3A_297 = arith.constant 2 : i32
        %mul3A_298 = arith.muli %mul3A_297, %add3A_296 : i32
        %dma_wait3A_299 = arith.constant 0 : i32
        %dma_wait3A_300 = tpu.memref_slice %arg6[%mul3A_298, %dma_wait3A_299] : memref<6912x96xi32, #tpu.memory_space<hbm>> -> memref<2x96xi32, #tpu.memory_space<hbm>>
        %dma_wait3A_301 = arith.constant 0 : i32
        %dma_wait3A_302 = tpu.memref_slice %arg6[%mul3A_298, %dma_wait3A_301] : memref<6912x96xi32, #tpu.memory_space<hbm>> -> memref<2x96xi32, #tpu.memory_space<hbm>>
        tpu.wait_dma2 semaphore(%arg26 : memref<!tpu.dma_semaphore, #tpu.memory_space<semaphore_mem>>) src(%dma_wait3A_302 : memref<2x96xi32, #tpu.memory_space<hbm>>) dst(%arg13 : memref<2x96xi32, #tpu.memory_space<vmem>>)
        %dma_start3A_303 = arith.constant 0 : i32
        %dma_start3A_304 = arith.constant 0 : i32
        %dma_start3A_305 = tpu.memref_slice %arg13[%dma_start3A_303, %dma_start3A_304] : memref<2x96xi32, #tpu.memory_space<vmem>> -> memref<1x96xi32, #tpu.memory_space<vmem>>
        %dma_start3A_306 = tpu.memref_squeeze %dma_start3A_305 : memref<1x96xi32, #tpu.memory_space<vmem>> -> memref<96xi32, #tpu.memory_space<vmem>>
        %dma_start3A_307 = arith.constant 0 : i32
        %dma_start3A_308 = arith.constant 0 : i32
        %dma_start3A_309 = tpu.memref_slice %arg3[%dma_start3A_307, %dma_start3A_308] : memref<10240x16xf32, #tpu.memory_space<hbm>> -> memref<10240x16xf32, #tpu.memory_space<hbm>>
        tpu.enqueue_indirect_dma source(%dma_start3A_309 : memref<10240x16xf32, #tpu.memory_space<hbm>>) target(%arg17 : memref<96x16xf32, #tpu.memory_space<vmem>>) offsets(%dma_start3A_306 : memref<96xi32, #tpu.memory_space<vmem>>) semaphore(%arg24 : memref<!tpu.dma_semaphore, #tpu.memory_space<semaphore_mem>>)
        %dma_start3A_310 = arith.constant 1 : i32
        %dma_start3A_311 = arith.constant 0 : i32
        %dma_start3A_312 = tpu.memref_slice %arg13[%dma_start3A_310, %dma_start3A_311] : memref<2x96xi32, #tpu.memory_space<vmem>> -> memref<1x96xi32, #tpu.memory_space<vmem>>
        %dma_start3A_313 = tpu.memref_squeeze %dma_start3A_312 : memref<1x96xi32, #tpu.memory_space<vmem>> -> memref<96xi32, #tpu.memory_space<vmem>>
        %dma_start3A_314 = arith.constant 0 : i32
        %dma_start3A_315 = arith.constant 0 : i32
        %dma_start3A_316 = tpu.memref_slice %arg4[%dma_start3A_314, %dma_start3A_315] : memref<10240x16xf32, #tpu.memory_space<hbm>> -> memref<10240x16xf32, #tpu.memory_space<hbm>>
        tpu.enqueue_indirect_dma source(%dma_start3A_316 : memref<10240x16xf32, #tpu.memory_space<hbm>>) target(%arg19 : memref<96x16xf32, #tpu.memory_space<vmem>>) offsets(%dma_start3A_313 : memref<96xi32, #tpu.memory_space<vmem>>) semaphore(%arg24 : memref<!tpu.dma_semaphore, #tpu.memory_space<semaphore_mem>>)
        %dma_start3A_317 = arith.constant 0 : i32
        %dma_start3A_318 = arith.constant 0 : i32
        %dma_start3A_319 = tpu.memref_slice %arg13[%dma_start3A_317, %dma_start3A_318] : memref<2x96xi32, #tpu.memory_space<vmem>> -> memref<1x96xi32, #tpu.memory_space<vmem>>
        %dma_start3A_320 = tpu.memref_squeeze %dma_start3A_319 : memref<1x96xi32, #tpu.memory_space<vmem>> -> memref<96xi32, #tpu.memory_space<vmem>>
        %dma_start3A_321 = arith.constant 0 : i32
        %dma_start3A_322 = arith.constant 0 : i32
        %dma_start3A_323 = tpu.memref_slice %arg2[%dma_start3A_321, %dma_start3A_322] : memref<10240x128xf32, #tpu.memory_space<hbm>> -> memref<10240x128xf32, #tpu.memory_space<hbm>>
        tpu.enqueue_indirect_dma source(%dma_start3A_323 : memref<10240x128xf32, #tpu.memory_space<hbm>>) target(%arg21 : memref<96x128xf32, #tpu.memory_space<vmem>>) offsets(%dma_start3A_320 : memref<96xi32, #tpu.memory_space<vmem>>) semaphore(%arg24 : memref<!tpu.dma_semaphore, #tpu.memory_space<semaphore_mem>>)
      } else {
      }
      %add3A_258 = arith.constant 3 : i32
      %add3A_259 = arith.addi %add3A_250, %add3A_258 : i32
      %lt3A_260 = arith.constant 108 : i32
      %lt3A_261 = arith.cmpi slt, %add3A_259, %lt3A_260 : i32
      %convert_element_type3A_262 = arith.extui %lt3A_261 : i1 to i32
      %cond3A_263 = arith.constant 0 : i32
      %cond3A_264 = arith.cmpi ne, %convert_element_type3A_262, %cond3A_263 : i32
      scf.if %cond3A_264 {
        %add3A_294 = arith.constant 3 : i32
        %add3A_295 = arith.addi %add3A_250, %add3A_294 : i32
        %add3A_296 = arith.addi %mul3A_2, %add3A_295 : i32
        %mul3A_297 = arith.constant 2 : i32
        %mul3A_298 = arith.muli %mul3A_297, %add3A_296 : i32
        %dma_start3A_299 = arith.constant 0 : i32
        %dma_start3A_300 = tpu.memref_slice %arg6[%mul3A_298, %dma_start3A_299] : memref<6912x96xi32, #tpu.memory_space<hbm>> -> memref<2x96xi32, #tpu.memory_space<hbm>>
        %dma_start3A_301 = arith.constant 0 : i32
        %dma_start3A_302 = tpu.memref_slice %arg6[%mul3A_298, %dma_start3A_301] : memref<6912x96xi32, #tpu.memory_space<hbm>> -> memref<2x96xi32, #tpu.memory_space<hbm>>
        tpu.enqueue_dma source(%dma_start3A_302 : memref<2x96xi32, #tpu.memory_space<hbm>>) target(%arg15 : memref<2x96xi32, #tpu.memory_space<vmem>>) target_semaphore(%arg28 : memref<!tpu.dma_semaphore, #tpu.memory_space<semaphore_mem>>)
      } else {
      }
      %dma_wait3A_265 = arith.constant 0 : i32
      %dma_wait3A_266 = arith.constant 0 : i32
      %dma_wait3A_267 = tpu.memref_slice %arg16[%dma_wait3A_265, %dma_wait3A_266] : memref<2x96xi32, #tpu.memory_space<vmem>> -> memref<1x96xi32, #tpu.memory_space<vmem>>
      %dma_wait3A_268 = tpu.memref_squeeze %dma_wait3A_267 : memref<1x96xi32, #tpu.memory_space<vmem>> -> memref<96xi32, #tpu.memory_space<vmem>>
      %dma_wait3A_269 = arith.constant 0 : i32
      %dma_wait3A_270 = arith.constant 0 : i32
      %dma_wait3A_271 = tpu.memref_slice %arg3[%dma_wait3A_269, %dma_wait3A_270] : memref<10240x16xf32, #tpu.memory_space<hbm>> -> memref<10240x16xf32, #tpu.memory_space<hbm>>
      tpu.wait_indirect_dma semaphore(%arg25 : memref<!tpu.dma_semaphore, #tpu.memory_space<semaphore_mem>>) src(%dma_wait3A_271 : memref<10240x16xf32, #tpu.memory_space<hbm>>) dst(%arg18 : memref<96x16xf32, #tpu.memory_space<vmem>>)
      %dma_wait3A_272 = arith.constant 1 : i32
      %dma_wait3A_273 = arith.constant 0 : i32
      %dma_wait3A_274 = tpu.memref_slice %arg16[%dma_wait3A_272, %dma_wait3A_273] : memref<2x96xi32, #tpu.memory_space<vmem>> -> memref<1x96xi32, #tpu.memory_space<vmem>>
      %dma_wait3A_275 = tpu.memref_squeeze %dma_wait3A_274 : memref<1x96xi32, #tpu.memory_space<vmem>> -> memref<96xi32, #tpu.memory_space<vmem>>
      %dma_wait3A_276 = arith.constant 0 : i32
      %dma_wait3A_277 = arith.constant 0 : i32
      %dma_wait3A_278 = tpu.memref_slice %arg4[%dma_wait3A_276, %dma_wait3A_277] : memref<10240x16xf32, #tpu.memory_space<hbm>> -> memref<10240x16xf32, #tpu.memory_space<hbm>>
      tpu.wait_indirect_dma semaphore(%arg25 : memref<!tpu.dma_semaphore, #tpu.memory_space<semaphore_mem>>) src(%dma_wait3A_278 : memref<10240x16xf32, #tpu.memory_space<hbm>>) dst(%arg20 : memref<96x16xf32, #tpu.memory_space<vmem>>)
      %dma_wait3A_279 = arith.constant 0 : i32
      %dma_wait3A_280 = arith.constant 0 : i32
      %dma_wait3A_281 = tpu.memref_slice %arg16[%dma_wait3A_279, %dma_wait3A_280] : memref<2x96xi32, #tpu.memory_space<vmem>> -> memref<1x96xi32, #tpu.memory_space<vmem>>
      %dma_wait3A_282 = tpu.memref_squeeze %dma_wait3A_281 : memref<1x96xi32, #tpu.memory_space<vmem>> -> memref<96xi32, #tpu.memory_space<vmem>>
      %dma_wait3A_283 = arith.constant 0 : i32
      %dma_wait3A_284 = arith.constant 0 : i32
      %dma_wait3A_285 = tpu.memref_slice %arg2[%dma_wait3A_283, %dma_wait3A_284] : memref<10240x128xf32, #tpu.memory_space<hbm>> -> memref<10240x128xf32, #tpu.memory_space<hbm>>
      tpu.wait_indirect_dma semaphore(%arg25 : memref<!tpu.dma_semaphore, #tpu.memory_space<semaphore_mem>>) src(%dma_wait3A_285 : memref<10240x128xf32, #tpu.memory_space<hbm>>) dst(%arg22 : memref<96x128xf32, #tpu.memory_space<vmem>>)
      %scan3A_286 = arith.constant 0 : i32
      %scan3A_287 = arith.constant 0 : i32
      %scan3A_288 = arith.constant 96 : i32
      %scan3A_289 = arith.addi %scan3A_287, %scan3A_288 : i32
      %scan3A_290 = arith.constant 1 : i32
      scf.for %scan3A_294 = %scan3A_287 to %scan3A_289 step %scan3A_290  : i32 {
        %get3A_295 = arith.index_cast %scan3A_294 : i32 to index
        %get3A_296 = arith.constant 0 : index
        %get3A_297 = tpu.vector_load %arg18[%get3A_295, %get3A_296] {strides = array<i32>} : memref<96x16xf32, #tpu.memory_space<vmem>>, vector<1x16xf32>,
        %get3A_298 = vector.shape_cast %get3A_297 : vector<1x16xf32> to vector<16xf32>
        %get3A_299 = arith.index_cast %scan3A_294 : i32 to index
        %get3A_300 = arith.constant 0 : index
        %get3A_301 = tpu.vector_load %arg20[%get3A_299, %get3A_300] {strides = array<i32>} : memref<96x16xf32, #tpu.memory_space<vmem>>, vector<1x16xf32>,
        %get3A_302 = vector.shape_cast %get3A_301 : vector<1x16xf32> to vector<16xf32>
        %add3A_303 = arith.addf %get3A_298, %get3A_302 : vector<16xf32>
        %gt3A_304 = arith.constant 0.000000e+00 : f32
        %gt3A_305 = vector.broadcast %gt3A_304 : f32 to vector<16xf32>
        %gt3A_306 = arith.cmpf ogt, %add3A_303, %gt3A_305 : vector<16xf32>
        %mul3A_307 = arith.constant 2.000000e-01 : f32
        %mul3A_308 = vector.broadcast %mul3A_307 : f32 to vector<16xf32>
        %mul3A_309 = arith.mulf %mul3A_308, %add3A_303 : vector<16xf32>
        %select_n3A_310 = arith.select %gt3A_306, %add3A_303, %mul3A_309 : vector<16xi1>, vector<16xf32>
        %sub3A = arith.subf %select_n3A_310, %select_n3A : vector<16xf32>
        %exp3A = math.exp %sub3A : vector<16xf32>
        %swap3A = arith.index_cast %scan3A_294 : i32 to index
        %swap3A_311 = arith.constant 0 : index
        %swap3A_312 = tpu.vector_load %arg23[%swap3A, %swap3A_311] {strides = array<i32>} : memref<96x16xf32, #tpu.memory_space<vmem>>, vector<1x16xf32>,
        %swap3A_313 = vector.shape_cast %swap3A_312 : vector<1x16xf32> to vector<16xf32>
        %swap3A_314 = vector.shape_cast %exp3A : vector<16xf32> to vector<1x16xf32>
        tpu.vector_store %arg23[%swap3A, %swap3A_311], %swap3A_314 {strides = array<i32>} : memref<96x16xf32, #tpu.memory_space<vmem>>, vector<1x16xf32>,
        %slice3A = vector.extract_strided_slice %exp3A {offsets = [0], sizes = [1], strides = [1]} : vector<16xf32> to vector<1xf32>
        %squeeze3A = vector.extract %slice3A[0] : f32 from vector<1xf32>
        %broadcast_in_dim3A_315 = vector.broadcast %squeeze3A : f32 to vector<16xf32>
        %get3A_316 = arith.index_cast %scan3A_294 : i32 to index
        %get3A_317 = arith.constant 0 : index
        %get3A_318 = tpu.vector_load %arg22[%get3A_316, %get3A_317] {strides = array<i32>} : memref<96x128xf32, #tpu.memory_space<vmem>>, vector<1x16xf32>,
        %get3A_319 = vector.shape_cast %get3A_318 : vector<1x16xf32> to vector<16xf32>
        %mul3A_320 = arith.mulf %get3A_319, %broadcast_in_dim3A_315 : vector<16xf32>
        %swap3A_321 = arith.index_cast %scan3A_294 : i32 to index
        %swap3A_322 = arith.constant 0 : index
        %swap3A_323 = tpu.vector_load %arg22[%swap3A_321, %swap3A_322] {strides = array<i32>} : memref<96x128xf32, #tpu.memory_space<vmem>>, vector<1x16xf32>,
        %swap3A_324 = vector.shape_cast %swap3A_323 : vector<1x16xf32> to vector<16xf32>
        %swap3A_325 = vector.shape_cast %mul3A_320 : vector<16xf32> to vector<1x16xf32>
        tpu.vector_store %arg22[%swap3A_321, %swap3A_322], %swap3A_325 {strides = array<i32>} : memref<96x128xf32, #tpu.memory_space<vmem>>, vector<1x16xf32>,
        %get3A_326 = arith.index_cast %scan3A_294 : i32 to index
        %get3A_327 = arith.constant 16 : index
        %get3A_328 = tpu.vector_load %arg22[%get3A_326, %get3A_327] {strides = array<i32>} : memref<96x128xf32, #tpu.memory_space<vmem>>, vector<1x16xf32>,
        %get3A_329 = vector.shape_cast %get3A_328 : vector<1x16xf32> to vector<16xf32>
        %mul3A_330 = arith.mulf %get3A_329, %broadcast_in_dim3A_315 : vector<16xf32>
        %swap3A_331 = arith.index_cast %scan3A_294 : i32 to index
        %swap3A_332 = arith.constant 16 : index
        %swap3A_333 = tpu.vector_load %arg22[%swap3A_331, %swap3A_332] {strides = array<i32>} : memref<96x128xf32, #tpu.memory_space<vmem>>, vector<1x16xf32>,
        %swap3A_334 = vector.shape_cast %swap3A_333 : vector<1x16xf32> to vector<16xf32>
        %swap3A_335 = vector.shape_cast %mul3A_330 : vector<16xf32> to vector<1x16xf32>
        tpu.vector_store %arg22[%swap3A_331, %swap3A_332], %swap3A_335 {strides = array<i32>} : memref<96x128xf32, #tpu.memory_space<vmem>>, vector<1x16xf32>,
        %slice3A_336 = vector.extract_strided_slice %exp3A {offsets = [1], sizes = [1], strides = [1]} : vector<16xf32> to vector<1xf32>
        %squeeze3A_337 = vector.extract %slice3A_336[0] : f32 from vector<1xf32>
        %broadcast_in_dim3A_338 = vector.broadcast %squeeze3A_337 : f32 to vector<16xf32>
        %get3A_339 = arith.index_cast %scan3A_294 : i32 to index
        %get3A_340 = arith.constant 32 : index
        %get3A_341 = tpu.vector_load %arg22[%get3A_339, %get3A_340] {strides = array<i32>} : memref<96x128xf32, #tpu.memory_space<vmem>>, vector<1x16xf32>,
        %get3A_342 = vector.shape_cast %get3A_341 : vector<1x16xf32> to vector<16xf32>
        %mul3A_343 = arith.mulf %get3A_342, %broadcast_in_dim3A_338 : vector<16xf32>
        %swap3A_344 = arith.index_cast %scan3A_294 : i32 to index
        %swap3A_345 = arith.constant 32 : index
        %swap3A_346 = tpu.vector_load %arg22[%swap3A_344, %swap3A_345] {strides = array<i32>} : memref<96x128xf32, #tpu.memory_space<vmem>>, vector<1x16xf32>,
        %swap3A_347 = vector.shape_cast %swap3A_346 : vector<1x16xf32> to vector<16xf32>
        %swap3A_348 = vector.shape_cast %mul3A_343 : vector<16xf32> to vector<1x16xf32>
        tpu.vector_store %arg22[%swap3A_344, %swap3A_345], %swap3A_348 {strides = array<i32>} : memref<96x128xf32, #tpu.memory_space<vmem>>, vector<1x16xf32>,
        %get3A_349 = arith.index_cast %scan3A_294 : i32 to index
        %get3A_350 = arith.constant 48 : index
        %get3A_351 = tpu.vector_load %arg22[%get3A_349, %get3A_350] {strides = array<i32>} : memref<96x128xf32, #tpu.memory_space<vmem>>, vector<1x16xf32>,
        %get3A_352 = vector.shape_cast %get3A_351 : vector<1x16xf32> to vector<16xf32>
        %mul3A_353 = arith.mulf %get3A_352, %broadcast_in_dim3A_338 : vector<16xf32>
        %swap3A_354 = arith.index_cast %scan3A_294 : i32 to index
        %swap3A_355 = arith.constant 48 : index
        %swap3A_356 = tpu.vector_load %arg22[%swap3A_354, %swap3A_355] {strides = array<i32>} : memref<96x128xf32, #tpu.memory_space<vmem>>, vector<1x16xf32>,
        %swap3A_357 = vector.shape_cast %swap3A_356 : vector<1x16xf32> to vector<16xf32>
        %swap3A_358 = vector.shape_cast %mul3A_353 : vector<16xf32> to vector<1x16xf32>
        tpu.vector_store %arg22[%swap3A_354, %swap3A_355], %swap3A_358 {strides = array<i32>} : memref<96x128xf32, #tpu.memory_space<vmem>>, vector<1x16xf32>,
        %slice3A_359 = vector.extract_strided_slice %exp3A {offsets = [2], sizes = [1], strides = [1]} : vector<16xf32> to vector<1xf32>
        %squeeze3A_360 = vector.extract %slice3A_359[0] : f32 from vector<1xf32>
        %broadcast_in_dim3A_361 = vector.broadcast %squeeze3A_360 : f32 to vector<16xf32>
        %get3A_362 = arith.index_cast %scan3A_294 : i32 to index
        %get3A_363 = arith.constant 64 : index
        %get3A_364 = tpu.vector_load %arg22[%get3A_362, %get3A_363] {strides = array<i32>} : memref<96x128xf32, #tpu.memory_space<vmem>>, vector<1x16xf32>,
        %get3A_365 = vector.shape_cast %get3A_364 : vector<1x16xf32> to vector<16xf32>
        %mul3A_366 = arith.mulf %get3A_365, %broadcast_in_dim3A_361 : vector<16xf32>
        %swap3A_367 = arith.index_cast %scan3A_294 : i32 to index
        %swap3A_368 = arith.constant 64 : index
        %swap3A_369 = tpu.vector_load %arg22[%swap3A_367, %swap3A_368] {strides = array<i32>} : memref<96x128xf32, #tpu.memory_space<vmem>>, vector<1x16xf32>,
        %swap3A_370 = vector.shape_cast %swap3A_369 : vector<1x16xf32> to vector<16xf32>
        %swap3A_371 = vector.shape_cast %mul3A_366 : vector<16xf32> to vector<1x16xf32>
        tpu.vector_store %arg22[%swap3A_367, %swap3A_368], %swap3A_371 {strides = array<i32>} : memref<96x128xf32, #tpu.memory_space<vmem>>, vector<1x16xf32>,
        %get3A_372 = arith.index_cast %scan3A_294 : i32 to index
        %get3A_373 = arith.constant 80 : index
        %get3A_374 = tpu.vector_load %arg22[%get3A_372, %get3A_373] {strides = array<i32>} : memref<96x128xf32, #tpu.memory_space<vmem>>, vector<1x16xf32>,
        %get3A_375 = vector.shape_cast %get3A_374 : vector<1x16xf32> to vector<16xf32>
        %mul3A_376 = arith.mulf %get3A_375, %broadcast_in_dim3A_361 : vector<16xf32>
        %swap3A_377 = arith.index_cast %scan3A_294 : i32 to index
        %swap3A_378 = arith.constant 80 : index
        %swap3A_379 = tpu.vector_load %arg22[%swap3A_377, %swap3A_378] {strides = array<i32>} : memref<96x128xf32, #tpu.memory_space<vmem>>, vector<1x16xf32>,
        %swap3A_380 = vector.shape_cast %swap3A_379 : vector<1x16xf32> to vector<16xf32>
        %swap3A_381 = vector.shape_cast %mul3A_376 : vector<16xf32> to vector<1x16xf32>
        tpu.vector_store %arg22[%swap3A_377, %swap3A_378], %swap3A_381 {strides = array<i32>} : memref<96x128xf32, #tpu.memory_space<vmem>>, vector<1x16xf32>,
        %slice3A_382 = vector.extract_strided_slice %exp3A {offsets = [3], sizes = [1], strides = [1]} : vector<16xf32> to vector<1xf32>
        %squeeze3A_383 = vector.extract %slice3A_382[0] : f32 from vector<1xf32>
        %broadcast_in_dim3A_384 = vector.broadcast %squeeze3A_383 : f32 to vector<16xf32>
        %get3A_385 = arith.index_cast %scan3A_294 : i32 to index
        %get3A_386 = arith.constant 96 : index
        %get3A_387 = tpu.vector_load %arg22[%get3A_385, %get3A_386] {strides = array<i32>} : memref<96x128xf32, #tpu.memory_space<vmem>>, vector<1x16xf32>,
        %get3A_388 = vector.shape_cast %get3A_387 : vector<1x16xf32> to vector<16xf32>
        %mul3A_389 = arith.mulf %get3A_388, %broadcast_in_dim3A_384 : vector<16xf32>
        %swap3A_390 = arith.index_cast %scan3A_294 : i32 to index
        %swap3A_391 = arith.constant 96 : index
        %swap3A_392 = tpu.vector_load %arg22[%swap3A_390, %swap3A_391] {strides = array<i32>} : memref<96x128xf32, #tpu.memory_space<vmem>>, vector<1x16xf32>,
        %swap3A_393 = vector.shape_cast %swap3A_392 : vector<1x16xf32> to vector<16xf32>
        %swap3A_394 = vector.shape_cast %mul3A_389 : vector<16xf32> to vector<1x16xf32>
        tpu.vector_store %arg22[%swap3A_390, %swap3A_391], %swap3A_394 {strides = array<i32>} : memref<96x128xf32, #tpu.memory_space<vmem>>, vector<1x16xf32>,
        %get3A_395 = arith.index_cast %scan3A_294 : i32 to index
        %get3A_396 = arith.constant 112 : index
        %get3A_397 = tpu.vector_load %arg22[%get3A_395, %get3A_396] {strides = array<i32>} : memref<96x128xf32, #tpu.memory_space<vmem>>, vector<1x16xf32>,
        %get3A_398 = vector.shape_cast %get3A_397 : vector<1x16xf32> to vector<16xf32>
        %mul3A_399 = arith.mulf %get3A_398, %broadcast_in_dim3A_384 : vector<16xf32>
        %swap3A_400 = arith.index_cast %scan3A_294 : i32 to index
        %swap3A_401 = arith.constant 112 : index
        %swap3A_402 = tpu.vector_load %arg22[%swap3A_400, %swap3A_401] {strides = array<i32>} : memref<96x128xf32, #tpu.memory_space<vmem>>, vector<1x16xf32>,
        %swap3A_403 = vector.shape_cast %swap3A_402 : vector<1x16xf32> to vector<16xf32>
        %swap3A_404 = vector.shape_cast %mul3A_399 : vector<16xf32> to vector<1x16xf32>
        tpu.vector_store %arg22[%swap3A_400, %swap3A_401], %swap3A_404 {strides = array<i32>} : memref<96x128xf32, #tpu.memory_space<vmem>>, vector<1x16xf32>,
      }
      %scan3A_291 = arith.constant 96 : i32
      %run_scoped3A_292 = arith.constant 1 : i32
      "tpu.region"() ({
        %run_scoped3A_294 = tpu.sem_alloc : memref<!tpu.dma_semaphore, #tpu.memory_space<semaphore_mem>>
        %dma_start3A_295 = arith.constant 0 : i32
        %dma_start3A_296 = tpu.memref_slice %arg16[%run_scoped3A_292, %dma_start3A_295] : memref<2x96xi32, #tpu.memory_space<vmem>> -> memref<1x96xi32, #tpu.memory_space<vmem>>
        %dma_start3A_297 = tpu.memref_squeeze %dma_start3A_296 : memref<1x96xi32, #tpu.memory_space<vmem>> -> memref<96xi32, #tpu.memory_space<vmem>>
        %dma_start3A_298 = arith.constant 0 : i32
        %dma_start3A_299 = arith.constant 0 : i32
        %dma_start3A_300 = tpu.memref_slice %arg9[%dma_start3A_298, %dma_start3A_299] : memref<10240x128xf32, #tpu.memory_space<vmem_shared>> -> memref<10240x128xf32, #tpu.memory_space<vmem_shared>>
        tpu.enqueue_indirect_dma source(%arg22 : memref<96x128xf32, #tpu.memory_space<vmem>>) target(%dma_start3A_300 : memref<10240x128xf32, #tpu.memory_space<vmem_shared>>) offsets(%dma_start3A_297 : memref<96xi32, #tpu.memory_space<vmem>>) semaphore(%run_scoped3A_294 : memref<!tpu.dma_semaphore, #tpu.memory_space<semaphore_mem>>) {add = true}
        %dma_wait3A_301 = arith.constant 0 : i32
        %dma_wait3A_302 = tpu.memref_slice %arg16[%run_scoped3A_292, %dma_wait3A_301] : memref<2x96xi32, #tpu.memory_space<vmem>> -> memref<1x96xi32, #tpu.memory_space<vmem>>
        %dma_wait3A_303 = tpu.memref_squeeze %dma_wait3A_302 : memref<1x96xi32, #tpu.memory_space<vmem>> -> memref<96xi32, #tpu.memory_space<vmem>>
        %dma_wait3A_304 = arith.constant 0 : i32
        %dma_wait3A_305 = arith.constant 0 : i32
        %dma_wait3A_306 = tpu.memref_slice %arg9[%dma_wait3A_304, %dma_wait3A_305] : memref<10240x128xf32, #tpu.memory_space<vmem_shared>> -> memref<10240x128xf32, #tpu.memory_space<vmem_shared>>
        tpu.wait_indirect_dma semaphore(%run_scoped3A_294 : memref<!tpu.dma_semaphore, #tpu.memory_space<semaphore_mem>>) src(%arg22 : memref<96x128xf32, #tpu.memory_space<vmem>>) dst(%dma_wait3A_306 : memref<10240x128xf32, #tpu.memory_space<vmem_shared>>)
        tpu.yield
      }) : () -> ()
      %run_scoped3A_293 = arith.constant 1 : i32
      "tpu.region"() ({
        %run_scoped3A_294 = tpu.sem_alloc : memref<!tpu.dma_semaphore, #tpu.memory_space<semaphore_mem>>
        %dma_start3A_295 = arith.constant 0 : i32
        %dma_start3A_296 = tpu.memref_slice %arg16[%run_scoped3A_293, %dma_start3A_295] : memref<2x96xi32, #tpu.memory_space<vmem>> -> memref<1x96xi32, #tpu.memory_space<vmem>>
        %dma_start3A_297 = tpu.memref_squeeze %dma_start3A_296 : memref<1x96xi32, #tpu.memory_space<vmem>> -> memref<96xi32, #tpu.memory_space<vmem>>
        %dma_start3A_298 = arith.constant 0 : i32
        %dma_start3A_299 = arith.constant 0 : i32
        %dma_start3A_300 = tpu.memref_slice %arg10[%dma_start3A_298, %dma_start3A_299] : memref<10240x16xf32, #tpu.memory_space<vmem_shared>> -> memref<10240x16xf32, #tpu.memory_space<vmem_shared>>
        tpu.enqueue_indirect_dma source(%arg23 : memref<96x16xf32, #tpu.memory_space<vmem>>) target(%dma_start3A_300 : memref<10240x16xf32, #tpu.memory_space<vmem_shared>>) offsets(%dma_start3A_297 : memref<96xi32, #tpu.memory_space<vmem>>) semaphore(%run_scoped3A_294 : memref<!tpu.dma_semaphore, #tpu.memory_space<semaphore_mem>>) {add = true}
        %dma_wait3A_301 = arith.constant 0 : i32
        %dma_wait3A_302 = tpu.memref_slice %arg16[%run_scoped3A_293, %dma_wait3A_301] : memref<2x96xi32, #tpu.memory_space<vmem>> -> memref<1x96xi32, #tpu.memory_space<vmem>>
        %dma_wait3A_303 = tpu.memref_squeeze %dma_wait3A_302 : memref<1x96xi32, #tpu.memory_space<vmem>> -> memref<96xi32, #tpu.memory_space<vmem>>
        %dma_wait3A_304 = arith.constant 0 : i32
        %dma_wait3A_305 = arith.constant 0 : i32
        %dma_wait3A_306 = tpu.memref_slice %arg10[%dma_wait3A_304, %dma_wait3A_305] : memref<10240x16xf32, #tpu.memory_space<vmem_shared>> -> memref<10240x16xf32, #tpu.memory_space<vmem_shared>>
        tpu.wait_indirect_dma semaphore(%run_scoped3A_294 : memref<!tpu.dma_semaphore, #tpu.memory_space<semaphore_mem>>) src(%arg23 : memref<96x16xf32, #tpu.memory_space<vmem>>) dst(%dma_wait3A_306 : memref<10240x16xf32, #tpu.memory_space<vmem_shared>>)
        tpu.yield
      }) : () -> ()
    }
    %scan3A_104 = arith.constant 27 : i32
    %barrier3A_105 = arith.constant 0 : index
    tpu.barrier barrier_id(%barrier3A_105)
    %mul3A_106 = arith.constant 10240 : i32
    %mul3A_107 = arith.muli %arg0, %mul3A_106 : i32
    %add3A_108 = arith.addi %mul3A_107, %mul3A_16 : i32
    "tpu.region"() ({
      %run_scoped3A = tpu.sem_alloc : memref<!tpu.dma_semaphore, #tpu.memory_space<semaphore_mem>>
      %dma_start3A_109 = arith.constant 0 : i32
      %dma_start3A_110 = tpu.memref_slice %arg7[%add3A_108, %dma_start3A_109] : memref<20480x128xf32, #tpu.memory_space<hbm>> -> memref<640x128xf32, #tpu.memory_space<hbm>>
      %dma_start3A_111 = arith.constant 0 : i32
      %dma_start3A_112 = tpu.memref_slice %arg9[%mul3A_16, %dma_start3A_111] : memref<10240x128xf32, #tpu.memory_space<vmem_shared>> -> memref<640x128xf32, #tpu.memory_space<vmem_shared>>
      tpu.enqueue_dma source(%dma_start3A_112 : memref<640x128xf32, #tpu.memory_space<vmem_shared>>) target(%dma_start3A_110 : memref<640x128xf32, #tpu.memory_space<hbm>>) target_semaphore(%run_scoped3A : memref<!tpu.dma_semaphore, #tpu.memory_space<semaphore_mem>>)
      %dma_wait3A_113 = arith.constant 0 : i32
      %dma_wait3A_114 = tpu.memref_slice %arg7[%add3A_108, %dma_wait3A_113] : memref<20480x128xf32, #tpu.memory_space<hbm>> -> memref<640x128xf32, #tpu.memory_space<hbm>>
      %dma_wait3A_115 = arith.constant 0 : i32
      %dma_wait3A_116 = tpu.memref_slice %arg9[%mul3A_16, %dma_wait3A_115] : memref<10240x128xf32, #tpu.memory_space<vmem_shared>> -> memref<640x128xf32, #tpu.memory_space<vmem_shared>>
      tpu.wait_dma2 semaphore(%run_scoped3A : memref<!tpu.dma_semaphore, #tpu.memory_space<semaphore_mem>>) src(%dma_wait3A_116 : memref<640x128xf32, #tpu.memory_space<vmem_shared>>) dst(%dma_wait3A_114 : memref<640x128xf32, #tpu.memory_space<hbm>>)
      tpu.yield
    }) : () -> ()
    "tpu.region"() ({
      %run_scoped3A = tpu.sem_alloc : memref<!tpu.dma_semaphore, #tpu.memory_space<semaphore_mem>>
      %dma_start3A_109 = arith.constant 0 : i32
      %dma_start3A_110 = tpu.memref_slice %arg8[%add3A_108, %dma_start3A_109] : memref<20480x16xf32, #tpu.memory_space<hbm>> -> memref<640x16xf32, #tpu.memory_space<hbm>>
      %dma_start3A_111 = arith.constant 0 : i32
      %dma_start3A_112 = tpu.memref_slice %arg10[%mul3A_16, %dma_start3A_111] : memref<10240x16xf32, #tpu.memory_space<vmem_shared>> -> memref<640x16xf32, #tpu.memory_space<vmem_shared>>
      tpu.enqueue_dma source(%dma_start3A_112 : memref<640x16xf32, #tpu.memory_space<vmem_shared>>) target(%dma_start3A_110 : memref<640x16xf32, #tpu.memory_space<hbm>>) target_semaphore(%run_scoped3A : memref<!tpu.dma_semaphore, #tpu.memory_space<semaphore_mem>>)
      %dma_wait3A_113 = arith.constant 0 : i32
      %dma_wait3A_114 = tpu.memref_slice %arg8[%add3A_108, %dma_wait3A_113] : memref<20480x16xf32, #tpu.memory_space<hbm>> -> memref<640x16xf32, #tpu.memory_space<hbm>>
      %dma_wait3A_115 = arith.constant 0 : i32
      %dma_wait3A_116 = tpu.memref_slice %arg10[%mul3A_16, %dma_wait3A_115] : memref<10240x16xf32, #tpu.memory_space<vmem_shared>> -> memref<640x16xf32, #tpu.memory_space<vmem_shared>>
      tpu.wait_dma2 semaphore(%run_scoped3A : memref<!tpu.dma_semaphore, #tpu.memory_space<semaphore_mem>>) src(%dma_wait3A_116 : memref<640x16xf32, #tpu.memory_space<vmem_shared>>) dst(%dma_wait3A_114 : memref<640x16xf32, #tpu.memory_space<hbm>>)
      tpu.yield
    }) : () -> ()
    return
  }
}

#map = affine_map<(d0, d1) -> (0, 0)>
module attributes {stable_mosaic.version = 14 : i64} {
  func.func @edge_kernel(%arg0: i32, %arg1: i32, %arg2: memref<10240x128xf32, #tpu.memory_space<hbm>>, %arg3: memref<10240x16xf32, #tpu.memory_space<hbm>>, %arg4: memref<10240x16xf32, #tpu.memory_space<hbm>>, %arg5: memref<8x16xf32, #tpu.memory_space<hbm>>, %arg6: memref<6912x96xi32, #tpu.memory_space<hbm>>, %arg7: memref<20480x128xf32, #tpu.memory_space<hbm>>, %arg8: memref<20480x16xf32, #tpu.memory_space<hbm>>, %arg9: memref<10240x128xf32, #tpu.memory_space<vmem_shared>>, %arg10: memref<10240x16xf32, #tpu.memory_space<vmem_shared>>, %arg11: memref<320x16xf32, #tpu.memory_space<vmem>>, %arg12: memref<8x16xf32, #tpu.memory_space<vmem>>, %arg13: memref<2x96xi32, #tpu.memory_space<vmem>>, %arg14: memref<2x96xi32, #tpu.memory_space<vmem>>, %arg15: memref<2x96xi32, #tpu.memory_space<vmem>>, %arg16: memref<2x96xi32, #tpu.memory_space<vmem>>, %arg17: memref<96x16xf32, #tpu.memory_space<vmem>>, %arg18: memref<96x16xf32, #tpu.memory_space<vmem>>, %arg19: memref<96x16xf32, #tpu.memory_space<vmem>>, %arg20: memref<96x16xf32, #tpu.memory_space<vmem>>, %arg21: memref<96x128xf32, #tpu.memory_space<vmem>>, %arg22: memref<96x128xf32, #tpu.memory_space<vmem>>, %arg23: memref<96x16xf32, #tpu.memory_space<vmem>>, %arg24: memref<!tpu.dma_semaphore, #tpu.memory_space<semaphore_mem>>, %arg25: memref<!tpu.dma_semaphore, #tpu.memory_space<semaphore_mem>>, %arg26: memref<!tpu.dma_semaphore, #tpu.memory_space<semaphore_mem>>, %arg27: memref<!tpu.dma_semaphore, #tpu.memory_space<semaphore_mem>>, %arg28: memref<!tpu.dma_semaphore, #tpu.memory_space<semaphore_mem>>, %arg29: memref<!tpu.dma_semaphore, #tpu.memory_space<semaphore_mem>>) attributes {dimension_semantics = [#tpu.dimension_semantics<core_parallel>, #tpu.dimension_semantics<subcore_parallel>], iteration_bounds = array<i64: 2, 16>, scalar_prefetch = 0 : i64, scratch_operands = 21 : i64, tpu.core_type = #tpu.core_type<sc_vector_subcore>, window_params = [{transform_indices = #map}, {transform_indices = #map}, {transform_indices = #map}, {transform_indices = #map}, {transform_indices = #map}, {transform_indices = #map}, {transform_indices = #map}]} {
    %mul3A = arith.constant 2 : i32
    %mul3A_0 = arith.muli %arg1, %mul3A : i32
    %add3A = arith.addi %mul3A_0, %arg0 : i32
    %mul3A_1 = arith.constant 108 : i32
    %mul3A_2 = arith.muli %add3A, %mul3A_1 : i32
    %broadcast_in_dim3A = arith.constant 0.000000e+00 : f32
    %broadcast_in_dim3A_3 = vector.broadcast %broadcast_in_dim3A : f32 to vector<16xf32>
    %scan3A = arith.constant 0 : i32
    %scan3A_4 = arith.constant 0 : i32
    %scan3A_5 = arith.constant 96 : i32
    %scan3A_6 = arith.addi %scan3A_4, %scan3A_5 : i32
    %scan3A_7 = arith.constant 1 : i32
    scf.for %scan3A_109 = %scan3A_4 to %scan3A_6 step %scan3A_7  : i32 {
      %swap3A = arith.index_cast %scan3A_109 : i32 to index
      %swap3A_110 = arith.constant 0 : index
      %swap3A_111 = tpu.vector_load %arg21[%swap3A, %swap3A_110] {strides = array<i32>} : memref<96x128xf32, #tpu.memory_space<vmem>>, vector<1x16xf32>,
      %swap3A_112 = vector.shape_cast %swap3A_111 : vector<1x16xf32> to vector<16xf32>
      %swap3A_113 = vector.shape_cast %broadcast_in_dim3A_3 : vector<16xf32> to vector<1x16xf32>
      tpu.vector_store %arg21[%swap3A, %swap3A_110], %swap3A_113 {strides = array<i32>} : memref<96x128xf32, #tpu.memory_space<vmem>>, vector<1x16xf32>,
      %swap3A_114 = arith.index_cast %scan3A_109 : i32 to index
      %swap3A_115 = arith.constant 16 : index
      %swap3A_116 = tpu.vector_load %arg21[%swap3A_114, %swap3A_115] {strides = array<i32>} : memref<96x128xf32, #tpu.memory_space<vmem>>, vector<1x16xf32>,
      %swap3A_117 = vector.shape_cast %swap3A_116 : vector<1x16xf32> to vector<16xf32>
      %swap3A_118 = vector.shape_cast %broadcast_in_dim3A_3 : vector<16xf32> to vector<1x16xf32>
      tpu.vector_store %arg21[%swap3A_114, %swap3A_115], %swap3A_118 {strides = array<i32>} : memref<96x128xf32, #tpu.memory_space<vmem>>, vector<1x16xf32>,
      %swap3A_119 = arith.index_cast %scan3A_109 : i32 to index
      %swap3A_120 = arith.constant 32 : index
      %swap3A_121 = tpu.vector_load %arg21[%swap3A_119, %swap3A_120] {strides = array<i32>} : memref<96x128xf32, #tpu.memory_space<vmem>>, vector<1x16xf32>,
      %swap3A_122 = vector.shape_cast %swap3A_121 : vector<1x16xf32> to vector<16xf32>
      %swap3A_123 = vector.shape_cast %broadcast_in_dim3A_3 : vector<16xf32> to vector<1x16xf32>
      tpu.vector_store %arg21[%swap3A_119, %swap3A_120], %swap3A_123 {strides = array<i32>} : memref<96x128xf32, #tpu.memory_space<vmem>>, vector<1x16xf32>,
      %swap3A_124 = arith.index_cast %scan3A_109 : i32 to index
      %swap3A_125 = arith.constant 48 : index
      %swap3A_126 = tpu.vector_load %arg21[%swap3A_124, %swap3A_125] {strides = array<i32>} : memref<96x128xf32, #tpu.memory_space<vmem>>, vector<1x16xf32>,
      %swap3A_127 = vector.shape_cast %swap3A_126 : vector<1x16xf32> to vector<16xf32>
      %swap3A_128 = vector.shape_cast %broadcast_in_dim3A_3 : vector<16xf32> to vector<1x16xf32>
      tpu.vector_store %arg21[%swap3A_124, %swap3A_125], %swap3A_128 {strides = array<i32>} : memref<96x128xf32, #tpu.memory_space<vmem>>, vector<1x16xf32>,
      %swap3A_129 = arith.index_cast %scan3A_109 : i32 to index
      %swap3A_130 = arith.constant 64 : index
      %swap3A_131 = tpu.vector_load %arg21[%swap3A_129, %swap3A_130] {strides = array<i32>} : memref<96x128xf32, #tpu.memory_space<vmem>>, vector<1x16xf32>,
      %swap3A_132 = vector.shape_cast %swap3A_131 : vector<1x16xf32> to vector<16xf32>
      %swap3A_133 = vector.shape_cast %broadcast_in_dim3A_3 : vector<16xf32> to vector<1x16xf32>
      tpu.vector_store %arg21[%swap3A_129, %swap3A_130], %swap3A_133 {strides = array<i32>} : memref<96x128xf32, #tpu.memory_space<vmem>>, vector<1x16xf32>,
      %swap3A_134 = arith.index_cast %scan3A_109 : i32 to index
      %swap3A_135 = arith.constant 80 : index
      %swap3A_136 = tpu.vector_load %arg21[%swap3A_134, %swap3A_135] {strides = array<i32>} : memref<96x128xf32, #tpu.memory_space<vmem>>, vector<1x16xf32>,
      %swap3A_137 = vector.shape_cast %swap3A_136 : vector<1x16xf32> to vector<16xf32>
      %swap3A_138 = vector.shape_cast %broadcast_in_dim3A_3 : vector<16xf32> to vector<1x16xf32>
      tpu.vector_store %arg21[%swap3A_134, %swap3A_135], %swap3A_138 {strides = array<i32>} : memref<96x128xf32, #tpu.memory_space<vmem>>, vector<1x16xf32>,
      %swap3A_139 = arith.index_cast %scan3A_109 : i32 to index
      %swap3A_140 = arith.constant 96 : index
      %swap3A_141 = tpu.vector_load %arg21[%swap3A_139, %swap3A_140] {strides = array<i32>} : memref<96x128xf32, #tpu.memory_space<vmem>>, vector<1x16xf32>,
      %swap3A_142 = vector.shape_cast %swap3A_141 : vector<1x16xf32> to vector<16xf32>
      %swap3A_143 = vector.shape_cast %broadcast_in_dim3A_3 : vector<16xf32> to vector<1x16xf32>
      tpu.vector_store %arg21[%swap3A_139, %swap3A_140], %swap3A_143 {strides = array<i32>} : memref<96x128xf32, #tpu.memory_space<vmem>>, vector<1x16xf32>,
      %swap3A_144 = arith.index_cast %scan3A_109 : i32 to index
      %swap3A_145 = arith.constant 112 : index
      %swap3A_146 = tpu.vector_load %arg21[%swap3A_144, %swap3A_145] {strides = array<i32>} : memref<96x128xf32, #tpu.memory_space<vmem>>, vector<1x16xf32>,
      %swap3A_147 = vector.shape_cast %swap3A_146 : vector<1x16xf32> to vector<16xf32>
      %swap3A_148 = vector.shape_cast %broadcast_in_dim3A_3 : vector<16xf32> to vector<1x16xf32>
      tpu.vector_store %arg21[%swap3A_144, %swap3A_145], %swap3A_148 {strides = array<i32>} : memref<96x128xf32, #tpu.memory_space<vmem>>, vector<1x16xf32>,
    }
    %scan3A_8 = arith.constant 96 : i32
    %scan3A_9 = arith.constant 0 : i32
    %scan3A_10 = arith.constant 0 : i32
    %scan3A_11 = arith.constant 320 : i32
    %scan3A_12 = arith.addi %scan3A_10, %scan3A_11 : i32
    %scan3A_13 = arith.constant 1 : i32
    scf.for %scan3A_109 = %scan3A_10 to %scan3A_12 step %scan3A_13  : i32 {
      %swap3A = arith.index_cast %scan3A_109 : i32 to index
      %swap3A_110 = arith.constant 0 : index
      %swap3A_111 = tpu.vector_load %arg11[%swap3A, %swap3A_110] {strides = array<i32>} : memref<320x16xf32, #tpu.memory_space<vmem>>, vector<1x16xf32>,
      %swap3A_112 = vector.shape_cast %swap3A_111 : vector<1x16xf32> to vector<16xf32>
      %swap3A_113 = vector.shape_cast %broadcast_in_dim3A_3 : vector<16xf32> to vector<1x16xf32>
      tpu.vector_store %arg11[%swap3A, %swap3A_110], %swap3A_113 {strides = array<i32>} : memref<320x16xf32, #tpu.memory_space<vmem>>, vector<1x16xf32>,
    }
    %scan3A_14 = arith.constant 320 : i32
    %mul3A_15 = arith.constant 640 : i32
    %mul3A_16 = arith.muli %arg1, %mul3A_15 : i32
    %add3A_17 = arith.constant 0 : i32
    %add3A_18 = arith.addi %mul3A_16, %add3A_17 : i32
    "tpu.region"() ({
      %run_scoped3A = tpu.sem_alloc : memref<!tpu.dma_semaphore, #tpu.memory_space<semaphore_mem>>
      %dma_start3A_109 = arith.constant 0 : i32
      %dma_start3A_110 = tpu.memref_slice %arg9[%add3A_18, %dma_start3A_109] : memref<10240x128xf32, #tpu.memory_space<vmem_shared>> -> memref<96x128xf32, #tpu.memory_space<vmem_shared>>
      %dma_start3A_111 = arith.constant 0 : i32
      %dma_start3A_112 = tpu.memref_slice %arg9[%add3A_18, %dma_start3A_111] : memref<10240x128xf32, #tpu.memory_space<vmem_shared>> -> memref<96x128xf32, #tpu.memory_space<vmem_shared>>
      tpu.enqueue_dma source(%arg21 : memref<96x128xf32, #tpu.memory_space<vmem>>) target(%dma_start3A_112 : memref<96x128xf32, #tpu.memory_space<vmem_shared>>) target_semaphore(%run_scoped3A : memref<!tpu.dma_semaphore, #tpu.memory_space<semaphore_mem>>)
      %dma_wait3A_113 = arith.constant 0 : i32
      %dma_wait3A_114 = tpu.memref_slice %arg9[%add3A_18, %dma_wait3A_113] : memref<10240x128xf32, #tpu.memory_space<vmem_shared>> -> memref<96x128xf32, #tpu.memory_space<vmem_shared>>
      %dma_wait3A_115 = arith.constant 0 : i32
      %dma_wait3A_116 = tpu.memref_slice %arg9[%add3A_18, %dma_wait3A_115] : memref<10240x128xf32, #tpu.memory_space<vmem_shared>> -> memref<96x128xf32, #tpu.memory_space<vmem_shared>>
      tpu.wait_dma2 semaphore(%run_scoped3A : memref<!tpu.dma_semaphore, #tpu.memory_space<semaphore_mem>>) src(%arg21 : memref<96x128xf32, #tpu.memory_space<vmem>>) dst(%dma_wait3A_116 : memref<96x128xf32, #tpu.memory_space<vmem_shared>>)
      tpu.yield
    }) : () -> ()
    %add3A_19 = arith.constant 96 : i32
    %add3A_20 = arith.addi %mul3A_16, %add3A_19 : i32
    "tpu.region"() ({
      %run_scoped3A = tpu.sem_alloc : memref<!tpu.dma_semaphore, #tpu.memory_space<semaphore_mem>>
      %dma_start3A_109 = arith.constant 0 : i32
      %dma_start3A_110 = tpu.memref_slice %arg9[%add3A_20, %dma_start3A_109] : memref<10240x128xf32, #tpu.memory_space<vmem_shared>> -> memref<96x128xf32, #tpu.memory_space<vmem_shared>>
      %dma_start3A_111 = arith.constant 0 : i32
      %dma_start3A_112 = tpu.memref_slice %arg9[%add3A_20, %dma_start3A_111] : memref<10240x128xf32, #tpu.memory_space<vmem_shared>> -> memref<96x128xf32, #tpu.memory_space<vmem_shared>>
      tpu.enqueue_dma source(%arg21 : memref<96x128xf32, #tpu.memory_space<vmem>>) target(%dma_start3A_112 : memref<96x128xf32, #tpu.memory_space<vmem_shared>>) target_semaphore(%run_scoped3A : memref<!tpu.dma_semaphore, #tpu.memory_space<semaphore_mem>>)
      %dma_wait3A_113 = arith.constant 0 : i32
      %dma_wait3A_114 = tpu.memref_slice %arg9[%add3A_20, %dma_wait3A_113] : memref<10240x128xf32, #tpu.memory_space<vmem_shared>> -> memref<96x128xf32, #tpu.memory_space<vmem_shared>>
      %dma_wait3A_115 = arith.constant 0 : i32
      %dma_wait3A_116 = tpu.memref_slice %arg9[%add3A_20, %dma_wait3A_115] : memref<10240x128xf32, #tpu.memory_space<vmem_shared>> -> memref<96x128xf32, #tpu.memory_space<vmem_shared>>
      tpu.wait_dma2 semaphore(%run_scoped3A : memref<!tpu.dma_semaphore, #tpu.memory_space<semaphore_mem>>) src(%arg21 : memref<96x128xf32, #tpu.memory_space<vmem>>) dst(%dma_wait3A_116 : memref<96x128xf32, #tpu.memory_space<vmem_shared>>)
      tpu.yield
    }) : () -> ()
    %add3A_21 = arith.constant 192 : i32
    %add3A_22 = arith.addi %mul3A_16, %add3A_21 : i32
    "tpu.region"() ({
      %run_scoped3A = tpu.sem_alloc : memref<!tpu.dma_semaphore, #tpu.memory_space<semaphore_mem>>
      %dma_start3A_109 = arith.constant 0 : i32
      %dma_start3A_110 = tpu.memref_slice %arg9[%add3A_22, %dma_start3A_109] : memref<10240x128xf32, #tpu.memory_space<vmem_shared>> -> memref<96x128xf32, #tpu.memory_space<vmem_shared>>
      %dma_start3A_111 = arith.constant 0 : i32
      %dma_start3A_112 = tpu.memref_slice %arg9[%add3A_22, %dma_start3A_111] : memref<10240x128xf32, #tpu.memory_space<vmem_shared>> -> memref<96x128xf32, #tpu.memory_space<vmem_shared>>
      tpu.enqueue_dma source(%arg21 : memref<96x128xf32, #tpu.memory_space<vmem>>) target(%dma_start3A_112 : memref<96x128xf32, #tpu.memory_space<vmem_shared>>) target_semaphore(%run_scoped3A : memref<!tpu.dma_semaphore, #tpu.memory_space<semaphore_mem>>)
      %dma_wait3A_113 = arith.constant 0 : i32
      %dma_wait3A_114 = tpu.memref_slice %arg9[%add3A_22, %dma_wait3A_113] : memref<10240x128xf32, #tpu.memory_space<vmem_shared>> -> memref<96x128xf32, #tpu.memory_space<vmem_shared>>
      %dma_wait3A_115 = arith.constant 0 : i32
      %dma_wait3A_116 = tpu.memref_slice %arg9[%add3A_22, %dma_wait3A_115] : memref<10240x128xf32, #tpu.memory_space<vmem_shared>> -> memref<96x128xf32, #tpu.memory_space<vmem_shared>>
      tpu.wait_dma2 semaphore(%run_scoped3A : memref<!tpu.dma_semaphore, #tpu.memory_space<semaphore_mem>>) src(%arg21 : memref<96x128xf32, #tpu.memory_space<vmem>>) dst(%dma_wait3A_116 : memref<96x128xf32, #tpu.memory_space<vmem_shared>>)
      tpu.yield
    }) : () -> ()
    %add3A_23 = arith.constant 288 : i32
    %add3A_24 = arith.addi %mul3A_16, %add3A_23 : i32
    "tpu.region"() ({
      %run_scoped3A = tpu.sem_alloc : memref<!tpu.dma_semaphore, #tpu.memory_space<semaphore_mem>>
      %dma_start3A_109 = arith.constant 0 : i32
      %dma_start3A_110 = tpu.memref_slice %arg9[%add3A_24, %dma_start3A_109] : memref<10240x128xf32, #tpu.memory_space<vmem_shared>> -> memref<96x128xf32, #tpu.memory_space<vmem_shared>>
      %dma_start3A_111 = arith.constant 0 : i32
      %dma_start3A_112 = tpu.memref_slice %arg9[%add3A_24, %dma_start3A_111] : memref<10240x128xf32, #tpu.memory_space<vmem_shared>> -> memref<96x128xf32, #tpu.memory_space<vmem_shared>>
      tpu.enqueue_dma source(%arg21 : memref<96x128xf32, #tpu.memory_space<vmem>>) target(%dma_start3A_112 : memref<96x128xf32, #tpu.memory_space<vmem_shared>>) target_semaphore(%run_scoped3A : memref<!tpu.dma_semaphore, #tpu.memory_space<semaphore_mem>>)
      %dma_wait3A_113 = arith.constant 0 : i32
      %dma_wait3A_114 = tpu.memref_slice %arg9[%add3A_24, %dma_wait3A_113] : memref<10240x128xf32, #tpu.memory_space<vmem_shared>> -> memref<96x128xf32, #tpu.memory_space<vmem_shared>>
      %dma_wait3A_115 = arith.constant 0 : i32
      %dma_wait3A_116 = tpu.memref_slice %arg9[%add3A_24, %dma_wait3A_115] : memref<10240x128xf32, #tpu.memory_space<vmem_shared>> -> memref<96x128xf32, #tpu.memory_space<vmem_shared>>
      tpu.wait_dma2 semaphore(%run_scoped3A : memref<!tpu.dma_semaphore, #tpu.memory_space<semaphore_mem>>) src(%arg21 : memref<96x128xf32, #tpu.memory_space<vmem>>) dst(%dma_wait3A_116 : memref<96x128xf32, #tpu.memory_space<vmem_shared>>)
      tpu.yield
    }) : () -> ()
    %add3A_25 = arith.constant 384 : i32
    %add3A_26 = arith.addi %mul3A_16, %add3A_25 : i32
    "tpu.region"() ({
      %run_scoped3A = tpu.sem_alloc : memref<!tpu.dma_semaphore, #tpu.memory_space<semaphore_mem>>
      %dma_start3A_109 = arith.constant 0 : i32
      %dma_start3A_110 = tpu.memref_slice %arg9[%add3A_26, %dma_start3A_109] : memref<10240x128xf32, #tpu.memory_space<vmem_shared>> -> memref<96x128xf32, #tpu.memory_space<vmem_shared>>
      %dma_start3A_111 = arith.constant 0 : i32
      %dma_start3A_112 = tpu.memref_slice %arg9[%add3A_26, %dma_start3A_111] : memref<10240x128xf32, #tpu.memory_space<vmem_shared>> -> memref<96x128xf32, #tpu.memory_space<vmem_shared>>
      tpu.enqueue_dma source(%arg21 : memref<96x128xf32, #tpu.memory_space<vmem>>) target(%dma_start3A_112 : memref<96x128xf32, #tpu.memory_space<vmem_shared>>) target_semaphore(%run_scoped3A : memref<!tpu.dma_semaphore, #tpu.memory_space<semaphore_mem>>)
      %dma_wait3A_113 = arith.constant 0 : i32
      %dma_wait3A_114 = tpu.memref_slice %arg9[%add3A_26, %dma_wait3A_113] : memref<10240x128xf32, #tpu.memory_space<vmem_shared>> -> memref<96x128xf32, #tpu.memory_space<vmem_shared>>
      %dma_wait3A_115 = arith.constant 0 : i32
      %dma_wait3A_116 = tpu.memref_slice %arg9[%add3A_26, %dma_wait3A_115] : memref<10240x128xf32, #tpu.memory_space<vmem_shared>> -> memref<96x128xf32, #tpu.memory_space<vmem_shared>>
      tpu.wait_dma2 semaphore(%run_scoped3A : memref<!tpu.dma_semaphore, #tpu.memory_space<semaphore_mem>>) src(%arg21 : memref<96x128xf32, #tpu.memory_space<vmem>>) dst(%dma_wait3A_116 : memref<96x128xf32, #tpu.memory_space<vmem_shared>>)
      tpu.yield
    }) : () -> ()
    %add3A_27 = arith.constant 480 : i32
    %add3A_28 = arith.addi %mul3A_16, %add3A_27 : i32
    "tpu.region"() ({
      %run_scoped3A = tpu.sem_alloc : memref<!tpu.dma_semaphore, #tpu.memory_space<semaphore_mem>>
      %dma_start3A_109 = arith.constant 0 : i32
      %dma_start3A_110 = tpu.memref_slice %arg9[%add3A_28, %dma_start3A_109] : memref<10240x128xf32, #tpu.memory_space<vmem_shared>> -> memref<96x128xf32, #tpu.memory_space<vmem_shared>>
      %dma_start3A_111 = arith.constant 0 : i32
      %dma_start3A_112 = tpu.memref_slice %arg9[%add3A_28, %dma_start3A_111] : memref<10240x128xf32, #tpu.memory_space<vmem_shared>> -> memref<96x128xf32, #tpu.memory_space<vmem_shared>>
      tpu.enqueue_dma source(%arg21 : memref<96x128xf32, #tpu.memory_space<vmem>>) target(%dma_start3A_112 : memref<96x128xf32, #tpu.memory_space<vmem_shared>>) target_semaphore(%run_scoped3A : memref<!tpu.dma_semaphore, #tpu.memory_space<semaphore_mem>>)
      %dma_wait3A_113 = arith.constant 0 : i32
      %dma_wait3A_114 = tpu.memref_slice %arg9[%add3A_28, %dma_wait3A_113] : memref<10240x128xf32, #tpu.memory_space<vmem_shared>> -> memref<96x128xf32, #tpu.memory_space<vmem_shared>>
      %dma_wait3A_115 = arith.constant 0 : i32
      %dma_wait3A_116 = tpu.memref_slice %arg9[%add3A_28, %dma_wait3A_115] : memref<10240x128xf32, #tpu.memory_space<vmem_shared>> -> memref<96x128xf32, #tpu.memory_space<vmem_shared>>
      tpu.wait_dma2 semaphore(%run_scoped3A : memref<!tpu.dma_semaphore, #tpu.memory_space<semaphore_mem>>) src(%arg21 : memref<96x128xf32, #tpu.memory_space<vmem>>) dst(%dma_wait3A_116 : memref<96x128xf32, #tpu.memory_space<vmem_shared>>)
      tpu.yield
    }) : () -> ()
    %add3A_29 = arith.constant 576 : i32
    %add3A_30 = arith.addi %mul3A_16, %add3A_29 : i32
    "tpu.region"() ({
      %run_scoped3A = tpu.sem_alloc : memref<!tpu.dma_semaphore, #tpu.memory_space<semaphore_mem>>
      %dma_start3A_109 = arith.constant 0 : i32
      %dma_start3A_110 = arith.constant 0 : i32
      %dma_start3A_111 = tpu.memref_slice %arg21[%dma_start3A_109, %dma_start3A_110] : memref<96x128xf32, #tpu.memory_space<vmem>> -> memref<64x128xf32, #tpu.memory_space<vmem>>
      %dma_start3A_112 = arith.constant 0 : i32
      %dma_start3A_113 = tpu.memref_slice %arg9[%add3A_30, %dma_start3A_112] : memref<10240x128xf32, #tpu.memory_space<vmem_shared>> -> memref<64x128xf32, #tpu.memory_space<vmem_shared>>
      %dma_start3A_114 = arith.constant 0 : i32
      %dma_start3A_115 = tpu.memref_slice %arg9[%add3A_30, %dma_start3A_114] : memref<10240x128xf32, #tpu.memory_space<vmem_shared>> -> memref<64x128xf32, #tpu.memory_space<vmem_shared>>
      %dma_start3A_116 = arith.constant 0 : i32
      %dma_start3A_117 = arith.constant 0 : i32
      %dma_start3A_118 = tpu.memref_slice %arg21[%dma_start3A_116, %dma_start3A_117] : memref<96x128xf32, #tpu.memory_space<vmem>> -> memref<64x128xf32, #tpu.memory_space<vmem>>
      tpu.enqueue_dma source(%dma_start3A_118 : memref<64x128xf32, #tpu.memory_space<vmem>>) target(%dma_start3A_115 : memref<64x128xf32, #tpu.memory_space<vmem_shared>>) target_semaphore(%run_scoped3A : memref<!tpu.dma_semaphore, #tpu.memory_space<semaphore_mem>>)
      %dma_wait3A_119 = arith.constant 0 : i32
      %dma_wait3A_120 = arith.constant 0 : i32
      %dma_wait3A_121 = tpu.memref_slice %arg21[%dma_wait3A_119, %dma_wait3A_120] : memref<96x128xf32, #tpu.memory_space<vmem>> -> memref<64x128xf32, #tpu.memory_space<vmem>>
      %dma_wait3A_122 = arith.constant 0 : i32
      %dma_wait3A_123 = tpu.memref_slice %arg9[%add3A_30, %dma_wait3A_122] : memref<10240x128xf32, #tpu.memory_space<vmem_shared>> -> memref<64x128xf32, #tpu.memory_space<vmem_shared>>
      %dma_wait3A_124 = arith.constant 0 : i32
      %dma_wait3A_125 = tpu.memref_slice %arg9[%add3A_30, %dma_wait3A_124] : memref<10240x128xf32, #tpu.memory_space<vmem_shared>> -> memref<64x128xf32, #tpu.memory_space<vmem_shared>>
      %dma_wait3A_126 = arith.constant 0 : i32
      %dma_wait3A_127 = arith.constant 0 : i32
      %dma_wait3A_128 = tpu.memref_slice %arg21[%dma_wait3A_126, %dma_wait3A_127] : memref<96x128xf32, #tpu.memory_space<vmem>> -> memref<64x128xf32, #tpu.memory_space<vmem>>
      tpu.wait_dma2 semaphore(%run_scoped3A : memref<!tpu.dma_semaphore, #tpu.memory_space<semaphore_mem>>) src(%dma_wait3A_128 : memref<64x128xf32, #tpu.memory_space<vmem>>) dst(%dma_wait3A_125 : memref<64x128xf32, #tpu.memory_space<vmem_shared>>)
      tpu.yield
    }) : () -> ()
    "tpu.region"() ({
      %run_scoped3A = tpu.sem_alloc : memref<!tpu.dma_semaphore, #tpu.memory_space<semaphore_mem>>
      %dma_start3A_109 = arith.constant 0 : i32
      %dma_start3A_110 = tpu.memref_slice %arg10[%mul3A_16, %dma_start3A_109] : memref<10240x16xf32, #tpu.memory_space<vmem_shared>> -> memref<320x16xf32, #tpu.memory_space<vmem_shared>>
      %dma_start3A_111 = arith.constant 0 : i32
      %dma_start3A_112 = tpu.memref_slice %arg10[%mul3A_16, %dma_start3A_111] : memref<10240x16xf32, #tpu.memory_space<vmem_shared>> -> memref<320x16xf32, #tpu.memory_space<vmem_shared>>
      tpu.enqueue_dma source(%arg11 : memref<320x16xf32, #tpu.memory_space<vmem>>) target(%dma_start3A_112 : memref<320x16xf32, #tpu.memory_space<vmem_shared>>) target_semaphore(%run_scoped3A : memref<!tpu.dma_semaphore, #tpu.memory_space<semaphore_mem>>)
      %dma_wait3A_113 = arith.constant 0 : i32
      %dma_wait3A_114 = tpu.memref_slice %arg10[%mul3A_16, %dma_wait3A_113] : memref<10240x16xf32, #tpu.memory_space<vmem_shared>> -> memref<320x16xf32, #tpu.memory_space<vmem_shared>>
      %dma_wait3A_115 = arith.constant 0 : i32
      %dma_wait3A_116 = tpu.memref_slice %arg10[%mul3A_16, %dma_wait3A_115] : memref<10240x16xf32, #tpu.memory_space<vmem_shared>> -> memref<320x16xf32, #tpu.memory_space<vmem_shared>>
      tpu.wait_dma2 semaphore(%run_scoped3A : memref<!tpu.dma_semaphore, #tpu.memory_space<semaphore_mem>>) src(%arg11 : memref<320x16xf32, #tpu.memory_space<vmem>>) dst(%dma_wait3A_116 : memref<320x16xf32, #tpu.memory_space<vmem_shared>>)
      tpu.yield
    }) : () -> ()
    %add3A_31 = arith.constant 320 : i32
    %add3A_32 = arith.addi %mul3A_16, %add3A_31 : i32
    "tpu.region"() ({
      %run_scoped3A = tpu.sem_alloc : memref<!tpu.dma_semaphore, #tpu.memory_space<semaphore_mem>>
      %dma_start3A_109 = arith.constant 0 : i32
      %dma_start3A_110 = tpu.memref_slice %arg10[%add3A_32, %dma_start3A_109] : memref<10240x16xf32, #tpu.memory_space<vmem_shared>> -> memref<320x16xf32, #tpu.memory_space<vmem_shared>>
      %dma_start3A_111 = arith.constant 0 : i32
      %dma_start3A_112 = tpu.memref_slice %arg10[%add3A_32, %dma_start3A_111] : memref<10240x16xf32, #tpu.memory_space<vmem_shared>> -> memref<320x16xf32, #tpu.memory_space<vmem_shared>>
      tpu.enqueue_dma source(%arg11 : memref<320x16xf32, #tpu.memory_space<vmem>>) target(%dma_start3A_112 : memref<320x16xf32, #tpu.memory_space<vmem_shared>>) target_semaphore(%run_scoped3A : memref<!tpu.dma_semaphore, #tpu.memory_space<semaphore_mem>>)
      %dma_wait3A_113 = arith.constant 0 : i32
      %dma_wait3A_114 = tpu.memref_slice %arg10[%add3A_32, %dma_wait3A_113] : memref<10240x16xf32, #tpu.memory_space<vmem_shared>> -> memref<320x16xf32, #tpu.memory_space<vmem_shared>>
      %dma_wait3A_115 = arith.constant 0 : i32
      %dma_wait3A_116 = tpu.memref_slice %arg10[%add3A_32, %dma_wait3A_115] : memref<10240x16xf32, #tpu.memory_space<vmem_shared>> -> memref<320x16xf32, #tpu.memory_space<vmem_shared>>
      tpu.wait_dma2 semaphore(%run_scoped3A : memref<!tpu.dma_semaphore, #tpu.memory_space<semaphore_mem>>) src(%arg11 : memref<320x16xf32, #tpu.memory_space<vmem>>) dst(%dma_wait3A_116 : memref<320x16xf32, #tpu.memory_space<vmem_shared>>)
      tpu.yield
    }) : () -> ()
    "tpu.region"() ({
      %run_scoped3A = tpu.sem_alloc : memref<!tpu.dma_semaphore, #tpu.memory_space<semaphore_mem>>
      tpu.enqueue_dma source(%arg5 : memref<8x16xf32, #tpu.memory_space<hbm>>) target(%arg12 : memref<8x16xf32, #tpu.memory_space<vmem>>) target_semaphore(%run_scoped3A : memref<!tpu.dma_semaphore, #tpu.memory_space<semaphore_mem>>)
      tpu.wait_dma2 semaphore(%run_scoped3A : memref<!tpu.dma_semaphore, #tpu.memory_space<semaphore_mem>>) src(%arg5 : memref<8x16xf32, #tpu.memory_space<hbm>>) dst(%arg12 : memref<8x16xf32, #tpu.memory_space<vmem>>)
      tpu.yield
    }) : () -> ()
    %barrier3A = arith.constant 0 : index
    tpu.barrier barrier_id(%barrier3A)
    %get3A = arith.constant 0 : i32
    %get3A_33 = arith.index_cast %get3A : i32 to index
    %get3A_34 = arith.constant 0 : index
    %get3A_35 = tpu.vector_load %arg12[%get3A_33, %get3A_34] {strides = array<i32>} : memref<8x16xf32, #tpu.memory_space<vmem>>, vector<1x16xf32>,
    %get3A_36 = vector.shape_cast %get3A_35 : vector<1x16xf32> to vector<16xf32>
    %get3A_37 = arith.constant 1 : i32
    %get3A_38 = arith.index_cast %get3A_37 : i32 to index
    %get3A_39 = arith.constant 0 : index
    %get3A_40 = tpu.vector_load %arg12[%get3A_38, %get3A_39] {strides = array<i32>} : memref<8x16xf32, #tpu.memory_space<vmem>>, vector<1x16xf32>,
    %get3A_41 = vector.shape_cast %get3A_40 : vector<1x16xf32> to vector<16xf32>
    %add3A_42 = arith.addf %get3A_36, %get3A_41 : vector<16xf32>
    %gt3A = arith.constant 0.000000e+00 : f32
    %gt3A_43 = vector.broadcast %gt3A : f32 to vector<16xf32>
    %gt3A_44 = arith.cmpf ogt, %add3A_42, %gt3A_43 : vector<16xf32>
    %mul3A_45 = arith.constant 2.000000e-01 : f32
    %mul3A_46 = vector.broadcast %mul3A_45 : f32 to vector<16xf32>
    %mul3A_47 = arith.mulf %mul3A_46, %add3A_42 : vector<16xf32>
    %select_n3A = arith.select %gt3A_44, %add3A_42, %mul3A_47 : vector<16xi1>, vector<16xf32>
    %add3A_48 = arith.constant 0 : i32
    %add3A_49 = arith.addi %mul3A_2, %add3A_48 : i32
    %mul3A_50 = arith.constant 2 : i32
    %mul3A_51 = arith.muli %mul3A_50, %add3A_49 : i32
    %dma_start3A = arith.constant 0 : i32
    %dma_start3A_52 = tpu.memref_slice %arg6[%mul3A_51, %dma_start3A] : memref<6912x96xi32, #tpu.memory_space<hbm>> -> memref<2x96xi32, #tpu.memory_space<hbm>>
    %dma_start3A_53 = arith.constant 0 : i32
    %dma_start3A_54 = tpu.memref_slice %arg6[%mul3A_51, %dma_start3A_53] : memref<6912x96xi32, #tpu.memory_space<hbm>> -> memref<2x96xi32, #tpu.memory_space<hbm>>
    tpu.enqueue_dma source(%dma_start3A_54 : memref<2x96xi32, #tpu.memory_space<hbm>>) target(%arg13 : memref<2x96xi32, #tpu.memory_space<vmem>>) target_semaphore(%arg26 : memref<!tpu.dma_semaphore, #tpu.memory_space<semaphore_mem>>)
    %add3A_55 = arith.constant 1 : i32
    %add3A_56 = arith.addi %mul3A_2, %add3A_55 : i32
    %mul3A_57 = arith.constant 2 : i32
    %mul3A_58 = arith.muli %mul3A_57, %add3A_56 : i32
    %dma_start3A_59 = arith.constant 0 : i32
    %dma_start3A_60 = tpu.memref_slice %arg6[%mul3A_58, %dma_start3A_59] : memref<6912x96xi32, #tpu.memory_space<hbm>> -> memref<2x96xi32, #tpu.memory_space<hbm>>
    %dma_start3A_61 = arith.constant 0 : i32
    %dma_start3A_62 = tpu.memref_slice %arg6[%mul3A_58, %dma_start3A_61] : memref<6912x96xi32, #tpu.memory_space<hbm>> -> memref<2x96xi32, #tpu.memory_space<hbm>>
    tpu.enqueue_dma source(%dma_start3A_62 : memref<2x96xi32, #tpu.memory_space<hbm>>) target(%arg14 : memref<2x96xi32, #tpu.memory_space<vmem>>) target_semaphore(%arg27 : memref<!tpu.dma_semaphore, #tpu.memory_space<semaphore_mem>>)
    %add3A_63 = arith.constant 2 : i32
    %add3A_64 = arith.addi %mul3A_2, %add3A_63 : i32
    %mul3A_65 = arith.constant 2 : i32
    %mul3A_66 = arith.muli %mul3A_65, %add3A_64 : i32
    %dma_start3A_67 = arith.constant 0 : i32
    %dma_start3A_68 = tpu.memref_slice %arg6[%mul3A_66, %dma_start3A_67] : memref<6912x96xi32, #tpu.memory_space<hbm>> -> memref<2x96xi32, #tpu.memory_space<hbm>>
    %dma_start3A_69 = arith.constant 0 : i32
    %dma_start3A_70 = tpu.memref_slice %arg6[%mul3A_66, %dma_start3A_69] : memref<6912x96xi32, #tpu.memory_space<hbm>> -> memref<2x96xi32, #tpu.memory_space<hbm>>
    tpu.enqueue_dma source(%dma_start3A_70 : memref<2x96xi32, #tpu.memory_space<hbm>>) target(%arg15 : memref<2x96xi32, #tpu.memory_space<vmem>>) target_semaphore(%arg28 : memref<!tpu.dma_semaphore, #tpu.memory_space<semaphore_mem>>)
    %add3A_71 = arith.constant 0 : i32
    %add3A_72 = arith.addi %mul3A_2, %add3A_71 : i32
    %mul3A_73 = arith.constant 2 : i32
    %mul3A_74 = arith.muli %mul3A_73, %add3A_72 : i32
    %dma_wait3A = arith.constant 0 : i32
    %dma_wait3A_75 = tpu.memref_slice %arg6[%mul3A_74, %dma_wait3A] : memref<6912x96xi32, #tpu.memory_space<hbm>> -> memref<2x96xi32, #tpu.memory_space<hbm>>
    %dma_wait3A_76 = arith.constant 0 : i32
    %dma_wait3A_77 = tpu.memref_slice %arg6[%mul3A_74, %dma_wait3A_76] : memref<6912x96xi32, #tpu.memory_space<hbm>> -> memref<2x96xi32, #tpu.memory_space<hbm>>
    tpu.wait_dma2 semaphore(%arg26 : memref<!tpu.dma_semaphore, #tpu.memory_space<semaphore_mem>>) src(%dma_wait3A_77 : memref<2x96xi32, #tpu.memory_space<hbm>>) dst(%arg13 : memref<2x96xi32, #tpu.memory_space<vmem>>)
    %dma_start3A_78 = arith.constant 0 : i32
    %dma_start3A_79 = arith.constant 0 : i32
    %dma_start3A_80 = tpu.memref_slice %arg13[%dma_start3A_78, %dma_start3A_79] : memref<2x96xi32, #tpu.memory_space<vmem>> -> memref<1x96xi32, #tpu.memory_space<vmem>>
    %dma_start3A_81 = tpu.memref_squeeze %dma_start3A_80 : memref<1x96xi32, #tpu.memory_space<vmem>> -> memref<96xi32, #tpu.memory_space<vmem>>
    %dma_start3A_82 = arith.constant 0 : i32
    %dma_start3A_83 = arith.constant 0 : i32
    %dma_start3A_84 = tpu.memref_slice %arg3[%dma_start3A_82, %dma_start3A_83] : memref<10240x16xf32, #tpu.memory_space<hbm>> -> memref<10240x16xf32, #tpu.memory_space<hbm>>
    tpu.enqueue_indirect_dma source(%dma_start3A_84 : memref<10240x16xf32, #tpu.memory_space<hbm>>) target(%arg17 : memref<96x16xf32, #tpu.memory_space<vmem>>) offsets(%dma_start3A_81 : memref<96xi32, #tpu.memory_space<vmem>>) semaphore(%arg24 : memref<!tpu.dma_semaphore, #tpu.memory_space<semaphore_mem>>)
    %dma_start3A_85 = arith.constant 1 : i32
    %dma_start3A_86 = arith.constant 0 : i32
    %dma_start3A_87 = tpu.memref_slice %arg13[%dma_start3A_85, %dma_start3A_86] : memref<2x96xi32, #tpu.memory_space<vmem>> -> memref<1x96xi32, #tpu.memory_space<vmem>>
    %dma_start3A_88 = tpu.memref_squeeze %dma_start3A_87 : memref<1x96xi32, #tpu.memory_space<vmem>> -> memref<96xi32, #tpu.memory_space<vmem>>
    %dma_start3A_89 = arith.constant 0 : i32
    %dma_start3A_90 = arith.constant 0 : i32
    %dma_start3A_91 = tpu.memref_slice %arg4[%dma_start3A_89, %dma_start3A_90] : memref<10240x16xf32, #tpu.memory_space<hbm>> -> memref<10240x16xf32, #tpu.memory_space<hbm>>
    tpu.enqueue_indirect_dma source(%dma_start3A_91 : memref<10240x16xf32, #tpu.memory_space<hbm>>) target(%arg19 : memref<96x16xf32, #tpu.memory_space<vmem>>) offsets(%dma_start3A_88 : memref<96xi32, #tpu.memory_space<vmem>>) semaphore(%arg24 : memref<!tpu.dma_semaphore, #tpu.memory_space<semaphore_mem>>)
    %dma_start3A_92 = arith.constant 0 : i32
    %dma_start3A_93 = arith.constant 0 : i32
    %dma_start3A_94 = tpu.memref_slice %arg13[%dma_start3A_92, %dma_start3A_93] : memref<2x96xi32, #tpu.memory_space<vmem>> -> memref<1x96xi32, #tpu.memory_space<vmem>>
    %dma_start3A_95 = tpu.memref_squeeze %dma_start3A_94 : memref<1x96xi32, #tpu.memory_space<vmem>> -> memref<96xi32, #tpu.memory_space<vmem>>
    %dma_start3A_96 = arith.constant 0 : i32
    %dma_start3A_97 = arith.constant 0 : i32
    %dma_start3A_98 = tpu.memref_slice %arg2[%dma_start3A_96, %dma_start3A_97] : memref<10240x128xf32, #tpu.memory_space<hbm>> -> memref<10240x128xf32, #tpu.memory_space<hbm>>
    tpu.enqueue_indirect_dma source(%dma_start3A_98 : memref<10240x128xf32, #tpu.memory_space<hbm>>) target(%arg21 : memref<96x128xf32, #tpu.memory_space<vmem>>) offsets(%dma_start3A_95 : memref<96xi32, #tpu.memory_space<vmem>>) semaphore(%arg24 : memref<!tpu.dma_semaphore, #tpu.memory_space<semaphore_mem>>)
    %scan3A_99 = arith.constant 0 : i32
    %scan3A_100 = arith.constant 0 : i32
    %scan3A_101 = arith.constant 27 : i32
    %scan3A_102 = arith.addi %scan3A_100, %scan3A_101 : i32
    %scan3A_103 = arith.constant 1 : i32
    scf.for %scan3A_109 = %scan3A_100 to %scan3A_102 step %scan3A_103  : i32 {
      %mul3A_110 = arith.constant 4 : i32
      %mul3A_111 = arith.muli %mul3A_110, %scan3A_109 : i32
      %add3A_112 = arith.constant 0 : i32
      %add3A_113 = arith.addi %mul3A_111, %add3A_112 : i32
      %add3A_114 = arith.constant 1 : i32
      %add3A_115 = arith.addi %add3A_113, %add3A_114 : i32
      %lt3A = arith.constant 108 : i32
      %lt3A_116 = arith.cmpi slt, %add3A_115, %lt3A : i32
      %convert_element_type3A = arith.extui %lt3A_116 : i1 to i32
      %cond3A = arith.constant 0 : i32
      %cond3A_117 = arith.cmpi ne, %convert_element_type3A, %cond3A : i32
      scf.if %cond3A_117 {
        %add3A_294 = arith.constant 1 : i32
        %add3A_295 = arith.addi %add3A_113, %add3A_294 : i32
        %add3A_296 = arith.addi %mul3A_2, %add3A_295 : i32
        %mul3A_297 = arith.constant 2 : i32
        %mul3A_298 = arith.muli %mul3A_297, %add3A_296 : i32
        %dma_wait3A_299 = arith.constant 0 : i32
        %dma_wait3A_300 = tpu.memref_slice %arg6[%mul3A_298, %dma_wait3A_299] : memref<6912x96xi32, #tpu.memory_space<hbm>> -> memref<2x96xi32, #tpu.memory_space<hbm>>
        %dma_wait3A_301 = arith.constant 0 : i32
        %dma_wait3A_302 = tpu.memref_slice %arg6[%mul3A_298, %dma_wait3A_301] : memref<6912x96xi32, #tpu.memory_space<hbm>> -> memref<2x96xi32, #tpu.memory_space<hbm>>
        tpu.wait_dma2 semaphore(%arg27 : memref<!tpu.dma_semaphore, #tpu.memory_space<semaphore_mem>>) src(%dma_wait3A_302 : memref<2x96xi32, #tpu.memory_space<hbm>>) dst(%arg14 : memref<2x96xi32, #tpu.memory_space<vmem>>)
        %dma_start3A_303 = arith.constant 0 : i32
        %dma_start3A_304 = arith.constant 0 : i32
        %dma_start3A_305 = tpu.memref_slice %arg14[%dma_start3A_303, %dma_start3A_304] : memref<2x96xi32, #tpu.memory_space<vmem>> -> memref<1x96xi32, #tpu.memory_space<vmem>>
        %dma_start3A_306 = tpu.memref_squeeze %dma_start3A_305 : memref<1x96xi32, #tpu.memory_space<vmem>> -> memref<96xi32, #tpu.memory_space<vmem>>
        %dma_start3A_307 = arith.constant 0 : i32
        %dma_start3A_308 = arith.constant 0 : i32
        %dma_start3A_309 = tpu.memref_slice %arg3[%dma_start3A_307, %dma_start3A_308] : memref<10240x16xf32, #tpu.memory_space<hbm>> -> memref<10240x16xf32, #tpu.memory_space<hbm>>
        tpu.enqueue_indirect_dma source(%dma_start3A_309 : memref<10240x16xf32, #tpu.memory_space<hbm>>) target(%arg18 : memref<96x16xf32, #tpu.memory_space<vmem>>) offsets(%dma_start3A_306 : memref<96xi32, #tpu.memory_space<vmem>>) semaphore(%arg25 : memref<!tpu.dma_semaphore, #tpu.memory_space<semaphore_mem>>)
        %dma_start3A_310 = arith.constant 1 : i32
        %dma_start3A_311 = arith.constant 0 : i32
        %dma_start3A_312 = tpu.memref_slice %arg14[%dma_start3A_310, %dma_start3A_311] : memref<2x96xi32, #tpu.memory_space<vmem>> -> memref<1x96xi32, #tpu.memory_space<vmem>>
        %dma_start3A_313 = tpu.memref_squeeze %dma_start3A_312 : memref<1x96xi32, #tpu.memory_space<vmem>> -> memref<96xi32, #tpu.memory_space<vmem>>
        %dma_start3A_314 = arith.constant 0 : i32
        %dma_start3A_315 = arith.constant 0 : i32
        %dma_start3A_316 = tpu.memref_slice %arg4[%dma_start3A_314, %dma_start3A_315] : memref<10240x16xf32, #tpu.memory_space<hbm>> -> memref<10240x16xf32, #tpu.memory_space<hbm>>
        tpu.enqueue_indirect_dma source(%dma_start3A_316 : memref<10240x16xf32, #tpu.memory_space<hbm>>) target(%arg20 : memref<96x16xf32, #tpu.memory_space<vmem>>) offsets(%dma_start3A_313 : memref<96xi32, #tpu.memory_space<vmem>>) semaphore(%arg25 : memref<!tpu.dma_semaphore, #tpu.memory_space<semaphore_mem>>)
        %dma_start3A_317 = arith.constant 0 : i32
        %dma_start3A_318 = arith.constant 0 : i32
        %dma_start3A_319 = tpu.memref_slice %arg14[%dma_start3A_317, %dma_start3A_318] : memref<2x96xi32, #tpu.memory_space<vmem>> -> memref<1x96xi32, #tpu.memory_space<vmem>>
        %dma_start3A_320 = tpu.memref_squeeze %dma_start3A_319 : memref<1x96xi32, #tpu.memory_space<vmem>> -> memref<96xi32, #tpu.memory_space<vmem>>
        %dma_start3A_321 = arith.constant 0 : i32
        %dma_start3A_322 = arith.constant 0 : i32
        %dma_start3A_323 = tpu.memref_slice %arg2[%dma_start3A_321, %dma_start3A_322] : memref<10240x128xf32, #tpu.memory_space<hbm>> -> memref<10240x128xf32, #tpu.memory_space<hbm>>
        tpu.enqueue_indirect_dma source(%dma_start3A_323 : memref<10240x128xf32, #tpu.memory_space<hbm>>) target(%arg22 : memref<96x128xf32, #tpu.memory_space<vmem>>) offsets(%dma_start3A_320 : memref<96xi32, #tpu.memory_space<vmem>>) semaphore(%arg25 : memref<!tpu.dma_semaphore, #tpu.memory_space<semaphore_mem>>)
      } else {
      }
      %add3A_118 = arith.constant 3 : i32
      %add3A_119 = arith.addi %add3A_113, %add3A_118 : i32
      %lt3A_120 = arith.constant 108 : i32
      %lt3A_121 = arith.cmpi slt, %add3A_119, %lt3A_120 : i32
      %convert_element_type3A_122 = arith.extui %lt3A_121 : i1 to i32
      %cond3A_123 = arith.constant 0 : i32
      %cond3A_124 = arith.cmpi ne, %convert_element_type3A_122, %cond3A_123 : i32
      scf.if %cond3A_124 {
        %add3A_294 = arith.constant 3 : i32
        %add3A_295 = arith.addi %add3A_113, %add3A_294 : i32
        %add3A_296 = arith.addi %mul3A_2, %add3A_295 : i32
        %mul3A_297 = arith.constant 2 : i32
        %mul3A_298 = arith.muli %mul3A_297, %add3A_296 : i32
        %dma_start3A_299 = arith.constant 0 : i32
        %dma_start3A_300 = tpu.memref_slice %arg6[%mul3A_298, %dma_start3A_299] : memref<6912x96xi32, #tpu.memory_space<hbm>> -> memref<2x96xi32, #tpu.memory_space<hbm>>
        %dma_start3A_301 = arith.constant 0 : i32
        %dma_start3A_302 = tpu.memref_slice %arg6[%mul3A_298, %dma_start3A_301] : memref<6912x96xi32, #tpu.memory_space<hbm>> -> memref<2x96xi32, #tpu.memory_space<hbm>>
        tpu.enqueue_dma source(%dma_start3A_302 : memref<2x96xi32, #tpu.memory_space<hbm>>) target(%arg16 : memref<2x96xi32, #tpu.memory_space<vmem>>) target_semaphore(%arg29 : memref<!tpu.dma_semaphore, #tpu.memory_space<semaphore_mem>>)
      } else {
      }
      %dma_wait3A_125 = arith.constant 0 : i32
      %dma_wait3A_126 = arith.constant 0 : i32
      %dma_wait3A_127 = tpu.memref_slice %arg13[%dma_wait3A_125, %dma_wait3A_126] : memref<2x96xi32, #tpu.memory_space<vmem>> -> memref<1x96xi32, #tpu.memory_space<vmem>>
      %dma_wait3A_128 = tpu.memref_squeeze %dma_wait3A_127 : memref<1x96xi32, #tpu.memory_space<vmem>> -> memref<96xi32, #tpu.memory_space<vmem>>
      %dma_wait3A_129 = arith.constant 0 : i32
      %dma_wait3A_130 = arith.constant 0 : i32
      %dma_wait3A_131 = tpu.memref_slice %arg3[%dma_wait3A_129, %dma_wait3A_130] : memref<10240x16xf32, #tpu.memory_space<hbm>> -> memref<10240x16xf32, #tpu.memory_space<hbm>>
      tpu.wait_indirect_dma semaphore(%arg24 : memref<!tpu.dma_semaphore, #tpu.memory_space<semaphore_mem>>) src(%dma_wait3A_131 : memref<10240x16xf32, #tpu.memory_space<hbm>>) dst(%arg17 : memref<96x16xf32, #tpu.memory_space<vmem>>)
      %dma_wait3A_132 = arith.constant 1 : i32
      %dma_wait3A_133 = arith.constant 0 : i32
      %dma_wait3A_134 = tpu.memref_slice %arg13[%dma_wait3A_132, %dma_wait3A_133] : memref<2x96xi32, #tpu.memory_space<vmem>> -> memref<1x96xi32, #tpu.memory_space<vmem>>
      %dma_wait3A_135 = tpu.memref_squeeze %dma_wait3A_134 : memref<1x96xi32, #tpu.memory_space<vmem>> -> memref<96xi32, #tpu.memory_space<vmem>>
      %dma_wait3A_136 = arith.constant 0 : i32
      %dma_wait3A_137 = arith.constant 0 : i32
      %dma_wait3A_138 = tpu.memref_slice %arg4[%dma_wait3A_136, %dma_wait3A_137] : memref<10240x16xf32, #tpu.memory_space<hbm>> -> memref<10240x16xf32, #tpu.memory_space<hbm>>
      tpu.wait_indirect_dma semaphore(%arg24 : memref<!tpu.dma_semaphore, #tpu.memory_space<semaphore_mem>>) src(%dma_wait3A_138 : memref<10240x16xf32, #tpu.memory_space<hbm>>) dst(%arg19 : memref<96x16xf32, #tpu.memory_space<vmem>>)
      %dma_wait3A_139 = arith.constant 0 : i32
      %dma_wait3A_140 = arith.constant 0 : i32
      %dma_wait3A_141 = tpu.memref_slice %arg13[%dma_wait3A_139, %dma_wait3A_140] : memref<2x96xi32, #tpu.memory_space<vmem>> -> memref<1x96xi32, #tpu.memory_space<vmem>>
      %dma_wait3A_142 = tpu.memref_squeeze %dma_wait3A_141 : memref<1x96xi32, #tpu.memory_space<vmem>> -> memref<96xi32, #tpu.memory_space<vmem>>
      %dma_wait3A_143 = arith.constant 0 : i32
      %dma_wait3A_144 = arith.constant 0 : i32
      %dma_wait3A_145 = tpu.memref_slice %arg2[%dma_wait3A_143, %dma_wait3A_144] : memref<10240x128xf32, #tpu.memory_space<hbm>> -> memref<10240x128xf32, #tpu.memory_space<hbm>>
      tpu.wait_indirect_dma semaphore(%arg24 : memref<!tpu.dma_semaphore, #tpu.memory_space<semaphore_mem>>) src(%dma_wait3A_145 : memref<10240x128xf32, #tpu.memory_space<hbm>>) dst(%arg21 : memref<96x128xf32, #tpu.memory_space<vmem>>)
      %scan3A_146 = arith.constant 0 : i32
      %scan3A_147 = arith.constant 0 : i32
      %scan3A_148 = arith.constant 96 : i32
      %scan3A_149 = arith.addi %scan3A_147, %scan3A_148 : i32
      %scan3A_150 = arith.constant 1 : i32
      scf.for %scan3A_294 = %scan3A_147 to %scan3A_149 step %scan3A_150  : i32 {
        %get3A_295 = arith.index_cast %scan3A_294 : i32 to index
        %get3A_296 = arith.constant 0 : index
        %get3A_297 = tpu.vector_load %arg17[%get3A_295, %get3A_296] {strides = array<i32>} : memref<96x16xf32, #tpu.memory_space<vmem>>, vector<1x16xf32>,
        %get3A_298 = vector.shape_cast %get3A_297 : vector<1x16xf32> to vector<16xf32>
        %get3A_299 = arith.index_cast %scan3A_294 : i32 to index
        %get3A_300 = arith.constant 0 : index
        %get3A_301 = tpu.vector_load %arg19[%get3A_299, %get3A_300] {strides = array<i32>} : memref<96x16xf32, #tpu.memory_space<vmem>>, vector<1x16xf32>,
        %get3A_302 = vector.shape_cast %get3A_301 : vector<1x16xf32> to vector<16xf32>
        %add3A_303 = arith.addf %get3A_298, %get3A_302 : vector<16xf32>
        %gt3A_304 = arith.constant 0.000000e+00 : f32
        %gt3A_305 = vector.broadcast %gt3A_304 : f32 to vector<16xf32>
        %gt3A_306 = arith.cmpf ogt, %add3A_303, %gt3A_305 : vector<16xf32>
        %mul3A_307 = arith.constant 2.000000e-01 : f32
        %mul3A_308 = vector.broadcast %mul3A_307 : f32 to vector<16xf32>
        %mul3A_309 = arith.mulf %mul3A_308, %add3A_303 : vector<16xf32>
        %select_n3A_310 = arith.select %gt3A_306, %add3A_303, %mul3A_309 : vector<16xi1>, vector<16xf32>
        %sub3A = arith.subf %select_n3A_310, %select_n3A : vector<16xf32>
        %exp3A = math.exp %sub3A : vector<16xf32>
        %swap3A = arith.index_cast %scan3A_294 : i32 to index
        %swap3A_311 = arith.constant 0 : index
        %swap3A_312 = tpu.vector_load %arg23[%swap3A, %swap3A_311] {strides = array<i32>} : memref<96x16xf32, #tpu.memory_space<vmem>>, vector<1x16xf32>,
        %swap3A_313 = vector.shape_cast %swap3A_312 : vector<1x16xf32> to vector<16xf32>
        %swap3A_314 = vector.shape_cast %exp3A : vector<16xf32> to vector<1x16xf32>
        tpu.vector_store %arg23[%swap3A, %swap3A_311], %swap3A_314 {strides = array<i32>} : memref<96x16xf32, #tpu.memory_space<vmem>>, vector<1x16xf32>,
        %slice3A = vector.extract_strided_slice %exp3A {offsets = [0], sizes = [1], strides = [1]} : vector<16xf32> to vector<1xf32>
        %squeeze3A = vector.extract %slice3A[0] : f32 from vector<1xf32>
        %broadcast_in_dim3A_315 = vector.broadcast %squeeze3A : f32 to vector<16xf32>
        %get3A_316 = arith.index_cast %scan3A_294 : i32 to index
        %get3A_317 = arith.constant 0 : index
        %get3A_318 = tpu.vector_load %arg21[%get3A_316, %get3A_317] {strides = array<i32>} : memref<96x128xf32, #tpu.memory_space<vmem>>, vector<1x16xf32>,
        %get3A_319 = vector.shape_cast %get3A_318 : vector<1x16xf32> to vector<16xf32>
        %mul3A_320 = arith.mulf %get3A_319, %broadcast_in_dim3A_315 : vector<16xf32>
        %swap3A_321 = arith.index_cast %scan3A_294 : i32 to index
        %swap3A_322 = arith.constant 0 : index
        %swap3A_323 = tpu.vector_load %arg21[%swap3A_321, %swap3A_322] {strides = array<i32>} : memref<96x128xf32, #tpu.memory_space<vmem>>, vector<1x16xf32>,
        %swap3A_324 = vector.shape_cast %swap3A_323 : vector<1x16xf32> to vector<16xf32>
        %swap3A_325 = vector.shape_cast %mul3A_320 : vector<16xf32> to vector<1x16xf32>
        tpu.vector_store %arg21[%swap3A_321, %swap3A_322], %swap3A_325 {strides = array<i32>} : memref<96x128xf32, #tpu.memory_space<vmem>>, vector<1x16xf32>,
        %get3A_326 = arith.index_cast %scan3A_294 : i32 to index
        %get3A_327 = arith.constant 16 : index
        %get3A_328 = tpu.vector_load %arg21[%get3A_326, %get3A_327] {strides = array<i32>} : memref<96x128xf32, #tpu.memory_space<vmem>>, vector<1x16xf32>,
        %get3A_329 = vector.shape_cast %get3A_328 : vector<1x16xf32> to vector<16xf32>
        %mul3A_330 = arith.mulf %get3A_329, %broadcast_in_dim3A_315 : vector<16xf32>
        %swap3A_331 = arith.index_cast %scan3A_294 : i32 to index
        %swap3A_332 = arith.constant 16 : index
        %swap3A_333 = tpu.vector_load %arg21[%swap3A_331, %swap3A_332] {strides = array<i32>} : memref<96x128xf32, #tpu.memory_space<vmem>>, vector<1x16xf32>,
        %swap3A_334 = vector.shape_cast %swap3A_333 : vector<1x16xf32> to vector<16xf32>
        %swap3A_335 = vector.shape_cast %mul3A_330 : vector<16xf32> to vector<1x16xf32>
        tpu.vector_store %arg21[%swap3A_331, %swap3A_332], %swap3A_335 {strides = array<i32>} : memref<96x128xf32, #tpu.memory_space<vmem>>, vector<1x16xf32>,
        %slice3A_336 = vector.extract_strided_slice %exp3A {offsets = [1], sizes = [1], strides = [1]} : vector<16xf32> to vector<1xf32>
        %squeeze3A_337 = vector.extract %slice3A_336[0] : f32 from vector<1xf32>
        %broadcast_in_dim3A_338 = vector.broadcast %squeeze3A_337 : f32 to vector<16xf32>
        %get3A_339 = arith.index_cast %scan3A_294 : i32 to index
        %get3A_340 = arith.constant 32 : index
        %get3A_341 = tpu.vector_load %arg21[%get3A_339, %get3A_340] {strides = array<i32>} : memref<96x128xf32, #tpu.memory_space<vmem>>, vector<1x16xf32>,
        %get3A_342 = vector.shape_cast %get3A_341 : vector<1x16xf32> to vector<16xf32>
        %mul3A_343 = arith.mulf %get3A_342, %broadcast_in_dim3A_338 : vector<16xf32>
        %swap3A_344 = arith.index_cast %scan3A_294 : i32 to index
        %swap3A_345 = arith.constant 32 : index
        %swap3A_346 = tpu.vector_load %arg21[%swap3A_344, %swap3A_345] {strides = array<i32>} : memref<96x128xf32, #tpu.memory_space<vmem>>, vector<1x16xf32>,
        %swap3A_347 = vector.shape_cast %swap3A_346 : vector<1x16xf32> to vector<16xf32>
        %swap3A_348 = vector.shape_cast %mul3A_343 : vector<16xf32> to vector<1x16xf32>
        tpu.vector_store %arg21[%swap3A_344, %swap3A_345], %swap3A_348 {strides = array<i32>} : memref<96x128xf32, #tpu.memory_space<vmem>>, vector<1x16xf32>,
        %get3A_349 = arith.index_cast %scan3A_294 : i32 to index
        %get3A_350 = arith.constant 48 : index
        %get3A_351 = tpu.vector_load %arg21[%get3A_349, %get3A_350] {strides = array<i32>} : memref<96x128xf32, #tpu.memory_space<vmem>>, vector<1x16xf32>,
        %get3A_352 = vector.shape_cast %get3A_351 : vector<1x16xf32> to vector<16xf32>
        %mul3A_353 = arith.mulf %get3A_352, %broadcast_in_dim3A_338 : vector<16xf32>
        %swap3A_354 = arith.index_cast %scan3A_294 : i32 to index
        %swap3A_355 = arith.constant 48 : index
        %swap3A_356 = tpu.vector_load %arg21[%swap3A_354, %swap3A_355] {strides = array<i32>} : memref<96x128xf32, #tpu.memory_space<vmem>>, vector<1x16xf32>,
        %swap3A_357 = vector.shape_cast %swap3A_356 : vector<1x16xf32> to vector<16xf32>
        %swap3A_358 = vector.shape_cast %mul3A_353 : vector<16xf32> to vector<1x16xf32>
        tpu.vector_store %arg21[%swap3A_354, %swap3A_355], %swap3A_358 {strides = array<i32>} : memref<96x128xf32, #tpu.memory_space<vmem>>, vector<1x16xf32>,
        %slice3A_359 = vector.extract_strided_slice %exp3A {offsets = [2], sizes = [1], strides = [1]} : vector<16xf32> to vector<1xf32>
        %squeeze3A_360 = vector.extract %slice3A_359[0] : f32 from vector<1xf32>
        %broadcast_in_dim3A_361 = vector.broadcast %squeeze3A_360 : f32 to vector<16xf32>
        %get3A_362 = arith.index_cast %scan3A_294 : i32 to index
        %get3A_363 = arith.constant 64 : index
        %get3A_364 = tpu.vector_load %arg21[%get3A_362, %get3A_363] {strides = array<i32>} : memref<96x128xf32, #tpu.memory_space<vmem>>, vector<1x16xf32>,
        %get3A_365 = vector.shape_cast %get3A_364 : vector<1x16xf32> to vector<16xf32>
        %mul3A_366 = arith.mulf %get3A_365, %broadcast_in_dim3A_361 : vector<16xf32>
        %swap3A_367 = arith.index_cast %scan3A_294 : i32 to index
        %swap3A_368 = arith.constant 64 : index
        %swap3A_369 = tpu.vector_load %arg21[%swap3A_367, %swap3A_368] {strides = array<i32>} : memref<96x128xf32, #tpu.memory_space<vmem>>, vector<1x16xf32>,
        %swap3A_370 = vector.shape_cast %swap3A_369 : vector<1x16xf32> to vector<16xf32>
        %swap3A_371 = vector.shape_cast %mul3A_366 : vector<16xf32> to vector<1x16xf32>
        tpu.vector_store %arg21[%swap3A_367, %swap3A_368], %swap3A_371 {strides = array<i32>} : memref<96x128xf32, #tpu.memory_space<vmem>>, vector<1x16xf32>,
        %get3A_372 = arith.index_cast %scan3A_294 : i32 to index
        %get3A_373 = arith.constant 80 : index
        %get3A_374 = tpu.vector_load %arg21[%get3A_372, %get3A_373] {strides = array<i32>} : memref<96x128xf32, #tpu.memory_space<vmem>>, vector<1x16xf32>,
        %get3A_375 = vector.shape_cast %get3A_374 : vector<1x16xf32> to vector<16xf32>
        %mul3A_376 = arith.mulf %get3A_375, %broadcast_in_dim3A_361 : vector<16xf32>
        %swap3A_377 = arith.index_cast %scan3A_294 : i32 to index
        %swap3A_378 = arith.constant 80 : index
        %swap3A_379 = tpu.vector_load %arg21[%swap3A_377, %swap3A_378] {strides = array<i32>} : memref<96x128xf32, #tpu.memory_space<vmem>>, vector<1x16xf32>,
        %swap3A_380 = vector.shape_cast %swap3A_379 : vector<1x16xf32> to vector<16xf32>
        %swap3A_381 = vector.shape_cast %mul3A_376 : vector<16xf32> to vector<1x16xf32>
        tpu.vector_store %arg21[%swap3A_377, %swap3A_378], %swap3A_381 {strides = array<i32>} : memref<96x128xf32, #tpu.memory_space<vmem>>, vector<1x16xf32>,
        %slice3A_382 = vector.extract_strided_slice %exp3A {offsets = [3], sizes = [1], strides = [1]} : vector<16xf32> to vector<1xf32>
        %squeeze3A_383 = vector.extract %slice3A_382[0] : f32 from vector<1xf32>
        %broadcast_in_dim3A_384 = vector.broadcast %squeeze3A_383 : f32 to vector<16xf32>
        %get3A_385 = arith.index_cast %scan3A_294 : i32 to index
        %get3A_386 = arith.constant 96 : index
        %get3A_387 = tpu.vector_load %arg21[%get3A_385, %get3A_386] {strides = array<i32>} : memref<96x128xf32, #tpu.memory_space<vmem>>, vector<1x16xf32>,
        %get3A_388 = vector.shape_cast %get3A_387 : vector<1x16xf32> to vector<16xf32>
        %mul3A_389 = arith.mulf %get3A_388, %broadcast_in_dim3A_384 : vector<16xf32>
        %swap3A_390 = arith.index_cast %scan3A_294 : i32 to index
        %swap3A_391 = arith.constant 96 : index
        %swap3A_392 = tpu.vector_load %arg21[%swap3A_390, %swap3A_391] {strides = array<i32>} : memref<96x128xf32, #tpu.memory_space<vmem>>, vector<1x16xf32>,
        %swap3A_393 = vector.shape_cast %swap3A_392 : vector<1x16xf32> to vector<16xf32>
        %swap3A_394 = vector.shape_cast %mul3A_389 : vector<16xf32> to vector<1x16xf32>
        tpu.vector_store %arg21[%swap3A_390, %swap3A_391], %swap3A_394 {strides = array<i32>} : memref<96x128xf32, #tpu.memory_space<vmem>>, vector<1x16xf32>,
        %get3A_395 = arith.index_cast %scan3A_294 : i32 to index
        %get3A_396 = arith.constant 112 : index
        %get3A_397 = tpu.vector_load %arg21[%get3A_395, %get3A_396] {strides = array<i32>} : memref<96x128xf32, #tpu.memory_space<vmem>>, vector<1x16xf32>,
        %get3A_398 = vector.shape_cast %get3A_397 : vector<1x16xf32> to vector<16xf32>
        %mul3A_399 = arith.mulf %get3A_398, %broadcast_in_dim3A_384 : vector<16xf32>
        %swap3A_400 = arith.index_cast %scan3A_294 : i32 to index
        %swap3A_401 = arith.constant 112 : index
        %swap3A_402 = tpu.vector_load %arg21[%swap3A_400, %swap3A_401] {strides = array<i32>} : memref<96x128xf32, #tpu.memory_space<vmem>>, vector<1x16xf32>,
        %swap3A_403 = vector.shape_cast %swap3A_402 : vector<1x16xf32> to vector<16xf32>
        %swap3A_404 = vector.shape_cast %mul3A_399 : vector<16xf32> to vector<1x16xf32>
        tpu.vector_store %arg21[%swap3A_400, %swap3A_401], %swap3A_404 {strides = array<i32>} : memref<96x128xf32, #tpu.memory_space<vmem>>, vector<1x16xf32>,
      }
      %scan3A_151 = arith.constant 96 : i32
      %run_scoped3A = arith.constant 1 : i32
      "tpu.region"() ({
        %run_scoped3A_294 = tpu.sem_alloc : memref<!tpu.dma_semaphore, #tpu.memory_space<semaphore_mem>>
        %dma_start3A_295 = arith.constant 0 : i32
        %dma_start3A_296 = tpu.memref_slice %arg13[%run_scoped3A, %dma_start3A_295] : memref<2x96xi32, #tpu.memory_space<vmem>> -> memref<1x96xi32, #tpu.memory_space<vmem>>
        %dma_start3A_297 = tpu.memref_squeeze %dma_start3A_296 : memref<1x96xi32, #tpu.memory_space<vmem>> -> memref<96xi32, #tpu.memory_space<vmem>>
        %dma_start3A_298 = arith.constant 0 : i32
        %dma_start3A_299 = arith.constant 0 : i32
        %dma_start3A_300 = tpu.memref_slice %arg9[%dma_start3A_298, %dma_start3A_299] : memref<10240x128xf32, #tpu.memory_space<vmem_shared>> -> memref<10240x128xf32, #tpu.memory_space<vmem_shared>>
        tpu.enqueue_indirect_dma source(%arg21 : memref<96x128xf32, #tpu.memory_space<vmem>>) target(%dma_start3A_300 : memref<10240x128xf32, #tpu.memory_space<vmem_shared>>) offsets(%dma_start3A_297 : memref<96xi32, #tpu.memory_space<vmem>>) semaphore(%run_scoped3A_294 : memref<!tpu.dma_semaphore, #tpu.memory_space<semaphore_mem>>) {add = true}
        %dma_wait3A_301 = arith.constant 0 : i32
        %dma_wait3A_302 = tpu.memref_slice %arg13[%run_scoped3A, %dma_wait3A_301] : memref<2x96xi32, #tpu.memory_space<vmem>> -> memref<1x96xi32, #tpu.memory_space<vmem>>
        %dma_wait3A_303 = tpu.memref_squeeze %dma_wait3A_302 : memref<1x96xi32, #tpu.memory_space<vmem>> -> memref<96xi32, #tpu.memory_space<vmem>>
        %dma_wait3A_304 = arith.constant 0 : i32
        %dma_wait3A_305 = arith.constant 0 : i32
        %dma_wait3A_306 = tpu.memref_slice %arg9[%dma_wait3A_304, %dma_wait3A_305] : memref<10240x128xf32, #tpu.memory_space<vmem_shared>> -> memref<10240x128xf32, #tpu.memory_space<vmem_shared>>
        tpu.wait_indirect_dma semaphore(%run_scoped3A_294 : memref<!tpu.dma_semaphore, #tpu.memory_space<semaphore_mem>>) src(%arg21 : memref<96x128xf32, #tpu.memory_space<vmem>>) dst(%dma_wait3A_306 : memref<10240x128xf32, #tpu.memory_space<vmem_shared>>)
        tpu.yield
      }) : () -> ()
      %run_scoped3A_152 = arith.constant 1 : i32
      "tpu.region"() ({
        %run_scoped3A_294 = tpu.sem_alloc : memref<!tpu.dma_semaphore, #tpu.memory_space<semaphore_mem>>
        %dma_start3A_295 = arith.constant 0 : i32
        %dma_start3A_296 = tpu.memref_slice %arg13[%run_scoped3A_152, %dma_start3A_295] : memref<2x96xi32, #tpu.memory_space<vmem>> -> memref<1x96xi32, #tpu.memory_space<vmem>>
        %dma_start3A_297 = tpu.memref_squeeze %dma_start3A_296 : memref<1x96xi32, #tpu.memory_space<vmem>> -> memref<96xi32, #tpu.memory_space<vmem>>
        %dma_start3A_298 = arith.constant 0 : i32
        %dma_start3A_299 = arith.constant 0 : i32
        %dma_start3A_300 = tpu.memref_slice %arg10[%dma_start3A_298, %dma_start3A_299] : memref<10240x16xf32, #tpu.memory_space<vmem_shared>> -> memref<10240x16xf32, #tpu.memory_space<vmem_shared>>
        tpu.enqueue_indirect_dma source(%arg23 : memref<96x16xf32, #tpu.memory_space<vmem>>) target(%dma_start3A_300 : memref<10240x16xf32, #tpu.memory_space<vmem_shared>>) offsets(%dma_start3A_297 : memref<96xi32, #tpu.memory_space<vmem>>) semaphore(%run_scoped3A_294 : memref<!tpu.dma_semaphore, #tpu.memory_space<semaphore_mem>>) {add = true}
        %dma_wait3A_301 = arith.constant 0 : i32
        %dma_wait3A_302 = tpu.memref_slice %arg13[%run_scoped3A_152, %dma_wait3A_301] : memref<2x96xi32, #tpu.memory_space<vmem>> -> memref<1x96xi32, #tpu.memory_space<vmem>>
        %dma_wait3A_303 = tpu.memref_squeeze %dma_wait3A_302 : memref<1x96xi32, #tpu.memory_space<vmem>> -> memref<96xi32, #tpu.memory_space<vmem>>
        %dma_wait3A_304 = arith.constant 0 : i32
        %dma_wait3A_305 = arith.constant 0 : i32
        %dma_wait3A_306 = tpu.memref_slice %arg10[%dma_wait3A_304, %dma_wait3A_305] : memref<10240x16xf32, #tpu.memory_space<vmem_shared>> -> memref<10240x16xf32, #tpu.memory_space<vmem_shared>>
        tpu.wait_indirect_dma semaphore(%run_scoped3A_294 : memref<!tpu.dma_semaphore, #tpu.memory_space<semaphore_mem>>) src(%arg23 : memref<96x16xf32, #tpu.memory_space<vmem>>) dst(%dma_wait3A_306 : memref<10240x16xf32, #tpu.memory_space<vmem_shared>>)
        tpu.yield
      }) : () -> ()
      %mul3A_153 = arith.constant 4 : i32
      %mul3A_154 = arith.muli %mul3A_153, %scan3A_109 : i32
      %add3A_155 = arith.constant 1 : i32
      %add3A_156 = arith.addi %mul3A_154, %add3A_155 : i32
      %add3A_157 = arith.constant 1 : i32
      %add3A_158 = arith.addi %add3A_156, %add3A_157 : i32
      %lt3A_159 = arith.constant 108 : i32
      %lt3A_160 = arith.cmpi slt, %add3A_158, %lt3A_159 : i32
      %convert_element_type3A_161 = arith.extui %lt3A_160 : i1 to i32
      %cond3A_162 = arith.constant 0 : i32
      %cond3A_163 = arith.cmpi ne, %convert_element_type3A_161, %cond3A_162 : i32
      scf.if %cond3A_163 {
        %add3A_294 = arith.constant 1 : i32
        %add3A_295 = arith.addi %add3A_156, %add3A_294 : i32
        %add3A_296 = arith.addi %mul3A_2, %add3A_295 : i32
        %mul3A_297 = arith.constant 2 : i32
        %mul3A_298 = arith.muli %mul3A_297, %add3A_296 : i32
        %dma_wait3A_299 = arith.constant 0 : i32
        %dma_wait3A_300 = tpu.memref_slice %arg6[%mul3A_298, %dma_wait3A_299] : memref<6912x96xi32, #tpu.memory_space<hbm>> -> memref<2x96xi32, #tpu.memory_space<hbm>>
        %dma_wait3A_301 = arith.constant 0 : i32
        %dma_wait3A_302 = tpu.memref_slice %arg6[%mul3A_298, %dma_wait3A_301] : memref<6912x96xi32, #tpu.memory_space<hbm>> -> memref<2x96xi32, #tpu.memory_space<hbm>>
        tpu.wait_dma2 semaphore(%arg28 : memref<!tpu.dma_semaphore, #tpu.memory_space<semaphore_mem>>) src(%dma_wait3A_302 : memref<2x96xi32, #tpu.memory_space<hbm>>) dst(%arg15 : memref<2x96xi32, #tpu.memory_space<vmem>>)
        %dma_start3A_303 = arith.constant 0 : i32
        %dma_start3A_304 = arith.constant 0 : i32
        %dma_start3A_305 = tpu.memref_slice %arg15[%dma_start3A_303, %dma_start3A_304] : memref<2x96xi32, #tpu.memory_space<vmem>> -> memref<1x96xi32, #tpu.memory_space<vmem>>
        %dma_start3A_306 = tpu.memref_squeeze %dma_start3A_305 : memref<1x96xi32, #tpu.memory_space<vmem>> -> memref<96xi32, #tpu.memory_space<vmem>>
        %dma_start3A_307 = arith.constant 0 : i32
        %dma_start3A_308 = arith.constant 0 : i32
        %dma_start3A_309 = tpu.memref_slice %arg3[%dma_start3A_307, %dma_start3A_308] : memref<10240x16xf32, #tpu.memory_space<hbm>> -> memref<10240x16xf32, #tpu.memory_space<hbm>>
        tpu.enqueue_indirect_dma source(%dma_start3A_309 : memref<10240x16xf32, #tpu.memory_space<hbm>>) target(%arg17 : memref<96x16xf32, #tpu.memory_space<vmem>>) offsets(%dma_start3A_306 : memref<96xi32, #tpu.memory_space<vmem>>) semaphore(%arg24 : memref<!tpu.dma_semaphore, #tpu.memory_space<semaphore_mem>>)
        %dma_start3A_310 = arith.constant 1 : i32
        %dma_start3A_311 = arith.constant 0 : i32
        %dma_start3A_312 = tpu.memref_slice %arg15[%dma_start3A_310, %dma_start3A_311] : memref<2x96xi32, #tpu.memory_space<vmem>> -> memref<1x96xi32, #tpu.memory_space<vmem>>
        %dma_start3A_313 = tpu.memref_squeeze %dma_start3A_312 : memref<1x96xi32, #tpu.memory_space<vmem>> -> memref<96xi32, #tpu.memory_space<vmem>>
        %dma_start3A_314 = arith.constant 0 : i32
        %dma_start3A_315 = arith.constant 0 : i32
        %dma_start3A_316 = tpu.memref_slice %arg4[%dma_start3A_314, %dma_start3A_315] : memref<10240x16xf32, #tpu.memory_space<hbm>> -> memref<10240x16xf32, #tpu.memory_space<hbm>>
        tpu.enqueue_indirect_dma source(%dma_start3A_316 : memref<10240x16xf32, #tpu.memory_space<hbm>>) target(%arg19 : memref<96x16xf32, #tpu.memory_space<vmem>>) offsets(%dma_start3A_313 : memref<96xi32, #tpu.memory_space<vmem>>) semaphore(%arg24 : memref<!tpu.dma_semaphore, #tpu.memory_space<semaphore_mem>>)
        %dma_start3A_317 = arith.constant 0 : i32
        %dma_start3A_318 = arith.constant 0 : i32
        %dma_start3A_319 = tpu.memref_slice %arg15[%dma_start3A_317, %dma_start3A_318] : memref<2x96xi32, #tpu.memory_space<vmem>> -> memref<1x96xi32, #tpu.memory_space<vmem>>
        %dma_start3A_320 = tpu.memref_squeeze %dma_start3A_319 : memref<1x96xi32, #tpu.memory_space<vmem>> -> memref<96xi32, #tpu.memory_space<vmem>>
        %dma_start3A_321 = arith.constant 0 : i32
        %dma_start3A_322 = arith.constant 0 : i32
        %dma_start3A_323 = tpu.memref_slice %arg2[%dma_start3A_321, %dma_start3A_322] : memref<10240x128xf32, #tpu.memory_space<hbm>> -> memref<10240x128xf32, #tpu.memory_space<hbm>>
        tpu.enqueue_indirect_dma source(%dma_start3A_323 : memref<10240x128xf32, #tpu.memory_space<hbm>>) target(%arg21 : memref<96x128xf32, #tpu.memory_space<vmem>>) offsets(%dma_start3A_320 : memref<96xi32, #tpu.memory_space<vmem>>) semaphore(%arg24 : memref<!tpu.dma_semaphore, #tpu.memory_space<semaphore_mem>>)
      } else {
      }
      %add3A_164 = arith.constant 3 : i32
      %add3A_165 = arith.addi %add3A_156, %add3A_164 : i32
      %lt3A_166 = arith.constant 108 : i32
      %lt3A_167 = arith.cmpi slt, %add3A_165, %lt3A_166 : i32
      %convert_element_type3A_168 = arith.extui %lt3A_167 : i1 to i32
      %cond3A_169 = arith.constant 0 : i32
      %cond3A_170 = arith.cmpi ne, %convert_element_type3A_168, %cond3A_169 : i32
      scf.if %cond3A_170 {
        %add3A_294 = arith.constant 3 : i32
        %add3A_295 = arith.addi %add3A_156, %add3A_294 : i32
        %add3A_296 = arith.addi %mul3A_2, %add3A_295 : i32
        %mul3A_297 = arith.constant 2 : i32
        %mul3A_298 = arith.muli %mul3A_297, %add3A_296 : i32
        %dma_start3A_299 = arith.constant 0 : i32
        %dma_start3A_300 = tpu.memref_slice %arg6[%mul3A_298, %dma_start3A_299] : memref<6912x96xi32, #tpu.memory_space<hbm>> -> memref<2x96xi32, #tpu.memory_space<hbm>>
        %dma_start3A_301 = arith.constant 0 : i32
        %dma_start3A_302 = tpu.memref_slice %arg6[%mul3A_298, %dma_start3A_301] : memref<6912x96xi32, #tpu.memory_space<hbm>> -> memref<2x96xi32, #tpu.memory_space<hbm>>
        tpu.enqueue_dma source(%dma_start3A_302 : memref<2x96xi32, #tpu.memory_space<hbm>>) target(%arg13 : memref<2x96xi32, #tpu.memory_space<vmem>>) target_semaphore(%arg26 : memref<!tpu.dma_semaphore, #tpu.memory_space<semaphore_mem>>)
      } else {
      }
      %dma_wait3A_171 = arith.constant 0 : i32
      %dma_wait3A_172 = arith.constant 0 : i32
      %dma_wait3A_173 = tpu.memref_slice %arg14[%dma_wait3A_171, %dma_wait3A_172] : memref<2x96xi32, #tpu.memory_space<vmem>> -> memref<1x96xi32, #tpu.memory_space<vmem>>
      %dma_wait3A_174 = tpu.memref_squeeze %dma_wait3A_173 : memref<1x96xi32, #tpu.memory_space<vmem>> -> memref<96xi32, #tpu.memory_space<vmem>>
      %dma_wait3A_175 = arith.constant 0 : i32
      %dma_wait3A_176 = arith.constant 0 : i32
      %dma_wait3A_177 = tpu.memref_slice %arg3[%dma_wait3A_175, %dma_wait3A_176] : memref<10240x16xf32, #tpu.memory_space<hbm>> -> memref<10240x16xf32, #tpu.memory_space<hbm>>
      tpu.wait_indirect_dma semaphore(%arg25 : memref<!tpu.dma_semaphore, #tpu.memory_space<semaphore_mem>>) src(%dma_wait3A_177 : memref<10240x16xf32, #tpu.memory_space<hbm>>) dst(%arg18 : memref<96x16xf32, #tpu.memory_space<vmem>>)
      %dma_wait3A_178 = arith.constant 1 : i32
      %dma_wait3A_179 = arith.constant 0 : i32
      %dma_wait3A_180 = tpu.memref_slice %arg14[%dma_wait3A_178, %dma_wait3A_179] : memref<2x96xi32, #tpu.memory_space<vmem>> -> memref<1x96xi32, #tpu.memory_space<vmem>>
      %dma_wait3A_181 = tpu.memref_squeeze %dma_wait3A_180 : memref<1x96xi32, #tpu.memory_space<vmem>> -> memref<96xi32, #tpu.memory_space<vmem>>
      %dma_wait3A_182 = arith.constant 0 : i32
      %dma_wait3A_183 = arith.constant 0 : i32
      %dma_wait3A_184 = tpu.memref_slice %arg4[%dma_wait3A_182, %dma_wait3A_183] : memref<10240x16xf32, #tpu.memory_space<hbm>> -> memref<10240x16xf32, #tpu.memory_space<hbm>>
      tpu.wait_indirect_dma semaphore(%arg25 : memref<!tpu.dma_semaphore, #tpu.memory_space<semaphore_mem>>) src(%dma_wait3A_184 : memref<10240x16xf32, #tpu.memory_space<hbm>>) dst(%arg20 : memref<96x16xf32, #tpu.memory_space<vmem>>)
      %dma_wait3A_185 = arith.constant 0 : i32
      %dma_wait3A_186 = arith.constant 0 : i32
      %dma_wait3A_187 = tpu.memref_slice %arg14[%dma_wait3A_185, %dma_wait3A_186] : memref<2x96xi32, #tpu.memory_space<vmem>> -> memref<1x96xi32, #tpu.memory_space<vmem>>
      %dma_wait3A_188 = tpu.memref_squeeze %dma_wait3A_187 : memref<1x96xi32, #tpu.memory_space<vmem>> -> memref<96xi32, #tpu.memory_space<vmem>>
      %dma_wait3A_189 = arith.constant 0 : i32
      %dma_wait3A_190 = arith.constant 0 : i32
      %dma_wait3A_191 = tpu.memref_slice %arg2[%dma_wait3A_189, %dma_wait3A_190] : memref<10240x128xf32, #tpu.memory_space<hbm>> -> memref<10240x128xf32, #tpu.memory_space<hbm>>
      tpu.wait_indirect_dma semaphore(%arg25 : memref<!tpu.dma_semaphore, #tpu.memory_space<semaphore_mem>>) src(%dma_wait3A_191 : memref<10240x128xf32, #tpu.memory_space<hbm>>) dst(%arg22 : memref<96x128xf32, #tpu.memory_space<vmem>>)
      %scan3A_192 = arith.constant 0 : i32
      %scan3A_193 = arith.constant 0 : i32
      %scan3A_194 = arith.constant 96 : i32
      %scan3A_195 = arith.addi %scan3A_193, %scan3A_194 : i32
      %scan3A_196 = arith.constant 1 : i32
      scf.for %scan3A_294 = %scan3A_193 to %scan3A_195 step %scan3A_196  : i32 {
        %get3A_295 = arith.index_cast %scan3A_294 : i32 to index
        %get3A_296 = arith.constant 0 : index
        %get3A_297 = tpu.vector_load %arg18[%get3A_295, %get3A_296] {strides = array<i32>} : memref<96x16xf32, #tpu.memory_space<vmem>>, vector<1x16xf32>,
        %get3A_298 = vector.shape_cast %get3A_297 : vector<1x16xf32> to vector<16xf32>
        %get3A_299 = arith.index_cast %scan3A_294 : i32 to index
        %get3A_300 = arith.constant 0 : index
        %get3A_301 = tpu.vector_load %arg20[%get3A_299, %get3A_300] {strides = array<i32>} : memref<96x16xf32, #tpu.memory_space<vmem>>, vector<1x16xf32>,
        %get3A_302 = vector.shape_cast %get3A_301 : vector<1x16xf32> to vector<16xf32>
        %add3A_303 = arith.addf %get3A_298, %get3A_302 : vector<16xf32>
        %gt3A_304 = arith.constant 0.000000e+00 : f32
        %gt3A_305 = vector.broadcast %gt3A_304 : f32 to vector<16xf32>
        %gt3A_306 = arith.cmpf ogt, %add3A_303, %gt3A_305 : vector<16xf32>
        %mul3A_307 = arith.constant 2.000000e-01 : f32
        %mul3A_308 = vector.broadcast %mul3A_307 : f32 to vector<16xf32>
        %mul3A_309 = arith.mulf %mul3A_308, %add3A_303 : vector<16xf32>
        %select_n3A_310 = arith.select %gt3A_306, %add3A_303, %mul3A_309 : vector<16xi1>, vector<16xf32>
        %sub3A = arith.subf %select_n3A_310, %select_n3A : vector<16xf32>
        %exp3A = math.exp %sub3A : vector<16xf32>
        %swap3A = arith.index_cast %scan3A_294 : i32 to index
        %swap3A_311 = arith.constant 0 : index
        %swap3A_312 = tpu.vector_load %arg23[%swap3A, %swap3A_311] {strides = array<i32>} : memref<96x16xf32, #tpu.memory_space<vmem>>, vector<1x16xf32>,
        %swap3A_313 = vector.shape_cast %swap3A_312 : vector<1x16xf32> to vector<16xf32>
        %swap3A_314 = vector.shape_cast %exp3A : vector<16xf32> to vector<1x16xf32>
        tpu.vector_store %arg23[%swap3A, %swap3A_311], %swap3A_314 {strides = array<i32>} : memref<96x16xf32, #tpu.memory_space<vmem>>, vector<1x16xf32>,
        %slice3A = vector.extract_strided_slice %exp3A {offsets = [0], sizes = [1], strides = [1]} : vector<16xf32> to vector<1xf32>
        %squeeze3A = vector.extract %slice3A[0] : f32 from vector<1xf32>
        %broadcast_in_dim3A_315 = vector.broadcast %squeeze3A : f32 to vector<16xf32>
        %get3A_316 = arith.index_cast %scan3A_294 : i32 to index
        %get3A_317 = arith.constant 0 : index
        %get3A_318 = tpu.vector_load %arg22[%get3A_316, %get3A_317] {strides = array<i32>} : memref<96x128xf32, #tpu.memory_space<vmem>>, vector<1x16xf32>,
        %get3A_319 = vector.shape_cast %get3A_318 : vector<1x16xf32> to vector<16xf32>
        %mul3A_320 = arith.mulf %get3A_319, %broadcast_in_dim3A_315 : vector<16xf32>
        %swap3A_321 = arith.index_cast %scan3A_294 : i32 to index
        %swap3A_322 = arith.constant 0 : index
        %swap3A_323 = tpu.vector_load %arg22[%swap3A_321, %swap3A_322] {strides = array<i32>} : memref<96x128xf32, #tpu.memory_space<vmem>>, vector<1x16xf32>,
        %swap3A_324 = vector.shape_cast %swap3A_323 : vector<1x16xf32> to vector<16xf32>
        %swap3A_325 = vector.shape_cast %mul3A_320 : vector<16xf32> to vector<1x16xf32>
        tpu.vector_store %arg22[%swap3A_321, %swap3A_322], %swap3A_325 {strides = array<i32>} : memref<96x128xf32, #tpu.memory_space<vmem>>, vector<1x16xf32>,
        %get3A_326 = arith.index_cast %scan3A_294 : i32 to index
        %get3A_327 = arith.constant 16 : index
        %get3A_328 = tpu.vector_load %arg22[%get3A_326, %get3A_327] {strides = array<i32>} : memref<96x128xf32, #tpu.memory_space<vmem>>, vector<1x16xf32>,
        %get3A_329 = vector.shape_cast %get3A_328 : vector<1x16xf32> to vector<16xf32>
        %mul3A_330 = arith.mulf %get3A_329, %broadcast_in_dim3A_315 : vector<16xf32>
        %swap3A_331 = arith.index_cast %scan3A_294 : i32 to index
        %swap3A_332 = arith.constant 16 : index
        %swap3A_333 = tpu.vector_load %arg22[%swap3A_331, %swap3A_332] {strides = array<i32>} : memref<96x128xf32, #tpu.memory_space<vmem>>, vector<1x16xf32>,
        %swap3A_334 = vector.shape_cast %swap3A_333 : vector<1x16xf32> to vector<16xf32>
        %swap3A_335 = vector.shape_cast %mul3A_330 : vector<16xf32> to vector<1x16xf32>
        tpu.vector_store %arg22[%swap3A_331, %swap3A_332], %swap3A_335 {strides = array<i32>} : memref<96x128xf32, #tpu.memory_space<vmem>>, vector<1x16xf32>,
        %slice3A_336 = vector.extract_strided_slice %exp3A {offsets = [1], sizes = [1], strides = [1]} : vector<16xf32> to vector<1xf32>
        %squeeze3A_337 = vector.extract %slice3A_336[0] : f32 from vector<1xf32>
        %broadcast_in_dim3A_338 = vector.broadcast %squeeze3A_337 : f32 to vector<16xf32>
        %get3A_339 = arith.index_cast %scan3A_294 : i32 to index
        %get3A_340 = arith.constant 32 : index
        %get3A_341 = tpu.vector_load %arg22[%get3A_339, %get3A_340] {strides = array<i32>} : memref<96x128xf32, #tpu.memory_space<vmem>>, vector<1x16xf32>,
        %get3A_342 = vector.shape_cast %get3A_341 : vector<1x16xf32> to vector<16xf32>
        %mul3A_343 = arith.mulf %get3A_342, %broadcast_in_dim3A_338 : vector<16xf32>
        %swap3A_344 = arith.index_cast %scan3A_294 : i32 to index
        %swap3A_345 = arith.constant 32 : index
        %swap3A_346 = tpu.vector_load %arg22[%swap3A_344, %swap3A_345] {strides = array<i32>} : memref<96x128xf32, #tpu.memory_space<vmem>>, vector<1x16xf32>,
        %swap3A_347 = vector.shape_cast %swap3A_346 : vector<1x16xf32> to vector<16xf32>
        %swap3A_348 = vector.shape_cast %mul3A_343 : vector<16xf32> to vector<1x16xf32>
        tpu.vector_store %arg22[%swap3A_344, %swap3A_345], %swap3A_348 {strides = array<i32>} : memref<96x128xf32, #tpu.memory_space<vmem>>, vector<1x16xf32>,
        %get3A_349 = arith.index_cast %scan3A_294 : i32 to index
        %get3A_350 = arith.constant 48 : index
        %get3A_351 = tpu.vector_load %arg22[%get3A_349, %get3A_350] {strides = array<i32>} : memref<96x128xf32, #tpu.memory_space<vmem>>, vector<1x16xf32>,
        %get3A_352 = vector.shape_cast %get3A_351 : vector<1x16xf32> to vector<16xf32>
        %mul3A_353 = arith.mulf %get3A_352, %broadcast_in_dim3A_338 : vector<16xf32>
        %swap3A_354 = arith.index_cast %scan3A_294 : i32 to index
        %swap3A_355 = arith.constant 48 : index
        %swap3A_356 = tpu.vector_load %arg22[%swap3A_354, %swap3A_355] {strides = array<i32>} : memref<96x128xf32, #tpu.memory_space<vmem>>, vector<1x16xf32>,
        %swap3A_357 = vector.shape_cast %swap3A_356 : vector<1x16xf32> to vector<16xf32>
        %swap3A_358 = vector.shape_cast %mul3A_353 : vector<16xf32> to vector<1x16xf32>
        tpu.vector_store %arg22[%swap3A_354, %swap3A_355], %swap3A_358 {strides = array<i32>} : memref<96x128xf32, #tpu.memory_space<vmem>>, vector<1x16xf32>,
        %slice3A_359 = vector.extract_strided_slice %exp3A {offsets = [2], sizes = [1], strides = [1]} : vector<16xf32> to vector<1xf32>
        %squeeze3A_360 = vector.extract %slice3A_359[0] : f32 from vector<1xf32>
        %broadcast_in_dim3A_361 = vector.broadcast %squeeze3A_360 : f32 to vector<16xf32>
        %get3A_362 = arith.index_cast %scan3A_294 : i32 to index
        %get3A_363 = arith.constant 64 : index
        %get3A_364 = tpu.vector_load %arg22[%get3A_362, %get3A_363] {strides = array<i32>} : memref<96x128xf32, #tpu.memory_space<vmem>>, vector<1x16xf32>,
        %get3A_365 = vector.shape_cast %get3A_364 : vector<1x16xf32> to vector<16xf32>
        %mul3A_366 = arith.mulf %get3A_365, %broadcast_in_dim3A_361 : vector<16xf32>
        %swap3A_367 = arith.index_cast %scan3A_294 : i32 to index
        %swap3A_368 = arith.constant 64 : index
        %swap3A_369 = tpu.vector_load %arg22[%swap3A_367, %swap3A_368] {strides = array<i32>} : memref<96x128xf32, #tpu.memory_space<vmem>>, vector<1x16xf32>,
        %swap3A_370 = vector.shape_cast %swap3A_369 : vector<1x16xf32> to vector<16xf32>
        %swap3A_371 = vector.shape_cast %mul3A_366 : vector<16xf32> to vector<1x16xf32>
        tpu.vector_store %arg22[%swap3A_367, %swap3A_368], %swap3A_371 {strides = array<i32>} : memref<96x128xf32, #tpu.memory_space<vmem>>, vector<1x16xf32>,
        %get3A_372 = arith.index_cast %scan3A_294 : i32 to index
        %get3A_373 = arith.constant 80 : index
        %get3A_374 = tpu.vector_load %arg22[%get3A_372, %get3A_373] {strides = array<i32>} : memref<96x128xf32, #tpu.memory_space<vmem>>, vector<1x16xf32>,
        %get3A_375 = vector.shape_cast %get3A_374 : vector<1x16xf32> to vector<16xf32>
        %mul3A_376 = arith.mulf %get3A_375, %broadcast_in_dim3A_361 : vector<16xf32>
        %swap3A_377 = arith.index_cast %scan3A_294 : i32 to index
        %swap3A_378 = arith.constant 80 : index
        %swap3A_379 = tpu.vector_load %arg22[%swap3A_377, %swap3A_378] {strides = array<i32>} : memref<96x128xf32, #tpu.memory_space<vmem>>, vector<1x16xf32>,
        %swap3A_380 = vector.shape_cast %swap3A_379 : vector<1x16xf32> to vector<16xf32>
        %swap3A_381 = vector.shape_cast %mul3A_376 : vector<16xf32> to vector<1x16xf32>
        tpu.vector_store %arg22[%swap3A_377, %swap3A_378], %swap3A_381 {strides = array<i32>} : memref<96x128xf32, #tpu.memory_space<vmem>>, vector<1x16xf32>,
        %slice3A_382 = vector.extract_strided_slice %exp3A {offsets = [3], sizes = [1], strides = [1]} : vector<16xf32> to vector<1xf32>
        %squeeze3A_383 = vector.extract %slice3A_382[0] : f32 from vector<1xf32>
        %broadcast_in_dim3A_384 = vector.broadcast %squeeze3A_383 : f32 to vector<16xf32>
        %get3A_385 = arith.index_cast %scan3A_294 : i32 to index
        %get3A_386 = arith.constant 96 : index
        %get3A_387 = tpu.vector_load %arg22[%get3A_385, %get3A_386] {strides = array<i32>} : memref<96x128xf32, #tpu.memory_space<vmem>>, vector<1x16xf32>,
        %get3A_388 = vector.shape_cast %get3A_387 : vector<1x16xf32> to vector<16xf32>
        %mul3A_389 = arith.mulf %get3A_388, %broadcast_in_dim3A_384 : vector<16xf32>
        %swap3A_390 = arith.index_cast %scan3A_294 : i32 to index
        %swap3A_391 = arith.constant 96 : index
        %swap3A_392 = tpu.vector_load %arg22[%swap3A_390, %swap3A_391] {strides = array<i32>} : memref<96x128xf32, #tpu.memory_space<vmem>>, vector<1x16xf32>,
        %swap3A_393 = vector.shape_cast %swap3A_392 : vector<1x16xf32> to vector<16xf32>
        %swap3A_394 = vector.shape_cast %mul3A_389 : vector<16xf32> to vector<1x16xf32>
        tpu.vector_store %arg22[%swap3A_390, %swap3A_391], %swap3A_394 {strides = array<i32>} : memref<96x128xf32, #tpu.memory_space<vmem>>, vector<1x16xf32>,
        %get3A_395 = arith.index_cast %scan3A_294 : i32 to index
        %get3A_396 = arith.constant 112 : index
        %get3A_397 = tpu.vector_load %arg22[%get3A_395, %get3A_396] {strides = array<i32>} : memref<96x128xf32, #tpu.memory_space<vmem>>, vector<1x16xf32>,
        %get3A_398 = vector.shape_cast %get3A_397 : vector<1x16xf32> to vector<16xf32>
        %mul3A_399 = arith.mulf %get3A_398, %broadcast_in_dim3A_384 : vector<16xf32>
        %swap3A_400 = arith.index_cast %scan3A_294 : i32 to index
        %swap3A_401 = arith.constant 112 : index
        %swap3A_402 = tpu.vector_load %arg22[%swap3A_400, %swap3A_401] {strides = array<i32>} : memref<96x128xf32, #tpu.memory_space<vmem>>, vector<1x16xf32>,
        %swap3A_403 = vector.shape_cast %swap3A_402 : vector<1x16xf32> to vector<16xf32>
        %swap3A_404 = vector.shape_cast %mul3A_399 : vector<16xf32> to vector<1x16xf32>
        tpu.vector_store %arg22[%swap3A_400, %swap3A_401], %swap3A_404 {strides = array<i32>} : memref<96x128xf32, #tpu.memory_space<vmem>>, vector<1x16xf32>,
      }
      %scan3A_197 = arith.constant 96 : i32
      %run_scoped3A_198 = arith.constant 1 : i32
      "tpu.region"() ({
        %run_scoped3A_294 = tpu.sem_alloc : memref<!tpu.dma_semaphore, #tpu.memory_space<semaphore_mem>>
        %dma_start3A_295 = arith.constant 0 : i32
        %dma_start3A_296 = tpu.memref_slice %arg14[%run_scoped3A_198, %dma_start3A_295] : memref<2x96xi32, #tpu.memory_space<vmem>> -> memref<1x96xi32, #tpu.memory_space<vmem>>
        %dma_start3A_297 = tpu.memref_squeeze %dma_start3A_296 : memref<1x96xi32, #tpu.memory_space<vmem>> -> memref<96xi32, #tpu.memory_space<vmem>>
        %dma_start3A_298 = arith.constant 0 : i32
        %dma_start3A_299 = arith.constant 0 : i32
        %dma_start3A_300 = tpu.memref_slice %arg9[%dma_start3A_298, %dma_start3A_299] : memref<10240x128xf32, #tpu.memory_space<vmem_shared>> -> memref<10240x128xf32, #tpu.memory_space<vmem_shared>>
        tpu.enqueue_indirect_dma source(%arg22 : memref<96x128xf32, #tpu.memory_space<vmem>>) target(%dma_start3A_300 : memref<10240x128xf32, #tpu.memory_space<vmem_shared>>) offsets(%dma_start3A_297 : memref<96xi32, #tpu.memory_space<vmem>>) semaphore(%run_scoped3A_294 : memref<!tpu.dma_semaphore, #tpu.memory_space<semaphore_mem>>) {add = true}
        %dma_wait3A_301 = arith.constant 0 : i32
        %dma_wait3A_302 = tpu.memref_slice %arg14[%run_scoped3A_198, %dma_wait3A_301] : memref<2x96xi32, #tpu.memory_space<vmem>> -> memref<1x96xi32, #tpu.memory_space<vmem>>
        %dma_wait3A_303 = tpu.memref_squeeze %dma_wait3A_302 : memref<1x96xi32, #tpu.memory_space<vmem>> -> memref<96xi32, #tpu.memory_space<vmem>>
        %dma_wait3A_304 = arith.constant 0 : i32
        %dma_wait3A_305 = arith.constant 0 : i32
        %dma_wait3A_306 = tpu.memref_slice %arg9[%dma_wait3A_304, %dma_wait3A_305] : memref<10240x128xf32, #tpu.memory_space<vmem_shared>> -> memref<10240x128xf32, #tpu.memory_space<vmem_shared>>
        tpu.wait_indirect_dma semaphore(%run_scoped3A_294 : memref<!tpu.dma_semaphore, #tpu.memory_space<semaphore_mem>>) src(%arg22 : memref<96x128xf32, #tpu.memory_space<vmem>>) dst(%dma_wait3A_306 : memref<10240x128xf32, #tpu.memory_space<vmem_shared>>)
        tpu.yield
      }) : () -> ()
      %run_scoped3A_199 = arith.constant 1 : i32
      "tpu.region"() ({
        %run_scoped3A_294 = tpu.sem_alloc : memref<!tpu.dma_semaphore, #tpu.memory_space<semaphore_mem>>
        %dma_start3A_295 = arith.constant 0 : i32
        %dma_start3A_296 = tpu.memref_slice %arg14[%run_scoped3A_199, %dma_start3A_295] : memref<2x96xi32, #tpu.memory_space<vmem>> -> memref<1x96xi32, #tpu.memory_space<vmem>>
        %dma_start3A_297 = tpu.memref_squeeze %dma_start3A_296 : memref<1x96xi32, #tpu.memory_space<vmem>> -> memref<96xi32, #tpu.memory_space<vmem>>
        %dma_start3A_298 = arith.constant 0 : i32
        %dma_start3A_299 = arith.constant 0 : i32
        %dma_start3A_300 = tpu.memref_slice %arg10[%dma_start3A_298, %dma_start3A_299] : memref<10240x16xf32, #tpu.memory_space<vmem_shared>> -> memref<10240x16xf32, #tpu.memory_space<vmem_shared>>
        tpu.enqueue_indirect_dma source(%arg23 : memref<96x16xf32, #tpu.memory_space<vmem>>) target(%dma_start3A_300 : memref<10240x16xf32, #tpu.memory_space<vmem_shared>>) offsets(%dma_start3A_297 : memref<96xi32, #tpu.memory_space<vmem>>) semaphore(%run_scoped3A_294 : memref<!tpu.dma_semaphore, #tpu.memory_space<semaphore_mem>>) {add = true}
        %dma_wait3A_301 = arith.constant 0 : i32
        %dma_wait3A_302 = tpu.memref_slice %arg14[%run_scoped3A_199, %dma_wait3A_301] : memref<2x96xi32, #tpu.memory_space<vmem>> -> memref<1x96xi32, #tpu.memory_space<vmem>>
        %dma_wait3A_303 = tpu.memref_squeeze %dma_wait3A_302 : memref<1x96xi32, #tpu.memory_space<vmem>> -> memref<96xi32, #tpu.memory_space<vmem>>
        %dma_wait3A_304 = arith.constant 0 : i32
        %dma_wait3A_305 = arith.constant 0 : i32
        %dma_wait3A_306 = tpu.memref_slice %arg10[%dma_wait3A_304, %dma_wait3A_305] : memref<10240x16xf32, #tpu.memory_space<vmem_shared>> -> memref<10240x16xf32, #tpu.memory_space<vmem_shared>>
        tpu.wait_indirect_dma semaphore(%run_scoped3A_294 : memref<!tpu.dma_semaphore, #tpu.memory_space<semaphore_mem>>) src(%arg23 : memref<96x16xf32, #tpu.memory_space<vmem>>) dst(%dma_wait3A_306 : memref<10240x16xf32, #tpu.memory_space<vmem_shared>>)
        tpu.yield
      }) : () -> ()
      %mul3A_200 = arith.constant 4 : i32
      %mul3A_201 = arith.muli %mul3A_200, %scan3A_109 : i32
      %add3A_202 = arith.constant 2 : i32
      %add3A_203 = arith.addi %mul3A_201, %add3A_202 : i32
      %add3A_204 = arith.constant 1 : i32
      %add3A_205 = arith.addi %add3A_203, %add3A_204 : i32
      %lt3A_206 = arith.constant 108 : i32
      %lt3A_207 = arith.cmpi slt, %add3A_205, %lt3A_206 : i32
      %convert_element_type3A_208 = arith.extui %lt3A_207 : i1 to i32
      %cond3A_209 = arith.constant 0 : i32
      %cond3A_210 = arith.cmpi ne, %convert_element_type3A_208, %cond3A_209 : i32
      scf.if %cond3A_210 {
        %add3A_294 = arith.constant 1 : i32
        %add3A_295 = arith.addi %add3A_203, %add3A_294 : i32
        %add3A_296 = arith.addi %mul3A_2, %add3A_295 : i32
        %mul3A_297 = arith.constant 2 : i32
        %mul3A_298 = arith.muli %mul3A_297, %add3A_296 : i32
        %dma_wait3A_299 = arith.constant 0 : i32
        %dma_wait3A_300 = tpu.memref_slice %arg6[%mul3A_298, %dma_wait3A_299] : memref<6912x96xi32, #tpu.memory_space<hbm>> -> memref<2x96xi32, #tpu.memory_space<hbm>>
        %dma_wait3A_301 = arith.constant 0 : i32
        %dma_wait3A_302 = tpu.memref_slice %arg6[%mul3A_298, %dma_wait3A_301] : memref<6912x96xi32, #tpu.memory_space<hbm>> -> memref<2x96xi32, #tpu.memory_space<hbm>>
        tpu.wait_dma2 semaphore(%arg29 : memref<!tpu.dma_semaphore, #tpu.memory_space<semaphore_mem>>) src(%dma_wait3A_302 : memref<2x96xi32, #tpu.memory_space<hbm>>) dst(%arg16 : memref<2x96xi32, #tpu.memory_space<vmem>>)
        %dma_start3A_303 = arith.constant 0 : i32
        %dma_start3A_304 = arith.constant 0 : i32
        %dma_start3A_305 = tpu.memref_slice %arg16[%dma_start3A_303, %dma_start3A_304] : memref<2x96xi32, #tpu.memory_space<vmem>> -> memref<1x96xi32, #tpu.memory_space<vmem>>
        %dma_start3A_306 = tpu.memref_squeeze %dma_start3A_305 : memref<1x96xi32, #tpu.memory_space<vmem>> -> memref<96xi32, #tpu.memory_space<vmem>>
        %dma_start3A_307 = arith.constant 0 : i32
        %dma_start3A_308 = arith.constant 0 : i32
        %dma_start3A_309 = tpu.memref_slice %arg3[%dma_start3A_307, %dma_start3A_308] : memref<10240x16xf32, #tpu.memory_space<hbm>> -> memref<10240x16xf32, #tpu.memory_space<hbm>>
        tpu.enqueue_indirect_dma source(%dma_start3A_309 : memref<10240x16xf32, #tpu.memory_space<hbm>>) target(%arg18 : memref<96x16xf32, #tpu.memory_space<vmem>>) offsets(%dma_start3A_306 : memref<96xi32, #tpu.memory_space<vmem>>) semaphore(%arg25 : memref<!tpu.dma_semaphore, #tpu.memory_space<semaphore_mem>>)
        %dma_start3A_310 = arith.constant 1 : i32
        %dma_start3A_311 = arith.constant 0 : i32
        %dma_start3A_312 = tpu.memref_slice %arg16[%dma_start3A_310, %dma_start3A_311] : memref<2x96xi32, #tpu.memory_space<vmem>> -> memref<1x96xi32, #tpu.memory_space<vmem>>
        %dma_start3A_313 = tpu.memref_squeeze %dma_start3A_312 : memref<1x96xi32, #tpu.memory_space<vmem>> -> memref<96xi32, #tpu.memory_space<vmem>>
        %dma_start3A_314 = arith.constant 0 : i32
        %dma_start3A_315 = arith.constant 0 : i32
        %dma_start3A_316 = tpu.memref_slice %arg4[%dma_start3A_314, %dma_start3A_315] : memref<10240x16xf32, #tpu.memory_space<hbm>> -> memref<10240x16xf32, #tpu.memory_space<hbm>>
        tpu.enqueue_indirect_dma source(%dma_start3A_316 : memref<10240x16xf32, #tpu.memory_space<hbm>>) target(%arg20 : memref<96x16xf32, #tpu.memory_space<vmem>>) offsets(%dma_start3A_313 : memref<96xi32, #tpu.memory_space<vmem>>) semaphore(%arg25 : memref<!tpu.dma_semaphore, #tpu.memory_space<semaphore_mem>>)
        %dma_start3A_317 = arith.constant 0 : i32
        %dma_start3A_318 = arith.constant 0 : i32
        %dma_start3A_319 = tpu.memref_slice %arg16[%dma_start3A_317, %dma_start3A_318] : memref<2x96xi32, #tpu.memory_space<vmem>> -> memref<1x96xi32, #tpu.memory_space<vmem>>
        %dma_start3A_320 = tpu.memref_squeeze %dma_start3A_319 : memref<1x96xi32, #tpu.memory_space<vmem>> -> memref<96xi32, #tpu.memory_space<vmem>>
        %dma_start3A_321 = arith.constant 0 : i32
        %dma_start3A_322 = arith.constant 0 : i32
        %dma_start3A_323 = tpu.memref_slice %arg2[%dma_start3A_321, %dma_start3A_322] : memref<10240x128xf32, #tpu.memory_space<hbm>> -> memref<10240x128xf32, #tpu.memory_space<hbm>>
        tpu.enqueue_indirect_dma source(%dma_start3A_323 : memref<10240x128xf32, #tpu.memory_space<hbm>>) target(%arg22 : memref<96x128xf32, #tpu.memory_space<vmem>>) offsets(%dma_start3A_320 : memref<96xi32, #tpu.memory_space<vmem>>) semaphore(%arg25 : memref<!tpu.dma_semaphore, #tpu.memory_space<semaphore_mem>>)
      } else {
      }
      %add3A_211 = arith.constant 3 : i32
      %add3A_212 = arith.addi %add3A_203, %add3A_211 : i32
      %lt3A_213 = arith.constant 108 : i32
      %lt3A_214 = arith.cmpi slt, %add3A_212, %lt3A_213 : i32
      %convert_element_type3A_215 = arith.extui %lt3A_214 : i1 to i32
      %cond3A_216 = arith.constant 0 : i32
      %cond3A_217 = arith.cmpi ne, %convert_element_type3A_215, %cond3A_216 : i32
      scf.if %cond3A_217 {
        %add3A_294 = arith.constant 3 : i32
        %add3A_295 = arith.addi %add3A_203, %add3A_294 : i32
        %add3A_296 = arith.addi %mul3A_2, %add3A_295 : i32
        %mul3A_297 = arith.constant 2 : i32
        %mul3A_298 = arith.muli %mul3A_297, %add3A_296 : i32
        %dma_start3A_299 = arith.constant 0 : i32
        %dma_start3A_300 = tpu.memref_slice %arg6[%mul3A_298, %dma_start3A_299] : memref<6912x96xi32, #tpu.memory_space<hbm>> -> memref<2x96xi32, #tpu.memory_space<hbm>>
        %dma_start3A_301 = arith.constant 0 : i32
        %dma_start3A_302 = tpu.memref_slice %arg6[%mul3A_298, %dma_start3A_301] : memref<6912x96xi32, #tpu.memory_space<hbm>> -> memref<2x96xi32, #tpu.memory_space<hbm>>
        tpu.enqueue_dma source(%dma_start3A_302 : memref<2x96xi32, #tpu.memory_space<hbm>>) target(%arg14 : memref<2x96xi32, #tpu.memory_space<vmem>>) target_semaphore(%arg27 : memref<!tpu.dma_semaphore, #tpu.memory_space<semaphore_mem>>)
      } else {
      }
      %dma_wait3A_218 = arith.constant 0 : i32
      %dma_wait3A_219 = arith.constant 0 : i32
      %dma_wait3A_220 = tpu.memref_slice %arg15[%dma_wait3A_218, %dma_wait3A_219] : memref<2x96xi32, #tpu.memory_space<vmem>> -> memref<1x96xi32, #tpu.memory_space<vmem>>
      %dma_wait3A_221 = tpu.memref_squeeze %dma_wait3A_220 : memref<1x96xi32, #tpu.memory_space<vmem>> -> memref<96xi32, #tpu.memory_space<vmem>>
      %dma_wait3A_222 = arith.constant 0 : i32
      %dma_wait3A_223 = arith.constant 0 : i32
      %dma_wait3A_224 = tpu.memref_slice %arg3[%dma_wait3A_222, %dma_wait3A_223] : memref<10240x16xf32, #tpu.memory_space<hbm>> -> memref<10240x16xf32, #tpu.memory_space<hbm>>
      tpu.wait_indirect_dma semaphore(%arg24 : memref<!tpu.dma_semaphore, #tpu.memory_space<semaphore_mem>>) src(%dma_wait3A_224 : memref<10240x16xf32, #tpu.memory_space<hbm>>) dst(%arg17 : memref<96x16xf32, #tpu.memory_space<vmem>>)
      %dma_wait3A_225 = arith.constant 1 : i32
      %dma_wait3A_226 = arith.constant 0 : i32
      %dma_wait3A_227 = tpu.memref_slice %arg15[%dma_wait3A_225, %dma_wait3A_226] : memref<2x96xi32, #tpu.memory_space<vmem>> -> memref<1x96xi32, #tpu.memory_space<vmem>>
      %dma_wait3A_228 = tpu.memref_squeeze %dma_wait3A_227 : memref<1x96xi32, #tpu.memory_space<vmem>> -> memref<96xi32, #tpu.memory_space<vmem>>
      %dma_wait3A_229 = arith.constant 0 : i32
      %dma_wait3A_230 = arith.constant 0 : i32
      %dma_wait3A_231 = tpu.memref_slice %arg4[%dma_wait3A_229, %dma_wait3A_230] : memref<10240x16xf32, #tpu.memory_space<hbm>> -> memref<10240x16xf32, #tpu.memory_space<hbm>>
      tpu.wait_indirect_dma semaphore(%arg24 : memref<!tpu.dma_semaphore, #tpu.memory_space<semaphore_mem>>) src(%dma_wait3A_231 : memref<10240x16xf32, #tpu.memory_space<hbm>>) dst(%arg19 : memref<96x16xf32, #tpu.memory_space<vmem>>)
      %dma_wait3A_232 = arith.constant 0 : i32
      %dma_wait3A_233 = arith.constant 0 : i32
      %dma_wait3A_234 = tpu.memref_slice %arg15[%dma_wait3A_232, %dma_wait3A_233] : memref<2x96xi32, #tpu.memory_space<vmem>> -> memref<1x96xi32, #tpu.memory_space<vmem>>
      %dma_wait3A_235 = tpu.memref_squeeze %dma_wait3A_234 : memref<1x96xi32, #tpu.memory_space<vmem>> -> memref<96xi32, #tpu.memory_space<vmem>>
      %dma_wait3A_236 = arith.constant 0 : i32
      %dma_wait3A_237 = arith.constant 0 : i32
      %dma_wait3A_238 = tpu.memref_slice %arg2[%dma_wait3A_236, %dma_wait3A_237] : memref<10240x128xf32, #tpu.memory_space<hbm>> -> memref<10240x128xf32, #tpu.memory_space<hbm>>
      tpu.wait_indirect_dma semaphore(%arg24 : memref<!tpu.dma_semaphore, #tpu.memory_space<semaphore_mem>>) src(%dma_wait3A_238 : memref<10240x128xf32, #tpu.memory_space<hbm>>) dst(%arg21 : memref<96x128xf32, #tpu.memory_space<vmem>>)
      %scan3A_239 = arith.constant 0 : i32
      %scan3A_240 = arith.constant 0 : i32
      %scan3A_241 = arith.constant 96 : i32
      %scan3A_242 = arith.addi %scan3A_240, %scan3A_241 : i32
      %scan3A_243 = arith.constant 1 : i32
      scf.for %scan3A_294 = %scan3A_240 to %scan3A_242 step %scan3A_243  : i32 {
        %get3A_295 = arith.index_cast %scan3A_294 : i32 to index
        %get3A_296 = arith.constant 0 : index
        %get3A_297 = tpu.vector_load %arg17[%get3A_295, %get3A_296] {strides = array<i32>} : memref<96x16xf32, #tpu.memory_space<vmem>>, vector<1x16xf32>,
        %get3A_298 = vector.shape_cast %get3A_297 : vector<1x16xf32> to vector<16xf32>
        %get3A_299 = arith.index_cast %scan3A_294 : i32 to index
        %get3A_300 = arith.constant 0 : index
        %get3A_301 = tpu.vector_load %arg19[%get3A_299, %get3A_300] {strides = array<i32>} : memref<96x16xf32, #tpu.memory_space<vmem>>, vector<1x16xf32>,
        %get3A_302 = vector.shape_cast %get3A_301 : vector<1x16xf32> to vector<16xf32>
        %add3A_303 = arith.addf %get3A_298, %get3A_302 : vector<16xf32>
        %gt3A_304 = arith.constant 0.000000e+00 : f32
        %gt3A_305 = vector.broadcast %gt3A_304 : f32 to vector<16xf32>
        %gt3A_306 = arith.cmpf ogt, %add3A_303, %gt3A_305 : vector<16xf32>
        %mul3A_307 = arith.constant 2.000000e-01 : f32
        %mul3A_308 = vector.broadcast %mul3A_307 : f32 to vector<16xf32>
        %mul3A_309 = arith.mulf %mul3A_308, %add3A_303 : vector<16xf32>
        %select_n3A_310 = arith.select %gt3A_306, %add3A_303, %mul3A_309 : vector<16xi1>, vector<16xf32>
        %sub3A = arith.subf %select_n3A_310, %select_n3A : vector<16xf32>
        %exp3A = math.exp %sub3A : vector<16xf32>
        %swap3A = arith.index_cast %scan3A_294 : i32 to index
        %swap3A_311 = arith.constant 0 : index
        %swap3A_312 = tpu.vector_load %arg23[%swap3A, %swap3A_311] {strides = array<i32>} : memref<96x16xf32, #tpu.memory_space<vmem>>, vector<1x16xf32>,
        %swap3A_313 = vector.shape_cast %swap3A_312 : vector<1x16xf32> to vector<16xf32>
        %swap3A_314 = vector.shape_cast %exp3A : vector<16xf32> to vector<1x16xf32>
        tpu.vector_store %arg23[%swap3A, %swap3A_311], %swap3A_314 {strides = array<i32>} : memref<96x16xf32, #tpu.memory_space<vmem>>, vector<1x16xf32>,
        %slice3A = vector.extract_strided_slice %exp3A {offsets = [0], sizes = [1], strides = [1]} : vector<16xf32> to vector<1xf32>
        %squeeze3A = vector.extract %slice3A[0] : f32 from vector<1xf32>
        %broadcast_in_dim3A_315 = vector.broadcast %squeeze3A : f32 to vector<16xf32>
        %get3A_316 = arith.index_cast %scan3A_294 : i32 to index
        %get3A_317 = arith.constant 0 : index
        %get3A_318 = tpu.vector_load %arg21[%get3A_316, %get3A_317] {strides = array<i32>} : memref<96x128xf32, #tpu.memory_space<vmem>>, vector<1x16xf32>,
        %get3A_319 = vector.shape_cast %get3A_318 : vector<1x16xf32> to vector<16xf32>
        %mul3A_320 = arith.mulf %get3A_319, %broadcast_in_dim3A_315 : vector<16xf32>
        %swap3A_321 = arith.index_cast %scan3A_294 : i32 to index
        %swap3A_322 = arith.constant 0 : index
        %swap3A_323 = tpu.vector_load %arg21[%swap3A_321, %swap3A_322] {strides = array<i32>} : memref<96x128xf32, #tpu.memory_space<vmem>>, vector<1x16xf32>,
        %swap3A_324 = vector.shape_cast %swap3A_323 : vector<1x16xf32> to vector<16xf32>
        %swap3A_325 = vector.shape_cast %mul3A_320 : vector<16xf32> to vector<1x16xf32>
        tpu.vector_store %arg21[%swap3A_321, %swap3A_322], %swap3A_325 {strides = array<i32>} : memref<96x128xf32, #tpu.memory_space<vmem>>, vector<1x16xf32>,
        %get3A_326 = arith.index_cast %scan3A_294 : i32 to index
        %get3A_327 = arith.constant 16 : index
        %get3A_328 = tpu.vector_load %arg21[%get3A_326, %get3A_327] {strides = array<i32>} : memref<96x128xf32, #tpu.memory_space<vmem>>, vector<1x16xf32>,
        %get3A_329 = vector.shape_cast %get3A_328 : vector<1x16xf32> to vector<16xf32>
        %mul3A_330 = arith.mulf %get3A_329, %broadcast_in_dim3A_315 : vector<16xf32>
        %swap3A_331 = arith.index_cast %scan3A_294 : i32 to index
        %swap3A_332 = arith.constant 16 : index
        %swap3A_333 = tpu.vector_load %arg21[%swap3A_331, %swap3A_332] {strides = array<i32>} : memref<96x128xf32, #tpu.memory_space<vmem>>, vector<1x16xf32>,
        %swap3A_334 = vector.shape_cast %swap3A_333 : vector<1x16xf32> to vector<16xf32>
        %swap3A_335 = vector.shape_cast %mul3A_330 : vector<16xf32> to vector<1x16xf32>
        tpu.vector_store %arg21[%swap3A_331, %swap3A_332], %swap3A_335 {strides = array<i32>} : memref<96x128xf32, #tpu.memory_space<vmem>>, vector<1x16xf32>,
        %slice3A_336 = vector.extract_strided_slice %exp3A {offsets = [1], sizes = [1], strides = [1]} : vector<16xf32> to vector<1xf32>
        %squeeze3A_337 = vector.extract %slice3A_336[0] : f32 from vector<1xf32>
        %broadcast_in_dim3A_338 = vector.broadcast %squeeze3A_337 : f32 to vector<16xf32>
        %get3A_339 = arith.index_cast %scan3A_294 : i32 to index
        %get3A_340 = arith.constant 32 : index
        %get3A_341 = tpu.vector_load %arg21[%get3A_339, %get3A_340] {strides = array<i32>} : memref<96x128xf32, #tpu.memory_space<vmem>>, vector<1x16xf32>,
        %get3A_342 = vector.shape_cast %get3A_341 : vector<1x16xf32> to vector<16xf32>
        %mul3A_343 = arith.mulf %get3A_342, %broadcast_in_dim3A_338 : vector<16xf32>
        %swap3A_344 = arith.index_cast %scan3A_294 : i32 to index
        %swap3A_345 = arith.constant 32 : index
        %swap3A_346 = tpu.vector_load %arg21[%swap3A_344, %swap3A_345] {strides = array<i32>} : memref<96x128xf32, #tpu.memory_space<vmem>>, vector<1x16xf32>,
        %swap3A_347 = vector.shape_cast %swap3A_346 : vector<1x16xf32> to vector<16xf32>
        %swap3A_348 = vector.shape_cast %mul3A_343 : vector<16xf32> to vector<1x16xf32>
        tpu.vector_store %arg21[%swap3A_344, %swap3A_345], %swap3A_348 {strides = array<i32>} : memref<96x128xf32, #tpu.memory_space<vmem>>, vector<1x16xf32>,
        %get3A_349 = arith.index_cast %scan3A_294 : i32 to index
        %get3A_350 = arith.constant 48 : index
        %get3A_351 = tpu.vector_load %arg21[%get3A_349, %get3A_350] {strides = array<i32>} : memref<96x128xf32, #tpu.memory_space<vmem>>, vector<1x16xf32>,
        %get3A_352 = vector.shape_cast %get3A_351 : vector<1x16xf32> to vector<16xf32>
        %mul3A_353 = arith.mulf %get3A_352, %broadcast_in_dim3A_338 : vector<16xf32>
        %swap3A_354 = arith.index_cast %scan3A_294 : i32 to index
        %swap3A_355 = arith.constant 48 : index
        %swap3A_356 = tpu.vector_load %arg21[%swap3A_354, %swap3A_355] {strides = array<i32>} : memref<96x128xf32, #tpu.memory_space<vmem>>, vector<1x16xf32>,
        %swap3A_357 = vector.shape_cast %swap3A_356 : vector<1x16xf32> to vector<16xf32>
        %swap3A_358 = vector.shape_cast %mul3A_353 : vector<16xf32> to vector<1x16xf32>
        tpu.vector_store %arg21[%swap3A_354, %swap3A_355], %swap3A_358 {strides = array<i32>} : memref<96x128xf32, #tpu.memory_space<vmem>>, vector<1x16xf32>,
        %slice3A_359 = vector.extract_strided_slice %exp3A {offsets = [2], sizes = [1], strides = [1]} : vector<16xf32> to vector<1xf32>
        %squeeze3A_360 = vector.extract %slice3A_359[0] : f32 from vector<1xf32>
        %broadcast_in_dim3A_361 = vector.broadcast %squeeze3A_360 : f32 to vector<16xf32>
        %get3A_362 = arith.index_cast %scan3A_294 : i32 to index
        %get3A_363 = arith.constant 64 : index
        %get3A_364 = tpu.vector_load %arg21[%get3A_362, %get3A_363] {strides = array<i32>} : memref<96x128xf32, #tpu.memory_space<vmem>>, vector<1x16xf32>,
        %get3A_365 = vector.shape_cast %get3A_364 : vector<1x16xf32> to vector<16xf32>
        %mul3A_366 = arith.mulf %get3A_365, %broadcast_in_dim3A_361 : vector<16xf32>
        %swap3A_367 = arith.index_cast %scan3A_294 : i32 to index
        %swap3A_368 = arith.constant 64 : index
        %swap3A_369 = tpu.vector_load %arg21[%swap3A_367, %swap3A_368] {strides = array<i32>} : memref<96x128xf32, #tpu.memory_space<vmem>>, vector<1x16xf32>,
        %swap3A_370 = vector.shape_cast %swap3A_369 : vector<1x16xf32> to vector<16xf32>
        %swap3A_371 = vector.shape_cast %mul3A_366 : vector<16xf32> to vector<1x16xf32>
        tpu.vector_store %arg21[%swap3A_367, %swap3A_368], %swap3A_371 {strides = array<i32>} : memref<96x128xf32, #tpu.memory_space<vmem>>, vector<1x16xf32>,
        %get3A_372 = arith.index_cast %scan3A_294 : i32 to index
        %get3A_373 = arith.constant 80 : index
        %get3A_374 = tpu.vector_load %arg21[%get3A_372, %get3A_373] {strides = array<i32>} : memref<96x128xf32, #tpu.memory_space<vmem>>, vector<1x16xf32>,
        %get3A_375 = vector.shape_cast %get3A_374 : vector<1x16xf32> to vector<16xf32>
        %mul3A_376 = arith.mulf %get3A_375, %broadcast_in_dim3A_361 : vector<16xf32>
        %swap3A_377 = arith.index_cast %scan3A_294 : i32 to index
        %swap3A_378 = arith.constant 80 : index
        %swap3A_379 = tpu.vector_load %arg21[%swap3A_377, %swap3A_378] {strides = array<i32>} : memref<96x128xf32, #tpu.memory_space<vmem>>, vector<1x16xf32>,
        %swap3A_380 = vector.shape_cast %swap3A_379 : vector<1x16xf32> to vector<16xf32>
        %swap3A_381 = vector.shape_cast %mul3A_376 : vector<16xf32> to vector<1x16xf32>
        tpu.vector_store %arg21[%swap3A_377, %swap3A_378], %swap3A_381 {strides = array<i32>} : memref<96x128xf32, #tpu.memory_space<vmem>>, vector<1x16xf32>,
        %slice3A_382 = vector.extract_strided_slice %exp3A {offsets = [3], sizes = [1], strides = [1]} : vector<16xf32> to vector<1xf32>
        %squeeze3A_383 = vector.extract %slice3A_382[0] : f32 from vector<1xf32>
        %broadcast_in_dim3A_384 = vector.broadcast %squeeze3A_383 : f32 to vector<16xf32>
        %get3A_385 = arith.index_cast %scan3A_294 : i32 to index
        %get3A_386 = arith.constant 96 : index
        %get3A_387 = tpu.vector_load %arg21[%get3A_385, %get3A_386] {strides = array<i32>} : memref<96x128xf32, #tpu.memory_space<vmem>>, vector<1x16xf32>,
        %get3A_388 = vector.shape_cast %get3A_387 : vector<1x16xf32> to vector<16xf32>
        %mul3A_389 = arith.mulf %get3A_388, %broadcast_in_dim3A_384 : vector<16xf32>
        %swap3A_390 = arith.index_cast %scan3A_294 : i32 to index
        %swap3A_391 = arith.constant 96 : index
        %swap3A_392 = tpu.vector_load %arg21[%swap3A_390, %swap3A_391] {strides = array<i32>} : memref<96x128xf32, #tpu.memory_space<vmem>>, vector<1x16xf32>,
        %swap3A_393 = vector.shape_cast %swap3A_392 : vector<1x16xf32> to vector<16xf32>
        %swap3A_394 = vector.shape_cast %mul3A_389 : vector<16xf32> to vector<1x16xf32>
        tpu.vector_store %arg21[%swap3A_390, %swap3A_391], %swap3A_394 {strides = array<i32>} : memref<96x128xf32, #tpu.memory_space<vmem>>, vector<1x16xf32>,
        %get3A_395 = arith.index_cast %scan3A_294 : i32 to index
        %get3A_396 = arith.constant 112 : index
        %get3A_397 = tpu.vector_load %arg21[%get3A_395, %get3A_396] {strides = array<i32>} : memref<96x128xf32, #tpu.memory_space<vmem>>, vector<1x16xf32>,
        %get3A_398 = vector.shape_cast %get3A_397 : vector<1x16xf32> to vector<16xf32>
        %mul3A_399 = arith.mulf %get3A_398, %broadcast_in_dim3A_384 : vector<16xf32>
        %swap3A_400 = arith.index_cast %scan3A_294 : i32 to index
        %swap3A_401 = arith.constant 112 : index
        %swap3A_402 = tpu.vector_load %arg21[%swap3A_400, %swap3A_401] {strides = array<i32>} : memref<96x128xf32, #tpu.memory_space<vmem>>, vector<1x16xf32>,
        %swap3A_403 = vector.shape_cast %swap3A_402 : vector<1x16xf32> to vector<16xf32>
        %swap3A_404 = vector.shape_cast %mul3A_399 : vector<16xf32> to vector<1x16xf32>
        tpu.vector_store %arg21[%swap3A_400, %swap3A_401], %swap3A_404 {strides = array<i32>} : memref<96x128xf32, #tpu.memory_space<vmem>>, vector<1x16xf32>,
      }
      %scan3A_244 = arith.constant 96 : i32
      %run_scoped3A_245 = arith.constant 1 : i32
      "tpu.region"() ({
        %run_scoped3A_294 = tpu.sem_alloc : memref<!tpu.dma_semaphore, #tpu.memory_space<semaphore_mem>>
        %dma_start3A_295 = arith.constant 0 : i32
        %dma_start3A_296 = tpu.memref_slice %arg15[%run_scoped3A_245, %dma_start3A_295] : memref<2x96xi32, #tpu.memory_space<vmem>> -> memref<1x96xi32, #tpu.memory_space<vmem>>
        %dma_start3A_297 = tpu.memref_squeeze %dma_start3A_296 : memref<1x96xi32, #tpu.memory_space<vmem>> -> memref<96xi32, #tpu.memory_space<vmem>>
        %dma_start3A_298 = arith.constant 0 : i32
        %dma_start3A_299 = arith.constant 0 : i32
        %dma_start3A_300 = tpu.memref_slice %arg9[%dma_start3A_298, %dma_start3A_299] : memref<10240x128xf32, #tpu.memory_space<vmem_shared>> -> memref<10240x128xf32, #tpu.memory_space<vmem_shared>>
        tpu.enqueue_indirect_dma source(%arg21 : memref<96x128xf32, #tpu.memory_space<vmem>>) target(%dma_start3A_300 : memref<10240x128xf32, #tpu.memory_space<vmem_shared>>) offsets(%dma_start3A_297 : memref<96xi32, #tpu.memory_space<vmem>>) semaphore(%run_scoped3A_294 : memref<!tpu.dma_semaphore, #tpu.memory_space<semaphore_mem>>) {add = true}
        %dma_wait3A_301 = arith.constant 0 : i32
        %dma_wait3A_302 = tpu.memref_slice %arg15[%run_scoped3A_245, %dma_wait3A_301] : memref<2x96xi32, #tpu.memory_space<vmem>> -> memref<1x96xi32, #tpu.memory_space<vmem>>
        %dma_wait3A_303 = tpu.memref_squeeze %dma_wait3A_302 : memref<1x96xi32, #tpu.memory_space<vmem>> -> memref<96xi32, #tpu.memory_space<vmem>>
        %dma_wait3A_304 = arith.constant 0 : i32
        %dma_wait3A_305 = arith.constant 0 : i32
        %dma_wait3A_306 = tpu.memref_slice %arg9[%dma_wait3A_304, %dma_wait3A_305] : memref<10240x128xf32, #tpu.memory_space<vmem_shared>> -> memref<10240x128xf32, #tpu.memory_space<vmem_shared>>
        tpu.wait_indirect_dma semaphore(%run_scoped3A_294 : memref<!tpu.dma_semaphore, #tpu.memory_space<semaphore_mem>>) src(%arg21 : memref<96x128xf32, #tpu.memory_space<vmem>>) dst(%dma_wait3A_306 : memref<10240x128xf32, #tpu.memory_space<vmem_shared>>)
        tpu.yield
      }) : () -> ()
      %run_scoped3A_246 = arith.constant 1 : i32
      "tpu.region"() ({
        %run_scoped3A_294 = tpu.sem_alloc : memref<!tpu.dma_semaphore, #tpu.memory_space<semaphore_mem>>
        %dma_start3A_295 = arith.constant 0 : i32
        %dma_start3A_296 = tpu.memref_slice %arg15[%run_scoped3A_246, %dma_start3A_295] : memref<2x96xi32, #tpu.memory_space<vmem>> -> memref<1x96xi32, #tpu.memory_space<vmem>>
        %dma_start3A_297 = tpu.memref_squeeze %dma_start3A_296 : memref<1x96xi32, #tpu.memory_space<vmem>> -> memref<96xi32, #tpu.memory_space<vmem>>
        %dma_start3A_298 = arith.constant 0 : i32
        %dma_start3A_299 = arith.constant 0 : i32
        %dma_start3A_300 = tpu.memref_slice %arg10[%dma_start3A_298, %dma_start3A_299] : memref<10240x16xf32, #tpu.memory_space<vmem_shared>> -> memref<10240x16xf32, #tpu.memory_space<vmem_shared>>
        tpu.enqueue_indirect_dma source(%arg23 : memref<96x16xf32, #tpu.memory_space<vmem>>) target(%dma_start3A_300 : memref<10240x16xf32, #tpu.memory_space<vmem_shared>>) offsets(%dma_start3A_297 : memref<96xi32, #tpu.memory_space<vmem>>) semaphore(%run_scoped3A_294 : memref<!tpu.dma_semaphore, #tpu.memory_space<semaphore_mem>>) {add = true}
        %dma_wait3A_301 = arith.constant 0 : i32
        %dma_wait3A_302 = tpu.memref_slice %arg15[%run_scoped3A_246, %dma_wait3A_301] : memref<2x96xi32, #tpu.memory_space<vmem>> -> memref<1x96xi32, #tpu.memory_space<vmem>>
        %dma_wait3A_303 = tpu.memref_squeeze %dma_wait3A_302 : memref<1x96xi32, #tpu.memory_space<vmem>> -> memref<96xi32, #tpu.memory_space<vmem>>
        %dma_wait3A_304 = arith.constant 0 : i32
        %dma_wait3A_305 = arith.constant 0 : i32
        %dma_wait3A_306 = tpu.memref_slice %arg10[%dma_wait3A_304, %dma_wait3A_305] : memref<10240x16xf32, #tpu.memory_space<vmem_shared>> -> memref<10240x16xf32, #tpu.memory_space<vmem_shared>>
        tpu.wait_indirect_dma semaphore(%run_scoped3A_294 : memref<!tpu.dma_semaphore, #tpu.memory_space<semaphore_mem>>) src(%arg23 : memref<96x16xf32, #tpu.memory_space<vmem>>) dst(%dma_wait3A_306 : memref<10240x16xf32, #tpu.memory_space<vmem_shared>>)
        tpu.yield
      }) : () -> ()
      %mul3A_247 = arith.constant 4 : i32
      %mul3A_248 = arith.muli %mul3A_247, %scan3A_109 : i32
      %add3A_249 = arith.constant 3 : i32
      %add3A_250 = arith.addi %mul3A_248, %add3A_249 : i32
      %add3A_251 = arith.constant 1 : i32
      %add3A_252 = arith.addi %add3A_250, %add3A_251 : i32
      %lt3A_253 = arith.constant 108 : i32
      %lt3A_254 = arith.cmpi slt, %add3A_252, %lt3A_253 : i32
      %convert_element_type3A_255 = arith.extui %lt3A_254 : i1 to i32
      %cond3A_256 = arith.constant 0 : i32
      %cond3A_257 = arith.cmpi ne, %convert_element_type3A_255, %cond3A_256 : i32
      scf.if %cond3A_257 {
        %add3A_294 = arith.constant 1 : i32
        %add3A_295 = arith.addi %add3A_250, %add3A_294 : i32
        %add3A_296 = arith.addi %mul3A_2, %add3A_295 : i32
        %mul3A_297 = arith.constant 2 : i32
        %mul3A_298 = arith.muli %mul3A_297, %add3A_296 : i32
        %dma_wait3A_299 = arith.constant 0 : i32
        %dma_wait3A_300 = tpu.memref_slice %arg6[%mul3A_298, %dma_wait3A_299] : memref<6912x96xi32, #tpu.memory_space<hbm>> -> memref<2x96xi32, #tpu.memory_space<hbm>>
        %dma_wait3A_301 = arith.constant 0 : i32
        %dma_wait3A_302 = tpu.memref_slice %arg6[%mul3A_298, %dma_wait3A_301] : memref<6912x96xi32, #tpu.memory_space<hbm>> -> memref<2x96xi32, #tpu.memory_space<hbm>>
        tpu.wait_dma2 semaphore(%arg26 : memref<!tpu.dma_semaphore, #tpu.memory_space<semaphore_mem>>) src(%dma_wait3A_302 : memref<2x96xi32, #tpu.memory_space<hbm>>) dst(%arg13 : memref<2x96xi32, #tpu.memory_space<vmem>>)
        %dma_start3A_303 = arith.constant 0 : i32
        %dma_start3A_304 = arith.constant 0 : i32
        %dma_start3A_305 = tpu.memref_slice %arg13[%dma_start3A_303, %dma_start3A_304] : memref<2x96xi32, #tpu.memory_space<vmem>> -> memref<1x96xi32, #tpu.memory_space<vmem>>
        %dma_start3A_306 = tpu.memref_squeeze %dma_start3A_305 : memref<1x96xi32, #tpu.memory_space<vmem>> -> memref<96xi32, #tpu.memory_space<vmem>>
        %dma_start3A_307 = arith.constant 0 : i32
        %dma_start3A_308 = arith.constant 0 : i32
        %dma_start3A_309 = tpu.memref_slice %arg3[%dma_start3A_307, %dma_start3A_308] : memref<10240x16xf32, #tpu.memory_space<hbm>> -> memref<10240x16xf32, #tpu.memory_space<hbm>>
        tpu.enqueue_indirect_dma source(%dma_start3A_309 : memref<10240x16xf32, #tpu.memory_space<hbm>>) target(%arg17 : memref<96x16xf32, #tpu.memory_space<vmem>>) offsets(%dma_start3A_306 : memref<96xi32, #tpu.memory_space<vmem>>) semaphore(%arg24 : memref<!tpu.dma_semaphore, #tpu.memory_space<semaphore_mem>>)
        %dma_start3A_310 = arith.constant 1 : i32
        %dma_start3A_311 = arith.constant 0 : i32
        %dma_start3A_312 = tpu.memref_slice %arg13[%dma_start3A_310, %dma_start3A_311] : memref<2x96xi32, #tpu.memory_space<vmem>> -> memref<1x96xi32, #tpu.memory_space<vmem>>
        %dma_start3A_313 = tpu.memref_squeeze %dma_start3A_312 : memref<1x96xi32, #tpu.memory_space<vmem>> -> memref<96xi32, #tpu.memory_space<vmem>>
        %dma_start3A_314 = arith.constant 0 : i32
        %dma_start3A_315 = arith.constant 0 : i32
        %dma_start3A_316 = tpu.memref_slice %arg4[%dma_start3A_314, %dma_start3A_315] : memref<10240x16xf32, #tpu.memory_space<hbm>> -> memref<10240x16xf32, #tpu.memory_space<hbm>>
        tpu.enqueue_indirect_dma source(%dma_start3A_316 : memref<10240x16xf32, #tpu.memory_space<hbm>>) target(%arg19 : memref<96x16xf32, #tpu.memory_space<vmem>>) offsets(%dma_start3A_313 : memref<96xi32, #tpu.memory_space<vmem>>) semaphore(%arg24 : memref<!tpu.dma_semaphore, #tpu.memory_space<semaphore_mem>>)
        %dma_start3A_317 = arith.constant 0 : i32
        %dma_start3A_318 = arith.constant 0 : i32
        %dma_start3A_319 = tpu.memref_slice %arg13[%dma_start3A_317, %dma_start3A_318] : memref<2x96xi32, #tpu.memory_space<vmem>> -> memref<1x96xi32, #tpu.memory_space<vmem>>
        %dma_start3A_320 = tpu.memref_squeeze %dma_start3A_319 : memref<1x96xi32, #tpu.memory_space<vmem>> -> memref<96xi32, #tpu.memory_space<vmem>>
        %dma_start3A_321 = arith.constant 0 : i32
        %dma_start3A_322 = arith.constant 0 : i32
        %dma_start3A_323 = tpu.memref_slice %arg2[%dma_start3A_321, %dma_start3A_322] : memref<10240x128xf32, #tpu.memory_space<hbm>> -> memref<10240x128xf32, #tpu.memory_space<hbm>>
        tpu.enqueue_indirect_dma source(%dma_start3A_323 : memref<10240x128xf32, #tpu.memory_space<hbm>>) target(%arg21 : memref<96x128xf32, #tpu.memory_space<vmem>>) offsets(%dma_start3A_320 : memref<96xi32, #tpu.memory_space<vmem>>) semaphore(%arg24 : memref<!tpu.dma_semaphore, #tpu.memory_space<semaphore_mem>>)
      } else {
      }
      %add3A_258 = arith.constant 3 : i32
      %add3A_259 = arith.addi %add3A_250, %add3A_258 : i32
      %lt3A_260 = arith.constant 108 : i32
      %lt3A_261 = arith.cmpi slt, %add3A_259, %lt3A_260 : i32
      %convert_element_type3A_262 = arith.extui %lt3A_261 : i1 to i32
      %cond3A_263 = arith.constant 0 : i32
      %cond3A_264 = arith.cmpi ne, %convert_element_type3A_262, %cond3A_263 : i32
      scf.if %cond3A_264 {
        %add3A_294 = arith.constant 3 : i32
        %add3A_295 = arith.addi %add3A_250, %add3A_294 : i32
        %add3A_296 = arith.addi %mul3A_2, %add3A_295 : i32
        %mul3A_297 = arith.constant 2 : i32
        %mul3A_298 = arith.muli %mul3A_297, %add3A_296 : i32
        %dma_start3A_299 = arith.constant 0 : i32
        %dma_start3A_300 = tpu.memref_slice %arg6[%mul3A_298, %dma_start3A_299] : memref<6912x96xi32, #tpu.memory_space<hbm>> -> memref<2x96xi32, #tpu.memory_space<hbm>>
        %dma_start3A_301 = arith.constant 0 : i32
        %dma_start3A_302 = tpu.memref_slice %arg6[%mul3A_298, %dma_start3A_301] : memref<6912x96xi32, #tpu.memory_space<hbm>> -> memref<2x96xi32, #tpu.memory_space<hbm>>
        tpu.enqueue_dma source(%dma_start3A_302 : memref<2x96xi32, #tpu.memory_space<hbm>>) target(%arg15 : memref<2x96xi32, #tpu.memory_space<vmem>>) target_semaphore(%arg28 : memref<!tpu.dma_semaphore, #tpu.memory_space<semaphore_mem>>)
      } else {
      }
      %dma_wait3A_265 = arith.constant 0 : i32
      %dma_wait3A_266 = arith.constant 0 : i32
      %dma_wait3A_267 = tpu.memref_slice %arg16[%dma_wait3A_265, %dma_wait3A_266] : memref<2x96xi32, #tpu.memory_space<vmem>> -> memref<1x96xi32, #tpu.memory_space<vmem>>
      %dma_wait3A_268 = tpu.memref_squeeze %dma_wait3A_267 : memref<1x96xi32, #tpu.memory_space<vmem>> -> memref<96xi32, #tpu.memory_space<vmem>>
      %dma_wait3A_269 = arith.constant 0 : i32
      %dma_wait3A_270 = arith.constant 0 : i32
      %dma_wait3A_271 = tpu.memref_slice %arg3[%dma_wait3A_269, %dma_wait3A_270] : memref<10240x16xf32, #tpu.memory_space<hbm>> -> memref<10240x16xf32, #tpu.memory_space<hbm>>
      tpu.wait_indirect_dma semaphore(%arg25 : memref<!tpu.dma_semaphore, #tpu.memory_space<semaphore_mem>>) src(%dma_wait3A_271 : memref<10240x16xf32, #tpu.memory_space<hbm>>) dst(%arg18 : memref<96x16xf32, #tpu.memory_space<vmem>>)
      %dma_wait3A_272 = arith.constant 1 : i32
      %dma_wait3A_273 = arith.constant 0 : i32
      %dma_wait3A_274 = tpu.memref_slice %arg16[%dma_wait3A_272, %dma_wait3A_273] : memref<2x96xi32, #tpu.memory_space<vmem>> -> memref<1x96xi32, #tpu.memory_space<vmem>>
      %dma_wait3A_275 = tpu.memref_squeeze %dma_wait3A_274 : memref<1x96xi32, #tpu.memory_space<vmem>> -> memref<96xi32, #tpu.memory_space<vmem>>
      %dma_wait3A_276 = arith.constant 0 : i32
      %dma_wait3A_277 = arith.constant 0 : i32
      %dma_wait3A_278 = tpu.memref_slice %arg4[%dma_wait3A_276, %dma_wait3A_277] : memref<10240x16xf32, #tpu.memory_space<hbm>> -> memref<10240x16xf32, #tpu.memory_space<hbm>>
      tpu.wait_indirect_dma semaphore(%arg25 : memref<!tpu.dma_semaphore, #tpu.memory_space<semaphore_mem>>) src(%dma_wait3A_278 : memref<10240x16xf32, #tpu.memory_space<hbm>>) dst(%arg20 : memref<96x16xf32, #tpu.memory_space<vmem>>)
      %dma_wait3A_279 = arith.constant 0 : i32
      %dma_wait3A_280 = arith.constant 0 : i32
      %dma_wait3A_281 = tpu.memref_slice %arg16[%dma_wait3A_279, %dma_wait3A_280] : memref<2x96xi32, #tpu.memory_space<vmem>> -> memref<1x96xi32, #tpu.memory_space<vmem>>
      %dma_wait3A_282 = tpu.memref_squeeze %dma_wait3A_281 : memref<1x96xi32, #tpu.memory_space<vmem>> -> memref<96xi32, #tpu.memory_space<vmem>>
      %dma_wait3A_283 = arith.constant 0 : i32
      %dma_wait3A_284 = arith.constant 0 : i32
      %dma_wait3A_285 = tpu.memref_slice %arg2[%dma_wait3A_283, %dma_wait3A_284] : memref<10240x128xf32, #tpu.memory_space<hbm>> -> memref<10240x128xf32, #tpu.memory_space<hbm>>
      tpu.wait_indirect_dma semaphore(%arg25 : memref<!tpu.dma_semaphore, #tpu.memory_space<semaphore_mem>>) src(%dma_wait3A_285 : memref<10240x128xf32, #tpu.memory_space<hbm>>) dst(%arg22 : memref<96x128xf32, #tpu.memory_space<vmem>>)
      %scan3A_286 = arith.constant 0 : i32
      %scan3A_287 = arith.constant 0 : i32
      %scan3A_288 = arith.constant 96 : i32
      %scan3A_289 = arith.addi %scan3A_287, %scan3A_288 : i32
      %scan3A_290 = arith.constant 1 : i32
      scf.for %scan3A_294 = %scan3A_287 to %scan3A_289 step %scan3A_290  : i32 {
        %get3A_295 = arith.index_cast %scan3A_294 : i32 to index
        %get3A_296 = arith.constant 0 : index
        %get3A_297 = tpu.vector_load %arg18[%get3A_295, %get3A_296] {strides = array<i32>} : memref<96x16xf32, #tpu.memory_space<vmem>>, vector<1x16xf32>,
        %get3A_298 = vector.shape_cast %get3A_297 : vector<1x16xf32> to vector<16xf32>
        %get3A_299 = arith.index_cast %scan3A_294 : i32 to index
        %get3A_300 = arith.constant 0 : index
        %get3A_301 = tpu.vector_load %arg20[%get3A_299, %get3A_300] {strides = array<i32>} : memref<96x16xf32, #tpu.memory_space<vmem>>, vector<1x16xf32>,
        %get3A_302 = vector.shape_cast %get3A_301 : vector<1x16xf32> to vector<16xf32>
        %add3A_303 = arith.addf %get3A_298, %get3A_302 : vector<16xf32>
        %gt3A_304 = arith.constant 0.000000e+00 : f32
        %gt3A_305 = vector.broadcast %gt3A_304 : f32 to vector<16xf32>
        %gt3A_306 = arith.cmpf ogt, %add3A_303, %gt3A_305 : vector<16xf32>
        %mul3A_307 = arith.constant 2.000000e-01 : f32
        %mul3A_308 = vector.broadcast %mul3A_307 : f32 to vector<16xf32>
        %mul3A_309 = arith.mulf %mul3A_308, %add3A_303 : vector<16xf32>
        %select_n3A_310 = arith.select %gt3A_306, %add3A_303, %mul3A_309 : vector<16xi1>, vector<16xf32>
        %sub3A = arith.subf %select_n3A_310, %select_n3A : vector<16xf32>
        %exp3A = math.exp %sub3A : vector<16xf32>
        %swap3A = arith.index_cast %scan3A_294 : i32 to index
        %swap3A_311 = arith.constant 0 : index
        %swap3A_312 = tpu.vector_load %arg23[%swap3A, %swap3A_311] {strides = array<i32>} : memref<96x16xf32, #tpu.memory_space<vmem>>, vector<1x16xf32>,
        %swap3A_313 = vector.shape_cast %swap3A_312 : vector<1x16xf32> to vector<16xf32>
        %swap3A_314 = vector.shape_cast %exp3A : vector<16xf32> to vector<1x16xf32>
        tpu.vector_store %arg23[%swap3A, %swap3A_311], %swap3A_314 {strides = array<i32>} : memref<96x16xf32, #tpu.memory_space<vmem>>, vector<1x16xf32>,
        %slice3A = vector.extract_strided_slice %exp3A {offsets = [0], sizes = [1], strides = [1]} : vector<16xf32> to vector<1xf32>
        %squeeze3A = vector.extract %slice3A[0] : f32 from vector<1xf32>
        %broadcast_in_dim3A_315 = vector.broadcast %squeeze3A : f32 to vector<16xf32>
        %get3A_316 = arith.index_cast %scan3A_294 : i32 to index
        %get3A_317 = arith.constant 0 : index
        %get3A_318 = tpu.vector_load %arg22[%get3A_316, %get3A_317] {strides = array<i32>} : memref<96x128xf32, #tpu.memory_space<vmem>>, vector<1x16xf32>,
        %get3A_319 = vector.shape_cast %get3A_318 : vector<1x16xf32> to vector<16xf32>
        %mul3A_320 = arith.mulf %get3A_319, %broadcast_in_dim3A_315 : vector<16xf32>
        %swap3A_321 = arith.index_cast %scan3A_294 : i32 to index
        %swap3A_322 = arith.constant 0 : index
        %swap3A_323 = tpu.vector_load %arg22[%swap3A_321, %swap3A_322] {strides = array<i32>} : memref<96x128xf32, #tpu.memory_space<vmem>>, vector<1x16xf32>,
        %swap3A_324 = vector.shape_cast %swap3A_323 : vector<1x16xf32> to vector<16xf32>
        %swap3A_325 = vector.shape_cast %mul3A_320 : vector<16xf32> to vector<1x16xf32>
        tpu.vector_store %arg22[%swap3A_321, %swap3A_322], %swap3A_325 {strides = array<i32>} : memref<96x128xf32, #tpu.memory_space<vmem>>, vector<1x16xf32>,
        %get3A_326 = arith.index_cast %scan3A_294 : i32 to index
        %get3A_327 = arith.constant 16 : index
        %get3A_328 = tpu.vector_load %arg22[%get3A_326, %get3A_327] {strides = array<i32>} : memref<96x128xf32, #tpu.memory_space<vmem>>, vector<1x16xf32>,
        %get3A_329 = vector.shape_cast %get3A_328 : vector<1x16xf32> to vector<16xf32>
        %mul3A_330 = arith.mulf %get3A_329, %broadcast_in_dim3A_315 : vector<16xf32>
        %swap3A_331 = arith.index_cast %scan3A_294 : i32 to index
        %swap3A_332 = arith.constant 16 : index
        %swap3A_333 = tpu.vector_load %arg22[%swap3A_331, %swap3A_332] {strides = array<i32>} : memref<96x128xf32, #tpu.memory_space<vmem>>, vector<1x16xf32>,
        %swap3A_334 = vector.shape_cast %swap3A_333 : vector<1x16xf32> to vector<16xf32>
        %swap3A_335 = vector.shape_cast %mul3A_330 : vector<16xf32> to vector<1x16xf32>
        tpu.vector_store %arg22[%swap3A_331, %swap3A_332], %swap3A_335 {strides = array<i32>} : memref<96x128xf32, #tpu.memory_space<vmem>>, vector<1x16xf32>,
        %slice3A_336 = vector.extract_strided_slice %exp3A {offsets = [1], sizes = [1], strides = [1]} : vector<16xf32> to vector<1xf32>
        %squeeze3A_337 = vector.extract %slice3A_336[0] : f32 from vector<1xf32>
        %broadcast_in_dim3A_338 = vector.broadcast %squeeze3A_337 : f32 to vector<16xf32>
        %get3A_339 = arith.index_cast %scan3A_294 : i32 to index
        %get3A_340 = arith.constant 32 : index
        %get3A_341 = tpu.vector_load %arg22[%get3A_339, %get3A_340] {strides = array<i32>} : memref<96x128xf32, #tpu.memory_space<vmem>>, vector<1x16xf32>,
        %get3A_342 = vector.shape_cast %get3A_341 : vector<1x16xf32> to vector<16xf32>
        %mul3A_343 = arith.mulf %get3A_342, %broadcast_in_dim3A_338 : vector<16xf32>
        %swap3A_344 = arith.index_cast %scan3A_294 : i32 to index
        %swap3A_345 = arith.constant 32 : index
        %swap3A_346 = tpu.vector_load %arg22[%swap3A_344, %swap3A_345] {strides = array<i32>} : memref<96x128xf32, #tpu.memory_space<vmem>>, vector<1x16xf32>,
        %swap3A_347 = vector.shape_cast %swap3A_346 : vector<1x16xf32> to vector<16xf32>
        %swap3A_348 = vector.shape_cast %mul3A_343 : vector<16xf32> to vector<1x16xf32>
        tpu.vector_store %arg22[%swap3A_344, %swap3A_345], %swap3A_348 {strides = array<i32>} : memref<96x128xf32, #tpu.memory_space<vmem>>, vector<1x16xf32>,
        %get3A_349 = arith.index_cast %scan3A_294 : i32 to index
        %get3A_350 = arith.constant 48 : index
        %get3A_351 = tpu.vector_load %arg22[%get3A_349, %get3A_350] {strides = array<i32>} : memref<96x128xf32, #tpu.memory_space<vmem>>, vector<1x16xf32>,
        %get3A_352 = vector.shape_cast %get3A_351 : vector<1x16xf32> to vector<16xf32>
        %mul3A_353 = arith.mulf %get3A_352, %broadcast_in_dim3A_338 : vector<16xf32>
        %swap3A_354 = arith.index_cast %scan3A_294 : i32 to index
        %swap3A_355 = arith.constant 48 : index
        %swap3A_356 = tpu.vector_load %arg22[%swap3A_354, %swap3A_355] {strides = array<i32>} : memref<96x128xf32, #tpu.memory_space<vmem>>, vector<1x16xf32>,
        %swap3A_357 = vector.shape_cast %swap3A_356 : vector<1x16xf32> to vector<16xf32>
        %swap3A_358 = vector.shape_cast %mul3A_353 : vector<16xf32> to vector<1x16xf32>
        tpu.vector_store %arg22[%swap3A_354, %swap3A_355], %swap3A_358 {strides = array<i32>} : memref<96x128xf32, #tpu.memory_space<vmem>>, vector<1x16xf32>,
        %slice3A_359 = vector.extract_strided_slice %exp3A {offsets = [2], sizes = [1], strides = [1]} : vector<16xf32> to vector<1xf32>
        %squeeze3A_360 = vector.extract %slice3A_359[0] : f32 from vector<1xf32>
        %broadcast_in_dim3A_361 = vector.broadcast %squeeze3A_360 : f32 to vector<16xf32>
        %get3A_362 = arith.index_cast %scan3A_294 : i32 to index
        %get3A_363 = arith.constant 64 : index
        %get3A_364 = tpu.vector_load %arg22[%get3A_362, %get3A_363] {strides = array<i32>} : memref<96x128xf32, #tpu.memory_space<vmem>>, vector<1x16xf32>,
        %get3A_365 = vector.shape_cast %get3A_364 : vector<1x16xf32> to vector<16xf32>
        %mul3A_366 = arith.mulf %get3A_365, %broadcast_in_dim3A_361 : vector<16xf32>
        %swap3A_367 = arith.index_cast %scan3A_294 : i32 to index
        %swap3A_368 = arith.constant 64 : index
        %swap3A_369 = tpu.vector_load %arg22[%swap3A_367, %swap3A_368] {strides = array<i32>} : memref<96x128xf32, #tpu.memory_space<vmem>>, vector<1x16xf32>,
        %swap3A_370 = vector.shape_cast %swap3A_369 : vector<1x16xf32> to vector<16xf32>
        %swap3A_371 = vector.shape_cast %mul3A_366 : vector<16xf32> to vector<1x16xf32>
        tpu.vector_store %arg22[%swap3A_367, %swap3A_368], %swap3A_371 {strides = array<i32>} : memref<96x128xf32, #tpu.memory_space<vmem>>, vector<1x16xf32>,
        %get3A_372 = arith.index_cast %scan3A_294 : i32 to index
        %get3A_373 = arith.constant 80 : index
        %get3A_374 = tpu.vector_load %arg22[%get3A_372, %get3A_373] {strides = array<i32>} : memref<96x128xf32, #tpu.memory_space<vmem>>, vector<1x16xf32>,
        %get3A_375 = vector.shape_cast %get3A_374 : vector<1x16xf32> to vector<16xf32>
        %mul3A_376 = arith.mulf %get3A_375, %broadcast_in_dim3A_361 : vector<16xf32>
        %swap3A_377 = arith.index_cast %scan3A_294 : i32 to index
        %swap3A_378 = arith.constant 80 : index
        %swap3A_379 = tpu.vector_load %arg22[%swap3A_377, %swap3A_378] {strides = array<i32>} : memref<96x128xf32, #tpu.memory_space<vmem>>, vector<1x16xf32>,
        %swap3A_380 = vector.shape_cast %swap3A_379 : vector<1x16xf32> to vector<16xf32>
        %swap3A_381 = vector.shape_cast %mul3A_376 : vector<16xf32> to vector<1x16xf32>
        tpu.vector_store %arg22[%swap3A_377, %swap3A_378], %swap3A_381 {strides = array<i32>} : memref<96x128xf32, #tpu.memory_space<vmem>>, vector<1x16xf32>,
        %slice3A_382 = vector.extract_strided_slice %exp3A {offsets = [3], sizes = [1], strides = [1]} : vector<16xf32> to vector<1xf32>
        %squeeze3A_383 = vector.extract %slice3A_382[0] : f32 from vector<1xf32>
        %broadcast_in_dim3A_384 = vector.broadcast %squeeze3A_383 : f32 to vector<16xf32>
        %get3A_385 = arith.index_cast %scan3A_294 : i32 to index
        %get3A_386 = arith.constant 96 : index
        %get3A_387 = tpu.vector_load %arg22[%get3A_385, %get3A_386] {strides = array<i32>} : memref<96x128xf32, #tpu.memory_space<vmem>>, vector<1x16xf32>,
        %get3A_388 = vector.shape_cast %get3A_387 : vector<1x16xf32> to vector<16xf32>
        %mul3A_389 = arith.mulf %get3A_388, %broadcast_in_dim3A_384 : vector<16xf32>
        %swap3A_390 = arith.index_cast %scan3A_294 : i32 to index
        %swap3A_391 = arith.constant 96 : index
        %swap3A_392 = tpu.vector_load %arg22[%swap3A_390, %swap3A_391] {strides = array<i32>} : memref<96x128xf32, #tpu.memory_space<vmem>>, vector<1x16xf32>,
        %swap3A_393 = vector.shape_cast %swap3A_392 : vector<1x16xf32> to vector<16xf32>
        %swap3A_394 = vector.shape_cast %mul3A_389 : vector<16xf32> to vector<1x16xf32>
        tpu.vector_store %arg22[%swap3A_390, %swap3A_391], %swap3A_394 {strides = array<i32>} : memref<96x128xf32, #tpu.memory_space<vmem>>, vector<1x16xf32>,
        %get3A_395 = arith.index_cast %scan3A_294 : i32 to index
        %get3A_396 = arith.constant 112 : index
        %get3A_397 = tpu.vector_load %arg22[%get3A_395, %get3A_396] {strides = array<i32>} : memref<96x128xf32, #tpu.memory_space<vmem>>, vector<1x16xf32>,
        %get3A_398 = vector.shape_cast %get3A_397 : vector<1x16xf32> to vector<16xf32>
        %mul3A_399 = arith.mulf %get3A_398, %broadcast_in_dim3A_384 : vector<16xf32>
        %swap3A_400 = arith.index_cast %scan3A_294 : i32 to index
        %swap3A_401 = arith.constant 112 : index
        %swap3A_402 = tpu.vector_load %arg22[%swap3A_400, %swap3A_401] {strides = array<i32>} : memref<96x128xf32, #tpu.memory_space<vmem>>, vector<1x16xf32>,
        %swap3A_403 = vector.shape_cast %swap3A_402 : vector<1x16xf32> to vector<16xf32>
        %swap3A_404 = vector.shape_cast %mul3A_399 : vector<16xf32> to vector<1x16xf32>
        tpu.vector_store %arg22[%swap3A_400, %swap3A_401], %swap3A_404 {strides = array<i32>} : memref<96x128xf32, #tpu.memory_space<vmem>>, vector<1x16xf32>,
      }
      %scan3A_291 = arith.constant 96 : i32
      %run_scoped3A_292 = arith.constant 1 : i32
      "tpu.region"() ({
        %run_scoped3A_294 = tpu.sem_alloc : memref<!tpu.dma_semaphore, #tpu.memory_space<semaphore_mem>>
        %dma_start3A_295 = arith.constant 0 : i32
        %dma_start3A_296 = tpu.memref_slice %arg16[%run_scoped3A_292, %dma_start3A_295] : memref<2x96xi32, #tpu.memory_space<vmem>> -> memref<1x96xi32, #tpu.memory_space<vmem>>
        %dma_start3A_297 = tpu.memref_squeeze %dma_start3A_296 : memref<1x96xi32, #tpu.memory_space<vmem>> -> memref<96xi32, #tpu.memory_space<vmem>>
        %dma_start3A_298 = arith.constant 0 : i32
        %dma_start3A_299 = arith.constant 0 : i32
        %dma_start3A_300 = tpu.memref_slice %arg9[%dma_start3A_298, %dma_start3A_299] : memref<10240x128xf32, #tpu.memory_space<vmem_shared>> -> memref<10240x128xf32, #tpu.memory_space<vmem_shared>>
        tpu.enqueue_indirect_dma source(%arg22 : memref<96x128xf32, #tpu.memory_space<vmem>>) target(%dma_start3A_300 : memref<10240x128xf32, #tpu.memory_space<vmem_shared>>) offsets(%dma_start3A_297 : memref<96xi32, #tpu.memory_space<vmem>>) semaphore(%run_scoped3A_294 : memref<!tpu.dma_semaphore, #tpu.memory_space<semaphore_mem>>) {add = true}
        %dma_wait3A_301 = arith.constant 0 : i32
        %dma_wait3A_302 = tpu.memref_slice %arg16[%run_scoped3A_292, %dma_wait3A_301] : memref<2x96xi32, #tpu.memory_space<vmem>> -> memref<1x96xi32, #tpu.memory_space<vmem>>
        %dma_wait3A_303 = tpu.memref_squeeze %dma_wait3A_302 : memref<1x96xi32, #tpu.memory_space<vmem>> -> memref<96xi32, #tpu.memory_space<vmem>>
        %dma_wait3A_304 = arith.constant 0 : i32
        %dma_wait3A_305 = arith.constant 0 : i32
        %dma_wait3A_306 = tpu.memref_slice %arg9[%dma_wait3A_304, %dma_wait3A_305] : memref<10240x128xf32, #tpu.memory_space<vmem_shared>> -> memref<10240x128xf32, #tpu.memory_space<vmem_shared>>
        tpu.wait_indirect_dma semaphore(%run_scoped3A_294 : memref<!tpu.dma_semaphore, #tpu.memory_space<semaphore_mem>>) src(%arg22 : memref<96x128xf32, #tpu.memory_space<vmem>>) dst(%dma_wait3A_306 : memref<10240x128xf32, #tpu.memory_space<vmem_shared>>)
        tpu.yield
      }) : () -> ()
      %run_scoped3A_293 = arith.constant 1 : i32
      "tpu.region"() ({
        %run_scoped3A_294 = tpu.sem_alloc : memref<!tpu.dma_semaphore, #tpu.memory_space<semaphore_mem>>
        %dma_start3A_295 = arith.constant 0 : i32
        %dma_start3A_296 = tpu.memref_slice %arg16[%run_scoped3A_293, %dma_start3A_295] : memref<2x96xi32, #tpu.memory_space<vmem>> -> memref<1x96xi32, #tpu.memory_space<vmem>>
        %dma_start3A_297 = tpu.memref_squeeze %dma_start3A_296 : memref<1x96xi32, #tpu.memory_space<vmem>> -> memref<96xi32, #tpu.memory_space<vmem>>
        %dma_start3A_298 = arith.constant 0 : i32
        %dma_start3A_299 = arith.constant 0 : i32
        %dma_start3A_300 = tpu.memref_slice %arg10[%dma_start3A_298, %dma_start3A_299] : memref<10240x16xf32, #tpu.memory_space<vmem_shared>> -> memref<10240x16xf32, #tpu.memory_space<vmem_shared>>
        tpu.enqueue_indirect_dma source(%arg23 : memref<96x16xf32, #tpu.memory_space<vmem>>) target(%dma_start3A_300 : memref<10240x16xf32, #tpu.memory_space<vmem_shared>>) offsets(%dma_start3A_297 : memref<96xi32, #tpu.memory_space<vmem>>) semaphore(%run_scoped3A_294 : memref<!tpu.dma_semaphore, #tpu.memory_space<semaphore_mem>>) {add = true}
        %dma_wait3A_301 = arith.constant 0 : i32
        %dma_wait3A_302 = tpu.memref_slice %arg16[%run_scoped3A_293, %dma_wait3A_301] : memref<2x96xi32, #tpu.memory_space<vmem>> -> memref<1x96xi32, #tpu.memory_space<vmem>>
        %dma_wait3A_303 = tpu.memref_squeeze %dma_wait3A_302 : memref<1x96xi32, #tpu.memory_space<vmem>> -> memref<96xi32, #tpu.memory_space<vmem>>
        %dma_wait3A_304 = arith.constant 0 : i32
        %dma_wait3A_305 = arith.constant 0 : i32
        %dma_wait3A_306 = tpu.memref_slice %arg10[%dma_wait3A_304, %dma_wait3A_305] : memref<10240x16xf32, #tpu.memory_space<vmem_shared>> -> memref<10240x16xf32, #tpu.memory_space<vmem_shared>>
        tpu.wait_indirect_dma semaphore(%run_scoped3A_294 : memref<!tpu.dma_semaphore, #tpu.memory_space<semaphore_mem>>) src(%arg23 : memref<96x16xf32, #tpu.memory_space<vmem>>) dst(%dma_wait3A_306 : memref<10240x16xf32, #tpu.memory_space<vmem_shared>>)
        tpu.yield
      }) : () -> ()
    }
    %scan3A_104 = arith.constant 27 : i32
    %barrier3A_105 = arith.constant 0 : index
    tpu.barrier barrier_id(%barrier3A_105)
    %mul3A_106 = arith.constant 10240 : i32
    %mul3A_107 = arith.muli %arg0, %mul3A_106 : i32
    %add3A_108 = arith.addi %mul3A_107, %mul3A_16 : i32
    "tpu.region"() ({
      %run_scoped3A = tpu.sem_alloc : memref<!tpu.dma_semaphore, #tpu.memory_space<semaphore_mem>>
      %dma_start3A_109 = arith.constant 0 : i32
      %dma_start3A_110 = tpu.memref_slice %arg7[%add3A_108, %dma_start3A_109] : memref<20480x128xf32, #tpu.memory_space<hbm>> -> memref<640x128xf32, #tpu.memory_space<hbm>>
      %dma_start3A_111 = arith.constant 0 : i32
      %dma_start3A_112 = tpu.memref_slice %arg9[%mul3A_16, %dma_start3A_111] : memref<10240x128xf32, #tpu.memory_space<vmem_shared>> -> memref<640x128xf32, #tpu.memory_space<vmem_shared>>
      tpu.enqueue_dma source(%dma_start3A_112 : memref<640x128xf32, #tpu.memory_space<vmem_shared>>) target(%dma_start3A_110 : memref<640x128xf32, #tpu.memory_space<hbm>>) target_semaphore(%run_scoped3A : memref<!tpu.dma_semaphore, #tpu.memory_space<semaphore_mem>>)
      %dma_wait3A_113 = arith.constant 0 : i32
      %dma_wait3A_114 = tpu.memref_slice %arg7[%add3A_108, %dma_wait3A_113] : memref<20480x128xf32, #tpu.memory_space<hbm>> -> memref<640x128xf32, #tpu.memory_space<hbm>>
      %dma_wait3A_115 = arith.constant 0 : i32
      %dma_wait3A_116 = tpu.memref_slice %arg9[%mul3A_16, %dma_wait3A_115] : memref<10240x128xf32, #tpu.memory_space<vmem_shared>> -> memref<640x128xf32, #tpu.memory_space<vmem_shared>>
      tpu.wait_dma2 semaphore(%run_scoped3A : memref<!tpu.dma_semaphore, #tpu.memory_space<semaphore_mem>>) src(%dma_wait3A_116 : memref<640x128xf32, #tpu.memory_space<vmem_shared>>) dst(%dma_wait3A_114 : memref<640x128xf32, #tpu.memory_space<hbm>>)
      tpu.yield
    }) : () -> ()
    "tpu.region"() ({
      %run_scoped3A = tpu.sem_alloc : memref<!tpu.dma_semaphore, #tpu.memory_space<semaphore_mem>>
      %dma_start3A_109 = arith.constant 0 : i32
      %dma_start3A_110 = tpu.memref_slice %arg8[%add3A_108, %dma_start3A_109] : memref<20480x16xf32, #tpu.memory_space<hbm>> -> memref<640x16xf32, #tpu.memory_space<hbm>>
      %dma_start3A_111 = arith.constant 0 : i32
      %dma_start3A_112 = tpu.memref_slice %arg10[%mul3A_16, %dma_start3A_111] : memref<10240x16xf32, #tpu.memory_space<vmem_shared>> -> memref<640x16xf32, #tpu.memory_space<vmem_shared>>
      tpu.enqueue_dma source(%dma_start3A_112 : memref<640x16xf32, #tpu.memory_space<vmem_shared>>) target(%dma_start3A_110 : memref<640x16xf32, #tpu.memory_space<hbm>>) target_semaphore(%run_scoped3A : memref<!tpu.dma_semaphore, #tpu.memory_space<semaphore_mem>>)
      %dma_wait3A_113 = arith.constant 0 : i32
      %dma_wait3A_114 = tpu.memref_slice %arg8[%add3A_108, %dma_wait3A_113] : memref<20480x16xf32, #tpu.memory_space<hbm>> -> memref<640x16xf32, #tpu.memory_space<hbm>>
      %dma_wait3A_115 = arith.constant 0 : i32
      %dma_wait3A_116 = tpu.memref_slice %arg10[%mul3A_16, %dma_wait3A_115] : memref<10240x16xf32, #tpu.memory_space<vmem_shared>> -> memref<640x16xf32, #tpu.memory_space<vmem_shared>>
      tpu.wait_dma2 semaphore(%run_scoped3A : memref<!tpu.dma_semaphore, #tpu.memory_space<semaphore_mem>>) src(%dma_wait3A_116 : memref<640x16xf32, #tpu.memory_space<vmem_shared>>) dst(%dma_wait3A_114 : memref<640x16xf32, #tpu.memory_space<hbm>>)
      tpu.yield
    }) : () -> ()
    return
  }
}

module attributes {stable_mosaic.version = 14 : i64} {
  func.func @_pre1_body(%arg0: i32, %arg1: memref<512x128xf32, #tpu.memory_space<vmem>>, %arg2: memref<128x128xf32, #tpu.memory_space<vmem>>, %arg3: memref<128x8xf32, #tpu.memory_space<vmem>>, %arg4: memref<512x128xf32, #tpu.memory_space<vmem>>, %arg5: memref<512x16xf32, #tpu.memory_space<vmem>>, %arg6: memref<512x16xf32, #tpu.memory_space<vmem>>, %arg7: memref<8x16xf32, #tpu.memory_space<vmem>>) attributes {dimension_semantics = [#tpu.dimension_semantics<arbitrary>], iteration_bounds = array<i64: 20>, scalar_prefetch = 0 : i64, scratch_operands = 0 : i64, tpu.core_type = #tpu.core_type<tc>, window_params = [{transform_indices = @transform_0, window_bounds = array<i64: 512, 128>}, {pipeline_mode = #tpu.pipeline_mode<synchronous>, transform_indices = @transform_1, window_bounds = array<i64: 128, 128>}, {pipeline_mode = #tpu.pipeline_mode<synchronous>, transform_indices = @transform_2, window_bounds = array<i64: 128, 8>}, {transform_indices = @transform_3, window_bounds = array<i64: 512, 128>}, {transform_indices = @transform_4, window_bounds = array<i64: 512, 16>}, {transform_indices = @transform_5, window_bounds = array<i64: 512, 16>}, {pipeline_mode = #tpu.pipeline_mode<synchronous>, transform_indices = @transform_6, window_bounds = array<i64: 8, 16>}]} {
    %get3A = arith.constant 0 : index
    %get3A_0 = arith.constant 0 : index
    %get3A_1 = vector.load %arg1[%get3A, %get3A_0] : memref<512x128xf32, #tpu.memory_space<vmem>>, vector<512x128xf32>
    %get3A_2 = arith.constant 0 : index
    %get3A_3 = arith.constant 0 : index
    %get3A_4 = vector.load %arg2[%get3A_2, %get3A_3] : memref<128x128xf32, #tpu.memory_space<vmem>>, vector<128x128xf32>
    %dot_general3A = arith.constant dense<0.000000e+00> : vector<512x128xf32>
    %dot_general3A_5 = tpu.matmul %get3A_1, %get3A_4, %dot_general3A {dimension_numbers = #tpu.dot_dimension_numbers<[1], [0], [0], [1], [0, 0, 1, 1], [], []>, transpose_lhs_hint = false} : vector<512x128xf32>, vector<128x128xf32>, vector<512x128xf32> -> vector<512x128xf32>
    %swap3A = arith.constant 0 : index
    %swap3A_6 = arith.constant 0 : index
    %swap3A_7 = vector.load %arg4[%swap3A, %swap3A_6] : memref<512x128xf32, #tpu.memory_space<vmem>>, vector<512x128xf32>
    tpu.vector_store %arg4[%swap3A, %swap3A_6], %dot_general3A_5 {strides = array<i32>} : memref<512x128xf32, #tpu.memory_space<vmem>>, vector<512x128xf32>,
    %get3A_8 = arith.constant 0 : index
    %get3A_9 = arith.constant 0 : index
    %get3A_10 = vector.load %arg3[%get3A_8, %get3A_9] : memref<128x8xf32, #tpu.memory_space<vmem>>, vector<128x8xf32>
    %dot_general3A_11 = arith.constant dense<0.000000e+00> : vector<512x8xf32>
    %dot_general3A_12 = tpu.matmul %dot_general3A_5, %get3A_10, %dot_general3A_11 {dimension_numbers = #tpu.dot_dimension_numbers<[1], [0], [0], [1], [0, 0, 1, 1], [], []>, transpose_lhs_hint = false} : vector<512x128xf32>, vector<128x8xf32>, vector<512x8xf32> -> vector<512x8xf32>
    %iota3A = tpu.iota {dimensions = array<i32: 0>} : vector<8x16xi32>
    %iota3A_13 = tpu.iota {dimensions = array<i32: 1>} : vector<8x16xi32>
    %eq3A = arith.cmpi eq, %iota3A_13, %iota3A : vector<8x16xi32>
    %lt3A = arith.constant 4 : i32
    %lt3A_14 = vector.broadcast %lt3A : i32 to vector<8x16xi32>
    %lt3A_15 = arith.cmpi slt, %iota3A, %lt3A_14 : vector<8x16xi32>
    %and3A = arith.andi %eq3A, %lt3A_15 : vector<8x16xi1>
    %jit3A = arith.constant 1.000000e+00 : f32
    %jit3A_16 = arith.constant 0.000000e+00 : f32
    %broadcast_in_dim3A = vector.broadcast %jit3A : f32 to vector<8x16xf32>
    %broadcast_in_dim3A_17 = vector.broadcast %jit3A_16 : f32 to vector<8x16xf32>
    %select_n3A = arith.select %and3A, %broadcast_in_dim3A, %broadcast_in_dim3A_17 : vector<8x16xi1>, vector<8x16xf32>
    %sub3A = arith.constant 4 : i32
    %sub3A_18 = vector.broadcast %sub3A : i32 to vector<8x16xi32>
    %sub3A_19 = arith.subi %iota3A, %sub3A_18 : vector<8x16xi32>
    %eq3A_20 = arith.cmpi eq, %iota3A_13, %sub3A_19 : vector<8x16xi32>
    %jit3A_21 = arith.constant 1.000000e+00 : f32
    %jit3A_22 = arith.constant 0.000000e+00 : f32
    %broadcast_in_dim3A_23 = vector.broadcast %jit3A_21 : f32 to vector<8x16xf32>
    %broadcast_in_dim3A_24 = vector.broadcast %jit3A_22 : f32 to vector<8x16xf32>
    %select_n3A_25 = arith.select %eq3A_20, %broadcast_in_dim3A_23, %broadcast_in_dim3A_24 : vector<8x16xi1>, vector<8x16xf32>
    %dot_general3A_26 = arith.constant dense<0.000000e+00> : vector<512x16xf32>
    %dot_general3A_27 = tpu.matmul %dot_general3A_12, %select_n3A, %dot_general3A_26 {dimension_numbers = #tpu.dot_dimension_numbers<[1], [0], [0], [1], [0, 0, 1, 1], [], []>, transpose_lhs_hint = false} : vector<512x8xf32>, vector<8x16xf32>, vector<512x16xf32> -> vector<512x16xf32>
    %dot_general3A_28 = arith.constant dense<0.000000e+00> : vector<512x16xf32>
    %dot_general3A_29 = tpu.matmul %dot_general3A_12, %select_n3A_25, %dot_general3A_28 {dimension_numbers = #tpu.dot_dimension_numbers<[1], [0], [0], [1], [0, 0, 1, 1], [], []>, transpose_lhs_hint = false} : vector<512x8xf32>, vector<8x16xf32>, vector<512x16xf32> -> vector<512x16xf32>
    %swap3A_30 = arith.constant 0 : index
    %swap3A_31 = arith.constant 0 : index
    %swap3A_32 = vector.load %arg5[%swap3A_30, %swap3A_31] : memref<512x16xf32, #tpu.memory_space<vmem>>, vector<512x16xf32>
    tpu.vector_store %arg5[%swap3A_30, %swap3A_31], %dot_general3A_27 {strides = array<i32>} : memref<512x16xf32, #tpu.memory_space<vmem>>, vector<512x16xf32>,
    %swap3A_33 = arith.constant 0 : index
    %swap3A_34 = arith.constant 0 : index
    %swap3A_35 = vector.load %arg6[%swap3A_33, %swap3A_34] : memref<512x16xf32, #tpu.memory_space<vmem>>, vector<512x16xf32>
    tpu.vector_store %arg6[%swap3A_33, %swap3A_34], %dot_general3A_29 {strides = array<i32>} : memref<512x16xf32, #tpu.memory_space<vmem>>, vector<512x16xf32>,
    %reduce_max3A = arith.constant dense<0xFF800000> : vector<16xf32>
    %reduce_max3A_36 = vector.multi_reduction <maximumf>, %dot_general3A_27, %reduce_max3A [0] : vector<512x16xf32> to vector<16xf32>
    %broadcast_in_dim3A_37 = vector.shape_cast %reduce_max3A_36 : vector<16xf32> to vector<1x16xf32>
    %reduce_max3A_38 = arith.constant dense<0xFF800000> : vector<16xf32>
    %reduce_max3A_39 = vector.multi_reduction <maximumf>, %dot_general3A_29, %reduce_max3A_38 [0] : vector<512x16xf32> to vector<16xf32>
    %broadcast_in_dim3A_40 = vector.shape_cast %reduce_max3A_39 : vector<16xf32> to vector<1x16xf32>
    %broadcast_in_dim3A_41 = arith.constant 0.000000e+00 : f32
    %broadcast_in_dim3A_42 = vector.broadcast %broadcast_in_dim3A_41 : f32 to vector<6x16xf32>
    %concatenate3A = tpu.concatenate %broadcast_in_dim3A_37, %broadcast_in_dim3A_40, %broadcast_in_dim3A_42 in 0 : vector<1x16xf32>, vector<1x16xf32>, vector<6x16xf32> -> vector<8x16xf32>
    %eq3A_43 = arith.constant 0 : i32
    %eq3A_44 = arith.cmpi eq, %arg0, %eq3A_43 : i32
    %convert_element_type3A = arith.extui %eq3A_44 : i1 to i32
    %cond3A = arith.constant 0 : i32
    %cond3A_45 = arith.cmpi ne, %convert_element_type3A, %cond3A : i32
    scf.if %cond3A_45 {
      %swap3A_50 = arith.constant 0 : index
      %swap3A_51 = arith.constant 0 : index
      %swap3A_52 = vector.load %arg7[%swap3A_50, %swap3A_51] : memref<8x16xf32, #tpu.memory_space<vmem>>, vector<8x16xf32>
      tpu.vector_store %arg7[%swap3A_50, %swap3A_51], %concatenate3A {strides = array<i32>} : memref<8x16xf32, #tpu.memory_space<vmem>>, vector<8x16xf32>,
    } else {
    }
    %ne3A = arith.constant 0 : i32
    %ne3A_46 = arith.cmpi ne, %arg0, %ne3A : i32
    %convert_element_type3A_47 = arith.extui %ne3A_46 : i1 to i32
    %cond3A_48 = arith.constant 0 : i32
    %cond3A_49 = arith.cmpi ne, %convert_element_type3A_47, %cond3A_48 : i32
    scf.if %cond3A_49 {
      %get3A_50 = arith.constant 0 : index
      %get3A_51 = arith.constant 0 : index
      %get3A_52 = vector.load %arg7[%get3A_50, %get3A_51] : memref<8x16xf32, #tpu.memory_space<vmem>>, vector<8x16xf32>
      %max3A = arith.maximumf %get3A_52, %concatenate3A : vector<8x16xf32>
      %swap3A_53 = arith.constant 0 : index
      %swap3A_54 = arith.constant 0 : index
      %swap3A_55 = vector.load %arg7[%swap3A_53, %swap3A_54] : memref<8x16xf32, #tpu.memory_space<vmem>>, vector<8x16xf32>
      tpu.vector_store %arg7[%swap3A_53, %swap3A_54], %max3A {strides = array<i32>} : memref<8x16xf32, #tpu.memory_space<vmem>>, vector<8x16xf32>,
    } else {
    }
    return
  }
  func.func @transform_0(%arg0: i32) -> (i32, i32) {
    %c0_i32 = arith.constant 0 : i32
    %c0_i32_0 = arith.constant 0 : i32
    return %arg0, %c0_i32 : i32, i32
  }
  func.func @transform_1(%arg0: i32) -> (i32, i32) {
    %c0_i32 = arith.constant 0 : i32
    %c0_i32_0 = arith.constant 0 : i32
    %c0_i32_1 = arith.constant 0 : i32
    return %c0_i32, %c0_i32_0 : i32, i32
  }
  func.func @transform_2(%arg0: i32) -> (i32, i32) {
    %c0_i32 = arith.constant 0 : i32
    %c0_i32_0 = arith.constant 0 : i32
    %c0_i32_1 = arith.constant 0 : i32
    return %c0_i32, %c0_i32_0 : i32, i32
  }
  func.func @transform_3(%arg0: i32) -> (i32, i32) {
    %c0_i32 = arith.constant 0 : i32
    %c0_i32_0 = arith.constant 0 : i32
    return %arg0, %c0_i32 : i32, i32
  }
  func.func @transform_4(%arg0: i32) -> (i32, i32) {
    %c0_i32 = arith.constant 0 : i32
    %c0_i32_0 = arith.constant 0 : i32
    return %arg0, %c0_i32 : i32, i32
  }
  func.func @transform_5(%arg0: i32) -> (i32, i32) {
    %c0_i32 = arith.constant 0 : i32
    %c0_i32_0 = arith.constant 0 : i32
    return %arg0, %c0_i32 : i32, i32
  }
  func.func @transform_6(%arg0: i32) -> (i32, i32) {
    %c0_i32 = arith.constant 0 : i32
    %c0_i32_0 = arith.constant 0 : i32
    %c0_i32_1 = arith.constant 0 : i32
    return %c0_i32, %c0_i32_0 : i32, i32
  }
}

module attributes {stable_mosaic.version = 14 : i64} {
  func.func @_pre2_body(%arg0: i32, %arg1: memref<512x128xf32, #tpu.memory_space<vmem>>, %arg2: memref<512x128xf32, #tpu.memory_space<vmem>>, %arg3: memref<512x16xf32, #tpu.memory_space<vmem>>, %arg4: memref<512x16xf32, #tpu.memory_space<vmem>>, %arg5: memref<1x128xf32, #tpu.memory_space<vmem>>, %arg6: memref<1x128xf32, #tpu.memory_space<vmem>>, %arg7: memref<1x128xf32, #tpu.memory_space<vmem>>, %arg8: memref<128x128xf32, #tpu.memory_space<vmem>>, %arg9: memref<128x8xf32, #tpu.memory_space<vmem>>, %arg10: memref<512x128xf32, #tpu.memory_space<vmem>>, %arg11: memref<512x16xf32, #tpu.memory_space<vmem>>, %arg12: memref<512x16xf32, #tpu.memory_space<vmem>>, %arg13: memref<8x16xf32, #tpu.memory_space<vmem>>) attributes {dimension_semantics = [#tpu.dimension_semantics<arbitrary>], iteration_bounds = array<i64: 20>, scalar_prefetch = 0 : i64, scratch_operands = 0 : i64, tpu.core_type = #tpu.core_type<tc>, window_params = [{transform_indices = @transform_0, window_bounds = array<i64: 512, 128>}, {transform_indices = @transform_1, window_bounds = array<i64: 512, 128>}, {transform_indices = @transform_2, window_bounds = array<i64: 512, 16>}, {transform_indices = @transform_3, window_bounds = array<i64: 512, 16>}, {pipeline_mode = #tpu.pipeline_mode<synchronous>, transform_indices = @transform_4, window_bounds = array<i64: 1, 128>}, {pipeline_mode = #tpu.pipeline_mode<synchronous>, transform_indices = @transform_5, window_bounds = array<i64: 1, 128>}, {pipeline_mode = #tpu.pipeline_mode<synchronous>, transform_indices = @transform_6, window_bounds = array<i64: 1, 128>}, {pipeline_mode = #tpu.pipeline_mode<synchronous>, transform_indices = @transform_7, window_bounds = array<i64: 128, 128>}, {pipeline_mode = #tpu.pipeline_mode<synchronous>, transform_indices = @transform_8, window_bounds = array<i64: 128, 8>}, {transform_indices = @transform_9, window_bounds = array<i64: 512, 128>}, {transform_indices = @transform_10, window_bounds = array<i64: 512, 16>}, {transform_indices = @transform_11, window_bounds = array<i64: 512, 16>}, {pipeline_mode = #tpu.pipeline_mode<synchronous>, transform_indices = @transform_12, window_bounds = array<i64: 8, 16>}]} {
    %get3A = arith.constant 0 : index
    %get3A_0 = arith.constant 0 : index
    %get3A_1 = vector.load %arg5[%get3A, %get3A_0] : memref<1x128xf32, #tpu.memory_space<vmem>>, vector<1x128xf32>
    %rsqrt3A = arith.constant 1.000010e+00 : f32
    %rsqrt3A_2 = math.rsqrt %rsqrt3A : f32
    %mul3A = vector.broadcast %rsqrt3A_2 : f32 to vector<1x128xf32>
    %mul3A_3 = arith.mulf %get3A_1, %mul3A : vector<1x128xf32>
    %get3A_4 = arith.constant 0 : index
    %get3A_5 = arith.constant 0 : index
    %get3A_6 = vector.load %arg7[%get3A_4, %get3A_5] : memref<1x128xf32, #tpu.memory_space<vmem>>, vector<1x128xf32>
    %mul3A_7 = arith.mulf %get3A_6, %mul3A_3 : vector<1x128xf32>
    %get3A_8 = arith.constant 0 : index
    %get3A_9 = arith.constant 0 : index
    %get3A_10 = vector.load %arg6[%get3A_8, %get3A_9] : memref<1x128xf32, #tpu.memory_space<vmem>>, vector<1x128xf32>
    %add3A = arith.addf %mul3A_7, %get3A_10 : vector<1x128xf32>
    %get3A_11 = arith.constant 0 : index
    %get3A_12 = arith.constant 0 : index
    %get3A_13 = vector.load %arg1[%get3A_11, %get3A_12] : memref<512x128xf32, #tpu.memory_space<vmem>>, vector<512x128xf32>
    %get3A_14 = arith.constant 0 : index
    %get3A_15 = arith.constant 0 : index
    %get3A_16 = vector.load %arg2[%get3A_14, %get3A_15] : memref<512x128xf32, #tpu.memory_space<vmem>>, vector<512x128xf32>
    %get3A_17 = arith.constant 0 : index
    %get3A_18 = arith.constant 0 : index
    %get3A_19 = vector.load %arg3[%get3A_17, %get3A_18] : memref<512x16xf32, #tpu.memory_space<vmem>>, vector<512x16xf32>
    %get3A_20 = arith.constant 0 : index
    %get3A_21 = arith.constant 0 : index
    %get3A_22 = vector.load %arg4[%get3A_20, %get3A_21] : memref<512x16xf32, #tpu.memory_space<vmem>>, vector<512x16xf32>
    %add3A_23 = arith.addf %get3A_13, %get3A_16 : vector<512x128xf32>
    %add3A_24 = arith.addf %get3A_19, %get3A_22 : vector<512x16xf32>
    %iota3A = tpu.iota {dimensions = array<i32: 0>} : vector<16x128xi32>
    %iota3A_25 = tpu.iota {dimensions = array<i32: 1>} : vector<16x128xi32>
    %jit3A = arith.constant 32 : i32
    %div3A = vector.broadcast %jit3A : i32 to vector<16x128xi32>
    %div3A_26 = arith.divsi %iota3A_25, %div3A : vector<16x128xi32>
    %sign3A = arith.constant 0 : i32
    %sign3A_27 = vector.broadcast %sign3A : i32 to vector<16x128xi32>
    %sign3A_28 = arith.cmpi sgt, %iota3A_25, %sign3A_27 : vector<16x128xi32>
    %sign3A_29 = arith.extui %sign3A_28 : vector<16x128xi1> to vector<16x128xi32>
    %sign3A_30 = arith.constant 0 : i32
    %sign3A_31 = vector.broadcast %sign3A_30 : i32 to vector<16x128xi32>
    %sign3A_32 = arith.cmpi slt, %iota3A_25, %sign3A_31 : vector<16x128xi32>
    %sign3A_33 = arith.extui %sign3A_32 : vector<16x128xi1> to vector<16x128xi32>
    %sign3A_34 = arith.subi %sign3A_29, %sign3A_33 : vector<16x128xi32>
    %sign3A_35 = arith.constant 0 : i32
    %sign3A_36 = arith.cmpi sgt, %jit3A, %sign3A_35 : i32
    %sign3A_37 = arith.extui %sign3A_36 : i1 to i32
    %sign3A_38 = arith.constant 0 : i32
    %sign3A_39 = arith.cmpi slt, %jit3A, %sign3A_38 : i32
    %sign3A_40 = arith.extui %sign3A_39 : i1 to i32
    %sign3A_41 = arith.subi %sign3A_37, %sign3A_40 : i32
    %ne3A = vector.broadcast %sign3A_41 : i32 to vector<16x128xi32>
    %ne3A_42 = arith.cmpi ne, %sign3A_34, %ne3A : vector<16x128xi32>
    %rem3A = vector.broadcast %jit3A : i32 to vector<16x128xi32>
    %rem3A_43 = arith.remsi %iota3A_25, %rem3A : vector<16x128xi32>
    %ne3A_44 = arith.constant 0 : i32
    %ne3A_45 = vector.broadcast %ne3A_44 : i32 to vector<16x128xi32>
    %ne3A_46 = arith.cmpi ne, %rem3A_43, %ne3A_45 : vector<16x128xi32>
    %and3A = arith.andi %ne3A_42, %ne3A_46 : vector<16x128xi1>
    %sub3A = arith.constant 1 : i32
    %sub3A_47 = vector.broadcast %sub3A : i32 to vector<16x128xi32>
    %sub3A_48 = arith.subi %div3A_26, %sub3A_47 : vector<16x128xi32>
    %select_n3A = arith.select %and3A, %sub3A_48, %div3A_26 : vector<16x128xi1>, vector<16x128xi32>
    %eq3A = arith.cmpi eq, %select_n3A, %iota3A : vector<16x128xi32>
    %jit3A_49 = arith.constant 1.000000e+00 : f32
    %jit3A_50 = arith.constant 0.000000e+00 : f32
    %broadcast_in_dim3A = vector.broadcast %jit3A_49 : f32 to vector<16x128xf32>
    %broadcast_in_dim3A_51 = vector.broadcast %jit3A_50 : f32 to vector<16x128xf32>
    %select_n3A_52 = arith.select %eq3A, %broadcast_in_dim3A, %broadcast_in_dim3A_51 : vector<16x128xi1>, vector<16x128xf32>
    %dot_general3A = arith.constant dense<0.000000e+00> : vector<512x128xf32>
    %dot_general3A_53 = tpu.matmul %add3A_24, %select_n3A_52, %dot_general3A {dimension_numbers = #tpu.dot_dimension_numbers<[1], [0], [0], [1], [0, 0, 1, 1], [], []>, transpose_lhs_hint = false} : vector<512x16xf32>, vector<16x128xf32>, vector<512x128xf32> -> vector<512x128xf32>
    %add3A_54 = arith.constant 1.000000e-16 : f32
    %add3A_55 = vector.broadcast %add3A_54 : f32 to vector<512x128xf32>
    %add3A_56 = arith.addf %dot_general3A_53, %add3A_55 : vector<512x128xf32>
    %div3A_57 = arith.divf %add3A_23, %add3A_56 : vector<512x128xf32>
    %mul3A_58 = vector.broadcast %mul3A_3 : vector<1x128xf32> to vector<512x128xf32>
    %mul3A_59 = arith.mulf %div3A_57, %mul3A_58 : vector<512x128xf32>
    %add3A_60 = vector.broadcast %add3A : vector<1x128xf32> to vector<512x128xf32>
    %add3A_61 = arith.addf %mul3A_59, %add3A_60 : vector<512x128xf32>
    %max3A = arith.constant 0.000000e+00 : f32
    %max3A_62 = vector.broadcast %max3A : f32 to vector<512x128xf32>
    %max3A_63 = arith.maximumf %add3A_61, %max3A_62 : vector<512x128xf32>
    %iota3A_64 = tpu.iota {dimensions = array<i32: 0>} : vector<512x128xi32>
    %mul3A_65 = arith.constant 512 : i32
    %mul3A_66 = arith.muli %arg0, %mul3A_65 : i32
    %add3A_67 = vector.broadcast %mul3A_66 : i32 to vector<512x128xi32>
    %add3A_68 = arith.addi %iota3A_64, %add3A_67 : vector<512x128xi32>
    %lt3A = arith.constant 10000 : i32
    %lt3A_69 = vector.broadcast %lt3A : i32 to vector<512x128xi32>
    %lt3A_70 = arith.cmpi slt, %add3A_68, %lt3A_69 : vector<512x128xi32>
    %jit3A_71 = arith.constant 0.000000e+00 : f32
    %broadcast_in_dim3A_72 = vector.broadcast %jit3A_71 : f32 to vector<512x128xf32>
    %select_n3A_73 = arith.select %lt3A_70, %max3A_63, %broadcast_in_dim3A_72 : vector<512x128xi1>, vector<512x128xf32>
    %get3A_74 = arith.constant 0 : index
    %get3A_75 = arith.constant 0 : index
    %get3A_76 = vector.load %arg8[%get3A_74, %get3A_75] : memref<128x128xf32, #tpu.memory_space<vmem>>, vector<128x128xf32>
    %dot_general3A_77 = arith.constant dense<0.000000e+00> : vector<512x128xf32>
    %dot_general3A_78 = tpu.matmul %select_n3A_73, %get3A_76, %dot_general3A_77 {dimension_numbers = #tpu.dot_dimension_numbers<[1], [0], [0], [1], [0, 0, 1, 1], [], []>, transpose_lhs_hint = false} : vector<512x128xf32>, vector<128x128xf32>, vector<512x128xf32> -> vector<512x128xf32>
    %swap3A = arith.constant 0 : index
    %swap3A_79 = arith.constant 0 : index
    %swap3A_80 = vector.load %arg10[%swap3A, %swap3A_79] : memref<512x128xf32, #tpu.memory_space<vmem>>, vector<512x128xf32>
    tpu.vector_store %arg10[%swap3A, %swap3A_79], %dot_general3A_78 {strides = array<i32>} : memref<512x128xf32, #tpu.memory_space<vmem>>, vector<512x128xf32>,
    %get3A_81 = arith.constant 0 : index
    %get3A_82 = arith.constant 0 : index
    %get3A_83 = vector.load %arg9[%get3A_81, %get3A_82] : memref<128x8xf32, #tpu.memory_space<vmem>>, vector<128x8xf32>
    %dot_general3A_84 = arith.constant dense<0.000000e+00> : vector<512x8xf32>
    %dot_general3A_85 = tpu.matmul %dot_general3A_78, %get3A_83, %dot_general3A_84 {dimension_numbers = #tpu.dot_dimension_numbers<[1], [0], [0], [1], [0, 0, 1, 1], [], []>, transpose_lhs_hint = false} : vector<512x128xf32>, vector<128x8xf32>, vector<512x8xf32> -> vector<512x8xf32>
    %iota3A_86 = tpu.iota {dimensions = array<i32: 0>} : vector<8x16xi32>
    %iota3A_87 = tpu.iota {dimensions = array<i32: 1>} : vector<8x16xi32>
    %eq3A_88 = arith.cmpi eq, %iota3A_87, %iota3A_86 : vector<8x16xi32>
    %lt3A_89 = arith.constant 4 : i32
    %lt3A_90 = vector.broadcast %lt3A_89 : i32 to vector<8x16xi32>
    %lt3A_91 = arith.cmpi slt, %iota3A_86, %lt3A_90 : vector<8x16xi32>
    %and3A_92 = arith.andi %eq3A_88, %lt3A_91 : vector<8x16xi1>
    %jit3A_93 = arith.constant 1.000000e+00 : f32
    %jit3A_94 = arith.constant 0.000000e+00 : f32
    %broadcast_in_dim3A_95 = vector.broadcast %jit3A_93 : f32 to vector<8x16xf32>
    %broadcast_in_dim3A_96 = vector.broadcast %jit3A_94 : f32 to vector<8x16xf32>
    %select_n3A_97 = arith.select %and3A_92, %broadcast_in_dim3A_95, %broadcast_in_dim3A_96 : vector<8x16xi1>, vector<8x16xf32>
    %sub3A_98 = arith.constant 4 : i32
    %sub3A_99 = vector.broadcast %sub3A_98 : i32 to vector<8x16xi32>
    %sub3A_100 = arith.subi %iota3A_86, %sub3A_99 : vector<8x16xi32>
    %eq3A_101 = arith.cmpi eq, %iota3A_87, %sub3A_100 : vector<8x16xi32>
    %jit3A_102 = arith.constant 1.000000e+00 : f32
    %jit3A_103 = arith.constant 0.000000e+00 : f32
    %broadcast_in_dim3A_104 = vector.broadcast %jit3A_102 : f32 to vector<8x16xf32>
    %broadcast_in_dim3A_105 = vector.broadcast %jit3A_103 : f32 to vector<8x16xf32>
    %select_n3A_106 = arith.select %eq3A_101, %broadcast_in_dim3A_104, %broadcast_in_dim3A_105 : vector<8x16xi1>, vector<8x16xf32>
    %dot_general3A_107 = arith.constant dense<0.000000e+00> : vector<512x16xf32>
    %dot_general3A_108 = tpu.matmul %dot_general3A_85, %select_n3A_97, %dot_general3A_107 {dimension_numbers = #tpu.dot_dimension_numbers<[1], [0], [0], [1], [0, 0, 1, 1], [], []>, transpose_lhs_hint = false} : vector<512x8xf32>, vector<8x16xf32>, vector<512x16xf32> -> vector<512x16xf32>
    %dot_general3A_109 = arith.constant dense<0.000000e+00> : vector<512x16xf32>
    %dot_general3A_110 = tpu.matmul %dot_general3A_85, %select_n3A_106, %dot_general3A_109 {dimension_numbers = #tpu.dot_dimension_numbers<[1], [0], [0], [1], [0, 0, 1, 1], [], []>, transpose_lhs_hint = false} : vector<512x8xf32>, vector<8x16xf32>, vector<512x16xf32> -> vector<512x16xf32>
    %swap3A_111 = arith.constant 0 : index
    %swap3A_112 = arith.constant 0 : index
    %swap3A_113 = vector.load %arg11[%swap3A_111, %swap3A_112] : memref<512x16xf32, #tpu.memory_space<vmem>>, vector<512x16xf32>
    tpu.vector_store %arg11[%swap3A_111, %swap3A_112], %dot_general3A_108 {strides = array<i32>} : memref<512x16xf32, #tpu.memory_space<vmem>>, vector<512x16xf32>,
    %swap3A_114 = arith.constant 0 : index
    %swap3A_115 = arith.constant 0 : index
    %swap3A_116 = vector.load %arg12[%swap3A_114, %swap3A_115] : memref<512x16xf32, #tpu.memory_space<vmem>>, vector<512x16xf32>
    tpu.vector_store %arg12[%swap3A_114, %swap3A_115], %dot_general3A_110 {strides = array<i32>} : memref<512x16xf32, #tpu.memory_space<vmem>>, vector<512x16xf32>,
    %reduce_max3A = arith.constant dense<0xFF800000> : vector<16xf32>
    %reduce_max3A_117 = vector.multi_reduction <maximumf>, %dot_general3A_108, %reduce_max3A [0] : vector<512x16xf32> to vector<16xf32>
    %broadcast_in_dim3A_118 = vector.shape_cast %reduce_max3A_117 : vector<16xf32> to vector<1x16xf32>
    %reduce_max3A_119 = arith.constant dense<0xFF800000> : vector<16xf32>
    %reduce_max3A_120 = vector.multi_reduction <maximumf>, %dot_general3A_110, %reduce_max3A_119 [0] : vector<512x16xf32> to vector<16xf32>
    %broadcast_in_dim3A_121 = vector.shape_cast %reduce_max3A_120 : vector<16xf32> to vector<1x16xf32>
    %broadcast_in_dim3A_122 = arith.constant 0.000000e+00 : f32
    %broadcast_in_dim3A_123 = vector.broadcast %broadcast_in_dim3A_122 : f32 to vector<6x16xf32>
    %concatenate3A = tpu.concatenate %broadcast_in_dim3A_118, %broadcast_in_dim3A_121, %broadcast_in_dim3A_123 in 0 : vector<1x16xf32>, vector<1x16xf32>, vector<6x16xf32> -> vector<8x16xf32>
    %eq3A_124 = arith.constant 0 : i32
    %eq3A_125 = arith.cmpi eq, %arg0, %eq3A_124 : i32
    %convert_element_type3A = arith.extui %eq3A_125 : i1 to i32
    %cond3A = arith.constant 0 : i32
    %cond3A_126 = arith.cmpi ne, %convert_element_type3A, %cond3A : i32
    scf.if %cond3A_126 {
      %swap3A_132 = arith.constant 0 : index
      %swap3A_133 = arith.constant 0 : index
      %swap3A_134 = vector.load %arg13[%swap3A_132, %swap3A_133] : memref<8x16xf32, #tpu.memory_space<vmem>>, vector<8x16xf32>
      tpu.vector_store %arg13[%swap3A_132, %swap3A_133], %concatenate3A {strides = array<i32>} : memref<8x16xf32, #tpu.memory_space<vmem>>, vector<8x16xf32>,
    } else {
    }
    %ne3A_127 = arith.constant 0 : i32
    %ne3A_128 = arith.cmpi ne, %arg0, %ne3A_127 : i32
    %convert_element_type3A_129 = arith.extui %ne3A_128 : i1 to i32
    %cond3A_130 = arith.constant 0 : i32
    %cond3A_131 = arith.cmpi ne, %convert_element_type3A_129, %cond3A_130 : i32
    scf.if %cond3A_131 {
      %get3A_132 = arith.constant 0 : index
      %get3A_133 = arith.constant 0 : index
      %get3A_134 = vector.load %arg13[%get3A_132, %get3A_133] : memref<8x16xf32, #tpu.memory_space<vmem>>, vector<8x16xf32>
      %max3A_135 = arith.maximumf %get3A_134, %concatenate3A : vector<8x16xf32>
      %swap3A_136 = arith.constant 0 : index
      %swap3A_137 = arith.constant 0 : index
      %swap3A_138 = vector.load %arg13[%swap3A_136, %swap3A_137] : memref<8x16xf32, #tpu.memory_space<vmem>>, vector<8x16xf32>
      tpu.vector_store %arg13[%swap3A_136, %swap3A_137], %max3A_135 {strides = array<i32>} : memref<8x16xf32, #tpu.memory_space<vmem>>, vector<8x16xf32>,
    } else {
    }
    return
  }
  func.func @transform_0(%arg0: i32) -> (i32, i32) {
    %c0_i32 = arith.constant 0 : i32
    %c0_i32_0 = arith.constant 0 : i32
    return %arg0, %c0_i32 : i32, i32
  }
  func.func @transform_1(%arg0: i32) -> (i32, i32) {
    %c0_i32 = arith.constant 0 : i32
    %c0_i32_0 = arith.constant 0 : i32
    return %arg0, %c0_i32 : i32, i32
  }
  func.func @transform_2(%arg0: i32) -> (i32, i32) {
    %c0_i32 = arith.constant 0 : i32
    %c0_i32_0 = arith.constant 0 : i32
    return %arg0, %c0_i32 : i32, i32
  }
  func.func @transform_3(%arg0: i32) -> (i32, i32) {
    %c0_i32 = arith.constant 0 : i32
    %c0_i32_0 = arith.constant 0 : i32
    return %arg0, %c0_i32 : i32, i32
  }
  func.func @transform_4(%arg0: i32) -> (i32, i32) {
    %c0_i32 = arith.constant 0 : i32
    %c0_i32_0 = arith.constant 0 : i32
    %c0_i32_1 = arith.constant 0 : i32
    return %c0_i32, %c0_i32_0 : i32, i32
  }
  func.func @transform_5(%arg0: i32) -> (i32, i32) {
    %c0_i32 = arith.constant 0 : i32
    %c0_i32_0 = arith.constant 0 : i32
    %c0_i32_1 = arith.constant 0 : i32
    return %c0_i32, %c0_i32_0 : i32, i32
  }
  func.func @transform_6(%arg0: i32) -> (i32, i32) {
    %c0_i32 = arith.constant 0 : i32
    %c0_i32_0 = arith.constant 0 : i32
    %c0_i32_1 = arith.constant 0 : i32
    return %c0_i32, %c0_i32_0 : i32, i32
  }
  func.func @transform_7(%arg0: i32) -> (i32, i32) {
    %c0_i32 = arith.constant 0 : i32
    %c0_i32_0 = arith.constant 0 : i32
    %c0_i32_1 = arith.constant 0 : i32
    return %c0_i32, %c0_i32_0 : i32, i32
  }
  func.func @transform_8(%arg0: i32) -> (i32, i32) {
    %c0_i32 = arith.constant 0 : i32
    %c0_i32_0 = arith.constant 0 : i32
    %c0_i32_1 = arith.constant 0 : i32
    return %c0_i32, %c0_i32_0 : i32, i32
  }
  func.func @transform_9(%arg0: i32) -> (i32, i32) {
    %c0_i32 = arith.constant 0 : i32
    %c0_i32_0 = arith.constant 0 : i32
    return %arg0, %c0_i32 : i32, i32
  }
  func.func @transform_10(%arg0: i32) -> (i32, i32) {
    %c0_i32 = arith.constant 0 : i32
    %c0_i32_0 = arith.constant 0 : i32
    return %arg0, %c0_i32 : i32, i32
  }
  func.func @transform_11(%arg0: i32) -> (i32, i32) {
    %c0_i32 = arith.constant 0 : i32
    %c0_i32_0 = arith.constant 0 : i32
    return %arg0, %c0_i32 : i32, i32
  }
  func.func @transform_12(%arg0: i32) -> (i32, i32) {
    %c0_i32 = arith.constant 0 : i32
    %c0_i32_0 = arith.constant 0 : i32
    %c0_i32_1 = arith.constant 0 : i32
    return %c0_i32, %c0_i32_0 : i32, i32
  }
}

module attributes {stable_mosaic.version = 14 : i64} {
  func.func @_post_body(%arg0: i32, %arg1: memref<512x128xf32, #tpu.memory_space<vmem>>, %arg2: memref<512x128xf32, #tpu.memory_space<vmem>>, %arg3: memref<512x16xf32, #tpu.memory_space<vmem>>, %arg4: memref<512x16xf32, #tpu.memory_space<vmem>>, %arg5: memref<1x128xf32, #tpu.memory_space<vmem>>, %arg6: memref<1x128xf32, #tpu.memory_space<vmem>>, %arg7: memref<1x128xf32, #tpu.memory_space<vmem>>, %arg8: memref<512x16xf32, #tpu.memory_space<vmem>>, %arg9: memref<128x16xf32, #tpu.memory_space<vmem>>, %arg10: memref<1x16xf32, #tpu.memory_space<vmem>>, %arg11: memref<16x16xf32, #tpu.memory_space<vmem>>, %arg12: memref<16x128xf32, #tpu.memory_space<vmem>>, %arg13: memref<16x128xf32, #tpu.memory_space<vmem>>) attributes {dimension_semantics = [#tpu.dimension_semantics<arbitrary>], iteration_bounds = array<i64: 20>, scalar_prefetch = 0 : i64, scratch_operands = 2 : i64, tpu.core_type = #tpu.core_type<tc>, window_params = [{transform_indices = @transform_0, window_bounds = array<i64: 512, 128>}, {transform_indices = @transform_1, window_bounds = array<i64: 512, 128>}, {transform_indices = @transform_2, window_bounds = array<i64: 512, 16>}, {transform_indices = @transform_3, window_bounds = array<i64: 512, 16>}, {pipeline_mode = #tpu.pipeline_mode<synchronous>, transform_indices = @transform_4, window_bounds = array<i64: 1, 128>}, {pipeline_mode = #tpu.pipeline_mode<synchronous>, transform_indices = @transform_5, window_bounds = array<i64: 1, 128>}, {pipeline_mode = #tpu.pipeline_mode<synchronous>, transform_indices = @transform_6, window_bounds = array<i64: 1, 128>}, {transform_indices = @transform_7, window_bounds = array<i64: 512, 16>}, {pipeline_mode = #tpu.pipeline_mode<synchronous>, transform_indices = @transform_8, window_bounds = array<i64: 128, 16>}, {pipeline_mode = #tpu.pipeline_mode<synchronous>, transform_indices = @transform_9, window_bounds = array<i64: 1, 16>}, {pipeline_mode = #tpu.pipeline_mode<synchronous>, transform_indices = @transform_10, window_bounds = array<i64: 16, 16>}]} {
    %get3A = arith.constant 0 : index
    %get3A_0 = arith.constant 0 : index
    %get3A_1 = vector.load %arg5[%get3A, %get3A_0] : memref<1x128xf32, #tpu.memory_space<vmem>>, vector<1x128xf32>
    %rsqrt3A = arith.constant 1.000010e+00 : f32
    %rsqrt3A_2 = math.rsqrt %rsqrt3A : f32
    %mul3A = vector.broadcast %rsqrt3A_2 : f32 to vector<1x128xf32>
    %mul3A_3 = arith.mulf %get3A_1, %mul3A : vector<1x128xf32>
    %get3A_4 = arith.constant 0 : index
    %get3A_5 = arith.constant 0 : index
    %get3A_6 = vector.load %arg7[%get3A_4, %get3A_5] : memref<1x128xf32, #tpu.memory_space<vmem>>, vector<1x128xf32>
    %mul3A_7 = arith.mulf %get3A_6, %mul3A_3 : vector<1x128xf32>
    %get3A_8 = arith.constant 0 : index
    %get3A_9 = arith.constant 0 : index
    %get3A_10 = vector.load %arg6[%get3A_8, %get3A_9] : memref<1x128xf32, #tpu.memory_space<vmem>>, vector<1x128xf32>
    %add3A = arith.addf %mul3A_7, %get3A_10 : vector<1x128xf32>
    %get3A_11 = arith.constant 0 : index
    %get3A_12 = arith.constant 0 : index
    %get3A_13 = vector.load %arg1[%get3A_11, %get3A_12] : memref<512x128xf32, #tpu.memory_space<vmem>>, vector<512x128xf32>
    %get3A_14 = arith.constant 0 : index
    %get3A_15 = arith.constant 0 : index
    %get3A_16 = vector.load %arg2[%get3A_14, %get3A_15] : memref<512x128xf32, #tpu.memory_space<vmem>>, vector<512x128xf32>
    %get3A_17 = arith.constant 0 : index
    %get3A_18 = arith.constant 0 : index
    %get3A_19 = vector.load %arg3[%get3A_17, %get3A_18] : memref<512x16xf32, #tpu.memory_space<vmem>>, vector<512x16xf32>
    %get3A_20 = arith.constant 0 : index
    %get3A_21 = arith.constant 0 : index
    %get3A_22 = vector.load %arg4[%get3A_20, %get3A_21] : memref<512x16xf32, #tpu.memory_space<vmem>>, vector<512x16xf32>
    %add3A_23 = arith.addf %get3A_13, %get3A_16 : vector<512x128xf32>
    %add3A_24 = arith.addf %get3A_19, %get3A_22 : vector<512x16xf32>
    %iota3A = tpu.iota {dimensions = array<i32: 0>} : vector<16x128xi32>
    %iota3A_25 = tpu.iota {dimensions = array<i32: 1>} : vector<16x128xi32>
    %jit3A = arith.constant 32 : i32
    %div3A = vector.broadcast %jit3A : i32 to vector<16x128xi32>
    %div3A_26 = arith.divsi %iota3A_25, %div3A : vector<16x128xi32>
    %sign3A = arith.constant 0 : i32
    %sign3A_27 = vector.broadcast %sign3A : i32 to vector<16x128xi32>
    %sign3A_28 = arith.cmpi sgt, %iota3A_25, %sign3A_27 : vector<16x128xi32>
    %sign3A_29 = arith.extui %sign3A_28 : vector<16x128xi1> to vector<16x128xi32>
    %sign3A_30 = arith.constant 0 : i32
    %sign3A_31 = vector.broadcast %sign3A_30 : i32 to vector<16x128xi32>
    %sign3A_32 = arith.cmpi slt, %iota3A_25, %sign3A_31 : vector<16x128xi32>
    %sign3A_33 = arith.extui %sign3A_32 : vector<16x128xi1> to vector<16x128xi32>
    %sign3A_34 = arith.subi %sign3A_29, %sign3A_33 : vector<16x128xi32>
    %sign3A_35 = arith.constant 0 : i32
    %sign3A_36 = arith.cmpi sgt, %jit3A, %sign3A_35 : i32
    %sign3A_37 = arith.extui %sign3A_36 : i1 to i32
    %sign3A_38 = arith.constant 0 : i32
    %sign3A_39 = arith.cmpi slt, %jit3A, %sign3A_38 : i32
    %sign3A_40 = arith.extui %sign3A_39 : i1 to i32
    %sign3A_41 = arith.subi %sign3A_37, %sign3A_40 : i32
    %ne3A = vector.broadcast %sign3A_41 : i32 to vector<16x128xi32>
    %ne3A_42 = arith.cmpi ne, %sign3A_34, %ne3A : vector<16x128xi32>
    %rem3A = vector.broadcast %jit3A : i32 to vector<16x128xi32>
    %rem3A_43 = arith.remsi %iota3A_25, %rem3A : vector<16x128xi32>
    %ne3A_44 = arith.constant 0 : i32
    %ne3A_45 = vector.broadcast %ne3A_44 : i32 to vector<16x128xi32>
    %ne3A_46 = arith.cmpi ne, %rem3A_43, %ne3A_45 : vector<16x128xi32>
    %and3A = arith.andi %ne3A_42, %ne3A_46 : vector<16x128xi1>
    %sub3A = arith.constant 1 : i32
    %sub3A_47 = vector.broadcast %sub3A : i32 to vector<16x128xi32>
    %sub3A_48 = arith.subi %div3A_26, %sub3A_47 : vector<16x128xi32>
    %select_n3A = arith.select %and3A, %sub3A_48, %div3A_26 : vector<16x128xi1>, vector<16x128xi32>
    %eq3A = arith.cmpi eq, %select_n3A, %iota3A : vector<16x128xi32>
    %jit3A_49 = arith.constant 1.000000e+00 : f32
    %jit3A_50 = arith.constant 0.000000e+00 : f32
    %broadcast_in_dim3A = vector.broadcast %jit3A_49 : f32 to vector<16x128xf32>
    %broadcast_in_dim3A_51 = vector.broadcast %jit3A_50 : f32 to vector<16x128xf32>
    %select_n3A_52 = arith.select %eq3A, %broadcast_in_dim3A, %broadcast_in_dim3A_51 : vector<16x128xi1>, vector<16x128xf32>
    %dot_general3A = arith.constant dense<0.000000e+00> : vector<512x128xf32>
    %dot_general3A_53 = tpu.matmul %add3A_24, %select_n3A_52, %dot_general3A {dimension_numbers = #tpu.dot_dimension_numbers<[1], [0], [0], [1], [0, 0, 1, 1], [], []>, transpose_lhs_hint = false} : vector<512x16xf32>, vector<16x128xf32>, vector<512x128xf32> -> vector<512x128xf32>
    %add3A_54 = arith.constant 1.000000e-16 : f32
    %add3A_55 = vector.broadcast %add3A_54 : f32 to vector<512x128xf32>
    %add3A_56 = arith.addf %dot_general3A_53, %add3A_55 : vector<512x128xf32>
    %div3A_57 = arith.divf %add3A_23, %add3A_56 : vector<512x128xf32>
    %mul3A_58 = vector.broadcast %mul3A_3 : vector<1x128xf32> to vector<512x128xf32>
    %mul3A_59 = arith.mulf %div3A_57, %mul3A_58 : vector<512x128xf32>
    %add3A_60 = vector.broadcast %add3A : vector<1x128xf32> to vector<512x128xf32>
    %add3A_61 = arith.addf %mul3A_59, %add3A_60 : vector<512x128xf32>
    %max3A = arith.constant 0.000000e+00 : f32
    %max3A_62 = vector.broadcast %max3A : f32 to vector<512x128xf32>
    %max3A_63 = arith.maximumf %add3A_61, %max3A_62 : vector<512x128xf32>
    %get3A_64 = arith.constant 0 : index
    %get3A_65 = arith.constant 0 : index
    %get3A_66 = vector.load %arg8[%get3A_64, %get3A_65] : memref<512x16xf32, #tpu.memory_space<vmem>>, vector<512x16xf32>
    %iota3A_67 = tpu.iota {dimensions = array<i32: 1>} : vector<512x16xi32>
    %convert_element_type3A = arith.sitofp %iota3A_67 : vector<512x16xi32> to vector<512x16xf32>
    %eq3A_68 = arith.cmpf oeq, %get3A_66, %convert_element_type3A : vector<512x16xf32>
    %jit3A_69 = arith.constant 1.000000e+00 : f32
    %jit3A_70 = arith.constant 0.000000e+00 : f32
    %broadcast_in_dim3A_71 = vector.broadcast %jit3A_69 : f32 to vector<512x16xf32>
    %broadcast_in_dim3A_72 = vector.broadcast %jit3A_70 : f32 to vector<512x16xf32>
    %select_n3A_73 = arith.select %eq3A_68, %broadcast_in_dim3A_71, %broadcast_in_dim3A_72 : vector<512x16xi1>, vector<512x16xf32>
    %dot_general3A_74 = arith.constant dense<0.000000e+00> : vector<16x128xf32>
    %dot_general3A_75 = tpu.matmul %select_n3A_73, %max3A_63, %dot_general3A_74 {dimension_numbers = #tpu.dot_dimension_numbers<[0], [0], [1], [1], [0, 1, 1, 1], [], []>, transpose_lhs_hint = false} : vector<512x16xf32>, vector<512x128xf32>, vector<16x128xf32> -> vector<16x128xf32>
    %broadcast_in_dim3A_76 = arith.constant 1.000000e+00 : f32
    %broadcast_in_dim3A_77 = vector.broadcast %broadcast_in_dim3A_76 : f32 to vector<512x128xf32>
    %dot_general3A_78 = arith.constant dense<0.000000e+00> : vector<16x128xf32>
    %dot_general3A_79 = tpu.matmul %select_n3A_73, %broadcast_in_dim3A_77, %dot_general3A_78 {dimension_numbers = #tpu.dot_dimension_numbers<[0], [0], [1], [1], [0, 1, 1, 1], [], []>, transpose_lhs_hint = false} : vector<512x16xf32>, vector<512x128xf32>, vector<16x128xf32> -> vector<16x128xf32>
    %eq3A_80 = arith.constant 0 : i32
    %eq3A_81 = arith.cmpi eq, %arg0, %eq3A_80 : i32
    %convert_element_type3A_82 = arith.extui %eq3A_81 : i1 to i32
    %cond3A = arith.constant 0 : i32
    %cond3A_83 = arith.cmpi ne, %convert_element_type3A_82, %cond3A : i32
    scf.if %cond3A_83 {
      %swap3A = arith.constant 0 : index
      %swap3A_94 = arith.constant 0 : index
      %swap3A_95 = vector.load %arg12[%swap3A, %swap3A_94] : memref<16x128xf32, #tpu.memory_space<vmem>>, vector<16x128xf32>
      tpu.vector_store %arg12[%swap3A, %swap3A_94], %dot_general3A_75 {strides = array<i32>} : memref<16x128xf32, #tpu.memory_space<vmem>>, vector<16x128xf32>,
      %swap3A_96 = arith.constant 0 : index
      %swap3A_97 = arith.constant 0 : index
      %swap3A_98 = vector.load %arg13[%swap3A_96, %swap3A_97] : memref<16x128xf32, #tpu.memory_space<vmem>>, vector<16x128xf32>
      tpu.vector_store %arg13[%swap3A_96, %swap3A_97], %dot_general3A_79 {strides = array<i32>} : memref<16x128xf32, #tpu.memory_space<vmem>>, vector<16x128xf32>,
    } else {
    }
    %ne3A_84 = arith.constant 0 : i32
    %ne3A_85 = arith.cmpi ne, %arg0, %ne3A_84 : i32
    %convert_element_type3A_86 = arith.extui %ne3A_85 : i1 to i32
    %cond3A_87 = arith.constant 0 : i32
    %cond3A_88 = arith.cmpi ne, %convert_element_type3A_86, %cond3A_87 : i32
    scf.if %cond3A_88 {
      %get3A_94 = arith.constant 0 : index
      %get3A_95 = arith.constant 0 : index
      %get3A_96 = vector.load %arg12[%get3A_94, %get3A_95] : memref<16x128xf32, #tpu.memory_space<vmem>>, vector<16x128xf32>
      %add3A_97 = arith.addf %get3A_96, %dot_general3A_75 : vector<16x128xf32>
      %swap3A = arith.constant 0 : index
      %swap3A_98 = arith.constant 0 : index
      %swap3A_99 = vector.load %arg12[%swap3A, %swap3A_98] : memref<16x128xf32, #tpu.memory_space<vmem>>, vector<16x128xf32>
      tpu.vector_store %arg12[%swap3A, %swap3A_98], %add3A_97 {strides = array<i32>} : memref<16x128xf32, #tpu.memory_space<vmem>>, vector<16x128xf32>,
      %get3A_100 = arith.constant 0 : index
      %get3A_101 = arith.constant 0 : index
      %get3A_102 = vector.load %arg13[%get3A_100, %get3A_101] : memref<16x128xf32, #tpu.memory_space<vmem>>, vector<16x128xf32>
      %add3A_103 = arith.addf %get3A_102, %dot_general3A_79 : vector<16x128xf32>
      %swap3A_104 = arith.constant 0 : index
      %swap3A_105 = arith.constant 0 : index
      %swap3A_106 = vector.load %arg13[%swap3A_104, %swap3A_105] : memref<16x128xf32, #tpu.memory_space<vmem>>, vector<16x128xf32>
      tpu.vector_store %arg13[%swap3A_104, %swap3A_105], %add3A_103 {strides = array<i32>} : memref<16x128xf32, #tpu.memory_space<vmem>>, vector<16x128xf32>,
    } else {
    }
    %eq3A_89 = arith.constant 19 : i32
    %eq3A_90 = arith.cmpi eq, %arg0, %eq3A_89 : i32
    %convert_element_type3A_91 = arith.extui %eq3A_90 : i1 to i32
    %cond3A_92 = arith.constant 0 : i32
    %cond3A_93 = arith.cmpi ne, %convert_element_type3A_91, %cond3A_92 : i32
    scf.if %cond3A_93 {
      %get3A_94 = arith.constant 0 : index
      %get3A_95 = arith.constant 0 : index
      %get3A_96 = vector.load %arg12[%get3A_94, %get3A_95] : memref<16x128xf32, #tpu.memory_space<vmem>>, vector<16x128xf32>
      %get3A_97 = arith.constant 0 : index
      %get3A_98 = arith.constant 0 : index
      %get3A_99 = vector.load %arg13[%get3A_97, %get3A_98] : memref<16x128xf32, #tpu.memory_space<vmem>>, vector<16x128xf32>
      %max3A_100 = arith.constant 1.000000e+00 : f32
      %max3A_101 = vector.broadcast %max3A_100 : f32 to vector<16x128xf32>
      %max3A_102 = arith.maximumf %get3A_99, %max3A_101 : vector<16x128xf32>
      %div3A_103 = arith.divf %get3A_96, %max3A_102 : vector<16x128xf32>
      %get3A_104 = arith.constant 0 : index
      %get3A_105 = arith.constant 0 : index
      %get3A_106 = vector.load %arg9[%get3A_104, %get3A_105] : memref<128x16xf32, #tpu.memory_space<vmem>>, vector<128x16xf32>
      %dot_general3A_107 = arith.constant dense<0.000000e+00> : vector<16x16xf32>
      %dot_general3A_108 = tpu.matmul %div3A_103, %get3A_106, %dot_general3A_107 {dimension_numbers = #tpu.dot_dimension_numbers<[1], [0], [0], [1], [0, 0, 1, 1], [], []>, transpose_lhs_hint = false} : vector<16x128xf32>, vector<128x16xf32>, vector<16x16xf32> -> vector<16x16xf32>
      %get3A_109 = arith.constant 0 : index
      %get3A_110 = arith.constant 0 : index
      %get3A_111 = vector.load %arg10[%get3A_109, %get3A_110] : memref<1x16xf32, #tpu.memory_space<vmem>>, vector<1x16xf32>
      %add3A_112 = vector.broadcast %get3A_111 : vector<1x16xf32> to vector<16x16xf32>
      %add3A_113 = arith.addf %dot_general3A_108, %add3A_112 : vector<16x16xf32>
      %swap3A = arith.constant 0 : index
      %swap3A_114 = arith.constant 0 : index
      %swap3A_115 = vector.load %arg11[%swap3A, %swap3A_114] : memref<16x16xf32, #tpu.memory_space<vmem>>, vector<16x16xf32>
      tpu.vector_store %arg11[%swap3A, %swap3A_114], %add3A_113 {strides = array<i32>} : memref<16x16xf32, #tpu.memory_space<vmem>>, vector<16x16xf32>,
    } else {
    }
    return
  }
  func.func @transform_0(%arg0: i32) -> (i32, i32) {
    %c0_i32 = arith.constant 0 : i32
    %c0_i32_0 = arith.constant 0 : i32
    return %arg0, %c0_i32 : i32, i32
  }
  func.func @transform_1(%arg0: i32) -> (i32, i32) {
    %c0_i32 = arith.constant 0 : i32
    %c0_i32_0 = arith.constant 0 : i32
    return %arg0, %c0_i32 : i32, i32
  }
  func.func @transform_2(%arg0: i32) -> (i32, i32) {
    %c0_i32 = arith.constant 0 : i32
    %c0_i32_0 = arith.constant 0 : i32
    return %arg0, %c0_i32 : i32, i32
  }
  func.func @transform_3(%arg0: i32) -> (i32, i32) {
    %c0_i32 = arith.constant 0 : i32
    %c0_i32_0 = arith.constant 0 : i32
    return %arg0, %c0_i32 : i32, i32
  }
  func.func @transform_4(%arg0: i32) -> (i32, i32) {
    %c0_i32 = arith.constant 0 : i32
    %c0_i32_0 = arith.constant 0 : i32
    %c0_i32_1 = arith.constant 0 : i32
    return %c0_i32, %c0_i32_0 : i32, i32
  }
  func.func @transform_5(%arg0: i32) -> (i32, i32) {
    %c0_i32 = arith.constant 0 : i32
    %c0_i32_0 = arith.constant 0 : i32
    %c0_i32_1 = arith.constant 0 : i32
    return %c0_i32, %c0_i32_0 : i32, i32
  }
  func.func @transform_6(%arg0: i32) -> (i32, i32) {
    %c0_i32 = arith.constant 0 : i32
    %c0_i32_0 = arith.constant 0 : i32
    %c0_i32_1 = arith.constant 0 : i32
    return %c0_i32, %c0_i32_0 : i32, i32
  }
  func.func @transform_7(%arg0: i32) -> (i32, i32) {
    %c0_i32 = arith.constant 0 : i32
    %c0_i32_0 = arith.constant 0 : i32
    return %arg0, %c0_i32 : i32, i32
  }
  func.func @transform_8(%arg0: i32) -> (i32, i32) {
    %c0_i32 = arith.constant 0 : i32
    %c0_i32_0 = arith.constant 0 : i32
    %c0_i32_1 = arith.constant 0 : i32
    return %c0_i32, %c0_i32_0 : i32, i32
  }
  func.func @transform_9(%arg0: i32) -> (i32, i32) {
    %c0_i32 = arith.constant 0 : i32
    %c0_i32_0 = arith.constant 0 : i32
    %c0_i32_1 = arith.constant 0 : i32
    return %c0_i32, %c0_i32_0 : i32, i32
  }
  func.func @transform_10(%arg0: i32) -> (i32, i32) {
    %c0_i32 = arith.constant 0 : i32
    %c0_i32_0 = arith.constant 0 : i32
    %c0_i32_1 = arith.constant 0 : i32
    return %c0_i32, %c0_i32_0 : i32, i32
  }
}

</mosaic_0001>

<sc_bundles>
// kernel: kernel.10.cloned.1.call-start
scs
__scs_entry_jumppad:
0x0: {  	(pc) =	sbr.rel $0x88, $3  }
0x1: {  	(tag) =	ssettag $0x0;
	lr =	simm.s32 $0x1  }
0x2: {  	[smem:$0x3F90] =	sst lr;
	_ =	strace $0xD0000000  }
0x3: {  	_ = 	snop  }
0x4: {  	_ = 	snop  }
0x5: {  	_ = 	snop  }
0x6: {  	_ = 	snop  }
0x7: {  	_ = 	snop  }
__scs_overlays_trampoline_lowered:
0x8: {  	[smem:$0x3F9F] =	sst s0  }
0x9: {  	[smem:$0x3FA0] =	sst s1  }
0xa: {  	[smem:$0x3FA1] =	sst s2  }
0xb: {  	[smem:$0x3FA2] =	sst s3  }
0xc: {  	[smem:$0x3FA3] =	sst s4  }
0xd: {  	[smem:$0x3FA4] =	sst s5  }
0xe: {  	[smem:$0x3FA5] =	sst s6  }
0xf: {  	[smem:$0x3FA6] =	sst s7  }
0x10: {  	[smem:$0x3FA7] =	sst s8  }
0x11: {  	[smem:$0x3FA8] =	sst s9;
	s0 =	simm.s32 @!p0 $0x0  }
0x12: {  	s1 =	sld [smem:$0x3F8E];
	s0 =	simm.s32 @p0 $0x1  }
0x13: {  	[smem:$0x3FA9] =	sst s0;
	s0 =	simm.s32 @!p1 $0x0  }
0x14: {  	s2 =	sld [smem:$0x3F8D];
	s0 =	simm.s32 @p1 $0x1  }
0x15: {  	[smem:$0x3FAA] =	sst s0;
	s0 =	simm.s32 @!p2 $0x0  }
0x16: {  	s3 =	sld [smem:$0x3FDB];
	s0 =	simm.s32 @p2 $0x1  }
0x17: {  	s4 =	simm.s32 $0x1BF5;
	[smem:$0x3FAC] =	sst s0  }
0x18: {  	s0 =	sld [smem:$0x3F8F];
	_ =	swait.ge [sflag:s4], $0x0  }
0x19: {  	s7 =	sld [smem:$0x3F90]  }
0x1a: {  	s8 =	sadd.s32 $0xFFFFE003, lr  }
0x1b: {  	s9 =	sadd.s32 $0xFFFFFEF7, lr;
	s5 =	simm.s32 $0xFFFFFFFF;
	p2 =	slt.u32 s8, $0xFFFFF086  }
0x1c: {  	p1 =	slt.u32 s9, $0xF7A;
	s5 =	simm.s32 @!p2 $0x0  }
0x1d: {  	s5 =	simm.s32 @p1 $0x1;
	p0 =	seq.s32 s7, s2  }
0x1e: {  	s7 =	smul.u32 @!p0 $0xF7A, s2;
	p2 =	seq.s32 @!p0 s5, $0x0  }
0x1f: {  	s9 =	smul.u32 $0xF7A, s1;
	s8 =	simm.s32 @!p0 $0x1BF5;
	p2 =	por !p2, p0  }
0x20: {  	[sflag:s8] =	ssyncset.s32 @!p0 $0xFFFFF086;
	s6 =	sadd.s32 @!p0 s3, s7;
	s7 =	simm.s32 @!p0 $0x108  }
0x21: {  	s3 =	sadd.s32 s3, s9;
	s6 =	sadd.s32 @!p0 $0x88, s6;
	s7 =	simm.s32 @p2 $0x1082  }
0x22: {  	[simem:s7], [sflag:s8] =	dma.local @!p0 [hbm:s6], $0xF7A  }
0x23: {  	s9 =	sor.u32 $0xD0000000, s2;
	s6 =	simm.s32 $0x108;
	_ =	swait.ge @!p0 [sflag:s8], $0x0  }
0x24: {  	s3 =	sadd.s32 $0x88, s3;
	s6 =	simm.s32 @!p1 $0x1082;
	[sflag:s4] =	ssyncset.s32 $0xFFFFF086  }
0x25: {  	[simem:s6], [sflag:s4] =	dma.local [hbm:s3], $0xF7A  }
0x26: {  	[smem:$0x3F90] =	sst s1;
	(tag) =	ssettag s2;
	_ =	strace s9  }
0x27: {  	s1 =	sld [smem:$0x3FA0]  }
0x28: {  	s2 =	sld [smem:$0x3FA1]  }
0x29: {  	s4 =	sld [smem:$0x3FA3]  }
0x2a: {  	p0 =	seq.s32 s5, $0x0;
	s5 =	sld [smem:$0x3FA4]  }
0x2b: {  	s6 =	sld [smem:$0x3FA5]  }
0x2c: {  	s7 =	sld [smem:$0x3FA6]  }
0x2d: {  	s3 =	simm.s32 $0x108;
	s8 =	sld [smem:$0x3FA7]  }
0x2e: {  	s3 =	simm.s32 @!p0 $0x1082;
	s9 =	sld [smem:$0x3FA8]  }
0x2f: {  	lr =	sadd.s32 s0, s3;
	s0 =	sld [smem:$0x3F9F]  }
0x30: {  	s3 =	sld [smem:$0x3FA2]  }
0x31: {  	[smem:$0x3FAB] =	sst s10  }
0x32: {  	s10 =	sld [smem:$0x3FA9];
	_ =	sdelay $0x3  }
0x33: {  	p0 =	seq.s32 s10, $0x1;
	s10 =	sld [smem:$0x3FAB];
	_ =	sdelay $0x3  }
0x34: {  	[smem:$0x3FAB] =	sst s10  }
0x35: {  	s10 =	sld [smem:$0x3FAA];
	_ =	sdelay $0x3  }
0x36: {  	p1 =	seq.s32 s10, $0x1;
	s10 =	sld [smem:$0x3FAB];
	_ =	sdelay $0x3  }
0x37: {  	[smem:$0x3FAB] =	sst s10  }
0x38: {  	s10 =	sld [smem:$0x3FAC]  }
0x39: {  	_ = 	snop;
	(pc) =	sbr.ind lr, $3  }
0x3a: {  	_ = 	snop  }
0x3b: {  	_ = 	snop  }
0x3c: {  	p2 =	seq.s32 s10, $0x1;
	s10 =	sld [smem:$0x3FAB]  }
0x3d: {  	_ =	shalt  }
0x3e: {  	_ =	shalt  }
0x3f: {  	_ =	shalt  }
0x40: {  	_ =	shalt  }
0x41: {  	_ =	shalt  }
0x42: {  	_ =	shalt  }
0x43: {  	_ =	shalt  }
0x44: {  	_ =	shalt  }
0x45: {  	_ =	shalt  }
0x46: {  	_ =	shalt  }
0x47: {  	_ =	shalt  }
0x48: {  	_ =	shalt  }
0x49: {  	_ =	shalt  }
0x4a: {  	_ =	shalt  }
0x4b: {  	_ =	shalt  }
0x4c: {  	_ =	shalt  }
0x4d: {  	_ =	shalt  }
0x4e: {  	_ =	shalt  }
0x4f: {  	_ =	shalt  }
0x50: {  	_ =	shalt  }
0x51: {  	_ =	shalt  }
0x52: {  	_ =	shalt  }
0x53: {  	_ =	shalt  }
0x54: {  	_ =	shalt  }
0x55: {  	_ =	shalt  }
0x56: {  	_ =	shalt  }
0x57: {  	_ =	shalt  }
0x58: {  	_ =	shalt  }
0x59: {  	_ =	shalt  }
0x5a: {  	_ =	shalt  }
0x5b: {  	_ =	shalt  }
0x5c: {  	_ =	shalt  }
0x5d: {  	_ =	shalt  }
0x5e: {  	_ =	shalt  }
0x5f: {  	_ =	shalt  }
0x60: {  	_ =	shalt  }
0x61: {  	_ =	shalt  }
0x62: {  	_ =	shalt  }
0x63: {  	_ =	shalt  }
0x64: {  	_ =	shalt  }
0x65: {  	_ =	shalt  }
0x66: {  	_ =	shalt  }
0x67: {  	_ =	shalt  }
0x68: {  	_ =	shalt  }
0x69: {  	_ =	shalt  }
0x6a: {  	_ =	shalt  }
0x6b: {  	_ =	shalt  }
0x6c: {  	_ =	shalt  }
0x6d: {  	_ =	shalt  }
0x6e: {  	_ =	shalt  }
0x6f: {  	_ =	shalt  }
0x70: {  	_ =	shalt  }
0x71: {  	_ =	shalt  }
0x72: {  	_ =	shalt  }
0x73: {  	_ =	shalt  }
0x74: {  	_ =	shalt  }
0x75: {  	_ =	shalt  }
0x76: {  	_ =	shalt  }
0x77: {  	_ =	shalt  }
0x78: {  	_ =	shalt  }
0x79: {  	_ =	shalt  }
0x7a: {  	_ =	shalt  }
0x7b: {  	_ =	shalt  }
0x7c: {  	_ =	shalt  }
0x7d: {  	_ =	shalt  }
0x7e: {  	_ =	shalt  }
0x7f: {  	_ =	shalt  }
0x80: {  	_ =	shalt  }
0x81: {  	_ =	shalt  }
0x82: {  	_ =	shalt  }
0x83: {  	_ =	shalt  }
0x84: {  	_ =	shalt  }
0x85: {  	_ =	shalt  }
0x86: {  	_ =	shalt  }
0x87: {  	_ =	shalt  }
.Lfunc_end0:
.L_simem_size_0:
called_computation.1_lowered:
.L_overlay_start_0:
0x88: {  	s2 =	sld [smem:$0x3FD9]  }
0x89: {  	s3 =	sld [smem:$0x3FFE];
	_ =	sdelay $0x1  }
0x8a: {  	s1 =	srdreg.scid  }
0x8b: {  	s0 =	sand.u32 $0x1, s1  }
0x8c: {  	s17 =	sshll.u32 s0, $0xA;
	s2 =	sadd.s32 s3, s2  }
0x8d: {  	s2 =	sadd.s32 s2, s17  }
0x8e: {  	[smem:$0x3FB7] =	sst s2  }
0x8f: {  	_ = 	snop  }
0x90: {  	s2 =	sld [smem:$0x3FD0];
	(tm) =	ssettm $0x1  }
0x91: {  	s18 =	sld [smem:$0x3FFB];
	_ =	sdelay $0x3  }
0x92: {  	_ =	strace s18  }
0x93: {  	s3 =	sld [smem:$0x3FFC];
	_ =	sdelay $0x3  }
0x94: {  	_ =	strace s3  }
0x95: {  	s3 =	sld [smem:$0x3FFD];
	_ =	sdelay $0x3  }
0x96: {  	_ =	strace s3  }
0x97: {  	_ =	strace $0x8FFFFFFF  }
0x98: {  	s19 =	sld [smem:$0x3FDB];
	_ =	sdelay $0x1  }
0x99: {  	s4 =	simm.s32 $_scs_section_size  }
0x9a: {  	s5 =	simm.s32 $_size__tile_overlayer_lowered;
	s6 =	simm.s32 $_tile_overlayer_lowered  }
0x9b: {  	s22 =	simm.s32 $0x1BFF;
	s21 =	sshll.u32 s6, $0x1;
	s3 =	sadd.s32 s4, s19  }
0x9c: {  	s7 =	simm.s32 $0x0;
	s20 =	sshll.u32 s5, $0x1;
	s5 =	sadd.s32 s21, s3  }
0x9d: {  	[timem:s7], [sflag:s22] =	dma.local [hbm:s5], s20  }
0x9e: {  	_ =	swait.ge [sflag:s22], s20  }
0x9f: {  	s4 =	ssub.s32 $0x0, s20;
	[sflag:s22] =	ssyncset.done $0x0  }
0xa0: {  	[sflag:s22] =	ssyncadd.s32 s4;
	_ =	sdelay $0x1  }
0xa1: {  	s23 =	simm.s32 $0x1B8B  }
0xa2: {  	_ =	swait.ge [sflag:s23], $0x1  }
0xa3: {  	[sflag:s23] =	ssyncset.done $0x0  }
0xa4: {  	s25 =	simm.s32 $0x1B8E;
	s24 =	sld [smem:$0x3FFE];
	[sflag:s23] =	ssyncadd.s32 $0xFFFFFFFF  }
0xa5: {  	s26 =	simm.s32 $execute0_lowered;
	[smem:$0x3FD2] =	sst s25  }
0xa6: {  	s5 =	sshll.u32 s26, $0x1;
	_ =	strace $0x80000049;
	[dreg:$0x1] =	wrdreg $0xFFFFFFFF  }
0xa7: {  	s28 =	simm.s32 $_size_execute0_lowered;
	s3 =	sadd.s32 s3, s5;
	[dreg:$0x0] =	wrdreg $0x0  }
0xa8: {  	s5 =	sshll.u32 s28, $0x1;
	[dreg:$0x2] =	wrdreg s3  }
0xa9: {  	[dreg:$0x3] =	wrdreg s5  }
0xaa: {  	[dreg:$0x4] =	wrdreg $0xC0  }
0xab: {  	_ =	task [dreg:s7], $0x5FFFF  }
0xac: {  	[dreg:$0x1] =	wrdreg $0xFFFFFFFF  }
0xad: {  	[dreg:$0x0] =	wrdreg $0x60  }
0xae: {  	[dreg:$0x2] =	wrdreg s24  }
0xaf: {  	[dreg:$0x3] =	wrdreg s2  }
0xb0: {  	[dreg:$0x4] =	wrdreg $0x0  }
0xb1: {  	[dreg:$0x5] =	wrdreg $0x140000  }
0xb2: {  	[dreg:$0x6] =	wrdreg $0x9  }
0xb3: {  	_ =	task.clear_ibuf [dreg:s7], $0x7FFFF;
	_ =	strace $0x90000049  }
0xb4: {  	s29 =	simm.s32 $0x9;
	_ =	strace $0x8000004B  }
0xb5: {  	_ =	swait.ge [sflag:s29], $0x1  }
0xb6: {  	[sflag:s29] =	ssyncadd.s32 $0xFFFFFFFF  }
0xb7: {  	_ =	strace $0x9000004B  }
0xb8: {  	_ =	sfence  }
0xb9: {  	s30 =	sld [smem:$0x0];
	_ =	sdelay $0x2  }
0xba: {  	s31 =	sshll.u32 s1, $0xD;
	s1 =	sshrl.u32 s1, $0x2  }
0xbb: {  	s3 =	sand.u32 $0x4000, s31;
	s1 =	sadd.s32 s1, s30  }
0xbc: {  	s0 =	sor.u32 s3, s0;
	s1 =	sshll.u32 s1, $0x11  }
0xbd: {  	s0 =	sor.u32 s1, s0  }
0xbe: {  	s0 =	sadd.s32 $0x8F2B, s0  }
0xbf: {  	[sflag:s0] =	ssyncadd.remote.s32 $0x1  }
0xc0: {  	_ =	sfence.sel $0xFFFF  }
0xc1: {  	[dreg:$0x0] =	wrdreg $0xFFFFFFFF;
	(pc) =	sbr.abs _section_cstart, $3  }
0xc2: {  	[dreg:$0x1] =	wrdreg $0xFFFFFFFF  }
0xc3: {  	_ =	task.clear_ibuf [dreg:s7], $0x2FFFF;
	_ =	strace $0x9FFFFFFF  }
0xc4: {  	(tm) =	ssettm $0x7FFFFFFF  }
0xc5: {  	_ =	shalt  }
tec
execute0_lowered:
.L_overlay_start_1:
0x0: {  	(tag) =	ssettag $0x1  }
0x1: {  	s0 =	rddreg [dreg:$0x0]  }
0x2: {  	s3 =	rddreg [dreg:$0x2]  }
0x3: {  	s1 =	srdreg.scid;
	s13 =	stileid.u32  }
0x4: {  	s4 =	rddreg [dreg:$0x3];
	s14 =	simm.s32 $0x0;
	s2 =	smul.u32 $0x280, s13  }
0x5: {  	s1 =	sand.u32 $0x1, s1;
	[smem:$0x7FF] =	sst s14;
	s11 =	smul.u32 $0x50000, s13  }
0x6: {  	s6 =	sadd.s32 $0x18000, s0;
	s10 =	sshll.u32 s13, $0x1;
	s21 =	smul.u32 $0xA000, s13  }
0x7: {  	s5 =	smul.u32 $0x2800, s1;
	s19 =	ssub.s32 $0x2, s1;
	s1 =	sor.u32 s1, s10  }
0x8: {  	s7 =	sadd.s32 $0x45000, s0;
	s8 =	sadd.s32 $0x40000, s0;
	s12 =	smul.u32 $0x6C, s1  }
0x9: {  	s9 =	sadd.s32 $0x3C00, s0;
	_ =	strace $0x8000004A;
	s23 =	smul.u32 $0x5100, s1  }
0xa: {  	s20 =	sshrl.u32 s19, $0x1;
	s11 =	sshrl.u32 s11, $0x2;
	s1 =	smul.u32 $0xA20, s1  }
0xb: {  	s10 =	sshrl.u32 s21, $0x2;
	s2 =	sadd.s32 s2, s5;
	s16 =	sor.u32 $0x3, s12  }
0xc: {  	s5 =	sshll.u32 s2, $0x4;
	s17 =	sadd.s32 $0x4, s12;
	[dreg:$0xf] =	wrdreg s16  }
0xd: {  	s2 =	sshll.u32 s2, $0x1;
	s18 =	sadd.s32 $0x5, s12;
	[dreg:$0x10] =	wrdreg s17  }
0xe: {  	s13 =	sadd.s32 s9, s1;
	s21 =	sadd.s32 $0x6, s12;
	[dreg:$0x11] =	wrdreg s18  }
0xf: {  	s5 =	sadd.s32 s5, s0;
	s0 =	sadd.s32 s2, s0;
	[dreg:$0x12] =	wrdreg s21  }
0x10: {  	s2 =	ssub.s32 s19, s20;
	s19 =	sadd.s32 s11, s3;
	[dreg:$0xd] =	wrdreg s13  }
0x11: {  	s30 =	simm.s32 $0x19780;
	s20 =	sadd.s32 s10, s4;
	[dreg:$0x6] =	wrdreg s19  }
0x12: {  	s31 =	simm.s32 $0x7;
	s11 =	sadd.s32 $0x3000, s19;
	[dreg:$0xc] =	wrdreg s20  }
0x13: {  	s28 =	simm.s32 $0x17EC0;
	s22 =	sadd.s32 $0x6000, s19;
	[dreg:$0x7] =	wrdreg s11  }
0x14: {  	s29 =	simm.s32 $0x1;
	s24 =	sadd.s32 $0x9000, s19;
	[dreg:$0x8] =	wrdreg s22  }
0x15: {  	s12 =	simm.s32 $0x17E60;
	s25 =	sadd.s32 $0xC000, s19;
	[dreg:$0x9] =	wrdreg s24  }
0x16: {  	s17 =	simm.s32 $0x1F780;
	s26 =	sadd.s32 $0xF000, s19;
	[dreg:$0xa] =	wrdreg s25  }
0x17: {  	s16 =	simm.s32 $0x2;
	s0 =	sadd.s32 $0x4A000, s0;
	[dreg:$0xb] =	wrdreg s26  }
0x18: {  	s10 =	simm.s32 $0x6;
	s22 =	sadd.s32 $0x54000, s5;
	[dreg:$0x14] =	wrdreg s0  }
0x19: {  	s11 =	sshrl.u32 s23, $0x3;
	s23 =	smax.u32 s2, $0x1;
	[dreg:$0x13] =	wrdreg s22  }
0x1a: {  	s24 =	sadd.s32 $0x12000, s19;
	s25 =	sadd.s32 $0x1400, s20;
	[dreg:$0x15] =	wrdreg s23  }
0x1b: {  	s26 =	sadd.s32 $0x18, s13;
	s0 =	simm.s32 $0x17D40;
	[dreg:$0x16] =	wrdreg s24  }
0x1c: {  	s13 =	simm.s32 $0x60;
	s2 =	simm.s32 $0x4;
	[dreg:$0x17] =	wrdreg s25  }
0x1d: {  	s5 =	simm.s32 $0x17F20;
	s15 =	sadd.s32 s9, s11;
	[dreg:$0x18] =	wrdreg s26  }
0x1e: {  	s11 =	simm.s32 $0x17E00;
	s23 =	simm.s32 $0x18580;
	s24 =	simm.s32 $0x17DA0  }
0x1f: {  	s25 =	simm.s32 $0x19180;
	s26 =	simm.s32 $0x1C780;
	s1 =	sadd.s32 $0x30, s15  }
0x20: {  	v0 =	vimm.f32 $0.0e+00;
	s15 =	simm.s32 $0x17CE0;
	[dreg:$0xe] =	wrdreg s1;
	s1 =	simm.s32 $0x5  }
.LBB2_1:
0x21: {  	[dreg:$0x5] =	wrdreg s14;
	s14 =	simm.s32 $0x0;
	s18 =	simm.s32 $0x200  }
.LBB2_2:
0x22: {  	p0 =	sne.s32 s18, $0xBE00;
	[tilespmem:s14+$0x197F0] =	vst v0  }
0x23: {  	[tilespmem:s14+$0x19780] =	vst v0  }
0x24: {  	[tilespmem:s14+$0x19790] =	vst v0  }
.Ltmp0:
0x25: {  	[tilespmem:s14+$0x197A0] =	vst v0;
	(pc) =	sbr.rel @p0 .LBB2_2-.Ltmp0, $4  }
0x26: {  	[tilespmem:s14+$0x197B0] =	vst v0  }
0x27: {  	[tilespmem:s14+$0x197C0] =	vst v0  }
0x28: {  	[tilespmem:s14+$0x197D0] =	vst v0  }
0x29: {  	[tilespmem:s14+$0x197E0] =	vst v0;
	s14 =	sshra.s32 s18, $0x2;
	s18 =	sadd.s32 $0x200, s18  }
0x2a: {  	[tilespmem:s14+$0x197F0] =	vst v0  }
0x2b: {  	[tilespmem:s14+$0x19780] =	vst v0  }
0x2c: {  	[tilespmem:s14+$0x19790] =	vst v0  }
0x2d: {  	[tilespmem:s14+$0x197A0] =	vst v0  }
0x2e: {  	[tilespmem:s14+$0x197B0] =	vst v0  }
0x2f: {  	[tilespmem:s14+$0x197C0] =	vst v0  }
0x30: {  	[tilespmem:s14+$0x197D0] =	vst v0  }
0x31: {  	[tilespmem:s14+$0x197E0] =	vst v0;
	s14 =	simm.s32 $0x40;
	s18 =	simm.s32 $0x0  }
.LBB2_4:
0x32: {  	p0 =	sne.s32 s14, $0x4FC0;
	[tilespmem:s18+$0x16800] =	vst v0;
	s18 =	smov.u32 s14;
	s14 =	sadd.s32 $0x40, s14  }
.Ltmp1:
0x33: {  	(pc) =	sbr.rel @p0 .LBB2_4-.Ltmp1, $2  }
0x34: {  	_ =	sdelay $0x2  }
0x35: {  	s18 =	sshra.s32 s18, $0x2  }
0x36: {  	[tilespmem:s18+$0x16800] =	vst v0  }
0x37: {  	[spmem:s19] =	stream.linear.scatter [tilespmem:s30], [sflag:$0x7], $0x3000, $0x38;
	[tilespmem:$0x1FD80] =	vst v63  }
0x38: {  	_ =	swait.ge [sflag:s31], $0x3000  }
0x39: {  	[sflag:s31] =	ssyncset.done $0x0  }
0x3a: {  	s14 =	rddreg [dreg:$0x7];
	[sflag:s31] =	ssyncadd.s32 $0xFFFFD000  }
0x3b: {  	[spmem:s14] =	stream.linear.scatter [tilespmem:s30], [sflag:$0x7], $0x3000, $0x38;
	[tilespmem:$0x1FD80] =	vst v63  }
0x3c: {  	_ =	swait.ge [sflag:s31], $0x3000  }
0x3d: {  	[sflag:s31] =	ssyncset.done $0x0  }
0x3e: {  	s18 =	rddreg [dreg:$0x8];
	[sflag:s31] =	ssyncadd.s32 $0xFFFFD000  }
0x3f: {  	[spmem:s18] =	stream.linear.scatter [tilespmem:s30], [sflag:$0x7], $0x3000, $0x38;
	[tilespmem:$0x1FD80] =	vst v63  }
0x40: {  	_ =	swait.ge [sflag:s31], $0x3000  }
0x41: {  	[sflag:s31] =	ssyncset.done $0x0  }
0x42: {  	s19 =	rddreg [dreg:$0x9];
	[sflag:s31] =	ssyncadd.s32 $0xFFFFD000  }
0x43: {  	[spmem:s19] =	stream.linear.scatter [tilespmem:s30], [sflag:$0x7], $0x3000, $0x38;
	[tilespmem:$0x1FD80] =	vst v63  }
0x44: {  	_ =	swait.ge [sflag:s31], $0x3000  }
0x45: {  	[sflag:s31] =	ssyncset.done $0x0  }
0x46: {  	s21 =	rddreg [dreg:$0xa];
	[sflag:s31] =	ssyncadd.s32 $0xFFFFD000  }
0x47: {  	[spmem:s21] =	stream.linear.scatter [tilespmem:s30], [sflag:$0x7], $0x3000, $0x38;
	[tilespmem:$0x1FD80] =	vst v63  }
0x48: {  	_ =	swait.ge [sflag:s31], $0x3000  }
0x49: {  	[sflag:s31] =	ssyncset.done $0x0  }
0x4a: {  	s22 =	rddreg [dreg:$0xb];
	[sflag:s31] =	ssyncadd.s32 $0xFFFFD000  }
0x4b: {  	[spmem:s22] =	stream.linear.scatter [tilespmem:s30], [sflag:$0x7], $0x3000, $0x38;
	[tilespmem:$0x1FD80] =	vst v63  }
0x4c: {  	_ =	swait.ge [sflag:s31], $0x3000  }
0x4d: {  	[sflag:s31] =	ssyncset.done $0x0  }
0x4e: {  	s18 =	rddreg [dreg:$0x16];
	[sflag:s31] =	ssyncadd.s32 $0xFFFFD000  }
0x4f: {  	[spmem:s18] =	stream.linear.scatter [tilespmem:s30], [sflag:$0x7], $0x2000, $0x38;
	[tilespmem:$0x1FD80] =	vst v63  }
0x50: {  	_ =	swait.ge [sflag:s31], $0x2000  }
0x51: {  	[sflag:s31] =	ssyncset.done $0x0  }
0x52: {  	s19 =	simm.s32 $0x16800;
	[sflag:s31] =	ssyncadd.s32 $0xFFFFE000  }
0x53: {  	[spmem:s20] =	stream.linear.scatter [tilespmem:s19], [sflag:$0x7], $0x1400, $0x38;
	[tilespmem:$0x1FD80] =	vst v63  }
0x54: {  	_ =	swait.ge [sflag:s31], $0x1400  }
0x55: {  	[sflag:s31] =	ssyncset.done $0x0  }
0x56: {  	s20 =	rddreg [dreg:$0x17];
	[sflag:s31] =	ssyncadd.s32 $0xFFFFEC00  }
0x57: {  	[spmem:s20] =	stream.linear.scatter [tilespmem:s19], [sflag:$0x7], $0x1400, $0x38;
	[tilespmem:$0x1FD80] =	vst v63  }
0x58: {  	_ =	swait.ge [sflag:s31], $0x1400  }
0x59: {  	[sflag:s31] =	ssyncset.done $0x0  }
0x5a: {  	[sflag:s31] =	ssyncadd.s32 $0xFFFFEC00  }
0x5b: {  	s22 =	simm.s32 $0x17C00;
	s19 =	simm.s32 $0x0;
	s21 =	rddreg [dreg:$0x1]  }
0x5c: {  	[tilespmem:s22], [sflag:$0x7] =	stream.linear.gather [hbm4b:s21+s19], $0x80, $0x38;
	[tilespmem:$0x1FD80] =	vst v63  }
0x5d: {  	_ =	swait.ge [sflag:s31], $0x80  }
0x5e: {  	[sflag:s31] =	ssyncset.done $0x0  }
0x5f: {  	[sflag:s31] =	ssyncadd.s32 $0xFFFFFF80  }
0x60: {  	[bflag:$0x0] =	sbarrier.arrive $0xFFFF  }
0x61: {  	s18 =	simm.s32 $0x17C80;
	v1 =	vld [tilespmem:$0x17C00];
	s20 =	rddreg [dreg:$0xd]  }
0x62: {  	v2 =	vld [tilespmem:$0x17C10];
	[tilespmem:s18], [sflag:$0x3] =	stream.linear.gather [hbm4b:s20+s19], $0xC0, $0x38  }
0x63: {  	s21 =	rddreg [dreg:$0x18]  }
0x64: {  	[tilespmem:s0], [sflag:$0x4] =	stream.linear.gather [hbm4b:s21+s19], $0xC0, $0x38;
	[tilespmem:$0x1FD80] =	vst v63  }
0x65: {  	s22 =	rddreg [dreg:$0xe];
	s20 =	simm.s32 $0x3  }
0x66: {  	[tilespmem:s11], [sflag:$0x5] =	stream.linear.gather [hbm4b:s22+s19], $0xC0, $0x38;
	[tilespmem:$0x1FD80] =	vst v63  }
0x67: {  	_ =	swait.ge [sflag:s20], $0xC0  }
0x68: {  	[sflag:s20] =	ssyncset.done $0x0  }
0x69: {  	s21 =	simm.s32 $0x17F80;
	[sflag:s20] =	ssyncadd.s32 $0xFFFFFF40  }
0x6a: {  	[tilespmem:s21], [sflag:$0x1] =	stream.indirect.gather [hbm4b:s7+s13], $0x10, s18, s13, $0xb8;
	[tilespmem:$0x1FD80] =	vst v63  }
0x6b: {  	v1 =	vadd.f32 v2, v1;
	s22 =	simm.s32 $0x18B80  }
0x6c: {  	[tilespmem:s22], [sflag:$0x1] =	stream.indirect.gather [hbm4b:s8+s13], $0x10, s15, s13, $0xb8;
	[tilespmem:$0x1FD80] =	vst v63  }
0x6d: {  	v2 =	vmul.f32 $2.000000030e-01, v1  }
0x6e: {  	vm0 =	vgt.f32 v1, $0.0e+00;
	[tilespmem:s30], [sflag:$0x1] =	stream.indirect.gather [hbm4b:s6+s13], $0x80, s18, s13, $0xb8;
	[tilespmem:$0x1FD80] =	vst v63  }
0x6f: {  	v1 =	vsel vm0, v1, v2;
	s18 =	simm.s32 $0x0  }
.LBB2_6:
0x70: {  	_ =	swait.ge [sflag:s2], $0xC0  }
0x71: {  	[sflag:s2] =	ssyncset.done $0x0  }
0x72: {  	s14 =	sshll.u32 s18, $0x2;
	s19 =	rddreg [dreg:$0xf];
	[sflag:s2] =	ssyncadd.s32 $0xFFFFFF40  }
0x73: {  	[tilespmem:s23], [sflag:$0x2] =	stream.indirect.gather [hbm4b:s7+s13], $0x10, s0, s13, $0xb8;
	[tilespmem:$0x1FD80] =	vst v63  }
0x74: {  	s19 =	sadd.s32 s14, s19  }
0x75: {  	[tilespmem:s25], [sflag:$0x2] =	stream.indirect.gather [hbm4b:s8+s13], $0x10, s24, s13, $0xb8;
	[tilespmem:$0x1FD80] =	vst v63  }
0x76: {  	s19 =	smul.u32 $0x18, s19  }
0x77: {  	[tilespmem:s26], [sflag:$0x2] =	stream.indirect.gather [hbm4b:s6+s13], $0x80, s0, s13, $0xb8;
	[tilespmem:$0x1FD80] =	vst v63  }
0x78: {  	s20 =	simm.s32 $0x0;
	s19 =	sadd.s32 s9, s19  }
0x79: {  	[tilespmem:s28], [sflag:$0x6] =	stream.linear.gather [hbm4b:s19+s20], $0xC0, $0x38;
	[tilespmem:$0x1FD80] =	vst v63  }
0x7a: {  	_ =	swait.ge [sflag:s29], $0x600  }
0x7b: {  	[sflag:s29] =	ssyncset.done $0x0  }
0x7c: {  	[sflag:s29] =	ssyncadd.s32 $0xFFFFFA00  }
0x7d: {  	_ =	swait.ge [sflag:s29], $0x600  }
0x7e: {  	[sflag:s29] =	ssyncset.done $0x0  }
0x7f: {  	[sflag:s29] =	ssyncadd.s32 $0xFFFFFA00  }
0x80: {  	_ =	swait.ge [sflag:s29], $0x3000  }
0x81: {  	[sflag:s29] =	ssyncset.done $0x0  }
0x82: {  	s22 =	simm.s32 $0x0;
	[sflag:s29] =	ssyncadd.s32 $0xFFFFD000  }
0x83: {  	v2 =	vld [tilespmem:s22+$0x17F80]  }
0x84: {  	v3 =	vld [tilespmem:s22+$0x18B80];
	_ =	sdelay $0x4  }
0x85: {  	v2 =	vadd.f32 v3, v2;
	_ =	sdelay $0x1  }
0x86: {  	v3 =	vmul.f32 $2.000000030e-01, v2  }
0x87: {  	vm0 =	vgt.f32 v2, $0.0e+00  }
0x88: {  	v2 =	vsel vm0, v2, v3  }
0x89: {  	v2 =	vsub.f32 v2, v1;
	_ =	sdelay $0x1  }
0x8a: {  	v2 =	vmul.f32 $1.442695020e+00, v2;
	_ =	sdelay $0x1  }
0x8b: {  	(erf) = vpow2.f32 v2;
	_ =	sdelay $0x8  }
0x8c: {  	v3 =	vpop (erf)  }
0x8d: {  	s19 =	simm.s32 $0x197C0;
	[tilespmem:s22+$0x1F780] =	vst v3  }
0x8e: {  	v11 =	vld [tilespmem:s19+$0x30]  }
0x8f: {  	v10 =	vld [tilespmem:s19+$0xFFFFFFE0]  }
0x90: {  	v8 =	vld [tilespmem:s19+$0x10]  }
0x91: {  	v4 =	vbroadcast v3, $0x3;
	v5 =	vld [tilespmem:s19+$0x20]  }
0x92: {  	v2 =	vbroadcast v3, $0x1;
	v6 =	vld [tilespmem:s19+$0xFFFFFFD0]  }
0x93: {  	s21 =	simm.s32 $0x197C0;
	s20 =	simm.s32 $0x40;
	v7 =	vbroadcast v3, $0x2;
	v9 =	vld [tilespmem:s19+$0x0];
	v11 =	vmul.f32 v11, v4  }
.LBB2_7:
0x94: {  	p0 =	sne.s32 s20, $0x17C0  }
0x95: {  	v10 =	vmul.f32 v2, v10;
	v12 =	vld [tilespmem:s19+$0xFFFFFFF0];
	s21 =	sadd.s32 $0x80, s21;
	s22 =	smov.u32 s20;
	s20 =	sadd.s32 $0x40, s20  }
0x96: {  	v3 =	vbroadcast v3, $0x0;
	v13 =	vld [tilespmem:s19+$0xFFFFFFC0];
	v8 =	vmul.f32 v8, v7;
	[tilespmem:s19+$0x30] =	vst v11  }
0x97: {  	[tilespmem:s19+$0xFFFFFFE0] =	vst v10;
	v4 =	vmul.f32 v5, v4  }
0x98: {  	v5 =	vmul.f32 v3, v6;
	[tilespmem:s19+$0x10] =	vst v8  }
0x99: {  	v6 =	vmul.f32 v9, v7;
	[tilespmem:s19+$0x20] =	vst v4  }
0x9a: {  	[tilespmem:s19+$0xFFFFFFD0] =	vst v5;
	v2 =	vmul.f32 v12, v2  }
0x9b: {  	v3 =	vmul.f32 v3, v13;
	[tilespmem:s19+$0x0] =	vst v6  }
0x9c: {  	[tilespmem:s19+$0xFFFFFFF0] =	vst v2  }
0x9d: {  	s22 =	sshra.s32 s22, $0x2;
	[tilespmem:s19+$0xFFFFFFC0] =	vst v3;
	s19 =	smov.u32 s21  }
0x9e: {  	v2 =	vld [tilespmem:s22+$0x17F80]  }
0x9f: {  	v3 =	vld [tilespmem:s22+$0x18B80];
	_ =	sdelay $0x4  }
0xa0: {  	v2 =	vadd.f32 v3, v2;
	_ =	sdelay $0x1  }
0xa1: {  	vm0 =	vgt.f32 v2, $0.0e+00;
	v3 =	vmul.f32 $2.000000030e-01, v2;
	_ =	sdelay $0x1  }
0xa2: {  	v2 =	vsel vm0, v2, v3  }
0xa3: {  	v2 =	vsub.f32 v2, v1;
	_ =	sdelay $0x1  }
0xa4: {  	v2 =	vmul.f32 $1.442695020e+00, v2;
	_ =	sdelay $0x1  }
0xa5: {  	(erf) = vpow2.f32 v2;
	_ =	sdelay $0x8  }
0xa6: {  	v3 =	vpop (erf)  }
0xa7: {  	[tilespmem:s22+$0x1F780] =	vst v3  }
0xa8: {  	v11 =	vld [tilespmem:s21+$0x30]  }
.Ltmp2:
0xa9: {  	v10 =	vld [tilespmem:s21+$0xFFFFFFE0];
	(pc) =	sbr.rel @p0 .LBB2_7-.Ltmp2, $4  }
0xaa: {  	v8 =	vld [tilespmem:s21+$0x10]  }
0xab: {  	v4 =	vbroadcast v3, $0x3;
	v5 =	vld [tilespmem:s21+$0x20]  }
0xac: {  	v2 =	vbroadcast v3, $0x1;
	v6 =	vld [tilespmem:s21+$0xFFFFFFD0]  }
0xad: {  	v7 =	vbroadcast v3, $0x2;
	v9 =	vld [tilespmem:s21+$0x0];
	v11 =	vmul.f32 v11, v4  }
0xae: {  	v10 =	vmul.f32 v2, v10;
	v12 =	vld [tilespmem:s19+$0xFFFFFFF0]  }
0xaf: {  	v3 =	vbroadcast v3, $0x0;
	v13 =	vld [tilespmem:s19+$0xFFFFFFC0];
	v8 =	vmul.f32 v8, v7;
	[tilespmem:s19+$0x30] =	vst v11  }
0xb0: {  	[tilespmem:s19+$0xFFFFFFE0] =	vst v10;
	v4 =	vmul.f32 v5, v4  }
0xb1: {  	v5 =	vmul.f32 v3, v6;
	[tilespmem:s19+$0x10] =	vst v8  }
0xb2: {  	v6 =	vmul.f32 v9, v7;
	[tilespmem:s19+$0x20] =	vst v4  }
0xb3: {  	[tilespmem:s19+$0xFFFFFFD0] =	vst v5;
	v2 =	vmul.f32 v12, v2  }
0xb4: {  	v3 =	vmul.f32 v3, v13;
	[tilespmem:s19+$0x0] =	vst v6  }
0xb5: {  	[tilespmem:s19+$0xFFFFFFF0] =	vst v2  }
0xb6: {  	[tilespmem:s19+$0xFFFFFFC0] =	vst v3  }
0xb7: {  	[spmem:s3] =	stream.indirect.scatter.add.f32 [tilespmem:s30], [sflag:$0x7], $0x80, s15, s13, $0xb8;
	[tilespmem:$0x1FD80] =	vst v63  }
0xb8: {  	_ =	swait.ge [sflag:s31], $0x3000  }
0xb9: {  	[sflag:s31] =	ssyncset.done $0x0  }
0xba: {  	[sflag:s31] =	ssyncadd.s32 $0xFFFFD000  }
0xbb: {  	[spmem:s4] =	stream.indirect.scatter.add.f32 [tilespmem:s17], [sflag:$0x7], $0x10, s15, s13, $0xb8;
	[tilespmem:$0x1FD80] =	vst v63  }
0xbc: {  	_ =	swait.ge [sflag:s31], $0x600  }
0xbd: {  	[sflag:s31] =	ssyncset.done $0x0  }
0xbe: {  	[sflag:s31] =	ssyncadd.s32 $0xFFFFFA00  }
0xbf: {  	_ =	swait.ge [sflag:s1], $0xC0  }
0xc0: {  	s20 =	simm.s32 $0x17F80;
	[sflag:s1] =	ssyncset.done $0x0  }
0xc1: {  	p0 =	seq.s32 s18, $0x1A;
	s19 =	rddreg [dreg:$0x10];
	[sflag:s1] =	ssyncadd.s32 $0xFFFFFF40  }
0xc2: {  	[tilespmem:s20], [sflag:$0x1] =	stream.indirect.gather [hbm4b:s7+s13], $0x10, s11, s13, $0xb8;
	[tilespmem:$0x1FD80] =	vst v63  }
0xc3: {  	s21 =	simm.s32 $0x18B80;
	s19 =	sadd.s32 @!p0 s14, s19  }
0xc4: {  	[tilespmem:s21], [sflag:$0x1] =	stream.indirect.gather [hbm4b:s8+s13], $0x10, s12, s13, $0xb8;
	[tilespmem:$0x1FD80] =	vst v63  }
0xc5: {  	s19 =	smul.u32 @!p0 $0x18, s19  }
0xc6: {  	[tilespmem:s30], [sflag:$0x1] =	stream.indirect.gather [hbm4b:s6+s13], $0x80, s11, s13, $0xb8;
	[tilespmem:$0x1FD80] =	vst v63  }
0xc7: {  	s20 =	simm.s32 @!p0 $0x0;
	s19 =	sadd.s32 @!p0 s9, s19;
	s21 =	simm.s32 @!p0 $0x17C80  }
0xc8: {  	[tilespmem:s21], [sflag:$0x3] =	stream.linear.gather @!p0 [hbm4b:s19+s20], $0xC0, $0x38;
	[tilespmem:$0x1FD80] =	vst v63  }
0xc9: {  	_ =	swait.ge [sflag:s16], $0x600  }
0xca: {  	[sflag:s16] =	ssyncset.done $0x0  }
0xcb: {  	[sflag:s16] =	ssyncadd.s32 $0xFFFFFA00  }
0xcc: {  	_ =	swait.ge [sflag:s16], $0x600  }
0xcd: {  	[sflag:s16] =	ssyncset.done $0x0  }
0xce: {  	[sflag:s16] =	ssyncadd.s32 $0xFFFFFA00  }
0xcf: {  	_ =	swait.ge [sflag:s16], $0x3000  }
0xd0: {  	[sflag:s16] =	ssyncset.done $0x0  }
0xd1: {  	s22 =	simm.s32 $0x0;
	[sflag:s16] =	ssyncadd.s32 $0xFFFFD000  }
0xd2: {  	v2 =	vld [tilespmem:s22+$0x18580]  }
0xd3: {  	v3 =	vld [tilespmem:s22+$0x19180];
	_ =	sdelay $0x4  }
0xd4: {  	v2 =	vadd.f32 v3, v2;
	_ =	sdelay $0x1  }
0xd5: {  	v3 =	vmul.f32 $2.000000030e-01, v2  }
0xd6: {  	vm0 =	vgt.f32 v2, $0.0e+00  }
0xd7: {  	v2 =	vsel vm0, v2, v3  }
0xd8: {  	v2 =	vsub.f32 v2, v1;
	_ =	sdelay $0x1  }
0xd9: {  	v2 =	vmul.f32 $1.442695020e+00, v2;
	_ =	sdelay $0x1  }
0xda: {  	(erf) = vpow2.f32 v2;
	_ =	sdelay $0x8  }
0xdb: {  	v3 =	vpop (erf)  }
0xdc: {  	s19 =	simm.s32 $0x1C7C0;
	[tilespmem:s22+$0x1F780] =	vst v3  }
0xdd: {  	v11 =	vld [tilespmem:s19+$0x30]  }
0xde: {  	v10 =	vld [tilespmem:s19+$0xFFFFFFE0]  }
0xdf: {  	v8 =	vld [tilespmem:s19+$0x10]  }
0xe0: {  	v4 =	vbroadcast v3, $0x3;
	v5 =	vld [tilespmem:s19+$0x20]  }
0xe1: {  	v2 =	vbroadcast v3, $0x1;
	v6 =	vld [tilespmem:s19+$0xFFFFFFD0]  }
0xe2: {  	s20 =	simm.s32 $0x40;
	s21 =	simm.s32 $0x1C7C0;
	v7 =	vbroadcast v3, $0x2;
	v9 =	vld [tilespmem:s19+$0x0];
	v11 =	vmul.f32 v11, v4  }
.LBB2_9:
0xe3: {  	p1 =	sne.s32 s20, $0x17C0  }
0xe4: {  	v10 =	vmul.f32 v2, v10;
	v12 =	vld [tilespmem:s19+$0xFFFFFFF0];
	s21 =	sadd.s32 $0x80, s21;
	s22 =	smov.u32 s20;
	s20 =	sadd.s32 $0x40, s20  }
0xe5: {  	v3 =	vbroadcast v3, $0x0;
	v13 =	vld [tilespmem:s19+$0xFFFFFFC0];
	v8 =	vmul.f32 v8, v7;
	[tilespmem:s19+$0x30] =	vst v11  }
0xe6: {  	[tilespmem:s19+$0xFFFFFFE0] =	vst v10;
	v4 =	vmul.f32 v5, v4  }
0xe7: {  	v5 =	vmul.f32 v3, v6;
	[tilespmem:s19+$0x10] =	vst v8  }
0xe8: {  	v6 =	vmul.f32 v9, v7;
	[tilespmem:s19+$0x20] =	vst v4  }
0xe9: {  	[tilespmem:s19+$0xFFFFFFD0] =	vst v5;
	v2 =	vmul.f32 v12, v2  }
0xea: {  	v3 =	vmul.f32 v3, v13;
	[tilespmem:s19+$0x0] =	vst v6  }
0xeb: {  	[tilespmem:s19+$0xFFFFFFF0] =	vst v2  }
0xec: {  	s22 =	sshra.s32 s22, $0x2;
	[tilespmem:s19+$0xFFFFFFC0] =	vst v3;
	s19 =	smov.u32 s21  }
0xed: {  	v2 =	vld [tilespmem:s22+$0x18580]  }
0xee: {  	v3 =	vld [tilespmem:s22+$0x19180];
	_ =	sdelay $0x4  }
0xef: {  	v2 =	vadd.f32 v3, v2;
	_ =	sdelay $0x1  }
0xf0: {  	vm0 =	vgt.f32 v2, $0.0e+00;
	v3 =	vmul.f32 $2.000000030e-01, v2;
	_ =	sdelay $0x1  }
0xf1: {  	v2 =	vsel vm0, v2, v3  }
0xf2: {  	v2 =	vsub.f32 v2, v1;
	_ =	sdelay $0x1  }
0xf3: {  	v2 =	vmul.f32 $1.442695020e+00, v2;
	_ =	sdelay $0x1  }
0xf4: {  	(erf) = vpow2.f32 v2;
	_ =	sdelay $0x8  }
0xf5: {  	v3 =	vpop (erf)  }
0xf6: {  	[tilespmem:s22+$0x1F780] =	vst v3  }
0xf7: {  	v11 =	vld [tilespmem:s21+$0x30]  }
.Ltmp3:
0xf8: {  	v10 =	vld [tilespmem:s21+$0xFFFFFFE0];
	(pc) =	sbr.rel @p1 .LBB2_9-.Ltmp3, $4  }
0xf9: {  	v8 =	vld [tilespmem:s21+$0x10]  }
0xfa: {  	v4 =	vbroadcast v3, $0x3;
	v5 =	vld [tilespmem:s21+$0x20]  }
0xfb: {  	v2 =	vbroadcast v3, $0x1;
	v6 =	vld [tilespmem:s21+$0xFFFFFFD0]  }
0xfc: {  	v7 =	vbroadcast v3, $0x2;
	v9 =	vld [tilespmem:s21+$0x0];
	v11 =	vmul.f32 v11, v4  }
0xfd: {  	v10 =	vmul.f32 v2, v10;
	v12 =	vld [tilespmem:s19+$0xFFFFFFF0]  }
0xfe: {  	v3 =	vbroadcast v3, $0x0;
	v13 =	vld [tilespmem:s19+$0xFFFFFFC0];
	v8 =	vmul.f32 v8, v7;
	[tilespmem:s19+$0x30] =	vst v11  }
0xff: {  	[tilespmem:s19+$0xFFFFFFE0] =	vst v10;
	v4 =	vmul.f32 v5, v4  }
0x100: {  	v5 =	vmul.f32 v3, v6;
	[tilespmem:s19+$0x10] =	vst v8  }
0x101: {  	v6 =	vmul.f32 v9, v7;
	[tilespmem:s19+$0x20] =	vst v4  }
0x102: {  	[tilespmem:s19+$0xFFFFFFD0] =	vst v5;
	v2 =	vmul.f32 v12, v2  }
0x103: {  	v3 =	vmul.f32 v3, v13;
	[tilespmem:s19+$0x0] =	vst v6  }
0x104: {  	[tilespmem:s19+$0xFFFFFFF0] =	vst v2  }
0x105: {  	[tilespmem:s19+$0xFFFFFFC0] =	vst v3  }
0x106: {  	[spmem:s3] =	stream.indirect.scatter.add.f32 [tilespmem:s26], [sflag:$0x7], $0x80, s24, s13, $0xb8;
	[tilespmem:$0x1FD80] =	vst v63  }
0x107: {  	_ =	swait.ge [sflag:s31], $0x3000  }
0x108: {  	[sflag:s31] =	ssyncset.done $0x0  }
0x109: {  	[sflag:s31] =	ssyncadd.s32 $0xFFFFD000  }
0x10a: {  	[spmem:s4] =	stream.indirect.scatter.add.f32 [tilespmem:s17], [sflag:$0x7], $0x10, s24, s13, $0xb8;
	[tilespmem:$0x1FD80] =	vst v63  }
0x10b: {  	_ =	swait.ge [sflag:s31], $0x600  }
0x10c: {  	[sflag:s31] =	ssyncset.done $0x0  }
0x10d: {  	[sflag:s31] =	ssyncadd.s32 $0xFFFFFA00  }
0x10e: {  	_ =	swait.ge [sflag:s10], $0xC0  }
0x10f: {  	[sflag:s10] =	ssyncset.done $0x0  }
0x110: {  	s19 =	rddreg [dreg:$0x11];
	[sflag:s10] =	ssyncadd.s32 $0xFFFFFF40  }
0x111: {  	[tilespmem:s23], [sflag:$0x2] =	stream.indirect.gather [hbm4b:s7+s13], $0x10, s28, s13, $0xb8;
	[tilespmem:$0x1FD80] =	vst v63  }
0x112: {  	s19 =	sadd.s32 @!p0 s14, s19  }
0x113: {  	[tilespmem:s25], [sflag:$0x2] =	stream.indirect.gather [hbm4b:s8+s13], $0x10, s5, s13, $0xb8;
	[tilespmem:$0x1FD80] =	vst v63  }
0x114: {  	s19 =	smul.u32 @!p0 $0x18, s19  }
0x115: {  	[tilespmem:s26], [sflag:$0x2] =	stream.indirect.gather [hbm4b:s6+s13], $0x80, s28, s13, $0xb8;
	[tilespmem:$0x1FD80] =	vst v63  }
0x116: {  	s20 =	simm.s32 @!p0 $0x0;
	s21 =	simm.s32 @!p0 $0x17D40;
	s19 =	sadd.s32 @!p0 s9, s19  }
0x117: {  	[tilespmem:s21], [sflag:$0x4] =	stream.linear.gather @!p0 [hbm4b:s19+s20], $0xC0, $0x38;
	[tilespmem:$0x1FD80] =	vst v63  }
0x118: {  	_ =	swait.ge [sflag:s29], $0x600  }
0x119: {  	[sflag:s29] =	ssyncset.done $0x0  }
0x11a: {  	[sflag:s29] =	ssyncadd.s32 $0xFFFFFA00  }
0x11b: {  	_ =	swait.ge [sflag:s29], $0x600  }
0x11c: {  	[sflag:s29] =	ssyncset.done $0x0  }
0x11d: {  	[sflag:s29] =	ssyncadd.s32 $0xFFFFFA00  }
0x11e: {  	_ =	swait.ge [sflag:s29], $0x3000  }
0x11f: {  	[sflag:s29] =	ssyncset.done $0x0  }
0x120: {  	s22 =	simm.s32 $0x0;
	[sflag:s29] =	ssyncadd.s32 $0xFFFFD000  }
0x121: {  	v2 =	vld [tilespmem:s22+$0x17F80]  }
0x122: {  	v3 =	vld [tilespmem:s22+$0x18B80];
	_ =	sdelay $0x4  }
0x123: {  	v2 =	vadd.f32 v3, v2;
	_ =	sdelay $0x1  }
0x124: {  	v3 =	vmul.f32 $2.000000030e-01, v2  }
0x125: {  	vm0 =	vgt.f32 v2, $0.0e+00  }
0x126: {  	v2 =	vsel vm0, v2, v3  }
0x127: {  	v2 =	vsub.f32 v2, v1;
	_ =	sdelay $0x1  }
0x128: {  	v2 =	vmul.f32 $1.442695020e+00, v2;
	_ =	sdelay $0x1  }
0x129: {  	(erf) = vpow2.f32 v2;
	_ =	sdelay $0x8  }
0x12a: {  	v3 =	vpop (erf)  }
0x12b: {  	s19 =	simm.s32 $0x197C0;
	[tilespmem:s22+$0x1F780] =	vst v3  }
0x12c: {  	v11 =	vld [tilespmem:s19+$0x30]  }
0x12d: {  	v10 =	vld [tilespmem:s19+$0xFFFFFFE0]  }
0x12e: {  	v8 =	vld [tilespmem:s19+$0x10]  }
0x12f: {  	v4 =	vbroadcast v3, $0x3;
	v5 =	vld [tilespmem:s19+$0x20]  }
0x130: {  	v2 =	vbroadcast v3, $0x1;
	v6 =	vld [tilespmem:s19+$0xFFFFFFD0]  }
0x131: {  	s20 =	simm.s32 $0x40;
	s21 =	simm.s32 $0x197C0;
	v7 =	vbroadcast v3, $0x2;
	v9 =	vld [tilespmem:s19+$0x0];
	v11 =	vmul.f32 v11, v4  }
.LBB2_11:
0x132: {  	p1 =	sne.s32 s20, $0x17C0  }
0x133: {  	v10 =	vmul.f32 v2, v10;
	v12 =	vld [tilespmem:s19+$0xFFFFFFF0];
	s21 =	sadd.s32 $0x80, s21;
	s22 =	smov.u32 s20;
	s20 =	sadd.s32 $0x40, s20  }
0x134: {  	v3 =	vbroadcast v3, $0x0;
	v13 =	vld [tilespmem:s19+$0xFFFFFFC0];
	v8 =	vmul.f32 v8, v7;
	[tilespmem:s19+$0x30] =	vst v11  }
0x135: {  	[tilespmem:s19+$0xFFFFFFE0] =	vst v10;
	v4 =	vmul.f32 v5, v4  }
0x136: {  	v5 =	vmul.f32 v3, v6;
	[tilespmem:s19+$0x10] =	vst v8  }
0x137: {  	v6 =	vmul.f32 v9, v7;
	[tilespmem:s19+$0x20] =	vst v4  }
0x138: {  	[tilespmem:s19+$0xFFFFFFD0] =	vst v5;
	v2 =	vmul.f32 v12, v2  }
0x139: {  	v3 =	vmul.f32 v3, v13;
	[tilespmem:s19+$0x0] =	vst v6  }
0x13a: {  	[tilespmem:s19+$0xFFFFFFF0] =	vst v2  }
0x13b: {  	s22 =	sshra.s32 s22, $0x2;
	[tilespmem:s19+$0xFFFFFFC0] =	vst v3;
	s19 =	smov.u32 s21  }
0x13c: {  	v2 =	vld [tilespmem:s22+$0x17F80]  }
0x13d: {  	v3 =	vld [tilespmem:s22+$0x18B80];
	_ =	sdelay $0x4  }
0x13e: {  	v2 =	vadd.f32 v3, v2;
	_ =	sdelay $0x1  }
0x13f: {  	vm0 =	vgt.f32 v2, $0.0e+00;
	v3 =	vmul.f32 $2.000000030e-01, v2;
	_ =	sdelay $0x1  }
0x140: {  	v2 =	vsel vm0, v2, v3  }
0x141: {  	v2 =	vsub.f32 v2, v1;
	_ =	sdelay $0x1  }
0x142: {  	v2 =	vmul.f32 $1.442695020e+00, v2;
	_ =	sdelay $0x1  }
0x143: {  	(erf) = vpow2.f32 v2;
	_ =	sdelay $0x8  }
0x144: {  	v3 =	vpop (erf)  }
0x145: {  	[tilespmem:s22+$0x1F780] =	vst v3  }
0x146: {  	v11 =	vld [tilespmem:s21+$0x30]  }
.Ltmp4:
0x147: {  	v10 =	vld [tilespmem:s21+$0xFFFFFFE0];
	(pc) =	sbr.rel @p1 .LBB2_11-.Ltmp4, $4  }
0x148: {  	v8 =	vld [tilespmem:s21+$0x10]  }
0x149: {  	v4 =	vbroadcast v3, $0x3;
	v5 =	vld [tilespmem:s21+$0x20]  }
0x14a: {  	v2 =	vbroadcast v3, $0x1;
	v6 =	vld [tilespmem:s21+$0xFFFFFFD0]  }
0x14b: {  	v7 =	vbroadcast v3, $0x2;
	v9 =	vld [tilespmem:s21+$0x0];
	v11 =	vmul.f32 v11, v4  }
0x14c: {  	v10 =	vmul.f32 v2, v10;
	v12 =	vld [tilespmem:s19+$0xFFFFFFF0]  }
0x14d: {  	v3 =	vbroadcast v3, $0x0;
	v13 =	vld [tilespmem:s19+$0xFFFFFFC0];
	v8 =	vmul.f32 v8, v7;
	[tilespmem:s19+$0x30] =	vst v11  }
0x14e: {  	[tilespmem:s19+$0xFFFFFFE0] =	vst v10;
	v4 =	vmul.f32 v5, v4  }
0x14f: {  	v5 =	vmul.f32 v3, v6;
	[tilespmem:s19+$0x10] =	vst v8  }
0x150: {  	v6 =	vmul.f32 v9, v7;
	[tilespmem:s19+$0x20] =	vst v4  }
0x151: {  	[tilespmem:s19+$0xFFFFFFD0] =	vst v5;
	v2 =	vmul.f32 v12, v2  }
0x152: {  	v3 =	vmul.f32 v3, v13;
	[tilespmem:s19+$0x0] =	vst v6  }
0x153: {  	[tilespmem:s19+$0xFFFFFFF0] =	vst v2  }
0x154: {  	[tilespmem:s19+$0xFFFFFFC0] =	vst v3  }
0x155: {  	[spmem:s3] =	stream.indirect.scatter.add.f32 [tilespmem:s30], [sflag:$0x7], $0x80, s12, s13, $0xb8;
	[tilespmem:$0x1FD80] =	vst v63  }
0x156: {  	_ =	swait.ge [sflag:s31], $0x3000  }
0x157: {  	[sflag:s31] =	ssyncset.done $0x0  }
0x158: {  	[sflag:s31] =	ssyncadd.s32 $0xFFFFD000  }
0x159: {  	[spmem:s4] =	stream.indirect.scatter.add.f32 [tilespmem:s17], [sflag:$0x7], $0x10, s12, s13, $0xb8;
	[tilespmem:$0x1FD80] =	vst v63  }
0x15a: {  	_ =	swait.ge [sflag:s31], $0x600  }
0x15b: {  	[sflag:s31] =	ssyncset.done $0x0  }
0x15c: {  	s19 =	simm.s32 @!p0 $0x3;
	[sflag:s31] =	ssyncadd.s32 $0xFFFFFA00  }
0x15d: {  	_ =	swait.ge @!p0 [sflag:s19], $0xC0  }
0x15e: {  	s20 =	simm.s32 @!p0 $0x17C80;
	[sflag:s19] =	ssyncset.done @!p0 $0x0  }
0x15f: {  	s21 =	simm.s32 @!p0 $0x17F80;
	[sflag:s19] =	ssyncadd.s32 @!p0 $0xFFFFFF40;
	s19 =	simm.s32 @!p0 $0x60  }
0x160: {  	[tilespmem:s21], [sflag:$0x1] =	stream.indirect.gather @!p0 [hbm4b:s7+s19], $0x10, s20, s19, $0xb8;
	[tilespmem:$0x1FD80] =	vst v63  }
0x161: {  	s22 =	simm.s32 @!p0 $0x18B80;
	s21 =	simm.s32 @!p0 $0x17CE0  }
0x162: {  	[tilespmem:s22], [sflag:$0x1] =	stream.indirect.gather @!p0 [hbm4b:s8+s19], $0x10, s21, s19, $0xb8;
	[tilespmem:$0x1FD80] =	vst v63  }
0x163: {  	s21 =	rddreg [dreg:$0x12]  }
0x164: {  	s14 =	sadd.s32 @!p0 s14, s21  }
0x165: {  	s21 =	simm.s32 @!p0 $0x19780;
	s14 =	smul.u32 @!p0 $0x18, s14  }
0x166: {  	[tilespmem:s21], [sflag:$0x1] =	stream.indirect.gather @!p0 [hbm4b:s6+s19], $0x80, s20, s19, $0xb8;
	[tilespmem:$0x1FD80] =	vst v63  }
0x167: {  	s19 =	simm.s32 @!p0 $0x0;
	s20 =	simm.s32 @!p0 $0x17E00;
	s14 =	sadd.s32 @!p0 s9, s14  }
0x168: {  	[tilespmem:s20], [sflag:$0x5] =	stream.linear.gather @!p0 [hbm4b:s14+s19], $0xC0, $0x38;
	[tilespmem:$0x1FD80] =	vst v63  }
0x169: {  	_ =	swait.ge [sflag:s16], $0x600  }
0x16a: {  	[sflag:s16] =	ssyncset.done $0x0  }
0x16b: {  	[sflag:s16] =	ssyncadd.s32 $0xFFFFFA00  }
0x16c: {  	_ =	swait.ge [sflag:s16], $0x600  }
0x16d: {  	[sflag:s16] =	ssyncset.done $0x0  }
0x16e: {  	[sflag:s16] =	ssyncadd.s32 $0xFFFFFA00  }
0x16f: {  	_ =	swait.ge [sflag:s16], $0x3000  }
0x170: {  	[sflag:s16] =	ssyncset.done $0x0  }
0x171: {  	s22 =	simm.s32 $0x0;
	[sflag:s16] =	ssyncadd.s32 $0xFFFFD000  }
0x172: {  	v2 =	vld [tilespmem:s22+$0x18580]  }
0x173: {  	v3 =	vld [tilespmem:s22+$0x19180];
	_ =	sdelay $0x4  }
0x174: {  	v2 =	vadd.f32 v3, v2;
	_ =	sdelay $0x1  }
0x175: {  	v3 =	vmul.f32 $2.000000030e-01, v2  }
0x176: {  	vm0 =	vgt.f32 v2, $0.0e+00  }
0x177: {  	v2 =	vsel vm0, v2, v3  }
0x178: {  	v2 =	vsub.f32 v2, v1;
	_ =	sdelay $0x1  }
0x179: {  	v2 =	vmul.f32 $1.442695020e+00, v2;
	_ =	sdelay $0x1  }
0x17a: {  	(erf) = vpow2.f32 v2;
	_ =	sdelay $0x8  }
0x17b: {  	v3 =	vpop (erf)  }
0x17c: {  	s14 =	simm.s32 $0x1C7C0;
	[tilespmem:s22+$0x1F780] =	vst v3  }
0x17d: {  	v11 =	vld [tilespmem:s14+$0x30]  }
0x17e: {  	v10 =	vld [tilespmem:s14+$0xFFFFFFE0]  }
0x17f: {  	v8 =	vld [tilespmem:s14+$0x10]  }
0x180: {  	v4 =	vbroadcast v3, $0x3;
	v5 =	vld [tilespmem:s14+$0x20]  }
0x181: {  	v2 =	vbroadcast v3, $0x1;
	v6 =	vld [tilespmem:s14+$0xFFFFFFD0]  }
0x182: {  	s19 =	simm.s32 $0x40;
	s20 =	simm.s32 $0x1C7C0;
	v7 =	vbroadcast v3, $0x2;
	v9 =	vld [tilespmem:s14+$0x0];
	v11 =	vmul.f32 v11, v4  }
.LBB2_13:
0x183: {  	p0 =	sne.s32 s19, $0x17C0  }
0x184: {  	v10 =	vmul.f32 v2, v10;
	v12 =	vld [tilespmem:s14+$0xFFFFFFF0];
	s20 =	sadd.s32 $0x80, s20;
	s21 =	smov.u32 s19;
	s19 =	sadd.s32 $0x40, s19  }
0x185: {  	v3 =	vbroadcast v3, $0x0;
	v13 =	vld [tilespmem:s14+$0xFFFFFFC0];
	v8 =	vmul.f32 v8, v7;
	[tilespmem:s14+$0x30] =	vst v11  }
0x186: {  	[tilespmem:s14+$0xFFFFFFE0] =	vst v10;
	v4 =	vmul.f32 v5, v4  }
0x187: {  	v5 =	vmul.f32 v3, v6;
	[tilespmem:s14+$0x10] =	vst v8  }
0x188: {  	v6 =	vmul.f32 v9, v7;
	[tilespmem:s14+$0x20] =	vst v4  }
0x189: {  	[tilespmem:s14+$0xFFFFFFD0] =	vst v5;
	v2 =	vmul.f32 v12, v2  }
0x18a: {  	v3 =	vmul.f32 v3, v13;
	[tilespmem:s14+$0x0] =	vst v6  }
0x18b: {  	[tilespmem:s14+$0xFFFFFFF0] =	vst v2  }
0x18c: {  	s21 =	sshra.s32 s21, $0x2;
	[tilespmem:s14+$0xFFFFFFC0] =	vst v3;
	s14 =	smov.u32 s20  }
0x18d: {  	v2 =	vld [tilespmem:s21+$0x18580]  }
0x18e: {  	v3 =	vld [tilespmem:s21+$0x19180];
	_ =	sdelay $0x4  }
0x18f: {  	v2 =	vadd.f32 v3, v2;
	_ =	sdelay $0x1  }
0x190: {  	vm0 =	vgt.f32 v2, $0.0e+00;
	v3 =	vmul.f32 $2.000000030e-01, v2;
	_ =	sdelay $0x1  }
0x191: {  	v2 =	vsel vm0, v2, v3  }
0x192: {  	v2 =	vsub.f32 v2, v1;
	_ =	sdelay $0x1  }
0x193: {  	v2 =	vmul.f32 $1.442695020e+00, v2;
	_ =	sdelay $0x1  }
0x194: {  	(erf) = vpow2.f32 v2;
	_ =	sdelay $0x8  }
0x195: {  	v3 =	vpop (erf)  }
0x196: {  	[tilespmem:s21+$0x1F780] =	vst v3  }
0x197: {  	v11 =	vld [tilespmem:s20+$0x30]  }
.Ltmp5:
0x198: {  	v10 =	vld [tilespmem:s20+$0xFFFFFFE0];
	(pc) =	sbr.rel @p0 .LBB2_13-.Ltmp5, $4  }
0x199: {  	v8 =	vld [tilespmem:s20+$0x10]  }
0x19a: {  	v4 =	vbroadcast v3, $0x3;
	v5 =	vld [tilespmem:s20+$0x20]  }
0x19b: {  	v2 =	vbroadcast v3, $0x1;
	v6 =	vld [tilespmem:s20+$0xFFFFFFD0]  }
0x19c: {  	v7 =	vbroadcast v3, $0x2;
	v9 =	vld [tilespmem:s20+$0x0];
	v11 =	vmul.f32 v11, v4  }
0x19d: {  	v10 =	vmul.f32 v2, v10;
	v12 =	vld [tilespmem:s14+$0xFFFFFFF0]  }
0x19e: {  	v3 =	vbroadcast v3, $0x0;
	v13 =	vld [tilespmem:s14+$0xFFFFFFC0];
	v8 =	vmul.f32 v8, v7;
	[tilespmem:s14+$0x30] =	vst v11  }
0x19f: {  	[tilespmem:s14+$0xFFFFFFE0] =	vst v10;
	v4 =	vmul.f32 v5, v4  }
0x1a0: {  	v62 =	vmul.f32 v3, v6;
	[tilespmem:s14+$0x10] =	vst v8  }
0x1a1: {  	v63 =	vmul.f32 v9, v7;
	[tilespmem:s14+$0x20] =	vst v4  }
0x1a2: {  	[tilespmem:s14+$0xFFFFFFD0] =	vst v62;
	v2 =	vmul.f32 v12, v2  }
0x1a3: {  	v3 =	vmul.f32 v3, v13;
	[tilespmem:s14+$0x0] =	vst v63  }
0x1a4: {  	[tilespmem:s14+$0xFFFFFFF0] =	vst v2  }
0x1a5: {  	[tilespmem:s14+$0xFFFFFFC0] =	vst v3  }
0x1a6: {  	[spmem:s3] =	stream.indirect.scatter.add.f32 [tilespmem:s26], [sflag:$0x7], $0x80, s5, s13, $0xb8;
	[tilespmem:$0x1FD80] =	vst v63  }
0x1a7: {  	s18 =	sadd.s32 $0x1, s18;
	_ =	swait.ge [sflag:s31], $0x3000  }
0x1a8: {  	p0 =	sne.s32 s18, $0x1B;
	[sflag:s31] =	ssyncset.done $0x0  }
.Ltmp6:
0x1a9: {  	[sflag:s31] =	ssyncadd.s32 $0xFFFFD000;
	(pc) =	sbr.rel @p0 .LBB2_6-.Ltmp6, $4  }
0x1aa: {  	[spmem:s4] =	stream.indirect.scatter.add.f32 [tilespmem:s17], [sflag:$0x7], $0x10, s5, s13, $0xb8;
	[tilespmem:$0x1FD80] =	vst v63  }
0x1ab: {  	_ =	swait.ge [sflag:s31], $0x600  }
0x1ac: {  	[sflag:s31] =	ssyncset.done $0x0  }
0x1ad: {  	[sflag:s31] =	ssyncadd.s32 $0xFFFFFA00  }
0x1ae: {  	s14 =	stileid.u32;
	[bflag:$0x0] =	sbarrier.arrive $0xFFFF  }
0x1af: {  	s14 =	sshll.u32 s14, $0x6;
	s19 =	rddreg [dreg:$0x6]  }
0x1b0: {  	s20 =	rddreg [dreg:$0x13];
	s14 =	sor.u32 $0x1C07, s14;
	s18 =	sshrl.u32 s19, $0x3  }
0x1b1: {  	[hbm:s20], [sflag:s14] =	dma.local [spmem:s18], $0x2800  }
0x1b2: {  	_ =	swait.ge [sflag:s31], $0x2800  }
0x1b3: {  	[sflag:s31] =	ssyncset.done $0x0;
	s20 =	rddreg [dreg:$0xc]  }
0x1b4: {  	s21 =	rddreg [dreg:$0x14];
	[sflag:s31] =	ssyncadd.s32 $0xFFFFD800;
	s22 =	sshrl.u32 s20, $0x3  }
0x1b5: {  	[hbm:s21], [sflag:s14] =	dma.local [spmem:s22], $0x500  }
0x1b6: {  	_ =	swait.ge [sflag:s31], $0x500  }
0x1b7: {  	s21 =	rddreg [dreg:$0x5]  }
0x1b8: {  	s22 =	rddreg [dreg:$0x15];
	s14 =	sadd.s32 $0x1, s21  }
0x1b9: {  	p0 =	sne.s32 s14, s22  }
.Ltmp7:
0x1ba: {  	_ = 	snop;
	(pc) =	sbr.rel @p0 .LBB2_1-.Ltmp7, $3  }
0x1bb: {  	_ =	sdelay $0x1  }
0x1bc: {  	[sflag:s31] =	ssyncset.done $0x0  }
0x1bd: {  	[sflag:s31] =	ssyncadd.s32 $0xFFFFFB00  }
0x1be: {  	_ =	sfence.sel $0x180000  }
0x1bf: {  	[bflag:$0x0] =	sbarrier.arrive $0xFFFF  }
0x1c0: {  	_ =	strace $0x9000004A  }
0x1c1: {  	s0 =	stileid.u32;
	[bflag:$0x2] =	sbarrier.arrive $0xFFFF  }
0x1c2: {  	p0 =	sne.s32 s0, $0x0;
	s0 =	rddreg [dreg:$0x4]  }
0x1c3: {  	s0 =	sadd.s32 @!p0 $0x100000, s0  }
0x1c4: {  	[sflag:s0] =	ssyncadd.tile.s32 @!p0 $0x1;
	_ =	shalt  }
.Lfunc_end2:
_tile_overlayer_lowered:
.L_overlay_start_2:
0x1c5: {  	(tag) =	ssettag $0x2  }
0x1c6: {  	s0 =	rddreg [dreg:$0x0];
	s2 =	stileid.u32  }
0x1c7: {  	s1 =	rddreg [dreg:$0x1];
	p0 =	sne.s32 s2, $0x0  }
0x1c8: {  	s3 =	rddreg [dreg:$0x2];
	[bflag:$0x3] =	sbarrier.arrive $0xFFFF;
	s2 =	simm.s32 @!p0 $0x1C07  }
0x1c9: {  	[timem:s3], [sflag:s2] =	dma.local @!p0 [hbm:s0], s1  }
0x1ca: {  	s0 =	simm.s32 @!p0 $0x7  }
0x1cb: {  	_ =	swait.ge @!p0 [sflag:s0], s1  }
0x1cc: {  	s1 =	ssub.s32 @!p0 $0x0, s1;
	[sflag:s0] =	ssyncset.done @!p0 $0x0  }
0x1cd: {  	[sflag:s0] =	ssyncadd.s32 @!p0 s1  }
0x1ce: {  	[bflag:$0x3] =	sbarrier.arrive $0xFFFF  }
0x1cf: {  	_ =	shalt  }

// kernel: kernel.7.cloned.1.call-start
scs
__scs_entry_jumppad:
0x0: {  	(pc) =	sbr.rel $0x88, $3  }
0x1: {  	(tag) =	ssettag $0x0;
	lr =	simm.s32 $0x1  }
0x2: {  	[smem:$0x3F90] =	sst lr;
	_ =	strace $0xD0000000  }
0x3: {  	_ = 	snop  }
0x4: {  	_ = 	snop  }
0x5: {  	_ = 	snop  }
0x6: {  	_ = 	snop  }
0x7: {  	_ = 	snop  }
__scs_overlays_trampoline_lowered:
0x8: {  	[smem:$0x3F9F] =	sst s0  }
0x9: {  	[smem:$0x3FA0] =	sst s1  }
0xa: {  	[smem:$0x3FA1] =	sst s2  }
0xb: {  	[smem:$0x3FA2] =	sst s3  }
0xc: {  	[smem:$0x3FA3] =	sst s4  }
0xd: {  	[smem:$0x3FA4] =	sst s5  }
0xe: {  	[smem:$0x3FA5] =	sst s6  }
0xf: {  	[smem:$0x3FA6] =	sst s7  }
0x10: {  	[smem:$0x3FA7] =	sst s8  }
0x11: {  	[smem:$0x3FA8] =	sst s9;
	s0 =	simm.s32 @!p0 $0x0  }
0x12: {  	s1 =	sld [smem:$0x3F8E];
	s0 =	simm.s32 @p0 $0x1  }
0x13: {  	[smem:$0x3FA9] =	sst s0;
	s0 =	simm.s32 @!p1 $0x0  }
0x14: {  	s2 =	sld [smem:$0x3F8D];
	s0 =	simm.s32 @p1 $0x1  }
0x15: {  	[smem:$0x3FAA] =	sst s0;
	s0 =	simm.s32 @!p2 $0x0  }
0x16: {  	s3 =	sld [smem:$0x3FDB];
	s0 =	simm.s32 @p2 $0x1  }
0x17: {  	s4 =	simm.s32 $0x1BF5;
	[smem:$0x3FAC] =	sst s0  }
0x18: {  	s0 =	sld [smem:$0x3F8F];
	_ =	swait.ge [sflag:s4], $0x0  }
0x19: {  	s7 =	sld [smem:$0x3F90]  }
0x1a: {  	s8 =	sadd.s32 $0xFFFFE003, lr  }
0x1b: {  	s9 =	sadd.s32 $0xFFFFFEF7, lr;
	s5 =	simm.s32 $0xFFFFFFFF;
	p2 =	slt.u32 s8, $0xFFFFF086  }
0x1c: {  	p1 =	slt.u32 s9, $0xF7A;
	s5 =	simm.s32 @!p2 $0x0  }
0x1d: {  	s5 =	simm.s32 @p1 $0x1;
	p0 =	seq.s32 s7, s2  }
0x1e: {  	s7 =	smul.u32 @!p0 $0xF7A, s2;
	p2 =	seq.s32 @!p0 s5, $0x0  }
0x1f: {  	s9 =	smul.u32 $0xF7A, s1;
	s8 =	simm.s32 @!p0 $0x1BF5;
	p2 =	por !p2, p0  }
0x20: {  	[sflag:s8] =	ssyncset.s32 @!p0 $0xFFFFF086;
	s6 =	sadd.s32 @!p0 s3, s7;
	s7 =	simm.s32 @!p0 $0x108  }
0x21: {  	s3 =	sadd.s32 s3, s9;
	s6 =	sadd.s32 @!p0 $0x88, s6;
	s7 =	simm.s32 @p2 $0x1082  }
0x22: {  	[simem:s7], [sflag:s8] =	dma.local @!p0 [hbm:s6], $0xF7A  }
0x23: {  	s9 =	sor.u32 $0xD0000000, s2;
	s6 =	simm.s32 $0x108;
	_ =	swait.ge @!p0 [sflag:s8], $0x0  }
0x24: {  	s3 =	sadd.s32 $0x88, s3;
	s6 =	simm.s32 @!p1 $0x1082;
	[sflag:s4] =	ssyncset.s32 $0xFFFFF086  }
0x25: {  	[simem:s6], [sflag:s4] =	dma.local [hbm:s3], $0xF7A  }
0x26: {  	[smem:$0x3F90] =	sst s1;
	(tag) =	ssettag s2;
	_ =	strace s9  }
0x27: {  	s1 =	sld [smem:$0x3FA0]  }
0x28: {  	s2 =	sld [smem:$0x3FA1]  }
0x29: {  	s4 =	sld [smem:$0x3FA3]  }
0x2a: {  	p0 =	seq.s32 s5, $0x0;
	s5 =	sld [smem:$0x3FA4]  }
0x2b: {  	s6 =	sld [smem:$0x3FA5]  }
0x2c: {  	s7 =	sld [smem:$0x3FA6]  }
0x2d: {  	s3 =	simm.s32 $0x108;
	s8 =	sld [smem:$0x3FA7]  }
0x2e: {  	s3 =	simm.s32 @!p0 $0x1082;
	s9 =	sld [smem:$0x3FA8]  }
0x2f: {  	lr =	sadd.s32 s0, s3;
	s0 =	sld [smem:$0x3F9F]  }
0x30: {  	s3 =	sld [smem:$0x3FA2]  }
0x31: {  	[smem:$0x3FAB] =	sst s10  }
0x32: {  	s10 =	sld [smem:$0x3FA9];
	_ =	sdelay $0x3  }
0x33: {  	p0 =	seq.s32 s10, $0x1;
	s10 =	sld [smem:$0x3FAB];
	_ =	sdelay $0x3  }
0x34: {  	[smem:$0x3FAB] =	sst s10  }
0x35: {  	s10 =	sld [smem:$0x3FAA];
	_ =	sdelay $0x3  }
0x36: {  	p1 =	seq.s32 s10, $0x1;
	s10 =	sld [smem:$0x3FAB];
	_ =	sdelay $0x3  }
0x37: {  	[smem:$0x3FAB] =	sst s10  }
0x38: {  	s10 =	sld [smem:$0x3FAC]  }
0x39: {  	_ = 	snop;
	(pc) =	sbr.ind lr, $3  }
0x3a: {  	_ = 	snop  }
0x3b: {  	_ = 	snop  }
0x3c: {  	p2 =	seq.s32 s10, $0x1;
	s10 =	sld [smem:$0x3FAB]  }
0x3d: {  	_ =	shalt  }
0x3e: {  	_ =	shalt  }
0x3f: {  	_ =	shalt  }
0x40: {  	_ =	shalt  }
0x41: {  	_ =	shalt  }
0x42: {  	_ =	shalt  }
0x43: {  	_ =	shalt  }
0x44: {  	_ =	shalt  }
0x45: {  	_ =	shalt  }
0x46: {  	_ =	shalt  }
0x47: {  	_ =	shalt  }
0x48: {  	_ =	shalt  }
0x49: {  	_ =	shalt  }
0x4a: {  	_ =	shalt  }
0x4b: {  	_ =	shalt  }
0x4c: {  	_ =	shalt  }
0x4d: {  	_ =	shalt  }
0x4e: {  	_ =	shalt  }
0x4f: {  	_ =	shalt  }
0x50: {  	_ =	shalt  }
0x51: {  	_ =	shalt  }
0x52: {  	_ =	shalt  }
0x53: {  	_ =	shalt  }
0x54: {  	_ =	shalt  }
0x55: {  	_ =	shalt  }
0x56: {  	_ =	shalt  }
0x57: {  	_ =	shalt  }
0x58: {  	_ =	shalt  }
0x59: {  	_ =	shalt  }
0x5a: {  	_ =	shalt  }
0x5b: {  	_ =	shalt  }
0x5c: {  	_ =	shalt  }
0x5d: {  	_ =	shalt  }
0x5e: {  	_ =	shalt  }
0x5f: {  	_ =	shalt  }
0x60: {  	_ =	shalt  }
0x61: {  	_ =	shalt  }
0x62: {  	_ =	shalt  }
0x63: {  	_ =	shalt  }
0x64: {  	_ =	shalt  }
0x65: {  	_ =	shalt  }
0x66: {  	_ =	shalt  }
0x67: {  	_ =	shalt  }
0x68: {  	_ =	shalt  }
0x69: {  	_ =	shalt  }
0x6a: {  	_ =	shalt  }
0x6b: {  	_ =	shalt  }
0x6c: {  	_ =	shalt  }
0x6d: {  	_ =	shalt  }
0x6e: {  	_ =	shalt  }
0x6f: {  	_ =	shalt  }
0x70: {  	_ =	shalt  }
0x71: {  	_ =	shalt  }
0x72: {  	_ =	shalt  }
0x73: {  	_ =	shalt  }
0x74: {  	_ =	shalt  }
0x75: {  	_ =	shalt  }
0x76: {  	_ =	shalt  }
0x77: {  	_ =	shalt  }
0x78: {  	_ =	shalt  }
0x79: {  	_ =	shalt  }
0x7a: {  	_ =	shalt  }
0x7b: {  	_ =	shalt  }
0x7c: {  	_ =	shalt  }
0x7d: {  	_ =	shalt  }
0x7e: {  	_ =	shalt  }
0x7f: {  	_ =	shalt  }
0x80: {  	_ =	shalt  }
0x81: {  	_ =	shalt  }
0x82: {  	_ =	shalt  }
0x83: {  	_ =	shalt  }
0x84: {  	_ =	shalt  }
0x85: {  	_ =	shalt  }
0x86: {  	_ =	shalt  }
0x87: {  	_ =	shalt  }
.Lfunc_end0:
.L_simem_size_0:
called_computation_lowered:
.L_overlay_start_0:
0x88: {  	s2 =	sld [smem:$0x3FD9]  }
0x89: {  	s3 =	sld [smem:$0x3FFE];
	_ =	sdelay $0x1  }
0x8a: {  	s1 =	srdreg.scid  }
0x8b: {  	s0 =	sand.u32 $0x1, s1  }
0x8c: {  	s17 =	sshll.u32 s0, $0xA;
	s2 =	sadd.s32 s3, s2  }
0x8d: {  	s2 =	sadd.s32 s2, s17  }
0x8e: {  	[smem:$0x3FB7] =	sst s2  }
0x8f: {  	_ = 	snop  }
0x90: {  	s2 =	sld [smem:$0x3FD0];
	(tm) =	ssettm $0x1  }
0x91: {  	s18 =	sld [smem:$0x3FFB];
	_ =	sdelay $0x3  }
0x92: {  	_ =	strace s18  }
0x93: {  	s3 =	sld [smem:$0x3FFC];
	_ =	sdelay $0x3  }
0x94: {  	_ =	strace s3  }
0x95: {  	s3 =	sld [smem:$0x3FFD];
	_ =	sdelay $0x3  }
0x96: {  	_ =	strace s3  }
0x97: {  	_ =	strace $0x8FFFFFFF  }
0x98: {  	s19 =	sld [smem:$0x3FDB];
	_ =	sdelay $0x1  }
0x99: {  	s4 =	simm.s32 $_scs_section_size  }
0x9a: {  	s5 =	simm.s32 $_size__tile_overlayer_lowered;
	s6 =	simm.s32 $_tile_overlayer_lowered  }
0x9b: {  	s22 =	simm.s32 $0x1BFF;
	s21 =	sshll.u32 s6, $0x1;
	s3 =	sadd.s32 s4, s19  }
0x9c: {  	s7 =	simm.s32 $0x0;
	s20 =	sshll.u32 s5, $0x1;
	s5 =	sadd.s32 s21, s3  }
0x9d: {  	[timem:s7], [sflag:s22] =	dma.local [hbm:s5], s20  }
0x9e: {  	_ =	swait.ge [sflag:s22], s20  }
0x9f: {  	s4 =	ssub.s32 $0x0, s20;
	[sflag:s22] =	ssyncset.done $0x0  }
0xa0: {  	[sflag:s22] =	ssyncadd.s32 s4;
	_ =	sdelay $0x1  }
0xa1: {  	s23 =	simm.s32 $0x1B8B  }
0xa2: {  	_ =	swait.ge [sflag:s23], $0x1  }
0xa3: {  	[sflag:s23] =	ssyncset.done $0x0  }
0xa4: {  	s25 =	simm.s32 $0x1B8E;
	s24 =	sld [smem:$0x3FFE];
	[sflag:s23] =	ssyncadd.s32 $0xFFFFFFFF  }
0xa5: {  	s26 =	simm.s32 $execute0_lowered;
	[smem:$0x3FD2] =	sst s25  }
0xa6: {  	s5 =	sshll.u32 s26, $0x1;
	_ =	strace $0x80000046;
	[dreg:$0x1] =	wrdreg $0xFFFFFFFF  }
0xa7: {  	s28 =	simm.s32 $_size_execute0_lowered;
	s3 =	sadd.s32 s3, s5;
	[dreg:$0x0] =	wrdreg $0x0  }
0xa8: {  	s5 =	sshll.u32 s28, $0x1;
	[dreg:$0x2] =	wrdreg s3  }
0xa9: {  	[dreg:$0x3] =	wrdreg s5  }
0xaa: {  	[dreg:$0x4] =	wrdreg $0xC0  }
0xab: {  	_ =	task [dreg:s7], $0x5FFFF  }
0xac: {  	[dreg:$0x1] =	wrdreg $0xFFFFFFFF  }
0xad: {  	[dreg:$0x0] =	wrdreg $0x60  }
0xae: {  	[dreg:$0x2] =	wrdreg s24  }
0xaf: {  	[dreg:$0x3] =	wrdreg s2  }
0xb0: {  	[dreg:$0x4] =	wrdreg $0x0  }
0xb1: {  	[dreg:$0x5] =	wrdreg $0x140000  }
0xb2: {  	[dreg:$0x6] =	wrdreg $0x9  }
0xb3: {  	_ =	task.clear_ibuf [dreg:s7], $0x7FFFF;
	_ =	strace $0x90000046  }
0xb4: {  	s29 =	simm.s32 $0x9;
	_ =	strace $0x80000048  }
0xb5: {  	_ =	swait.ge [sflag:s29], $0x1  }
0xb6: {  	[sflag:s29] =	ssyncadd.s32 $0xFFFFFFFF  }
0xb7: {  	_ =	strace $0x90000048  }
0xb8: {  	_ =	sfence  }
0xb9: {  	s30 =	sld [smem:$0x0];
	_ =	sdelay $0x2  }
0xba: {  	s31 =	sshll.u32 s1, $0xD;
	s1 =	sshrl.u32 s1, $0x2  }
0xbb: {  	s3 =	sand.u32 $0x4000, s31;
	s1 =	sadd.s32 s1, s30  }
0xbc: {  	s0 =	sor.u32 s3, s0;
	s1 =	sshll.u32 s1, $0x11  }
0xbd: {  	s0 =	sor.u32 s1, s0  }
0xbe: {  	s0 =	sadd.s32 $0x8F2B, s0  }
0xbf: {  	[sflag:s0] =	ssyncadd.remote.s32 $0x1  }
0xc0: {  	_ =	sfence.sel $0xFFFF  }
0xc1: {  	[dreg:$0x0] =	wrdreg $0xFFFFFFFF;
	(pc) =	sbr.abs _section_cstart, $3  }
0xc2: {  	[dreg:$0x1] =	wrdreg $0xFFFFFFFF  }
0xc3: {  	_ =	task.clear_ibuf [dreg:s7], $0x2FFFF;
	_ =	strace $0x9FFFFFFF  }
0xc4: {  	(tm) =	ssettm $0x7FFFFFFF  }
0xc5: {  	_ =	shalt  }
tec
execute0_lowered:
.L_overlay_start_1:
0x0: {  	(tag) =	ssettag $0x1  }
0x1: {  	s0 =	rddreg [dreg:$0x0]  }
0x2: {  	s3 =	rddreg [dreg:$0x2]  }
0x3: {  	s1 =	srdreg.scid;
	s13 =	stileid.u32  }
0x4: {  	s4 =	rddreg [dreg:$0x3];
	s14 =	simm.s32 $0x0;
	s2 =	smul.u32 $0x280, s13  }
0x5: {  	s1 =	sand.u32 $0x1, s1;
	[smem:$0x7FF] =	sst s14;
	s11 =	smul.u32 $0x50000, s13  }
0x6: {  	s6 =	sadd.s32 $0x18000, s0;
	s10 =	sshll.u32 s13, $0x1;
	s21 =	smul.u32 $0xA000, s13  }
0x7: {  	s5 =	smul.u32 $0x2800, s1;
	s19 =	ssub.s32 $0x2, s1;
	s1 =	sor.u32 s1, s10  }
0x8: {  	s7 =	sadd.s32 $0x45000, s0;
	s8 =	sadd.s32 $0x40000, s0;
	s12 =	smul.u32 $0x6C, s1  }
0x9: {  	s9 =	sadd.s32 $0x3C00, s0;
	_ =	strace $0x80000047;
	s23 =	smul.u32 $0x5100, s1  }
0xa: {  	s20 =	sshrl.u32 s19, $0x1;
	s11 =	sshrl.u32 s11, $0x2;
	s1 =	smul.u32 $0xA20, s1  }
0xb: {  	s10 =	sshrl.u32 s21, $0x2;
	s2 =	sadd.s32 s2, s5;
	s16 =	sor.u32 $0x3, s12  }
0xc: {  	s5 =	sshll.u32 s2, $0x4;
	s17 =	sadd.s32 $0x4, s12;
	[dreg:$0xf] =	wrdreg s16  }
0xd: {  	s2 =	sshll.u32 s2, $0x1;
	s18 =	sadd.s32 $0x5, s12;
	[dreg:$0x10] =	wrdreg s17  }
0xe: {  	s13 =	sadd.s32 s9, s1;
	s21 =	sadd.s32 $0x6, s12;
	[dreg:$0x11] =	wrdreg s18  }
0xf: {  	s5 =	sadd.s32 s5, s0;
	s0 =	sadd.s32 s2, s0;
	[dreg:$0x12] =	wrdreg s21  }
0x10: {  	s2 =	ssub.s32 s19, s20;
	s19 =	sadd.s32 s11, s3;
	[dreg:$0xd] =	wrdreg s13  }
0x11: {  	s30 =	simm.s32 $0x19780;
	s20 =	sadd.s32 s10, s4;
	[dreg:$0x6] =	wrdreg s19  }
0x12: {  	s31 =	simm.s32 $0x7;
	s11 =	sadd.s32 $0x3000, s19;
	[dreg:$0xc] =	wrdreg s20  }
0x13: {  	s28 =	simm.s32 $0x17EC0;
	s22 =	sadd.s32 $0x6000, s19;
	[dreg:$0x7] =	wrdreg s11  }
0x14: {  	s29 =	simm.s32 $0x1;
	s24 =	sadd.s32 $0x9000, s19;
	[dreg:$0x8] =	wrdreg s22  }
0x15: {  	s12 =	simm.s32 $0x17E60;
	s25 =	sadd.s32 $0xC000, s19;
	[dreg:$0x9] =	wrdreg s24  }
0x16: {  	s17 =	simm.s32 $0x1F780;
	s26 =	sadd.s32 $0xF000, s19;
	[dreg:$0xa] =	wrdreg s25  }
0x17: {  	s16 =	simm.s32 $0x2;
	s0 =	sadd.s32 $0x4A000, s0;
	[dreg:$0xb] =	wrdreg s26  }
0x18: {  	s10 =	simm.s32 $0x6;
	s22 =	sadd.s32 $0x54000, s5;
	[dreg:$0x14] =	wrdreg s0  }
0x19: {  	s11 =	sshrl.u32 s23, $0x3;
	s23 =	smax.u32 s2, $0x1;
	[dreg:$0x13] =	wrdreg s22  }
0x1a: {  	s24 =	sadd.s32 $0x12000, s19;
	s25 =	sadd.s32 $0x1400, s20;
	[dreg:$0x15] =	wrdreg s23  }
0x1b: {  	s26 =	sadd.s32 $0x18, s13;
	s0 =	simm.s32 $0x17D40;
	[dreg:$0x16] =	wrdreg s24  }
0x1c: {  	s13 =	simm.s32 $0x60;
	s2 =	simm.s32 $0x4;
	[dreg:$0x17] =	wrdreg s25  }
0x1d: {  	s5 =	simm.s32 $0x17F20;
	s15 =	sadd.s32 s9, s11;
	[dreg:$0x18] =	wrdreg s26  }
0x1e: {  	s11 =	simm.s32 $0x17E00;
	s23 =	simm.s32 $0x18580;
	s24 =	simm.s32 $0x17DA0  }
0x1f: {  	s25 =	simm.s32 $0x19180;
	s26 =	simm.s32 $0x1C780;
	s1 =	sadd.s32 $0x30, s15  }
0x20: {  	v0 =	vimm.f32 $0.0e+00;
	s15 =	simm.s32 $0x17CE0;
	[dreg:$0xe] =	wrdreg s1;
	s1 =	simm.s32 $0x5  }
.LBB2_1:
0x21: {  	[dreg:$0x5] =	wrdreg s14;
	s14 =	simm.s32 $0x0;
	s18 =	simm.s32 $0x200  }
.LBB2_2:
0x22: {  	p0 =	sne.s32 s18, $0xBE00;
	[tilespmem:s14+$0x197F0] =	vst v0  }
0x23: {  	[tilespmem:s14+$0x19780] =	vst v0  }
0x24: {  	[tilespmem:s14+$0x19790] =	vst v0  }
.Ltmp0:
0x25: {  	[tilespmem:s14+$0x197A0] =	vst v0;
	(pc) =	sbr.rel @p0 .LBB2_2-.Ltmp0, $4  }
0x26: {  	[tilespmem:s14+$0x197B0] =	vst v0  }
0x27: {  	[tilespmem:s14+$0x197C0] =	vst v0  }
0x28: {  	[tilespmem:s14+$0x197D0] =	vst v0  }
0x29: {  	[tilespmem:s14+$0x197E0] =	vst v0;
	s14 =	sshra.s32 s18, $0x2;
	s18 =	sadd.s32 $0x200, s18  }
0x2a: {  	[tilespmem:s14+$0x197F0] =	vst v0  }
0x2b: {  	[tilespmem:s14+$0x19780] =	vst v0  }
0x2c: {  	[tilespmem:s14+$0x19790] =	vst v0  }
0x2d: {  	[tilespmem:s14+$0x197A0] =	vst v0  }
0x2e: {  	[tilespmem:s14+$0x197B0] =	vst v0  }
0x2f: {  	[tilespmem:s14+$0x197C0] =	vst v0  }
0x30: {  	[tilespmem:s14+$0x197D0] =	vst v0  }
0x31: {  	[tilespmem:s14+$0x197E0] =	vst v0;
	s14 =	simm.s32 $0x40;
	s18 =	simm.s32 $0x0  }
.LBB2_4:
0x32: {  	p0 =	sne.s32 s14, $0x4FC0;
	[tilespmem:s18+$0x16800] =	vst v0;
	s18 =	smov.u32 s14;
	s14 =	sadd.s32 $0x40, s14  }
.Ltmp1:
0x33: {  	(pc) =	sbr.rel @p0 .LBB2_4-.Ltmp1, $2  }
0x34: {  	_ =	sdelay $0x2  }
0x35: {  	s18 =	sshra.s32 s18, $0x2  }
0x36: {  	[tilespmem:s18+$0x16800] =	vst v0  }
0x37: {  	[spmem:s19] =	stream.linear.scatter [tilespmem:s30], [sflag:$0x7], $0x3000, $0x38;
	[tilespmem:$0x1FD80] =	vst v63  }
0x38: {  	_ =	swait.ge [sflag:s31], $0x3000  }
0x39: {  	[sflag:s31] =	ssyncset.done $0x0  }
0x3a: {  	s14 =	rddreg [dreg:$0x7];
	[sflag:s31] =	ssyncadd.s32 $0xFFFFD000  }
0x3b: {  	[spmem:s14] =	stream.linear.scatter [tilespmem:s30], [sflag:$0x7], $0x3000, $0x38;
	[tilespmem:$0x1FD80] =	vst v63  }
0x3c: {  	_ =	swait.ge [sflag:s31], $0x3000  }
0x3d: {  	[sflag:s31] =	ssyncset.done $0x0  }
0x3e: {  	s18 =	rddreg [dreg:$0x8];
	[sflag:s31] =	ssyncadd.s32 $0xFFFFD000  }
0x3f: {  	[spmem:s18] =	stream.linear.scatter [tilespmem:s30], [sflag:$0x7], $0x3000, $0x38;
	[tilespmem:$0x1FD80] =	vst v63  }
0x40: {  	_ =	swait.ge [sflag:s31], $0x3000  }
0x41: {  	[sflag:s31] =	ssyncset.done $0x0  }
0x42: {  	s19 =	rddreg [dreg:$0x9];
	[sflag:s31] =	ssyncadd.s32 $0xFFFFD000  }
0x43: {  	[spmem:s19] =	stream.linear.scatter [tilespmem:s30], [sflag:$0x7], $0x3000, $0x38;
	[tilespmem:$0x1FD80] =	vst v63  }
0x44: {  	_ =	swait.ge [sflag:s31], $0x3000  }
0x45: {  	[sflag:s31] =	ssyncset.done $0x0  }
0x46: {  	s21 =	rddreg [dreg:$0xa];
	[sflag:s31] =	ssyncadd.s32 $0xFFFFD000  }
0x47: {  	[spmem:s21] =	stream.linear.scatter [tilespmem:s30], [sflag:$0x7], $0x3000, $0x38;
	[tilespmem:$0x1FD80] =	vst v63  }
0x48: {  	_ =	swait.ge [sflag:s31], $0x3000  }
0x49: {  	[sflag:s31] =	ssyncset.done $0x0  }
0x4a: {  	s22 =	rddreg [dreg:$0xb];
	[sflag:s31] =	ssyncadd.s32 $0xFFFFD000  }
0x4b: {  	[spmem:s22] =	stream.linear.scatter [tilespmem:s30], [sflag:$0x7], $0x3000, $0x38;
	[tilespmem:$0x1FD80] =	vst v63  }
0x4c: {  	_ =	swait.ge [sflag:s31], $0x3000  }
0x4d: {  	[sflag:s31] =	ssyncset.done $0x0  }
0x4e: {  	s18 =	rddreg [dreg:$0x16];
	[sflag:s31] =	ssyncadd.s32 $0xFFFFD000  }
0x4f: {  	[spmem:s18] =	stream.linear.scatter [tilespmem:s30], [sflag:$0x7], $0x2000, $0x38;
	[tilespmem:$0x1FD80] =	vst v63  }
0x50: {  	_ =	swait.ge [sflag:s31], $0x2000  }
0x51: {  	[sflag:s31] =	ssyncset.done $0x0  }
0x52: {  	s19 =	simm.s32 $0x16800;
	[sflag:s31] =	ssyncadd.s32 $0xFFFFE000  }
0x53: {  	[spmem:s20] =	stream.linear.scatter [tilespmem:s19], [sflag:$0x7], $0x1400, $0x38;
	[tilespmem:$0x1FD80] =	vst v63  }
0x54: {  	_ =	swait.ge [sflag:s31], $0x1400  }
0x55: {  	[sflag:s31] =	ssyncset.done $0x0  }
0x56: {  	s20 =	rddreg [dreg:$0x17];
	[sflag:s31] =	ssyncadd.s32 $0xFFFFEC00  }
0x57: {  	[spmem:s20] =	stream.linear.scatter [tilespmem:s19], [sflag:$0x7], $0x1400, $0x38;
	[tilespmem:$0x1FD80] =	vst v63  }
0x58: {  	_ =	swait.ge [sflag:s31], $0x1400  }
0x59: {  	[sflag:s31] =	ssyncset.done $0x0  }
0x5a: {  	[sflag:s31] =	ssyncadd.s32 $0xFFFFEC00  }
0x5b: {  	s22 =	simm.s32 $0x17C00;
	s19 =	simm.s32 $0x0;
	s21 =	rddreg [dreg:$0x1]  }
0x5c: {  	[tilespmem:s22], [sflag:$0x7] =	stream.linear.gather [hbm4b:s21+s19], $0x80, $0x38;
	[tilespmem:$0x1FD80] =	vst v63  }
0x5d: {  	_ =	swait.ge [sflag:s31], $0x80  }
0x5e: {  	[sflag:s31] =	ssyncset.done $0x0  }
0x5f: {  	[sflag:s31] =	ssyncadd.s32 $0xFFFFFF80  }
0x60: {  	[bflag:$0x0] =	sbarrier.arrive $0xFFFF  }
0x61: {  	s18 =	simm.s32 $0x17C80;
	v1 =	vld [tilespmem:$0x17C00];
	s20 =	rddreg [dreg:$0xd]  }
0x62: {  	v2 =	vld [tilespmem:$0x17C10];
	[tilespmem:s18], [sflag:$0x3] =	stream.linear.gather [hbm4b:s20+s19], $0xC0, $0x38  }
0x63: {  	s21 =	rddreg [dreg:$0x18]  }
0x64: {  	[tilespmem:s0], [sflag:$0x4] =	stream.linear.gather [hbm4b:s21+s19], $0xC0, $0x38;
	[tilespmem:$0x1FD80] =	vst v63  }
0x65: {  	s22 =	rddreg [dreg:$0xe];
	s20 =	simm.s32 $0x3  }
0x66: {  	[tilespmem:s11], [sflag:$0x5] =	stream.linear.gather [hbm4b:s22+s19], $0xC0, $0x38;
	[tilespmem:$0x1FD80] =	vst v63  }
0x67: {  	_ =	swait.ge [sflag:s20], $0xC0  }
0x68: {  	[sflag:s20] =	ssyncset.done $0x0  }
0x69: {  	s21 =	simm.s32 $0x17F80;
	[sflag:s20] =	ssyncadd.s32 $0xFFFFFF40  }
0x6a: {  	[tilespmem:s21], [sflag:$0x1] =	stream.indirect.gather [hbm4b:s7+s13], $0x10, s18, s13, $0xb8;
	[tilespmem:$0x1FD80] =	vst v63  }
0x6b: {  	v1 =	vadd.f32 v2, v1;
	s22 =	simm.s32 $0x18B80  }
0x6c: {  	[tilespmem:s22], [sflag:$0x1] =	stream.indirect.gather [hbm4b:s8+s13], $0x10, s15, s13, $0xb8;
	[tilespmem:$0x1FD80] =	vst v63  }
0x6d: {  	v2 =	vmul.f32 $2.000000030e-01, v1  }
0x6e: {  	vm0 =	vgt.f32 v1, $0.0e+00;
	[tilespmem:s30], [sflag:$0x1] =	stream.indirect.gather [hbm4b:s6+s13], $0x80, s18, s13, $0xb8;
	[tilespmem:$0x1FD80] =	vst v63  }
0x6f: {  	v1 =	vsel vm0, v1, v2;
	s18 =	simm.s32 $0x0  }
.LBB2_6:
0x70: {  	_ =	swait.ge [sflag:s2], $0xC0  }
0x71: {  	[sflag:s2] =	ssyncset.done $0x0  }
0x72: {  	s14 =	sshll.u32 s18, $0x2;
	s19 =	rddreg [dreg:$0xf];
	[sflag:s2] =	ssyncadd.s32 $0xFFFFFF40  }
0x73: {  	[tilespmem:s23], [sflag:$0x2] =	stream.indirect.gather [hbm4b:s7+s13], $0x10, s0, s13, $0xb8;
	[tilespmem:$0x1FD80] =	vst v63  }
0x74: {  	s19 =	sadd.s32 s14, s19  }
0x75: {  	[tilespmem:s25], [sflag:$0x2] =	stream.indirect.gather [hbm4b:s8+s13], $0x10, s24, s13, $0xb8;
	[tilespmem:$0x1FD80] =	vst v63  }
0x76: {  	s19 =	smul.u32 $0x18, s19  }
0x77: {  	[tilespmem:s26], [sflag:$0x2] =	stream.indirect.gather [hbm4b:s6+s13], $0x80, s0, s13, $0xb8;
	[tilespmem:$0x1FD80] =	vst v63  }
0x78: {  	s20 =	simm.s32 $0x0;
	s19 =	sadd.s32 s9, s19  }
0x79: {  	[tilespmem:s28], [sflag:$0x6] =	stream.linear.gather [hbm4b:s19+s20], $0xC0, $0x38;
	[tilespmem:$0x1FD80] =	vst v63  }
0x7a: {  	_ =	swait.ge [sflag:s29], $0x600  }
0x7b: {  	[sflag:s29] =	ssyncset.done $0x0  }
0x7c: {  	[sflag:s29] =	ssyncadd.s32 $0xFFFFFA00  }
0x7d: {  	_ =	swait.ge [sflag:s29], $0x600  }
0x7e: {  	[sflag:s29] =	ssyncset.done $0x0  }
0x7f: {  	[sflag:s29] =	ssyncadd.s32 $0xFFFFFA00  }
0x80: {  	_ =	swait.ge [sflag:s29], $0x3000  }
0x81: {  	[sflag:s29] =	ssyncset.done $0x0  }
0x82: {  	s22 =	simm.s32 $0x0;
	[sflag:s29] =	ssyncadd.s32 $0xFFFFD000  }
0x83: {  	v2 =	vld [tilespmem:s22+$0x17F80]  }
0x84: {  	v3 =	vld [tilespmem:s22+$0x18B80];
	_ =	sdelay $0x4  }
0x85: {  	v2 =	vadd.f32 v3, v2;
	_ =	sdelay $0x1  }
0x86: {  	v3 =	vmul.f32 $2.000000030e-01, v2  }
0x87: {  	vm0 =	vgt.f32 v2, $0.0e+00  }
0x88: {  	v2 =	vsel vm0, v2, v3  }
0x89: {  	v2 =	vsub.f32 v2, v1;
	_ =	sdelay $0x1  }
0x8a: {  	v2 =	vmul.f32 $1.442695020e+00, v2;
	_ =	sdelay $0x1  }
0x8b: {  	(erf) = vpow2.f32 v2;
	_ =	sdelay $0x8  }
0x8c: {  	v3 =	vpop (erf)  }
0x8d: {  	s19 =	simm.s32 $0x197C0;
	[tilespmem:s22+$0x1F780] =	vst v3  }
0x8e: {  	v11 =	vld [tilespmem:s19+$0x30]  }
0x8f: {  	v10 =	vld [tilespmem:s19+$0xFFFFFFE0]  }
0x90: {  	v8 =	vld [tilespmem:s19+$0x10]  }
0x91: {  	v4 =	vbroadcast v3, $0x3;
	v5 =	vld [tilespmem:s19+$0x20]  }
0x92: {  	v2 =	vbroadcast v3, $0x1;
	v6 =	vld [tilespmem:s19+$0xFFFFFFD0]  }
0x93: {  	s21 =	simm.s32 $0x197C0;
	s20 =	simm.s32 $0x40;
	v7 =	vbroadcast v3, $0x2;
	v9 =	vld [tilespmem:s19+$0x0];
	v11 =	vmul.f32 v11, v4  }
.LBB2_7:
0x94: {  	p0 =	sne.s32 s20, $0x17C0  }
0x95: {  	v10 =	vmul.f32 v2, v10;
	v12 =	vld [tilespmem:s19+$0xFFFFFFF0];
	s21 =	sadd.s32 $0x80, s21;
	s22 =	smov.u32 s20;
	s20 =	sadd.s32 $0x40, s20  }
0x96: {  	v3 =	vbroadcast v3, $0x0;
	v13 =	vld [tilespmem:s19+$0xFFFFFFC0];
	v8 =	vmul.f32 v8, v7;
	[tilespmem:s19+$0x30] =	vst v11  }
0x97: {  	[tilespmem:s19+$0xFFFFFFE0] =	vst v10;
	v4 =	vmul.f32 v5, v4  }
0x98: {  	v5 =	vmul.f32 v3, v6;
	[tilespmem:s19+$0x10] =	vst v8  }
0x99: {  	v6 =	vmul.f32 v9, v7;
	[tilespmem:s19+$0x20] =	vst v4  }
0x9a: {  	[tilespmem:s19+$0xFFFFFFD0] =	vst v5;
	v2 =	vmul.f32 v12, v2  }
0x9b: {  	v3 =	vmul.f32 v3, v13;
	[tilespmem:s19+$0x0] =	vst v6  }
0x9c: {  	[tilespmem:s19+$0xFFFFFFF0] =	vst v2  }
0x9d: {  	s22 =	sshra.s32 s22, $0x2;
	[tilespmem:s19+$0xFFFFFFC0] =	vst v3;
	s19 =	smov.u32 s21  }
0x9e: {  	v2 =	vld [tilespmem:s22+$0x17F80]  }
0x9f: {  	v3 =	vld [tilespmem:s22+$0x18B80];
	_ =	sdelay $0x4  }
0xa0: {  	v2 =	vadd.f32 v3, v2;
	_ =	sdelay $0x1  }
0xa1: {  	vm0 =	vgt.f32 v2, $0.0e+00;
	v3 =	vmul.f32 $2.000000030e-01, v2;
	_ =	sdelay $0x1  }
0xa2: {  	v2 =	vsel vm0, v2, v3  }
0xa3: {  	v2 =	vsub.f32 v2, v1;
	_ =	sdelay $0x1  }
0xa4: {  	v2 =	vmul.f32 $1.442695020e+00, v2;
	_ =	sdelay $0x1  }
0xa5: {  	(erf) = vpow2.f32 v2;
	_ =	sdelay $0x8  }
0xa6: {  	v3 =	vpop (erf)  }
0xa7: {  	[tilespmem:s22+$0x1F780] =	vst v3  }
0xa8: {  	v11 =	vld [tilespmem:s21+$0x30]  }
.Ltmp2:
0xa9: {  	v10 =	vld [tilespmem:s21+$0xFFFFFFE0];
	(pc) =	sbr.rel @p0 .LBB2_7-.Ltmp2, $4  }
0xaa: {  	v8 =	vld [tilespmem:s21+$0x10]  }
0xab: {  	v4 =	vbroadcast v3, $0x3;
	v5 =	vld [tilespmem:s21+$0x20]  }
0xac: {  	v2 =	vbroadcast v3, $0x1;
	v6 =	vld [tilespmem:s21+$0xFFFFFFD0]  }
0xad: {  	v7 =	vbroadcast v3, $0x2;
	v9 =	vld [tilespmem:s21+$0x0];
	v11 =	vmul.f32 v11, v4  }
0xae: {  	v10 =	vmul.f32 v2, v10;
	v12 =	vld [tilespmem:s19+$0xFFFFFFF0]  }
0xaf: {  	v3 =	vbroadcast v3, $0x0;
	v13 =	vld [tilespmem:s19+$0xFFFFFFC0];
	v8 =	vmul.f32 v8, v7;
	[tilespmem:s19+$0x30] =	vst v11  }
0xb0: {  	[tilespmem:s19+$0xFFFFFFE0] =	vst v10;
	v4 =	vmul.f32 v5, v4  }
0xb1: {  	v5 =	vmul.f32 v3, v6;
	[tilespmem:s19+$0x10] =	vst v8  }
0xb2: {  	v6 =	vmul.f32 v9, v7;
	[tilespmem:s19+$0x20] =	vst v4  }
0xb3: {  	[tilespmem:s19+$0xFFFFFFD0] =	vst v5;
	v2 =	vmul.f32 v12, v2  }
0xb4: {  	v3 =	vmul.f32 v3, v13;
	[tilespmem:s19+$0x0] =	vst v6  }
0xb5: {  	[tilespmem:s19+$0xFFFFFFF0] =	vst v2  }
0xb6: {  	[tilespmem:s19+$0xFFFFFFC0] =	vst v3  }
0xb7: {  	[spmem:s3] =	stream.indirect.scatter.add.f32 [tilespmem:s30], [sflag:$0x7], $0x80, s15, s13, $0xb8;
	[tilespmem:$0x1FD80] =	vst v63  }
0xb8: {  	_ =	swait.ge [sflag:s31], $0x3000  }
0xb9: {  	[sflag:s31] =	ssyncset.done $0x0  }
0xba: {  	[sflag:s31] =	ssyncadd.s32 $0xFFFFD000  }
0xbb: {  	[spmem:s4] =	stream.indirect.scatter.add.f32 [tilespmem:s17], [sflag:$0x7], $0x10, s15, s13, $0xb8;
	[tilespmem:$0x1FD80] =	vst v63  }
0xbc: {  	_ =	swait.ge [sflag:s31], $0x600  }
0xbd: {  	[sflag:s31] =	ssyncset.done $0x0  }
0xbe: {  	[sflag:s31] =	ssyncadd.s32 $0xFFFFFA00  }
0xbf: {  	_ =	swait.ge [sflag:s1], $0xC0  }
0xc0: {  	s20 =	simm.s32 $0x17F80;
	[sflag:s1] =	ssyncset.done $0x0  }
0xc1: {  	p0 =	seq.s32 s18, $0x1A;
	s19 =	rddreg [dreg:$0x10];
	[sflag:s1] =	ssyncadd.s32 $0xFFFFFF40  }
0xc2: {  	[tilespmem:s20], [sflag:$0x1] =	stream.indirect.gather [hbm4b:s7+s13], $0x10, s11, s13, $0xb8;
	[tilespmem:$0x1FD80] =	vst v63  }
0xc3: {  	s21 =	simm.s32 $0x18B80;
	s19 =	sadd.s32 @!p0 s14, s19  }
0xc4: {  	[tilespmem:s21], [sflag:$0x1] =	stream.indirect.gather [hbm4b:s8+s13], $0x10, s12, s13, $0xb8;
	[tilespmem:$0x1FD80] =	vst v63  }
0xc5: {  	s19 =	smul.u32 @!p0 $0x18, s19  }
0xc6: {  	[tilespmem:s30], [sflag:$0x1] =	stream.indirect.gather [hbm4b:s6+s13], $0x80, s11, s13, $0xb8;
	[tilespmem:$0x1FD80] =	vst v63  }
0xc7: {  	s20 =	simm.s32 @!p0 $0x0;
	s19 =	sadd.s32 @!p0 s9, s19;
	s21 =	simm.s32 @!p0 $0x17C80  }
0xc8: {  	[tilespmem:s21], [sflag:$0x3] =	stream.linear.gather @!p0 [hbm4b:s19+s20], $0xC0, $0x38;
	[tilespmem:$0x1FD80] =	vst v63  }
0xc9: {  	_ =	swait.ge [sflag:s16], $0x600  }
0xca: {  	[sflag:s16] =	ssyncset.done $0x0  }
0xcb: {  	[sflag:s16] =	ssyncadd.s32 $0xFFFFFA00  }
0xcc: {  	_ =	swait.ge [sflag:s16], $0x600  }
0xcd: {  	[sflag:s16] =	ssyncset.done $0x0  }
0xce: {  	[sflag:s16] =	ssyncadd.s32 $0xFFFFFA00  }
0xcf: {  	_ =	swait.ge [sflag:s16], $0x3000  }
0xd0: {  	[sflag:s16] =	ssyncset.done $0x0  }
0xd1: {  	s22 =	simm.s32 $0x0;
	[sflag:s16] =	ssyncadd.s32 $0xFFFFD000  }
0xd2: {  	v2 =	vld [tilespmem:s22+$0x18580]  }
0xd3: {  	v3 =	vld [tilespmem:s22+$0x19180];
	_ =	sdelay $0x4  }
0xd4: {  	v2 =	vadd.f32 v3, v2;
	_ =	sdelay $0x1  }
0xd5: {  	v3 =	vmul.f32 $2.000000030e-01, v2  }
0xd6: {  	vm0 =	vgt.f32 v2, $0.0e+00  }
0xd7: {  	v2 =	vsel vm0, v2, v3  }
0xd8: {  	v2 =	vsub.f32 v2, v1;
	_ =	sdelay $0x1  }
0xd9: {  	v2 =	vmul.f32 $1.442695020e+00, v2;
	_ =	sdelay $0x1  }
0xda: {  	(erf) = vpow2.f32 v2;
	_ =	sdelay $0x8  }
0xdb: {  	v3 =	vpop (erf)  }
0xdc: {  	s19 =	simm.s32 $0x1C7C0;
	[tilespmem:s22+$0x1F780] =	vst v3  }
0xdd: {  	v11 =	vld [tilespmem:s19+$0x30]  }
0xde: {  	v10 =	vld [tilespmem:s19+$0xFFFFFFE0]  }
0xdf: {  	v8 =	vld [tilespmem:s19+$0x10]  }
0xe0: {  	v4 =	vbroadcast v3, $0x3;
	v5 =	vld [tilespmem:s19+$0x20]  }
0xe1: {  	v2 =	vbroadcast v3, $0x1;
	v6 =	vld [tilespmem:s19+$0xFFFFFFD0]  }
0xe2: {  	s20 =	simm.s32 $0x40;
	s21 =	simm.s32 $0x1C7C0;
	v7 =	vbroadcast v3, $0x2;
	v9 =	vld [tilespmem:s19+$0x0];
	v11 =	vmul.f32 v11, v4  }
.LBB2_9:
0xe3: {  	p1 =	sne.s32 s20, $0x17C0  }
0xe4: {  	v10 =	vmul.f32 v2, v10;
	v12 =	vld [tilespmem:s19+$0xFFFFFFF0];
	s21 =	sadd.s32 $0x80, s21;
	s22 =	smov.u32 s20;
	s20 =	sadd.s32 $0x40, s20  }
0xe5: {  	v3 =	vbroadcast v3, $0x0;
	v13 =	vld [tilespmem:s19+$0xFFFFFFC0];
	v8 =	vmul.f32 v8, v7;
	[tilespmem:s19+$0x30] =	vst v11  }
0xe6: {  	[tilespmem:s19+$0xFFFFFFE0] =	vst v10;
	v4 =	vmul.f32 v5, v4  }
0xe7: {  	v5 =	vmul.f32 v3, v6;
	[tilespmem:s19+$0x10] =	vst v8  }
0xe8: {  	v6 =	vmul.f32 v9, v7;
	[tilespmem:s19+$0x20] =	vst v4  }
0xe9: {  	[tilespmem:s19+$0xFFFFFFD0] =	vst v5;
	v2 =	vmul.f32 v12, v2  }
0xea: {  	v3 =	vmul.f32 v3, v13;
	[tilespmem:s19+$0x0] =	vst v6  }
0xeb: {  	[tilespmem:s19+$0xFFFFFFF0] =	vst v2  }
0xec: {  	s22 =	sshra.s32 s22, $0x2;
	[tilespmem:s19+$0xFFFFFFC0] =	vst v3;
	s19 =	smov.u32 s21  }
0xed: {  	v2 =	vld [tilespmem:s22+$0x18580]  }
0xee: {  	v3 =	vld [tilespmem:s22+$0x19180];
	_ =	sdelay $0x4  }
0xef: {  	v2 =	vadd.f32 v3, v2;
	_ =	sdelay $0x1  }
0xf0: {  	vm0 =	vgt.f32 v2, $0.0e+00;
	v3 =	vmul.f32 $2.000000030e-01, v2;
	_ =	sdelay $0x1  }
0xf1: {  	v2 =	vsel vm0, v2, v3  }
0xf2: {  	v2 =	vsub.f32 v2, v1;
	_ =	sdelay $0x1  }
0xf3: {  	v2 =	vmul.f32 $1.442695020e+00, v2;
	_ =	sdelay $0x1  }
0xf4: {  	(erf) = vpow2.f32 v2;
	_ =	sdelay $0x8  }
0xf5: {  	v3 =	vpop (erf)  }
0xf6: {  	[tilespmem:s22+$0x1F780] =	vst v3  }
0xf7: {  	v11 =	vld [tilespmem:s21+$0x30]  }
.Ltmp3:
0xf8: {  	v10 =	vld [tilespmem:s21+$0xFFFFFFE0];
	(pc) =	sbr.rel @p1 .LBB2_9-.Ltmp3, $4  }
0xf9: {  	v8 =	vld [tilespmem:s21+$0x10]  }
0xfa: {  	v4 =	vbroadcast v3, $0x3;
	v5 =	vld [tilespmem:s21+$0x20]  }
0xfb: {  	v2 =	vbroadcast v3, $0x1;
	v6 =	vld [tilespmem:s21+$0xFFFFFFD0]  }
0xfc: {  	v7 =	vbroadcast v3, $0x2;
	v9 =	vld [tilespmem:s21+$0x0];
	v11 =	vmul.f32 v11, v4  }
0xfd: {  	v10 =	vmul.f32 v2, v10;
	v12 =	vld [tilespmem:s19+$0xFFFFFFF0]  }
0xfe: {  	v3 =	vbroadcast v3, $0x0;
	v13 =	vld [tilespmem:s19+$0xFFFFFFC0];
	v8 =	vmul.f32 v8, v7;
	[tilespmem:s19+$0x30] =	vst v11  }
0xff: {  	[tilespmem:s19+$0xFFFFFFE0] =	vst v10;
	v4 =	vmul.f32 v5, v4  }
0x100: {  	v5 =	vmul.f32 v3, v6;
	[tilespmem:s19+$0x10] =	vst v8  }
0x101: {  	v6 =	vmul.f32 v9, v7;
	[tilespmem:s19+$0x20] =	vst v4  }
0x102: {  	[tilespmem:s19+$0xFFFFFFD0] =	vst v5;
	v2 =	vmul.f32 v12, v2  }
0x103: {  	v3 =	vmul.f32 v3, v13;
	[tilespmem:s19+$0x0] =	vst v6  }
0x104: {  	[tilespmem:s19+$0xFFFFFFF0] =	vst v2  }
0x105: {  	[tilespmem:s19+$0xFFFFFFC0] =	vst v3  }
0x106: {  	[spmem:s3] =	stream.indirect.scatter.add.f32 [tilespmem:s26], [sflag:$0x7], $0x80, s24, s13, $0xb8;
	[tilespmem:$0x1FD80] =	vst v63  }
0x107: {  	_ =	swait.ge [sflag:s31], $0x3000  }
0x108: {  	[sflag:s31] =	ssyncset.done $0x0  }
0x109: {  	[sflag:s31] =	ssyncadd.s32 $0xFFFFD000  }
0x10a: {  	[spmem:s4] =	stream.indirect.scatter.add.f32 [tilespmem:s17], [sflag:$0x7], $0x10, s24, s13, $0xb8;
	[tilespmem:$0x1FD80] =	vst v63  }
0x10b: {  	_ =	swait.ge [sflag:s31], $0x600  }
0x10c: {  	[sflag:s31] =	ssyncset.done $0x0  }
0x10d: {  	[sflag:s31] =	ssyncadd.s32 $0xFFFFFA00  }
0x10e: {  	_ =	swait.ge [sflag:s10], $0xC0  }
0x10f: {  	[sflag:s10] =	ssyncset.done $0x0  }
0x110: {  	s19 =	rddreg [dreg:$0x11];
	[sflag:s10] =	ssyncadd.s32 $0xFFFFFF40  }
0x111: {  	[tilespmem:s23], [sflag:$0x2] =	stream.indirect.gather [hbm4b:s7+s13], $0x10, s28, s13, $0xb8;
	[tilespmem:$0x1FD80] =	vst v63  }
0x112: {  	s19 =	sadd.s32 @!p0 s14, s19  }
0x113: {  	[tilespmem:s25], [sflag:$0x2] =	stream.indirect.gather [hbm4b:s8+s13], $0x10, s5, s13, $0xb8;
	[tilespmem:$0x1FD80] =	vst v63  }
0x114: {  	s19 =	smul.u32 @!p0 $0x18, s19  }
0x115: {  	[tilespmem:s26], [sflag:$0x2] =	stream.indirect.gather [hbm4b:s6+s13], $0x80, s28, s13, $0xb8;
	[tilespmem:$0x1FD80] =	vst v63  }
0x116: {  	s20 =	simm.s32 @!p0 $0x0;
	s21 =	simm.s32 @!p0 $0x17D40;
	s19 =	sadd.s32 @!p0 s9, s19  }
0x117: {  	[tilespmem:s21], [sflag:$0x4] =	stream.linear.gather @!p0 [hbm4b:s19+s20], $0xC0, $0x38;
	[tilespmem:$0x1FD80] =	vst v63  }
0x118: {  	_ =	swait.ge [sflag:s29], $0x600  }
0x119: {  	[sflag:s29] =	ssyncset.done $0x0  }
0x11a: {  	[sflag:s29] =	ssyncadd.s32 $0xFFFFFA00  }
0x11b: {  	_ =	swait.ge [sflag:s29], $0x600  }
0x11c: {  	[sflag:s29] =	ssyncset.done $0x0  }
0x11d: {  	[sflag:s29] =	ssyncadd.s32 $0xFFFFFA00  }
0x11e: {  	_ =	swait.ge [sflag:s29], $0x3000  }
0x11f: {  	[sflag:s29] =	ssyncset.done $0x0  }
0x120: {  	s22 =	simm.s32 $0x0;
	[sflag:s29] =	ssyncadd.s32 $0xFFFFD000  }
0x121: {  	v2 =	vld [tilespmem:s22+$0x17F80]  }
0x122: {  	v3 =	vld [tilespmem:s22+$0x18B80];
	_ =	sdelay $0x4  }
0x123: {  	v2 =	vadd.f32 v3, v2;
	_ =	sdelay $0x1  }
0x124: {  	v3 =	vmul.f32 $2.000000030e-01, v2  }
0x125: {  	vm0 =	vgt.f32 v2, $0.0e+00  }
0x126: {  	v2 =	vsel vm0, v2, v3  }
0x127: {  	v2 =	vsub.f32 v2, v1;
	_ =	sdelay $0x1  }
0x128: {  	v2 =	vmul.f32 $1.442695020e+00, v2;
	_ =	sdelay $0x1  }
0x129: {  	(erf) = vpow2.f32 v2;
	_ =	sdelay $0x8  }
0x12a: {  	v3 =	vpop (erf)  }
0x12b: {  	s19 =	simm.s32 $0x197C0;
	[tilespmem:s22+$0x1F780] =	vst v3  }
0x12c: {  	v11 =	vld [tilespmem:s19+$0x30]  }
0x12d: {  	v10 =	vld [tilespmem:s19+$0xFFFFFFE0]  }
0x12e: {  	v8 =	vld [tilespmem:s19+$0x10]  }
0x12f: {  	v4 =	vbroadcast v3, $0x3;
	v5 =	vld [tilespmem:s19+$0x20]  }
0x130: {  	v2 =	vbroadcast v3, $0x1;
	v6 =	vld [tilespmem:s19+$0xFFFFFFD0]  }
0x131: {  	s20 =	simm.s32 $0x40;
	s21 =	simm.s32 $0x197C0;
	v7 =	vbroadcast v3, $0x2;
	v9 =	vld [tilespmem:s19+$0x0];
	v11 =	vmul.f32 v11, v4  }
.LBB2_11:
0x132: {  	p1 =	sne.s32 s20, $0x17C0  }
0x133: {  	v10 =	vmul.f32 v2, v10;
	v12 =	vld [tilespmem:s19+$0xFFFFFFF0];
	s21 =	sadd.s32 $0x80, s21;
	s22 =	smov.u32 s20;
	s20 =	sadd.s32 $0x40, s20  }
0x134: {  	v3 =	vbroadcast v3, $0x0;
	v13 =	vld [tilespmem:s19+$0xFFFFFFC0];
	v8 =	vmul.f32 v8, v7;
	[tilespmem:s19+$0x30] =	vst v11  }
0x135: {  	[tilespmem:s19+$0xFFFFFFE0] =	vst v10;
	v4 =	vmul.f32 v5, v4  }
0x136: {  	v5 =	vmul.f32 v3, v6;
	[tilespmem:s19+$0x10] =	vst v8  }
0x137: {  	v6 =	vmul.f32 v9, v7;
	[tilespmem:s19+$0x20] =	vst v4  }
0x138: {  	[tilespmem:s19+$0xFFFFFFD0] =	vst v5;
	v2 =	vmul.f32 v12, v2  }
0x139: {  	v3 =	vmul.f32 v3, v13;
	[tilespmem:s19+$0x0] =	vst v6  }
0x13a: {  	[tilespmem:s19+$0xFFFFFFF0] =	vst v2  }
0x13b: {  	s22 =	sshra.s32 s22, $0x2;
	[tilespmem:s19+$0xFFFFFFC0] =	vst v3;
	s19 =	smov.u32 s21  }
0x13c: {  	v2 =	vld [tilespmem:s22+$0x17F80]  }
0x13d: {  	v3 =	vld [tilespmem:s22+$0x18B80];
	_ =	sdelay $0x4  }
0x13e: {  	v2 =	vadd.f32 v3, v2;
	_ =	sdelay $0x1  }
0x13f: {  	vm0 =	vgt.f32 v2, $0.0e+00;
	v3 =	vmul.f32 $2.000000030e-01, v2;
	_ =	sdelay $0x1  }
0x140: {  	v2 =	vsel vm0, v2, v3  }
0x141: {  	v2 =	vsub.f32 v2, v1;
	_ =	sdelay $0x1  }
0x142: {  	v2 =	vmul.f32 $1.442695020e+00, v2;
	_ =	sdelay $0x1  }
0x143: {  	(erf) = vpow2.f32 v2;
	_ =	sdelay $0x8  }
0x144: {  	v3 =	vpop (erf)  }
0x145: {  	[tilespmem:s22+$0x1F780] =	vst v3  }
0x146: {  	v11 =	vld [tilespmem:s21+$0x30]  }
.Ltmp4:
0x147: {  	v10 =	vld [tilespmem:s21+$0xFFFFFFE0];
	(pc) =	sbr.rel @p1 .LBB2_11-.Ltmp4, $4  }
0x148: {  	v8 =	vld [tilespmem:s21+$0x10]  }
0x149: {  	v4 =	vbroadcast v3, $0x3;
	v5 =	vld [tilespmem:s21+$0x20]  }
0x14a: {  	v2 =	vbroadcast v3, $0x1;
	v6 =	vld [tilespmem:s21+$0xFFFFFFD0]  }
0x14b: {  	v7 =	vbroadcast v3, $0x2;
	v9 =	vld [tilespmem:s21+$0x0];
	v11 =	vmul.f32 v11, v4  }
0x14c: {  	v10 =	vmul.f32 v2, v10;
	v12 =	vld [tilespmem:s19+$0xFFFFFFF0]  }
0x14d: {  	v3 =	vbroadcast v3, $0x0;
	v13 =	vld [tilespmem:s19+$0xFFFFFFC0];
	v8 =	vmul.f32 v8, v7;
	[tilespmem:s19+$0x30] =	vst v11  }
0x14e: {  	[tilespmem:s19+$0xFFFFFFE0] =	vst v10;
	v4 =	vmul.f32 v5, v4  }
0x14f: {  	v5 =	vmul.f32 v3, v6;
	[tilespmem:s19+$0x10] =	vst v8  }
0x150: {  	v6 =	vmul.f32 v9, v7;
	[tilespmem:s19+$0x20] =	vst v4  }
0x151: {  	[tilespmem:s19+$0xFFFFFFD0] =	vst v5;
	v2 =	vmul.f32 v12, v2  }
0x152: {  	v3 =	vmul.f32 v3, v13;
	[tilespmem:s19+$0x0] =	vst v6  }
0x153: {  	[tilespmem:s19+$0xFFFFFFF0] =	vst v2  }
0x154: {  	[tilespmem:s19+$0xFFFFFFC0] =	vst v3  }
0x155: {  	[spmem:s3] =	stream.indirect.scatter.add.f32 [tilespmem:s30], [sflag:$0x7], $0x80, s12, s13, $0xb8;
	[tilespmem:$0x1FD80] =	vst v63  }
0x156: {  	_ =	swait.ge [sflag:s31], $0x3000  }
0x157: {  	[sflag:s31] =	ssyncset.done $0x0  }
0x158: {  	[sflag:s31] =	ssyncadd.s32 $0xFFFFD000  }
0x159: {  	[spmem:s4] =	stream.indirect.scatter.add.f32 [tilespmem:s17], [sflag:$0x7], $0x10, s12, s13, $0xb8;
	[tilespmem:$0x1FD80] =	vst v63  }
0x15a: {  	_ =	swait.ge [sflag:s31], $0x600  }
0x15b: {  	[sflag:s31] =	ssyncset.done $0x0  }
0x15c: {  	s19 =	simm.s32 @!p0 $0x3;
	[sflag:s31] =	ssyncadd.s32 $0xFFFFFA00  }
0x15d: {  	_ =	swait.ge @!p0 [sflag:s19], $0xC0  }
0x15e: {  	s20 =	simm.s32 @!p0 $0x17C80;
	[sflag:s19] =	ssyncset.done @!p0 $0x0  }
0x15f: {  	s21 =	simm.s32 @!p0 $0x17F80;
	[sflag:s19] =	ssyncadd.s32 @!p0 $0xFFFFFF40;
	s19 =	simm.s32 @!p0 $0x60  }
0x160: {  	[tilespmem:s21], [sflag:$0x1] =	stream.indirect.gather @!p0 [hbm4b:s7+s19], $0x10, s20, s19, $0xb8;
	[tilespmem:$0x1FD80] =	vst v63  }
0x161: {  	s22 =	simm.s32 @!p0 $0x18B80;
	s21 =	simm.s32 @!p0 $0x17CE0  }
0x162: {  	[tilespmem:s22], [sflag:$0x1] =	stream.indirect.gather @!p0 [hbm4b:s8+s19], $0x10, s21, s19, $0xb8;
	[tilespmem:$0x1FD80] =	vst v63  }
0x163: {  	s21 =	rddreg [dreg:$0x12]  }
0x164: {  	s14 =	sadd.s32 @!p0 s14, s21  }
0x165: {  	s21 =	simm.s32 @!p0 $0x19780;
	s14 =	smul.u32 @!p0 $0x18, s14  }
0x166: {  	[tilespmem:s21], [sflag:$0x1] =	stream.indirect.gather @!p0 [hbm4b:s6+s19], $0x80, s20, s19, $0xb8;
	[tilespmem:$0x1FD80] =	vst v63  }
0x167: {  	s19 =	simm.s32 @!p0 $0x0;
	s20 =	simm.s32 @!p0 $0x17E00;
	s14 =	sadd.s32 @!p0 s9, s14  }
0x168: {  	[tilespmem:s20], [sflag:$0x5] =	stream.linear.gather @!p0 [hbm4b:s14+s19], $0xC0, $0x38;
	[tilespmem:$0x1FD80] =	vst v63  }
0x169: {  	_ =	swait.ge [sflag:s16], $0x600  }
0x16a: {  	[sflag:s16] =	ssyncset.done $0x0  }
0x16b: {  	[sflag:s16] =	ssyncadd.s32 $0xFFFFFA00  }
0x16c: {  	_ =	swait.ge [sflag:s16], $0x600  }
0x16d: {  	[sflag:s16] =	ssyncset.done $0x0  }
0x16e: {  	[sflag:s16] =	ssyncadd.s32 $0xFFFFFA00  }
0x16f: {  	_ =	swait.ge [sflag:s16], $0x3000  }
0x170: {  	[sflag:s16] =	ssyncset.done $0x0  }
0x171: {  	s22 =	simm.s32 $0x0;
	[sflag:s16] =	ssyncadd.s32 $0xFFFFD000  }
0x172: {  	v2 =	vld [tilespmem:s22+$0x18580]  }
0x173: {  	v3 =	vld [tilespmem:s22+$0x19180];
	_ =	sdelay $0x4  }
0x174: {  	v2 =	vadd.f32 v3, v2;
	_ =	sdelay $0x1  }
0x175: {  	v3 =	vmul.f32 $2.000000030e-01, v2  }
0x176: {  	vm0 =	vgt.f32 v2, $0.0e+00  }
0x177: {  	v2 =	vsel vm0, v2, v3  }
0x178: {  	v2 =	vsub.f32 v2, v1;
	_ =	sdelay $0x1  }
0x179: {  	v2 =	vmul.f32 $1.442695020e+00, v2;
	_ =	sdelay $0x1  }
0x17a: {  	(erf) = vpow2.f32 v2;
	_ =	sdelay $0x8  }
0x17b: {  	v3 =	vpop (erf)  }
0x17c: {  	s14 =	simm.s32 $0x1C7C0;
	[tilespmem:s22+$0x1F780] =	vst v3  }
0x17d: {  	v11 =	vld [tilespmem:s14+$0x30]  }
0x17e: {  	v10 =	vld [tilespmem:s14+$0xFFFFFFE0]  }
0x17f: {  	v8 =	vld [tilespmem:s14+$0x10]  }
0x180: {  	v4 =	vbroadcast v3, $0x3;
	v5 =	vld [tilespmem:s14+$0x20]  }
0x181: {  	v2 =	vbroadcast v3, $0x1;
	v6 =	vld [tilespmem:s14+$0xFFFFFFD0]  }
0x182: {  	s19 =	simm.s32 $0x40;
	s20 =	simm.s32 $0x1C7C0;
	v7 =	vbroadcast v3, $0x2;
	v9 =	vld [tilespmem:s14+$0x0];
	v11 =	vmul.f32 v11, v4  }
.LBB2_13:
0x183: {  	p0 =	sne.s32 s19, $0x17C0  }
0x184: {  	v10 =	vmul.f32 v2, v10;
	v12 =	vld [tilespmem:s14+$0xFFFFFFF0];
	s20 =	sadd.s32 $0x80, s20;
	s21 =	smov.u32 s19;
	s19 =	sadd.s32 $0x40, s19  }
0x185: {  	v3 =	vbroadcast v3, $0x0;
	v13 =	vld [tilespmem:s14+$0xFFFFFFC0];
	v8 =	vmul.f32 v8, v7;
	[tilespmem:s14+$0x30] =	vst v11  }
0x186: {  	[tilespmem:s14+$0xFFFFFFE0] =	vst v10;
	v4 =	vmul.f32 v5, v4  }
0x187: {  	v5 =	vmul.f32 v3, v6;
	[tilespmem:s14+$0x10] =	vst v8  }
0x188: {  	v6 =	vmul.f32 v9, v7;
	[tilespmem:s14+$0x20] =	vst v4  }
0x189: {  	[tilespmem:s14+$0xFFFFFFD0] =	vst v5;
	v2 =	vmul.f32 v12, v2  }
0x18a: {  	v3 =	vmul.f32 v3, v13;
	[tilespmem:s14+$0x0] =	vst v6  }
0x18b: {  	[tilespmem:s14+$0xFFFFFFF0] =	vst v2  }
0x18c: {  	s21 =	sshra.s32 s21, $0x2;
	[tilespmem:s14+$0xFFFFFFC0] =	vst v3;
	s14 =	smov.u32 s20  }
0x18d: {  	v2 =	vld [tilespmem:s21+$0x18580]  }
0x18e: {  	v3 =	vld [tilespmem:s21+$0x19180];
	_ =	sdelay $0x4  }
0x18f: {  	v2 =	vadd.f32 v3, v2;
	_ =	sdelay $0x1  }
0x190: {  	vm0 =	vgt.f32 v2, $0.0e+00;
	v3 =	vmul.f32 $2.000000030e-01, v2;
	_ =	sdelay $0x1  }
0x191: {  	v2 =	vsel vm0, v2, v3  }
0x192: {  	v2 =	vsub.f32 v2, v1;
	_ =	sdelay $0x1  }
0x193: {  	v2 =	vmul.f32 $1.442695020e+00, v2;
	_ =	sdelay $0x1  }
0x194: {  	(erf) = vpow2.f32 v2;
	_ =	sdelay $0x8  }
0x195: {  	v3 =	vpop (erf)  }
0x196: {  	[tilespmem:s21+$0x1F780] =	vst v3  }
0x197: {  	v11 =	vld [tilespmem:s20+$0x30]  }
.Ltmp5:
0x198: {  	v10 =	vld [tilespmem:s20+$0xFFFFFFE0];
	(pc) =	sbr.rel @p0 .LBB2_13-.Ltmp5, $4  }
0x199: {  	v8 =	vld [tilespmem:s20+$0x10]  }
0x19a: {  	v4 =	vbroadcast v3, $0x3;
	v5 =	vld [tilespmem:s20+$0x20]  }
0x19b: {  	v2 =	vbroadcast v3, $0x1;
	v6 =	vld [tilespmem:s20+$0xFFFFFFD0]  }
0x19c: {  	v7 =	vbroadcast v3, $0x2;
	v9 =	vld [tilespmem:s20+$0x0];
	v11 =	vmul.f32 v11, v4  }
0x19d: {  	v10 =	vmul.f32 v2, v10;
	v12 =	vld [tilespmem:s14+$0xFFFFFFF0]  }
0x19e: {  	v3 =	vbroadcast v3, $0x0;
	v13 =	vld [tilespmem:s14+$0xFFFFFFC0];
	v8 =	vmul.f32 v8, v7;
	[tilespmem:s14+$0x30] =	vst v11  }
0x19f: {  	[tilespmem:s14+$0xFFFFFFE0] =	vst v10;
	v4 =	vmul.f32 v5, v4  }
0x1a0: {  	v62 =	vmul.f32 v3, v6;
	[tilespmem:s14+$0x10] =	vst v8  }
0x1a1: {  	v63 =	vmul.f32 v9, v7;
	[tilespmem:s14+$0x20] =	vst v4  }
0x1a2: {  	[tilespmem:s14+$0xFFFFFFD0] =	vst v62;
	v2 =	vmul.f32 v12, v2  }
0x1a3: {  	v3 =	vmul.f32 v3, v13;
	[tilespmem:s14+$0x0] =	vst v63  }
0x1a4: {  	[tilespmem:s14+$0xFFFFFFF0] =	vst v2  }
0x1a5: {  	[tilespmem:s14+$0xFFFFFFC0] =	vst v3  }
0x1a6: {  	[spmem:s3] =	stream.indirect.scatter.add.f32 [tilespmem:s26], [sflag:$0x7], $0x80, s5, s13, $0xb8;
	[tilespmem:$0x1FD80] =	vst v63  }
0x1a7: {  	s18 =	sadd.s32 $0x1, s18;
	_ =	swait.ge [sflag:s31], $0x3000  }
0x1a8: {  	p0 =	sne.s32 s18, $0x1B;
	[sflag:s31] =	ssyncset.done $0x0  }
.Ltmp6:
0x1a9: {  	[sflag:s31] =	ssyncadd.s32 $0xFFFFD000;
	(pc) =	sbr.rel @p0 .LBB2_6-.Ltmp6, $4  }
0x1aa: {  	[spmem:s4] =	stream.indirect.scatter.add.f32 [tilespmem:s17], [sflag:$0x7], $0x10, s5, s13, $0xb8;
	[tilespmem:$0x1FD80] =	vst v63  }
0x1ab: {  	_ =	swait.ge [sflag:s31], $0x600  }
0x1ac: {  	[sflag:s31] =	ssyncset.done $0x0  }
0x1ad: {  	[sflag:s31] =	ssyncadd.s32 $0xFFFFFA00  }
0x1ae: {  	s14 =	stileid.u32;
	[bflag:$0x0] =	sbarrier.arrive $0xFFFF  }
0x1af: {  	s14 =	sshll.u32 s14, $0x6;
	s19 =	rddreg [dreg:$0x6]  }
0x1b0: {  	s20 =	rddreg [dreg:$0x13];
	s14 =	sor.u32 $0x1C07, s14;
	s18 =	sshrl.u32 s19, $0x3  }
0x1b1: {  	[hbm:s20], [sflag:s14] =	dma.local [spmem:s18], $0x2800  }
0x1b2: {  	_ =	swait.ge [sflag:s31], $0x2800  }
0x1b3: {  	[sflag:s31] =	ssyncset.done $0x0;
	s20 =	rddreg [dreg:$0xc]  }
0x1b4: {  	s21 =	rddreg [dreg:$0x14];
	[sflag:s31] =	ssyncadd.s32 $0xFFFFD800;
	s22 =	sshrl.u32 s20, $0x3  }
0x1b5: {  	[hbm:s21], [sflag:s14] =	dma.local [spmem:s22], $0x500  }
0x1b6: {  	_ =	swait.ge [sflag:s31], $0x500  }
0x1b7: {  	s21 =	rddreg [dreg:$0x5]  }
0x1b8: {  	s22 =	rddreg [dreg:$0x15];
	s14 =	sadd.s32 $0x1, s21  }
0x1b9: {  	p0 =	sne.s32 s14, s22  }
.Ltmp7:
0x1ba: {  	_ = 	snop;
	(pc) =	sbr.rel @p0 .LBB2_1-.Ltmp7, $3  }
0x1bb: {  	_ =	sdelay $0x1  }
0x1bc: {  	[sflag:s31] =	ssyncset.done $0x0  }
0x1bd: {  	[sflag:s31] =	ssyncadd.s32 $0xFFFFFB00  }
0x1be: {  	_ =	sfence.sel $0x180000  }
0x1bf: {  	[bflag:$0x0] =	sbarrier.arrive $0xFFFF  }
0x1c0: {  	_ =	strace $0x90000047  }
0x1c1: {  	s0 =	stileid.u32;
	[bflag:$0x2] =	sbarrier.arrive $0xFFFF  }
0x1c2: {  	p0 =	sne.s32 s0, $0x0;
	s0 =	rddreg [dreg:$0x4]  }
0x1c3: {  	s0 =	sadd.s32 @!p0 $0x100000, s0  }
0x1c4: {  	[sflag:s0] =	ssyncadd.tile.s32 @!p0 $0x1;
	_ =	shalt  }
.Lfunc_end2:
_tile_overlayer_lowered:
.L_overlay_start_2:
0x1c5: {  	(tag) =	ssettag $0x2  }
0x1c6: {  	s0 =	rddreg [dreg:$0x0];
	s2 =	stileid.u32  }
0x1c7: {  	s1 =	rddreg [dreg:$0x1];
	p0 =	sne.s32 s2, $0x0  }
0x1c8: {  	s3 =	rddreg [dreg:$0x2];
	[bflag:$0x3] =	sbarrier.arrive $0xFFFF;
	s2 =	simm.s32 @!p0 $0x1C07  }
0x1c9: {  	[timem:s3], [sflag:s2] =	dma.local @!p0 [hbm:s0], s1  }
0x1ca: {  	s0 =	simm.s32 @!p0 $0x7  }
0x1cb: {  	_ =	swait.ge @!p0 [sflag:s0], s1  }
0x1cc: {  	s1 =	ssub.s32 @!p0 $0x0, s1;
	[sflag:s0] =	ssyncset.done @!p0 $0x0  }
0x1cd: {  	[sflag:s0] =	ssyncadd.s32 @!p0 s1  }
0x1ce: {  	[bflag:$0x3] =	sbarrier.arrive $0xFFFF  }
0x1cf: {  	_ =	shalt  }

</sc_bundles>
